<compile_context>
chip_gen: v7x
topology: tpu7x:2x2x1
jax: 0.10.2.dev20260603
libtpu: 0.0.44.dev20260713+nightly
codegen_flags: <defaults>
</compile_context>

<pallas_src>
import functools

import jax
import jax.numpy as jnp
import numpy as np
from jax import lax
from jax.experimental import pallas as pl
from jax.experimental.pallas import tpu as pltpu
from jax.experimental.pallas import tpu_sc as plsc

SEQ = 200
D = 64
BATCH = 4096
LANES = 16
NC, NS = 2, 16
NW = NC * NS

G = 2
CH = G * 128
BT = BATCH // 128
UNITS = SEQ * (BT // G)
PER_W = UNITS // NW
NBUF = 2
NJ = D // LANES


def _build():
    mesh = plsc.VectorSubcoreMesh(core_axis_name="c", subcore_axis_name="s")

    @functools.partial(
        pl.kernel,
        out_type=jax.ShapeDtypeStruct((SEQ, D // 8 * BT * 8, 128), jnp.float32),
        mesh=mesh,
        scratch_types=[
            [pltpu.VMEM((CH,), jnp.int32) for _ in range(NBUF)],
            [pltpu.VMEM((CH, D), jnp.float32) for _ in range(NBUF)],
            [pltpu.VMEM((G * D, 129), jnp.float32) for _ in range(NBUF)],
            pltpu.VMEM((SEQ, D), jnp.float32),
            pltpu.VMEM((NJ * G, LANES), jnp.int32),
            [pltpu.SemaphoreType.DMA for _ in range(NBUF)],
            [pltpu.SemaphoreType.DMA for _ in range(NBUF)],
        ],
        compiler_params=pltpu.CompilerParams(
            use_tc_tiling_on_sc=False, needs_layout_passes=False
        ),
    )
    def k(idxt_hbm, tok_hbm, pos_hbm, rowc_hbm, out_hbm, idx_v, rows_v, out_v,
          pos_v, rowc_v, gsem, osem):
        wid = lax.axis_index("s") * NC + lax.axis_index("c")
        base = wid * PER_W
        pltpu.sync_copy(pos_hbm, pos_v)
        pltpu.sync_copy(rowc_hbm, rowc_v)
        row_vecs = [
            [rowc_v[j * G + q, pl.ds(0, LANES)] for q in range(G)]
            for j in range(NJ)
        ]

        def start_gather(u, p):
            s = u // (BT // G)
            bt0 = (u % (BT // G)) * G
            pltpu.sync_copy(idxt_hbm.at[s, pl.ds(bt0 * 128, CH)], idx_v[p])
            pltpu.async_copy(tok_hbm.at[idx_v[p]], rows_v[p], gsem[p])

        def drain_out(u, p):
            for dt in range(D // 8):
                for q in range(G):
                    pltpu.make_async_copy(
                        out_v[p].at[pl.ds(q * D + dt * 8, 8), pl.ds(0, 128)],
                        out_hbm.at[0, pl.ds(dt * (BT * 8) + q * 8, 8)],
                        osem[p],
                    ).wait()

        def work(u, p):
            s = u // (BT // G)
            bt0 = (u % (BT // G)) * G
            pos_j = [pos_v[s, pl.ds(j * LANES, LANES)] for j in range(NJ)]

            @plsc.parallel_loop(0, 128, unroll=16)
            def _(r):
                col = jnp.broadcast_to(r, (LANES,))
                for q in range(G):
                    for j in range(NJ):
                        vec = rows_v[p][q * 128 + r, pl.ds(j * LANES, LANES)]
                        plsc.store_scatter(
                            out_v[p],
                            [row_vecs[j][q], col],
                            vec + pos_j[j],
                        )
            for dt in range(D // 8):
                for q in range(G):
                    pltpu.async_copy(
                        out_v[p].at[pl.ds(q * D + dt * 8, 8), pl.ds(0, 128)],
                        out_hbm.at[s, pl.ds(dt * (BT * 8) + (bt0 + q) * 8, 8)],
                        osem[p],
                    )

        start_gather(base, 0)

        def pipe(k2, c):
            for p in range(NBUF):
                u = base + k2 + p
                pltpu.make_async_copy(tok_hbm.at[idx_v[p]], rows_v[p],
                                      gsem[p]).wait()

                @pl.when(u + 1 < base + PER_W)
                def _():
                    start_gather(u + 1, (p + 1) % NBUF)

                @pl.when(u >= base + NBUF)
                def _():
                    drain_out(u, p)

                work(u, p)
            return c

        lax.fori_loop(0, PER_W // NBUF, lambda i, c: pipe(i * NBUF, c), 0,
                      unroll=False)
        for p in range(NBUF):
            drain_out(0, p)

    return k


def _rowc() -> np.ndarray:
    t = np.arange(LANES, dtype=np.int32)
    rows = np.empty((NJ * G, LANES), dtype=np.int32)
    for j in range(NJ):
        d = j * LANES + t
        for q in range(G):
            rows[j * G + q] = q * D + d
    return rows


def kernel(inputs, token_table, position_table):
    idxt = jnp.transpose(inputs).astype(jnp.int32)
    out3 = _build()(idxt, token_table, position_table, jnp.asarray(_rowc()))
    out5 = jnp.reshape(out3, (SEQ, D // 8, BT, 8, 128))
    out = jnp.transpose(out5, (2, 4, 0, 1, 3))
    return jnp.reshape(out, (BATCH, SEQ, D))

# --- scband reference (transcript-rebuilt; emitter-appended) ---
"""Pipeline reference for scband-token-and-position-embedding-30562987278341 (READ-ONLY COPY).

The authoritative reference and input builder live on the scoring server;
editing this copy changes nothing except your own understanding.
"""

import jax, jax.numpy as jnp
import numpy as np

VOCAB = 1000000
MAX_LEN = 200
EMBED_DIM = 64
BATCH = 4096
SEQ = 200

def setup_inputs(seed: int = 0) -> dict:
    key = jax.random.key(seed)
    k1, k2, k3 = jax.random.split(key, 3)
    inputs = jax.random.randint(k1, (BATCH, SEQ), 0, VOCAB, dtype=jnp.int64 if jax.config.jax_enable_x64 else jnp.int32)
    # glorot_uniform-ish init for both tables
    limit_tok = np.sqrt(6.0 / (VOCAB + EMBED_DIM))
    token_table = jax.random.uniform(k2, (VOCAB, EMBED_DIM), minval=-limit_tok, maxval=limit_tok, dtype=jnp.float32)
    limit_pos = np.sqrt(6.0 / (MAX_LEN + EMBED_DIM))
    position_table = jax.random.uniform(k3, (MAX_LEN, EMBED_DIM), minval=-limit_pos, maxval=limit_pos, dtype=jnp.float32)
    return {"inputs": inputs, "token_table": token_table, "position_table": position_table}

def reference(inputs, token_table, position_table):
    # token embedding: gather rows from the vocab table
    embedded_tokens = jnp.take(token_table, inputs, axis=0)  # [B, S, D]
    seq_len = embedded_tokens.shape[-2]
    # position embedding: slice first seq_len positions, broadcast over batch
    embedded_positions = jax.lax.dynamic_slice_in_dim(position_table, 0, seq_len, axis=0)  # [S, D]
    embedded_positions = jnp.broadcast_to(embedded_positions, embedded_tokens.shape)
    outputs = embedded_tokens + embedded_positions
    return outputs

if __name__ == "__main__":
    import jax
    _d = setup_inputs()
    print(jax.jit(kernel)(*tuple(_d.values())))

</pallas_src>

<mosaic_0001>
#map = affine_map<(d0, d1) -> (0, 0)>
#map1 = affine_map<(d0, d1) -> (0, 0, 0)>
module attributes {stable_mosaic.version = 14 : i64} {
  func.func @k(%arg0: i32, %arg1: i32, %arg2: memref<200x4096xi32, #tpu.memory_space<hbm>>, %arg3: memref<1000000x64xf32, #tpu.memory_space<hbm>>, %arg4: memref<200x64xf32, #tpu.memory_space<hbm>>, %arg5: memref<8x16xi32, #tpu.memory_space<hbm>>, %arg6: memref<200x2048x128xf32, #tpu.memory_space<hbm>>, %arg7: memref<256xi32, #tpu.memory_space<vmem>>, %arg8: memref<256xi32, #tpu.memory_space<vmem>>, %arg9: memref<256x64xf32, #tpu.memory_space<vmem>>, %arg10: memref<256x64xf32, #tpu.memory_space<vmem>>, %arg11: memref<128x129xf32, #tpu.memory_space<vmem>>, %arg12: memref<128x129xf32, #tpu.memory_space<vmem>>, %arg13: memref<200x64xf32, #tpu.memory_space<vmem>>, %arg14: memref<8x16xi32, #tpu.memory_space<vmem>>, %arg15: memref<!tpu.dma_semaphore, #tpu.memory_space<semaphore_mem>>, %arg16: memref<!tpu.dma_semaphore, #tpu.memory_space<semaphore_mem>>, %arg17: memref<!tpu.dma_semaphore, #tpu.memory_space<semaphore_mem>>, %arg18: memref<!tpu.dma_semaphore, #tpu.memory_space<semaphore_mem>>) attributes {dimension_semantics = [#tpu.dimension_semantics<core_parallel>, #tpu.dimension_semantics<subcore_parallel>], iteration_bounds = array<i64: 2, 16>, scalar_prefetch = 0 : i64, scratch_operands = 12 : i64, tpu.core_type = #tpu.core_type<sc_vector_subcore>, window_params = [{transform_indices = #map}, {transform_indices = #map}, {transform_indices = #map}, {transform_indices = #map}, {transform_indices = #map1}]} {
    %mul3A = arith.constant 2 : i32
    %mul3A_0 = arith.muli %arg1, %mul3A : i32
    %add3A = arith.addi %mul3A_0, %arg0 : i32
    %mul3A_1 = arith.constant 100 : i32
    %mul3A_2 = arith.muli %add3A, %mul3A_1 : i32
    "tpu.region"() ({
      %run_scoped3A = tpu.sem_alloc : memref<!tpu.dma_semaphore, #tpu.memory_space<semaphore_mem>>
      tpu.enqueue_dma source(%arg4 : memref<200x64xf32, #tpu.memory_space<hbm>>) target(%arg13 : memref<200x64xf32, #tpu.memory_space<vmem>>) target_semaphore(%run_scoped3A : memref<!tpu.dma_semaphore, #tpu.memory_space<semaphore_mem>>)
      tpu.wait_dma2 semaphore(%run_scoped3A : memref<!tpu.dma_semaphore, #tpu.memory_space<semaphore_mem>>) src(%arg4 : memref<200x64xf32, #tpu.memory_space<hbm>>) dst(%arg13 : memref<200x64xf32, #tpu.memory_space<vmem>>)
      tpu.yield
    }) : () -> ()
    "tpu.region"() ({
      %run_scoped3A = tpu.sem_alloc : memref<!tpu.dma_semaphore, #tpu.memory_space<semaphore_mem>>
      tpu.enqueue_dma source(%arg5 : memref<8x16xi32, #tpu.memory_space<hbm>>) target(%arg14 : memref<8x16xi32, #tpu.memory_space<vmem>>) target_semaphore(%run_scoped3A : memref<!tpu.dma_semaphore, #tpu.memory_space<semaphore_mem>>)
      tpu.wait_dma2 semaphore(%run_scoped3A : memref<!tpu.dma_semaphore, #tpu.memory_space<semaphore_mem>>) src(%arg5 : memref<8x16xi32, #tpu.memory_space<hbm>>) dst(%arg14 : memref<8x16xi32, #tpu.memory_space<vmem>>)
      tpu.yield
    }) : () -> ()
    %get3A = arith.constant 0 : i32
    %get3A_3 = arith.index_cast %get3A : i32 to index
    %get3A_4 = arith.constant 0 : index
    %get3A_5 = tpu.vector_load %arg14[%get3A_3, %get3A_4] {strides = array<i32>} : memref<8x16xi32, #tpu.memory_space<vmem>>, vector<16xi32>,
    %get3A_6 = arith.constant 1 : i32
    %get3A_7 = arith.index_cast %get3A_6 : i32 to index
    %get3A_8 = arith.constant 0 : index
    %get3A_9 = tpu.vector_load %arg14[%get3A_7, %get3A_8] {strides = array<i32>} : memref<8x16xi32, #tpu.memory_space<vmem>>, vector<16xi32>,
    %get3A_10 = arith.constant 2 : i32
    %get3A_11 = arith.index_cast %get3A_10 : i32 to index
    %get3A_12 = arith.constant 0 : index
    %get3A_13 = tpu.vector_load %arg14[%get3A_11, %get3A_12] {strides = array<i32>} : memref<8x16xi32, #tpu.memory_space<vmem>>, vector<16xi32>,
    %get3A_14 = arith.constant 3 : i32
    %get3A_15 = arith.index_cast %get3A_14 : i32 to index
    %get3A_16 = arith.constant 0 : index
    %get3A_17 = tpu.vector_load %arg14[%get3A_15, %get3A_16] {strides = array<i32>} : memref<8x16xi32, #tpu.memory_space<vmem>>, vector<16xi32>,
    %get3A_18 = arith.constant 4 : i32
    %get3A_19 = arith.index_cast %get3A_18 : i32 to index
    %get3A_20 = arith.constant 0 : index
    %get3A_21 = tpu.vector_load %arg14[%get3A_19, %get3A_20] {strides = array<i32>} : memref<8x16xi32, #tpu.memory_space<vmem>>, vector<16xi32>,
    %get3A_22 = arith.constant 5 : i32
    %get3A_23 = arith.index_cast %get3A_22 : i32 to index
    %get3A_24 = arith.constant 0 : index
    %get3A_25 = tpu.vector_load %arg14[%get3A_23, %get3A_24] {strides = array<i32>} : memref<8x16xi32, #tpu.memory_space<vmem>>, vector<16xi32>,
    %get3A_26 = arith.constant 6 : i32
    %get3A_27 = arith.index_cast %get3A_26 : i32 to index
    %get3A_28 = arith.constant 0 : index
    %get3A_29 = tpu.vector_load %arg14[%get3A_27, %get3A_28] {strides = array<i32>} : memref<8x16xi32, #tpu.memory_space<vmem>>, vector<16xi32>,
    %get3A_30 = arith.constant 7 : i32
    %get3A_31 = arith.index_cast %get3A_30 : i32 to index
    %get3A_32 = arith.constant 0 : index
    %get3A_33 = tpu.vector_load %arg14[%get3A_31, %get3A_32] {strides = array<i32>} : memref<8x16xi32, #tpu.memory_space<vmem>>, vector<16xi32>,
    %jit3A = arith.constant 16 : i32
    %div3A = arith.divsi %mul3A_2, %jit3A : i32
    %sign3A = arith.constant 0 : i32
    %sign3A_34 = arith.cmpi sgt, %mul3A_2, %sign3A : i32
    %sign3A_35 = arith.extui %sign3A_34 : i1 to i32
    %sign3A_36 = arith.constant 0 : i32
    %sign3A_37 = arith.cmpi slt, %mul3A_2, %sign3A_36 : i32
    %sign3A_38 = arith.extui %sign3A_37 : i1 to i32
    %sign3A_39 = arith.subi %sign3A_35, %sign3A_38 : i32
    %sign3A_40 = arith.constant 0 : i32
    %sign3A_41 = arith.cmpi sgt, %jit3A, %sign3A_40 : i32
    %sign3A_42 = arith.extui %sign3A_41 : i1 to i32
    %sign3A_43 = arith.constant 0 : i32
    %sign3A_44 = arith.cmpi slt, %jit3A, %sign3A_43 : i32
    %sign3A_45 = arith.extui %sign3A_44 : i1 to i32
    %sign3A_46 = arith.subi %sign3A_42, %sign3A_45 : i32
    %ne3A = arith.cmpi ne, %sign3A_39, %sign3A_46 : i32
    %rem3A = arith.remsi %mul3A_2, %jit3A : i32
    %ne3A_47 = arith.constant 0 : i32
    %ne3A_48 = arith.cmpi ne, %rem3A, %ne3A_47 : i32
    %and3A = arith.andi %ne3A, %ne3A_48 : i1
    %sub3A = arith.constant 1 : i32
    %sub3A_49 = arith.subi %div3A, %sub3A : i32
    %select_n3A = arith.select %and3A, %sub3A_49, %div3A : i32
    %jit3A_50 = arith.constant 16 : i32
    %eq3A = arith.constant 0 : i32
    %eq3A_51 = arith.cmpi eq, %jit3A_50, %eq3A : i32
    %jit3A_52 = arith.constant 1 : i32
    %select_n3A_53 = arith.select %eq3A_51, %jit3A_52, %jit3A_50 : i32
    %rem3A_54 = arith.remsi %mul3A_2, %select_n3A_53 : i32
    %ne3A_55 = arith.constant 0 : i32
    %ne3A_56 = arith.cmpi ne, %rem3A_54, %ne3A_55 : i32
    %lt3A = arith.constant 0 : i32
    %lt3A_57 = arith.cmpi slt, %rem3A_54, %lt3A : i32
    %lt3A_58 = arith.constant 0 : i32
    %lt3A_59 = arith.cmpi slt, %select_n3A_53, %lt3A_58 : i32
    %ne3A_60 = arith.xori %lt3A_57, %lt3A_59 : i1
    %and3A_61 = arith.andi %ne3A_60, %ne3A_56 : i1
    %add3A_62 = arith.addi %rem3A_54, %select_n3A_53 : i32
    %select_n3A_63 = arith.select %and3A_61, %add3A_62, %rem3A_54 : i32
    %mul3A_64 = arith.constant 2 : i32
    %mul3A_65 = arith.muli %select_n3A_63, %mul3A_64 : i32
    %mul3A_66 = arith.constant 128 : i32
    %mul3A_67 = arith.muli %mul3A_65, %mul3A_66 : i32
    "tpu.region"() ({
      %run_scoped3A = tpu.sem_alloc : memref<!tpu.dma_semaphore, #tpu.memory_space<semaphore_mem>>
      %dma_start3A_554 = tpu.memref_slice %arg2[%select_n3A, %mul3A_67] : memref<200x4096xi32, #tpu.memory_space<hbm>> -> memref<1x256xi32, #tpu.memory_space<hbm>>
      %dma_start3A_555 = tpu.memref_squeeze %dma_start3A_554 : memref<1x256xi32, #tpu.memory_space<hbm>> -> memref<256xi32, #tpu.memory_space<hbm>>
      %dma_start3A_556 = tpu.memref_slice %arg2[%select_n3A, %mul3A_67] : memref<200x4096xi32, #tpu.memory_space<hbm>> -> memref<1x256xi32, #tpu.memory_space<hbm>>
      %dma_start3A_557 = tpu.memref_squeeze %dma_start3A_556 : memref<1x256xi32, #tpu.memory_space<hbm>> -> memref<256xi32, #tpu.memory_space<hbm>>
      tpu.enqueue_dma source(%dma_start3A_557 : memref<256xi32, #tpu.memory_space<hbm>>) target(%arg7 : memref<256xi32, #tpu.memory_space<vmem>>) target_semaphore(%run_scoped3A : memref<!tpu.dma_semaphore, #tpu.memory_space<semaphore_mem>>)
      %dma_wait3A_558 = tpu.memref_slice %arg2[%select_n3A, %mul3A_67] : memref<200x4096xi32, #tpu.memory_space<hbm>> -> memref<1x256xi32, #tpu.memory_space<hbm>>
      %dma_wait3A_559 = tpu.memref_squeeze %dma_wait3A_558 : memref<1x256xi32, #tpu.memory_space<hbm>> -> memref<256xi32, #tpu.memory_space<hbm>>
      %dma_wait3A_560 = tpu.memref_slice %arg2[%select_n3A, %mul3A_67] : memref<200x4096xi32, #tpu.memory_space<hbm>> -> memref<1x256xi32, #tpu.memory_space<hbm>>
      %dma_wait3A_561 = tpu.memref_squeeze %dma_wait3A_560 : memref<1x256xi32, #tpu.memory_space<hbm>> -> memref<256xi32, #tpu.memory_space<hbm>>
      tpu.wait_dma2 semaphore(%run_scoped3A : memref<!tpu.dma_semaphore, #tpu.memory_space<semaphore_mem>>) src(%dma_wait3A_561 : memref<256xi32, #tpu.memory_space<hbm>>) dst(%arg7 : memref<256xi32, #tpu.memory_space<vmem>>)
      tpu.yield
    }) : () -> ()
    %dma_start3A = arith.constant 0 : i32
    %dma_start3A_68 = arith.constant 0 : i32
    %dma_start3A_69 = tpu.memref_slice %arg3[%dma_start3A, %dma_start3A_68] : memref<1000000x64xf32, #tpu.memory_space<hbm>> -> memref<1000000x64xf32, #tpu.memory_space<hbm>>
    tpu.enqueue_indirect_dma source(%dma_start3A_69 : memref<1000000x64xf32, #tpu.memory_space<hbm>>) target(%arg9 : memref<256x64xf32, #tpu.memory_space<vmem>>) offsets(%arg7 : memref<256xi32, #tpu.memory_space<vmem>>) semaphore(%arg15 : memref<!tpu.dma_semaphore, #tpu.memory_space<semaphore_mem>>)
    %scan3A = arith.constant 0 : i32
    %scan3A_70 = arith.constant 0 : i32
    %scan3A_71 = arith.constant 50 : i32
    %scan3A_72 = arith.addi %scan3A_70, %scan3A_71 : i32
    %scan3A_73 = arith.constant 1 : i32
    scf.for %scan3A_554 = %scan3A_70 to %scan3A_72 step %scan3A_73  : i32 {
      %mul3A_555 = arith.constant 2 : i32
      %mul3A_556 = arith.muli %scan3A_554, %mul3A_555 : i32
      %add3A_557 = arith.addi %mul3A_2, %mul3A_556 : i32
      %add3A_558 = arith.constant 0 : i32
      %add3A_559 = arith.addi %add3A_557, %add3A_558 : i32
      %dma_wait3A_560 = arith.constant 0 : i32
      %dma_wait3A_561 = arith.constant 0 : i32
      %dma_wait3A_562 = tpu.memref_slice %arg3[%dma_wait3A_560, %dma_wait3A_561] : memref<1000000x64xf32, #tpu.memory_space<hbm>> -> memref<1000000x64xf32, #tpu.memory_space<hbm>>
      tpu.wait_indirect_dma semaphore(%arg15 : memref<!tpu.dma_semaphore, #tpu.memory_space<semaphore_mem>>) src(%dma_wait3A_562 : memref<1000000x64xf32, #tpu.memory_space<hbm>>) dst(%arg9 : memref<256x64xf32, #tpu.memory_space<vmem>>)
      %add3A_563 = arith.constant 1 : i32
      %add3A_564 = arith.addi %add3A_559, %add3A_563 : i32
      %add3A_565 = arith.constant 100 : i32
      %add3A_566 = arith.addi %mul3A_2, %add3A_565 : i32
      %lt3A_567 = arith.cmpi slt, %add3A_564, %add3A_566 : i32
      %convert_element_type3A = arith.extui %lt3A_567 : i1 to i32
      %cond3A = arith.constant 0 : i32
      %cond3A_568 = arith.cmpi ne, %convert_element_type3A, %cond3A : i32
      scf.if %cond3A_568 {
        %add3A_1283 = arith.constant 1 : i32
        %add3A_1284 = arith.addi %add3A_559, %add3A_1283 : i32
        %jit3A_1285 = arith.constant 16 : i32
        %div3A_1286 = arith.divsi %add3A_1284, %jit3A_1285 : i32
        %sign3A_1287 = arith.constant 0 : i32
        %sign3A_1288 = arith.cmpi sgt, %add3A_1284, %sign3A_1287 : i32
        %sign3A_1289 = arith.extui %sign3A_1288 : i1 to i32
        %sign3A_1290 = arith.constant 0 : i32
        %sign3A_1291 = arith.cmpi slt, %add3A_1284, %sign3A_1290 : i32
        %sign3A_1292 = arith.extui %sign3A_1291 : i1 to i32
        %sign3A_1293 = arith.subi %sign3A_1289, %sign3A_1292 : i32
        %sign3A_1294 = arith.constant 0 : i32
        %sign3A_1295 = arith.cmpi sgt, %jit3A_1285, %sign3A_1294 : i32
        %sign3A_1296 = arith.extui %sign3A_1295 : i1 to i32
        %sign3A_1297 = arith.constant 0 : i32
        %sign3A_1298 = arith.cmpi slt, %jit3A_1285, %sign3A_1297 : i32
        %sign3A_1299 = arith.extui %sign3A_1298 : i1 to i32
        %sign3A_1300 = arith.subi %sign3A_1296, %sign3A_1299 : i32
        %ne3A_1301 = arith.cmpi ne, %sign3A_1293, %sign3A_1300 : i32
        %rem3A_1302 = arith.remsi %add3A_1284, %jit3A_1285 : i32
        %ne3A_1303 = arith.constant 0 : i32
        %ne3A_1304 = arith.cmpi ne, %rem3A_1302, %ne3A_1303 : i32
        %and3A_1305 = arith.andi %ne3A_1301, %ne3A_1304 : i1
        %sub3A_1306 = arith.constant 1 : i32
        %sub3A_1307 = arith.subi %div3A_1286, %sub3A_1306 : i32
        %select_n3A_1308 = arith.select %and3A_1305, %sub3A_1307, %div3A_1286 : i32
        %jit3A_1309 = arith.constant 16 : i32
        %eq3A_1310 = arith.constant 0 : i32
        %eq3A_1311 = arith.cmpi eq, %jit3A_1309, %eq3A_1310 : i32
        %jit3A_1312 = arith.constant 1 : i32
        %select_n3A_1313 = arith.select %eq3A_1311, %jit3A_1312, %jit3A_1309 : i32
        %rem3A_1314 = arith.remsi %add3A_1284, %select_n3A_1313 : i32
        %ne3A_1315 = arith.constant 0 : i32
        %ne3A_1316 = arith.cmpi ne, %rem3A_1314, %ne3A_1315 : i32
        %lt3A_1317 = arith.constant 0 : i32
        %lt3A_1318 = arith.cmpi slt, %rem3A_1314, %lt3A_1317 : i32
        %lt3A_1319 = arith.constant 0 : i32
        %lt3A_1320 = arith.cmpi slt, %select_n3A_1313, %lt3A_1319 : i32
        %ne3A_1321 = arith.xori %lt3A_1318, %lt3A_1320 : i1
        %and3A_1322 = arith.andi %ne3A_1321, %ne3A_1316 : i1
        %add3A_1323 = arith.addi %rem3A_1314, %select_n3A_1313 : i32
        %select_n3A_1324 = arith.select %and3A_1322, %add3A_1323, %rem3A_1314 : i32
        %mul3A_1325 = arith.constant 2 : i32
        %mul3A_1326 = arith.muli %select_n3A_1324, %mul3A_1325 : i32
        %mul3A_1327 = arith.constant 128 : i32
        %mul3A_1328 = arith.muli %mul3A_1326, %mul3A_1327 : i32
        "tpu.region"() ({
          %run_scoped3A = tpu.sem_alloc : memref<!tpu.dma_semaphore, #tpu.memory_space<semaphore_mem>>
          %dma_start3A_1332 = tpu.memref_slice %arg2[%select_n3A_1308, %mul3A_1328] : memref<200x4096xi32, #tpu.memory_space<hbm>> -> memref<1x256xi32, #tpu.memory_space<hbm>>
          %dma_start3A_1333 = tpu.memref_squeeze %dma_start3A_1332 : memref<1x256xi32, #tpu.memory_space<hbm>> -> memref<256xi32, #tpu.memory_space<hbm>>
          %dma_start3A_1334 = tpu.memref_slice %arg2[%select_n3A_1308, %mul3A_1328] : memref<200x4096xi32, #tpu.memory_space<hbm>> -> memref<1x256xi32, #tpu.memory_space<hbm>>
          %dma_start3A_1335 = tpu.memref_squeeze %dma_start3A_1334 : memref<1x256xi32, #tpu.memory_space<hbm>> -> memref<256xi32, #tpu.memory_space<hbm>>
          tpu.enqueue_dma source(%dma_start3A_1335 : memref<256xi32, #tpu.memory_space<hbm>>) target(%arg8 : memref<256xi32, #tpu.memory_space<vmem>>) target_semaphore(%run_scoped3A : memref<!tpu.dma_semaphore, #tpu.memory_space<semaphore_mem>>)
          %dma_wait3A_1336 = tpu.memref_slice %arg2[%select_n3A_1308, %mul3A_1328] : memref<200x4096xi32, #tpu.memory_space<hbm>> -> memref<1x256xi32, #tpu.memory_space<hbm>>
          %dma_wait3A_1337 = tpu.memref_squeeze %dma_wait3A_1336 : memref<1x256xi32, #tpu.memory_space<hbm>> -> memref<256xi32, #tpu.memory_space<hbm>>
          %dma_wait3A_1338 = tpu.memref_slice %arg2[%select_n3A_1308, %mul3A_1328] : memref<200x4096xi32, #tpu.memory_space<hbm>> -> memref<1x256xi32, #tpu.memory_space<hbm>>
          %dma_wait3A_1339 = tpu.memref_squeeze %dma_wait3A_1338 : memref<1x256xi32, #tpu.memory_space<hbm>> -> memref<256xi32, #tpu.memory_space<hbm>>
          tpu.wait_dma2 semaphore(%run_scoped3A : memref<!tpu.dma_semaphore, #tpu.memory_space<semaphore_mem>>) src(%dma_wait3A_1339 : memref<256xi32, #tpu.memory_space<hbm>>) dst(%arg8 : memref<256xi32, #tpu.memory_space<vmem>>)
          tpu.yield
        }) : () -> ()
        %dma_start3A_1329 = arith.constant 0 : i32
        %dma_start3A_1330 = arith.constant 0 : i32
        %dma_start3A_1331 = tpu.memref_slice %arg3[%dma_start3A_1329, %dma_start3A_1330] : memref<1000000x64xf32, #tpu.memory_space<hbm>> -> memref<1000000x64xf32, #tpu.memory_space<hbm>>
        tpu.enqueue_indirect_dma source(%dma_start3A_1331 : memref<1000000x64xf32, #tpu.memory_space<hbm>>) target(%arg10 : memref<256x64xf32, #tpu.memory_space<vmem>>) offsets(%arg8 : memref<256xi32, #tpu.memory_space<vmem>>) semaphore(%arg16 : memref<!tpu.dma_semaphore, #tpu.memory_space<semaphore_mem>>)
      } else {
      }
      %add3A_569 = arith.constant 2 : i32
      %add3A_570 = arith.addi %mul3A_2, %add3A_569 : i32
      %ge3A = arith.cmpi sge, %add3A_559, %add3A_570 : i32
      %convert_element_type3A_571 = arith.extui %ge3A : i1 to i32
      %cond3A_572 = arith.constant 0 : i32
      %cond3A_573 = arith.cmpi ne, %convert_element_type3A_571, %cond3A_572 : i32
      scf.if %cond3A_573 {
        %dma_wait3A_1283 = arith.constant 0 : i32
        %dma_wait3A_1284 = arith.constant 0 : i32
        %dma_wait3A_1285 = arith.constant 0 : i32
        %dma_wait3A_1286 = tpu.memref_slice %arg11[%dma_wait3A_1284, %dma_wait3A_1285] : memref<128x129xf32, #tpu.memory_space<vmem>> -> memref<8x128xf32, #tpu.memory_space<vmem>>
        %dma_wait3A_1287 = arith.constant 0 : i32
        %dma_wait3A_1288 = arith.constant 0 : i32
        %dma_wait3A_1289 = tpu.memref_slice %arg6[%dma_wait3A_1283, %dma_wait3A_1287, %dma_wait3A_1288] : memref<200x2048x128xf32, #tpu.memory_space<hbm>> -> memref<1x8x128xf32, #tpu.memory_space<hbm>>
        %dma_wait3A_1290 = tpu.memref_squeeze %dma_wait3A_1289 : memref<1x8x128xf32, #tpu.memory_space<hbm>> -> memref<8x128xf32, #tpu.memory_space<hbm>>
        %dma_wait3A_1291 = arith.constant 0 : i32
        %dma_wait3A_1292 = arith.constant 0 : i32
        %dma_wait3A_1293 = tpu.memref_slice %arg6[%dma_wait3A_1283, %dma_wait3A_1291, %dma_wait3A_1292] : memref<200x2048x128xf32, #tpu.memory_space<hbm>> -> memref<1x8x128xf32, #tpu.memory_space<hbm>>
        %dma_wait3A_1294 = tpu.memref_squeeze %dma_wait3A_1293 : memref<1x8x128xf32, #tpu.memory_space<hbm>> -> memref<8x128xf32, #tpu.memory_space<hbm>>
        %dma_wait3A_1295 = arith.constant 0 : i32
        %dma_wait3A_1296 = arith.constant 0 : i32
        %dma_wait3A_1297 = tpu.memref_slice %arg11[%dma_wait3A_1295, %dma_wait3A_1296] : memref<128x129xf32, #tpu.memory_space<vmem>> -> memref<8x128xf32, #tpu.memory_space<vmem>>
        tpu.wait_dma2 semaphore(%arg17 : memref<!tpu.dma_semaphore, #tpu.memory_space<semaphore_mem>>) src(%dma_wait3A_1297 : memref<8x128xf32, #tpu.memory_space<vmem>>) dst(%dma_wait3A_1294 : memref<8x128xf32, #tpu.memory_space<hbm>>)
        %dma_wait3A_1298 = arith.constant 0 : i32
        %dma_wait3A_1299 = arith.constant 64 : i32
        %dma_wait3A_1300 = arith.constant 0 : i32
        %dma_wait3A_1301 = tpu.memref_slice %arg11[%dma_wait3A_1299, %dma_wait3A_1300] : memref<128x129xf32, #tpu.memory_space<vmem>> -> memref<8x128xf32, #tpu.memory_space<vmem>>
        %dma_wait3A_1302 = arith.constant 8 : i32
        %dma_wait3A_1303 = arith.constant 0 : i32
        %dma_wait3A_1304 = tpu.memref_slice %arg6[%dma_wait3A_1298, %dma_wait3A_1302, %dma_wait3A_1303] : memref<200x2048x128xf32, #tpu.memory_space<hbm>> -> memref<1x8x128xf32, #tpu.memory_space<hbm>>
        %dma_wait3A_1305 = tpu.memref_squeeze %dma_wait3A_1304 : memref<1x8x128xf32, #tpu.memory_space<hbm>> -> memref<8x128xf32, #tpu.memory_space<hbm>>
        %dma_wait3A_1306 = arith.constant 8 : i32
        %dma_wait3A_1307 = arith.constant 0 : i32
        %dma_wait3A_1308 = tpu.memref_slice %arg6[%dma_wait3A_1298, %dma_wait3A_1306, %dma_wait3A_1307] : memref<200x2048x128xf32, #tpu.memory_space<hbm>> -> memref<1x8x128xf32, #tpu.memory_space<hbm>>
        %dma_wait3A_1309 = tpu.memref_squeeze %dma_wait3A_1308 : memref<1x8x128xf32, #tpu.memory_space<hbm>> -> memref<8x128xf32, #tpu.memory_space<hbm>>
        %dma_wait3A_1310 = arith.constant 64 : i32
        %dma_wait3A_1311 = arith.constant 0 : i32
        %dma_wait3A_1312 = tpu.memref_slice %arg11[%dma_wait3A_1310, %dma_wait3A_1311] : memref<128x129xf32, #tpu.memory_space<vmem>> -> memref<8x128xf32, #tpu.memory_space<vmem>>
        tpu.wait_dma2 semaphore(%arg17 : memref<!tpu.dma_semaphore, #tpu.memory_space<semaphore_mem>>) src(%dma_wait3A_1312 : memref<8x128xf32, #tpu.memory_space<vmem>>) dst(%dma_wait3A_1309 : memref<8x128xf32, #tpu.memory_space<hbm>>)
        %dma_wait3A_1313 = arith.constant 0 : i32
        %dma_wait3A_1314 = arith.constant 8 : i32
        %dma_wait3A_1315 = arith.constant 0 : i32
        %dma_wait3A_1316 = tpu.memref_slice %arg11[%dma_wait3A_1314, %dma_wait3A_1315] : memref<128x129xf32, #tpu.memory_space<vmem>> -> memref<8x128xf32, #tpu.memory_space<vmem>>
        %dma_wait3A_1317 = arith.constant 256 : i32
        %dma_wait3A_1318 = arith.constant 0 : i32
        %dma_wait3A_1319 = tpu.memref_slice %arg6[%dma_wait3A_1313, %dma_wait3A_1317, %dma_wait3A_1318] : memref<200x2048x128xf32, #tpu.memory_space<hbm>> -> memref<1x8x128xf32, #tpu.memory_space<hbm>>
        %dma_wait3A_1320 = tpu.memref_squeeze %dma_wait3A_1319 : memref<1x8x128xf32, #tpu.memory_space<hbm>> -> memref<8x128xf32, #tpu.memory_space<hbm>>
        %dma_wait3A_1321 = arith.constant 256 : i32
        %dma_wait3A_1322 = arith.constant 0 : i32
        %dma_wait3A_1323 = tpu.memref_slice %arg6[%dma_wait3A_1313, %dma_wait3A_1321, %dma_wait3A_1322] : memref<200x2048x128xf32, #tpu.memory_space<hbm>> -> memref<1x8x128xf32, #tpu.memory_space<hbm>>
        %dma_wait3A_1324 = tpu.memref_squeeze %dma_wait3A_1323 : memref<1x8x128xf32, #tpu.memory_space<hbm>> -> memref<8x128xf32, #tpu.memory_space<hbm>>
        %dma_wait3A_1325 = arith.constant 8 : i32
        %dma_wait3A_1326 = arith.constant 0 : i32
        %dma_wait3A_1327 = tpu.memref_slice %arg11[%dma_wait3A_1325, %dma_wait3A_1326] : memref<128x129xf32, #tpu.memory_space<vmem>> -> memref<8x128xf32, #tpu.memory_space<vmem>>
        tpu.wait_dma2 semaphore(%arg17 : memref<!tpu.dma_semaphore, #tpu.memory_space<semaphore_mem>>) src(%dma_wait3A_1327 : memref<8x128xf32, #tpu.memory_space<vmem>>) dst(%dma_wait3A_1324 : memref<8x128xf32, #tpu.memory_space<hbm>>)
        %dma_wait3A_1328 = arith.constant 0 : i32
        %dma_wait3A_1329 = arith.constant 72 : i32
        %dma_wait3A_1330 = arith.constant 0 : i32
        %dma_wait3A_1331 = tpu.memref_slice %arg11[%dma_wait3A_1329, %dma_wait3A_1330] : memref<128x129xf32, #tpu.memory_space<vmem>> -> memref<8x128xf32, #tpu.memory_space<vmem>>
        %dma_wait3A_1332 = arith.constant 264 : i32
        %dma_wait3A_1333 = arith.constant 0 : i32
        %dma_wait3A_1334 = tpu.memref_slice %arg6[%dma_wait3A_1328, %dma_wait3A_1332, %dma_wait3A_1333] : memref<200x2048x128xf32, #tpu.memory_space<hbm>> -> memref<1x8x128xf32, #tpu.memory_space<hbm>>
        %dma_wait3A_1335 = tpu.memref_squeeze %dma_wait3A_1334 : memref<1x8x128xf32, #tpu.memory_space<hbm>> -> memref<8x128xf32, #tpu.memory_space<hbm>>
        %dma_wait3A_1336 = arith.constant 264 : i32
        %dma_wait3A_1337 = arith.constant 0 : i32
        %dma_wait3A_1338 = tpu.memref_slice %arg6[%dma_wait3A_1328, %dma_wait3A_1336, %dma_wait3A_1337] : memref<200x2048x128xf32, #tpu.memory_space<hbm>> -> memref<1x8x128xf32, #tpu.memory_space<hbm>>
        %dma_wait3A_1339 = tpu.memref_squeeze %dma_wait3A_1338 : memref<1x8x128xf32, #tpu.memory_space<hbm>> -> memref<8x128xf32, #tpu.memory_space<hbm>>
        %dma_wait3A_1340 = arith.constant 72 : i32
        %dma_wait3A_1341 = arith.constant 0 : i32
        %dma_wait3A_1342 = tpu.memref_slice %arg11[%dma_wait3A_1340, %dma_wait3A_1341] : memref<128x129xf32, #tpu.memory_space<vmem>> -> memref<8x128xf32, #tpu.memory_space<vmem>>
        tpu.wait_dma2 semaphore(%arg17 : memref<!tpu.dma_semaphore, #tpu.memory_space<semaphore_mem>>) src(%dma_wait3A_1342 : memref<8x128xf32, #tpu.memory_space<vmem>>) dst(%dma_wait3A_1339 : memref<8x128xf32, #tpu.memory_space<hbm>>)
        %dma_wait3A_1343 = arith.constant 0 : i32
        %dma_wait3A_1344 = arith.constant 16 : i32
        %dma_wait3A_1345 = arith.constant 0 : i32
        %dma_wait3A_1346 = tpu.memref_slice %arg11[%dma_wait3A_1344, %dma_wait3A_1345] : memref<128x129xf32, #tpu.memory_space<vmem>> -> memref<8x128xf32, #tpu.memory_space<vmem>>
        %dma_wait3A_1347 = arith.constant 512 : i32
        %dma_wait3A_1348 = arith.constant 0 : i32
        %dma_wait3A_1349 = tpu.memref_slice %arg6[%dma_wait3A_1343, %dma_wait3A_1347, %dma_wait3A_1348] : memref<200x2048x128xf32, #tpu.memory_space<hbm>> -> memref<1x8x128xf32, #tpu.memory_space<hbm>>
        %dma_wait3A_1350 = tpu.memref_squeeze %dma_wait3A_1349 : memref<1x8x128xf32, #tpu.memory_space<hbm>> -> memref<8x128xf32, #tpu.memory_space<hbm>>
        %dma_wait3A_1351 = arith.constant 512 : i32
        %dma_wait3A_1352 = arith.constant 0 : i32
        %dma_wait3A_1353 = tpu.memref_slice %arg6[%dma_wait3A_1343, %dma_wait3A_1351, %dma_wait3A_1352] : memref<200x2048x128xf32, #tpu.memory_space<hbm>> -> memref<1x8x128xf32, #tpu.memory_space<hbm>>
        %dma_wait3A_1354 = tpu.memref_squeeze %dma_wait3A_1353 : memref<1x8x128xf32, #tpu.memory_space<hbm>> -> memref<8x128xf32, #tpu.memory_space<hbm>>
        %dma_wait3A_1355 = arith.constant 16 : i32
        %dma_wait3A_1356 = arith.constant 0 : i32
        %dma_wait3A_1357 = tpu.memref_slice %arg11[%dma_wait3A_1355, %dma_wait3A_1356] : memref<128x129xf32, #tpu.memory_space<vmem>> -> memref<8x128xf32, #tpu.memory_space<vmem>>
        tpu.wait_dma2 semaphore(%arg17 : memref<!tpu.dma_semaphore, #tpu.memory_space<semaphore_mem>>) src(%dma_wait3A_1357 : memref<8x128xf32, #tpu.memory_space<vmem>>) dst(%dma_wait3A_1354 : memref<8x128xf32, #tpu.memory_space<hbm>>)
        %dma_wait3A_1358 = arith.constant 0 : i32
        %dma_wait3A_1359 = arith.constant 80 : i32
        %dma_wait3A_1360 = arith.constant 0 : i32
        %dma_wait3A_1361 = tpu.memref_slice %arg11[%dma_wait3A_1359, %dma_wait3A_1360] : memref<128x129xf32, #tpu.memory_space<vmem>> -> memref<8x128xf32, #tpu.memory_space<vmem>>
        %dma_wait3A_1362 = arith.constant 520 : i32
        %dma_wait3A_1363 = arith.constant 0 : i32
        %dma_wait3A_1364 = tpu.memref_slice %arg6[%dma_wait3A_1358, %dma_wait3A_1362, %dma_wait3A_1363] : memref<200x2048x128xf32, #tpu.memory_space<hbm>> -> memref<1x8x128xf32, #tpu.memory_space<hbm>>
        %dma_wait3A_1365 = tpu.memref_squeeze %dma_wait3A_1364 : memref<1x8x128xf32, #tpu.memory_space<hbm>> -> memref<8x128xf32, #tpu.memory_space<hbm>>
        %dma_wait3A_1366 = arith.constant 520 : i32
        %dma_wait3A_1367 = arith.constant 0 : i32
        %dma_wait3A_1368 = tpu.memref_slice %arg6[%dma_wait3A_1358, %dma_wait3A_1366, %dma_wait3A_1367] : memref<200x2048x128xf32, #tpu.memory_space<hbm>> -> memref<1x8x128xf32, #tpu.memory_space<hbm>>
        %dma_wait3A_1369 = tpu.memref_squeeze %dma_wait3A_1368 : memref<1x8x128xf32, #tpu.memory_space<hbm>> -> memref<8x128xf32, #tpu.memory_space<hbm>>
        %dma_wait3A_1370 = arith.constant 80 : i32
        %dma_wait3A_1371 = arith.constant 0 : i32
        %dma_wait3A_1372 = tpu.memref_slice %arg11[%dma_wait3A_1370, %dma_wait3A_1371] : memref<128x129xf32, #tpu.memory_space<vmem>> -> memref<8x128xf32, #tpu.memory_space<vmem>>
        tpu.wait_dma2 semaphore(%arg17 : memref<!tpu.dma_semaphore, #tpu.memory_space<semaphore_mem>>) src(%dma_wait3A_1372 : memref<8x128xf32, #tpu.memory_space<vmem>>) dst(%dma_wait3A_1369 : memref<8x128xf32, #tpu.memory_space<hbm>>)
        %dma_wait3A_1373 = arith.constant 0 : i32
        %dma_wait3A_1374 = arith.constant 24 : i32
        %dma_wait3A_1375 = arith.constant 0 : i32
        %dma_wait3A_1376 = tpu.memref_slice %arg11[%dma_wait3A_1374, %dma_wait3A_1375] : memref<128x129xf32, #tpu.memory_space<vmem>> -> memref<8x128xf32, #tpu.memory_space<vmem>>
        %dma_wait3A_1377 = arith.constant 768 : i32
        %dma_wait3A_1378 = arith.constant 0 : i32
        %dma_wait3A_1379 = tpu.memref_slice %arg6[%dma_wait3A_1373, %dma_wait3A_1377, %dma_wait3A_1378] : memref<200x2048x128xf32, #tpu.memory_space<hbm>> -> memref<1x8x128xf32, #tpu.memory_space<hbm>>
        %dma_wait3A_1380 = tpu.memref_squeeze %dma_wait3A_1379 : memref<1x8x128xf32, #tpu.memory_space<hbm>> -> memref<8x128xf32, #tpu.memory_space<hbm>>
        %dma_wait3A_1381 = arith.constant 768 : i32
        %dma_wait3A_1382 = arith.constant 0 : i32
        %dma_wait3A_1383 = tpu.memref_slice %arg6[%dma_wait3A_1373, %dma_wait3A_1381, %dma_wait3A_1382] : memref<200x2048x128xf32, #tpu.memory_space<hbm>> -> memref<1x8x128xf32, #tpu.memory_space<hbm>>
        %dma_wait3A_1384 = tpu.memref_squeeze %dma_wait3A_1383 : memref<1x8x128xf32, #tpu.memory_space<hbm>> -> memref<8x128xf32, #tpu.memory_space<hbm>>
        %dma_wait3A_1385 = arith.constant 24 : i32
        %dma_wait3A_1386 = arith.constant 0 : i32
        %dma_wait3A_1387 = tpu.memref_slice %arg11[%dma_wait3A_1385, %dma_wait3A_1386] : memref<128x129xf32, #tpu.memory_space<vmem>> -> memref<8x128xf32, #tpu.memory_space<vmem>>
        tpu.wait_dma2 semaphore(%arg17 : memref<!tpu.dma_semaphore, #tpu.memory_space<semaphore_mem>>) src(%dma_wait3A_1387 : memref<8x128xf32, #tpu.memory_space<vmem>>) dst(%dma_wait3A_1384 : memref<8x128xf32, #tpu.memory_space<hbm>>)
        %dma_wait3A_1388 = arith.constant 0 : i32
        %dma_wait3A_1389 = arith.constant 88 : i32
        %dma_wait3A_1390 = arith.constant 0 : i32
        %dma_wait3A_1391 = tpu.memref_slice %arg11[%dma_wait3A_1389, %dma_wait3A_1390] : memref<128x129xf32, #tpu.memory_space<vmem>> -> memref<8x128xf32, #tpu.memory_space<vmem>>
        %dma_wait3A_1392 = arith.constant 776 : i32
        %dma_wait3A_1393 = arith.constant 0 : i32
        %dma_wait3A_1394 = tpu.memref_slice %arg6[%dma_wait3A_1388, %dma_wait3A_1392, %dma_wait3A_1393] : memref<200x2048x128xf32, #tpu.memory_space<hbm>> -> memref<1x8x128xf32, #tpu.memory_space<hbm>>
        %dma_wait3A_1395 = tpu.memref_squeeze %dma_wait3A_1394 : memref<1x8x128xf32, #tpu.memory_space<hbm>> -> memref<8x128xf32, #tpu.memory_space<hbm>>
        %dma_wait3A_1396 = arith.constant 776 : i32
        %dma_wait3A_1397 = arith.constant 0 : i32
        %dma_wait3A_1398 = tpu.memref_slice %arg6[%dma_wait3A_1388, %dma_wait3A_1396, %dma_wait3A_1397] : memref<200x2048x128xf32, #tpu.memory_space<hbm>> -> memref<1x8x128xf32, #tpu.memory_space<hbm>>
        %dma_wait3A_1399 = tpu.memref_squeeze %dma_wait3A_1398 : memref<1x8x128xf32, #tpu.memory_space<hbm>> -> memref<8x128xf32, #tpu.memory_space<hbm>>
        %dma_wait3A_1400 = arith.constant 88 : i32
        %dma_wait3A_1401 = arith.constant 0 : i32
        %dma_wait3A_1402 = tpu.memref_slice %arg11[%dma_wait3A_1400, %dma_wait3A_1401] : memref<128x129xf32, #tpu.memory_space<vmem>> -> memref<8x128xf32, #tpu.memory_space<vmem>>
        tpu.wait_dma2 semaphore(%arg17 : memref<!tpu.dma_semaphore, #tpu.memory_space<semaphore_mem>>) src(%dma_wait3A_1402 : memref<8x128xf32, #tpu.memory_space<vmem>>) dst(%dma_wait3A_1399 : memref<8x128xf32, #tpu.memory_space<hbm>>)
        %dma_wait3A_1403 = arith.constant 0 : i32
        %dma_wait3A_1404 = arith.constant 32 : i32
        %dma_wait3A_1405 = arith.constant 0 : i32
        %dma_wait3A_1406 = tpu.memref_slice %arg11[%dma_wait3A_1404, %dma_wait3A_1405] : memref<128x129xf32, #tpu.memory_space<vmem>> -> memref<8x128xf32, #tpu.memory_space<vmem>>
        %dma_wait3A_1407 = arith.constant 1024 : i32
        %dma_wait3A_1408 = arith.constant 0 : i32
        %dma_wait3A_1409 = tpu.memref_slice %arg6[%dma_wait3A_1403, %dma_wait3A_1407, %dma_wait3A_1408] : memref<200x2048x128xf32, #tpu.memory_space<hbm>> -> memref<1x8x128xf32, #tpu.memory_space<hbm>>
        %dma_wait3A_1410 = tpu.memref_squeeze %dma_wait3A_1409 : memref<1x8x128xf32, #tpu.memory_space<hbm>> -> memref<8x128xf32, #tpu.memory_space<hbm>>
        %dma_wait3A_1411 = arith.constant 1024 : i32
        %dma_wait3A_1412 = arith.constant 0 : i32
        %dma_wait3A_1413 = tpu.memref_slice %arg6[%dma_wait3A_1403, %dma_wait3A_1411, %dma_wait3A_1412] : memref<200x2048x128xf32, #tpu.memory_space<hbm>> -> memref<1x8x128xf32, #tpu.memory_space<hbm>>
        %dma_wait3A_1414 = tpu.memref_squeeze %dma_wait3A_1413 : memref<1x8x128xf32, #tpu.memory_space<hbm>> -> memref<8x128xf32, #tpu.memory_space<hbm>>
        %dma_wait3A_1415 = arith.constant 32 : i32
        %dma_wait3A_1416 = arith.constant 0 : i32
        %dma_wait3A_1417 = tpu.memref_slice %arg11[%dma_wait3A_1415, %dma_wait3A_1416] : memref<128x129xf32, #tpu.memory_space<vmem>> -> memref<8x128xf32, #tpu.memory_space<vmem>>
        tpu.wait_dma2 semaphore(%arg17 : memref<!tpu.dma_semaphore, #tpu.memory_space<semaphore_mem>>) src(%dma_wait3A_1417 : memref<8x128xf32, #tpu.memory_space<vmem>>) dst(%dma_wait3A_1414 : memref<8x128xf32, #tpu.memory_space<hbm>>)
        %dma_wait3A_1418 = arith.constant 0 : i32
        %dma_wait3A_1419 = arith.constant 96 : i32
        %dma_wait3A_1420 = arith.constant 0 : i32
        %dma_wait3A_1421 = tpu.memref_slice %arg11[%dma_wait3A_1419, %dma_wait3A_1420] : memref<128x129xf32, #tpu.memory_space<vmem>> -> memref<8x128xf32, #tpu.memory_space<vmem>>
        %dma_wait3A_1422 = arith.constant 1032 : i32
        %dma_wait3A_1423 = arith.constant 0 : i32
        %dma_wait3A_1424 = tpu.memref_slice %arg6[%dma_wait3A_1418, %dma_wait3A_1422, %dma_wait3A_1423] : memref<200x2048x128xf32, #tpu.memory_space<hbm>> -> memref<1x8x128xf32, #tpu.memory_space<hbm>>
        %dma_wait3A_1425 = tpu.memref_squeeze %dma_wait3A_1424 : memref<1x8x128xf32, #tpu.memory_space<hbm>> -> memref<8x128xf32, #tpu.memory_space<hbm>>
        %dma_wait3A_1426 = arith.constant 1032 : i32
        %dma_wait3A_1427 = arith.constant 0 : i32
        %dma_wait3A_1428 = tpu.memref_slice %arg6[%dma_wait3A_1418, %dma_wait3A_1426, %dma_wait3A_1427] : memref<200x2048x128xf32, #tpu.memory_space<hbm>> -> memref<1x8x128xf32, #tpu.memory_space<hbm>>
        %dma_wait3A_1429 = tpu.memref_squeeze %dma_wait3A_1428 : memref<1x8x128xf32, #tpu.memory_space<hbm>> -> memref<8x128xf32, #tpu.memory_space<hbm>>
        %dma_wait3A_1430 = arith.constant 96 : i32
        %dma_wait3A_1431 = arith.constant 0 : i32
        %dma_wait3A_1432 = tpu.memref_slice %arg11[%dma_wait3A_1430, %dma_wait3A_1431] : memref<128x129xf32, #tpu.memory_space<vmem>> -> memref<8x128xf32, #tpu.memory_space<vmem>>
        tpu.wait_dma2 semaphore(%arg17 : memref<!tpu.dma_semaphore, #tpu.memory_space<semaphore_mem>>) src(%dma_wait3A_1432 : memref<8x128xf32, #tpu.memory_space<vmem>>) dst(%dma_wait3A_1429 : memref<8x128xf32, #tpu.memory_space<hbm>>)
        %dma_wait3A_1433 = arith.constant 0 : i32
        %dma_wait3A_1434 = arith.constant 40 : i32
        %dma_wait3A_1435 = arith.constant 0 : i32
        %dma_wait3A_1436 = tpu.memref_slice %arg11[%dma_wait3A_1434, %dma_wait3A_1435] : memref<128x129xf32, #tpu.memory_space<vmem>> -> memref<8x128xf32, #tpu.memory_space<vmem>>
        %dma_wait3A_1437 = arith.constant 1280 : i32
        %dma_wait3A_1438 = arith.constant 0 : i32
        %dma_wait3A_1439 = tpu.memref_slice %arg6[%dma_wait3A_1433, %dma_wait3A_1437, %dma_wait3A_1438] : memref<200x2048x128xf32, #tpu.memory_space<hbm>> -> memref<1x8x128xf32, #tpu.memory_space<hbm>>
        %dma_wait3A_1440 = tpu.memref_squeeze %dma_wait3A_1439 : memref<1x8x128xf32, #tpu.memory_space<hbm>> -> memref<8x128xf32, #tpu.memory_space<hbm>>
        %dma_wait3A_1441 = arith.constant 1280 : i32
        %dma_wait3A_1442 = arith.constant 0 : i32
        %dma_wait3A_1443 = tpu.memref_slice %arg6[%dma_wait3A_1433, %dma_wait3A_1441, %dma_wait3A_1442] : memref<200x2048x128xf32, #tpu.memory_space<hbm>> -> memref<1x8x128xf32, #tpu.memory_space<hbm>>
        %dma_wait3A_1444 = tpu.memref_squeeze %dma_wait3A_1443 : memref<1x8x128xf32, #tpu.memory_space<hbm>> -> memref<8x128xf32, #tpu.memory_space<hbm>>
        %dma_wait3A_1445 = arith.constant 40 : i32
        %dma_wait3A_1446 = arith.constant 0 : i32
        %dma_wait3A_1447 = tpu.memref_slice %arg11[%dma_wait3A_1445, %dma_wait3A_1446] : memref<128x129xf32, #tpu.memory_space<vmem>> -> memref<8x128xf32, #tpu.memory_space<vmem>>
        tpu.wait_dma2 semaphore(%arg17 : memref<!tpu.dma_semaphore, #tpu.memory_space<semaphore_mem>>) src(%dma_wait3A_1447 : memref<8x128xf32, #tpu.memory_space<vmem>>) dst(%dma_wait3A_1444 : memref<8x128xf32, #tpu.memory_space<hbm>>)
        %dma_wait3A_1448 = arith.constant 0 : i32
        %dma_wait3A_1449 = arith.constant 104 : i32
        %dma_wait3A_1450 = arith.constant 0 : i32
        %dma_wait3A_1451 = tpu.memref_slice %arg11[%dma_wait3A_1449, %dma_wait3A_1450] : memref<128x129xf32, #tpu.memory_space<vmem>> -> memref<8x128xf32, #tpu.memory_space<vmem>>
        %dma_wait3A_1452 = arith.constant 1288 : i32
        %dma_wait3A_1453 = arith.constant 0 : i32
        %dma_wait3A_1454 = tpu.memref_slice %arg6[%dma_wait3A_1448, %dma_wait3A_1452, %dma_wait3A_1453] : memref<200x2048x128xf32, #tpu.memory_space<hbm>> -> memref<1x8x128xf32, #tpu.memory_space<hbm>>
        %dma_wait3A_1455 = tpu.memref_squeeze %dma_wait3A_1454 : memref<1x8x128xf32, #tpu.memory_space<hbm>> -> memref<8x128xf32, #tpu.memory_space<hbm>>
        %dma_wait3A_1456 = arith.constant 1288 : i32
        %dma_wait3A_1457 = arith.constant 0 : i32
        %dma_wait3A_1458 = tpu.memref_slice %arg6[%dma_wait3A_1448, %dma_wait3A_1456, %dma_wait3A_1457] : memref<200x2048x128xf32, #tpu.memory_space<hbm>> -> memref<1x8x128xf32, #tpu.memory_space<hbm>>
        %dma_wait3A_1459 = tpu.memref_squeeze %dma_wait3A_1458 : memref<1x8x128xf32, #tpu.memory_space<hbm>> -> memref<8x128xf32, #tpu.memory_space<hbm>>
        %dma_wait3A_1460 = arith.constant 104 : i32
        %dma_wait3A_1461 = arith.constant 0 : i32
        %dma_wait3A_1462 = tpu.memref_slice %arg11[%dma_wait3A_1460, %dma_wait3A_1461] : memref<128x129xf32, #tpu.memory_space<vmem>> -> memref<8x128xf32, #tpu.memory_space<vmem>>
        tpu.wait_dma2 semaphore(%arg17 : memref<!tpu.dma_semaphore, #tpu.memory_space<semaphore_mem>>) src(%dma_wait3A_1462 : memref<8x128xf32, #tpu.memory_space<vmem>>) dst(%dma_wait3A_1459 : memref<8x128xf32, #tpu.memory_space<hbm>>)
        %dma_wait3A_1463 = arith.constant 0 : i32
        %dma_wait3A_1464 = arith.constant 48 : i32
        %dma_wait3A_1465 = arith.constant 0 : i32
        %dma_wait3A_1466 = tpu.memref_slice %arg11[%dma_wait3A_1464, %dma_wait3A_1465] : memref<128x129xf32, #tpu.memory_space<vmem>> -> memref<8x128xf32, #tpu.memory_space<vmem>>
        %dma_wait3A_1467 = arith.constant 1536 : i32
        %dma_wait3A_1468 = arith.constant 0 : i32
        %dma_wait3A_1469 = tpu.memref_slice %arg6[%dma_wait3A_1463, %dma_wait3A_1467, %dma_wait3A_1468] : memref<200x2048x128xf32, #tpu.memory_space<hbm>> -> memref<1x8x128xf32, #tpu.memory_space<hbm>>
        %dma_wait3A_1470 = tpu.memref_squeeze %dma_wait3A_1469 : memref<1x8x128xf32, #tpu.memory_space<hbm>> -> memref<8x128xf32, #tpu.memory_space<hbm>>
        %dma_wait3A_1471 = arith.constant 1536 : i32
        %dma_wait3A_1472 = arith.constant 0 : i32
        %dma_wait3A_1473 = tpu.memref_slice %arg6[%dma_wait3A_1463, %dma_wait3A_1471, %dma_wait3A_1472] : memref<200x2048x128xf32, #tpu.memory_space<hbm>> -> memref<1x8x128xf32, #tpu.memory_space<hbm>>
        %dma_wait3A_1474 = tpu.memref_squeeze %dma_wait3A_1473 : memref<1x8x128xf32, #tpu.memory_space<hbm>> -> memref<8x128xf32, #tpu.memory_space<hbm>>
        %dma_wait3A_1475 = arith.constant 48 : i32
        %dma_wait3A_1476 = arith.constant 0 : i32
        %dma_wait3A_1477 = tpu.memref_slice %arg11[%dma_wait3A_1475, %dma_wait3A_1476] : memref<128x129xf32, #tpu.memory_space<vmem>> -> memref<8x128xf32, #tpu.memory_space<vmem>>
        tpu.wait_dma2 semaphore(%arg17 : memref<!tpu.dma_semaphore, #tpu.memory_space<semaphore_mem>>) src(%dma_wait3A_1477 : memref<8x128xf32, #tpu.memory_space<vmem>>) dst(%dma_wait3A_1474 : memref<8x128xf32, #tpu.memory_space<hbm>>)
        %dma_wait3A_1478 = arith.constant 0 : i32
        %dma_wait3A_1479 = arith.constant 112 : i32
        %dma_wait3A_1480 = arith.constant 0 : i32
        %dma_wait3A_1481 = tpu.memref_slice %arg11[%dma_wait3A_1479, %dma_wait3A_1480] : memref<128x129xf32, #tpu.memory_space<vmem>> -> memref<8x128xf32, #tpu.memory_space<vmem>>
        %dma_wait3A_1482 = arith.constant 1544 : i32
        %dma_wait3A_1483 = arith.constant 0 : i32
        %dma_wait3A_1484 = tpu.memref_slice %arg6[%dma_wait3A_1478, %dma_wait3A_1482, %dma_wait3A_1483] : memref<200x2048x128xf32, #tpu.memory_space<hbm>> -> memref<1x8x128xf32, #tpu.memory_space<hbm>>
        %dma_wait3A_1485 = tpu.memref_squeeze %dma_wait3A_1484 : memref<1x8x128xf32, #tpu.memory_space<hbm>> -> memref<8x128xf32, #tpu.memory_space<hbm>>
        %dma_wait3A_1486 = arith.constant 1544 : i32
        %dma_wait3A_1487 = arith.constant 0 : i32
        %dma_wait3A_1488 = tpu.memref_slice %arg6[%dma_wait3A_1478, %dma_wait3A_1486, %dma_wait3A_1487] : memref<200x2048x128xf32, #tpu.memory_space<hbm>> -> memref<1x8x128xf32, #tpu.memory_space<hbm>>
        %dma_wait3A_1489 = tpu.memref_squeeze %dma_wait3A_1488 : memref<1x8x128xf32, #tpu.memory_space<hbm>> -> memref<8x128xf32, #tpu.memory_space<hbm>>
        %dma_wait3A_1490 = arith.constant 112 : i32
        %dma_wait3A_1491 = arith.constant 0 : i32
        %dma_wait3A_1492 = tpu.memref_slice %arg11[%dma_wait3A_1490, %dma_wait3A_1491] : memref<128x129xf32, #tpu.memory_space<vmem>> -> memref<8x128xf32, #tpu.memory_space<vmem>>
        tpu.wait_dma2 semaphore(%arg17 : memref<!tpu.dma_semaphore, #tpu.memory_space<semaphore_mem>>) src(%dma_wait3A_1492 : memref<8x128xf32, #tpu.memory_space<vmem>>) dst(%dma_wait3A_1489 : memref<8x128xf32, #tpu.memory_space<hbm>>)
        %dma_wait3A_1493 = arith.constant 0 : i32
        %dma_wait3A_1494 = arith.constant 56 : i32
        %dma_wait3A_1495 = arith.constant 0 : i32
        %dma_wait3A_1496 = tpu.memref_slice %arg11[%dma_wait3A_1494, %dma_wait3A_1495] : memref<128x129xf32, #tpu.memory_space<vmem>> -> memref<8x128xf32, #tpu.memory_space<vmem>>
        %dma_wait3A_1497 = arith.constant 1792 : i32
        %dma_wait3A_1498 = arith.constant 0 : i32
        %dma_wait3A_1499 = tpu.memref_slice %arg6[%dma_wait3A_1493, %dma_wait3A_1497, %dma_wait3A_1498] : memref<200x2048x128xf32, #tpu.memory_space<hbm>> -> memref<1x8x128xf32, #tpu.memory_space<hbm>>
        %dma_wait3A_1500 = tpu.memref_squeeze %dma_wait3A_1499 : memref<1x8x128xf32, #tpu.memory_space<hbm>> -> memref<8x128xf32, #tpu.memory_space<hbm>>
        %dma_wait3A_1501 = arith.constant 1792 : i32
        %dma_wait3A_1502 = arith.constant 0 : i32
        %dma_wait3A_1503 = tpu.memref_slice %arg6[%dma_wait3A_1493, %dma_wait3A_1501, %dma_wait3A_1502] : memref<200x2048x128xf32, #tpu.memory_space<hbm>> -> memref<1x8x128xf32, #tpu.memory_space<hbm>>
        %dma_wait3A_1504 = tpu.memref_squeeze %dma_wait3A_1503 : memref<1x8x128xf32, #tpu.memory_space<hbm>> -> memref<8x128xf32, #tpu.memory_space<hbm>>
        %dma_wait3A_1505 = arith.constant 56 : i32
        %dma_wait3A_1506 = arith.constant 0 : i32
        %dma_wait3A_1507 = tpu.memref_slice %arg11[%dma_wait3A_1505, %dma_wait3A_1506] : memref<128x129xf32, #tpu.memory_space<vmem>> -> memref<8x128xf32, #tpu.memory_space<vmem>>
        tpu.wait_dma2 semaphore(%arg17 : memref<!tpu.dma_semaphore, #tpu.memory_space<semaphore_mem>>) src(%dma_wait3A_1507 : memref<8x128xf32, #tpu.memory_space<vmem>>) dst(%dma_wait3A_1504 : memref<8x128xf32, #tpu.memory_space<hbm>>)
        %dma_wait3A_1508 = arith.constant 0 : i32
        %dma_wait3A_1509 = arith.constant 120 : i32
        %dma_wait3A_1510 = arith.constant 0 : i32
        %dma_wait3A_1511 = tpu.memref_slice %arg11[%dma_wait3A_1509, %dma_wait3A_1510] : memref<128x129xf32, #tpu.memory_space<vmem>> -> memref<8x128xf32, #tpu.memory_space<vmem>>
        %dma_wait3A_1512 = arith.constant 1800 : i32
        %dma_wait3A_1513 = arith.constant 0 : i32
        %dma_wait3A_1514 = tpu.memref_slice %arg6[%dma_wait3A_1508, %dma_wait3A_1512, %dma_wait3A_1513] : memref<200x2048x128xf32, #tpu.memory_space<hbm>> -> memref<1x8x128xf32, #tpu.memory_space<hbm>>
        %dma_wait3A_1515 = tpu.memref_squeeze %dma_wait3A_1514 : memref<1x8x128xf32, #tpu.memory_space<hbm>> -> memref<8x128xf32, #tpu.memory_space<hbm>>
        %dma_wait3A_1516 = arith.constant 1800 : i32
        %dma_wait3A_1517 = arith.constant 0 : i32
        %dma_wait3A_1518 = tpu.memref_slice %arg6[%dma_wait3A_1508, %dma_wait3A_1516, %dma_wait3A_1517] : memref<200x2048x128xf32, #tpu.memory_space<hbm>> -> memref<1x8x128xf32, #tpu.memory_space<hbm>>
        %dma_wait3A_1519 = tpu.memref_squeeze %dma_wait3A_1518 : memref<1x8x128xf32, #tpu.memory_space<hbm>> -> memref<8x128xf32, #tpu.memory_space<hbm>>
        %dma_wait3A_1520 = arith.constant 120 : i32
        %dma_wait3A_1521 = arith.constant 0 : i32
        %dma_wait3A_1522 = tpu.memref_slice %arg11[%dma_wait3A_1520, %dma_wait3A_1521] : memref<128x129xf32, #tpu.memory_space<vmem>> -> memref<8x128xf32, #tpu.memory_space<vmem>>
        tpu.wait_dma2 semaphore(%arg17 : memref<!tpu.dma_semaphore, #tpu.memory_space<semaphore_mem>>) src(%dma_wait3A_1522 : memref<8x128xf32, #tpu.memory_space<vmem>>) dst(%dma_wait3A_1519 : memref<8x128xf32, #tpu.memory_space<hbm>>)
      } else {
      }
      %jit3A_574 = arith.constant 16 : i32
      %div3A_575 = arith.divsi %add3A_559, %jit3A_574 : i32
      %sign3A_576 = arith.constant 0 : i32
      %sign3A_577 = arith.cmpi sgt, %add3A_559, %sign3A_576 : i32
      %sign3A_578 = arith.extui %sign3A_577 : i1 to i32
      %sign3A_579 = arith.constant 0 : i32
      %sign3A_580 = arith.cmpi slt, %add3A_559, %sign3A_579 : i32
      %sign3A_581 = arith.extui %sign3A_580 : i1 to i32
      %sign3A_582 = arith.subi %sign3A_578, %sign3A_581 : i32
      %sign3A_583 = arith.constant 0 : i32
      %sign3A_584 = arith.cmpi sgt, %jit3A_574, %sign3A_583 : i32
      %sign3A_585 = arith.extui %sign3A_584 : i1 to i32
      %sign3A_586 = arith.constant 0 : i32
      %sign3A_587 = arith.cmpi slt, %jit3A_574, %sign3A_586 : i32
      %sign3A_588 = arith.extui %sign3A_587 : i1 to i32
      %sign3A_589 = arith.subi %sign3A_585, %sign3A_588 : i32
      %ne3A_590 = arith.cmpi ne, %sign3A_582, %sign3A_589 : i32
      %rem3A_591 = arith.remsi %add3A_559, %jit3A_574 : i32
      %ne3A_592 = arith.constant 0 : i32
      %ne3A_593 = arith.cmpi ne, %rem3A_591, %ne3A_592 : i32
      %and3A_594 = arith.andi %ne3A_590, %ne3A_593 : i1
      %sub3A_595 = arith.constant 1 : i32
      %sub3A_596 = arith.subi %div3A_575, %sub3A_595 : i32
      %select_n3A_597 = arith.select %and3A_594, %sub3A_596, %div3A_575 : i32
      %jit3A_598 = arith.constant 16 : i32
      %eq3A_599 = arith.constant 0 : i32
      %eq3A_600 = arith.cmpi eq, %jit3A_598, %eq3A_599 : i32
      %jit3A_601 = arith.constant 1 : i32
      %select_n3A_602 = arith.select %eq3A_600, %jit3A_601, %jit3A_598 : i32
      %rem3A_603 = arith.remsi %add3A_559, %select_n3A_602 : i32
      %ne3A_604 = arith.constant 0 : i32
      %ne3A_605 = arith.cmpi ne, %rem3A_603, %ne3A_604 : i32
      %lt3A_606 = arith.constant 0 : i32
      %lt3A_607 = arith.cmpi slt, %rem3A_603, %lt3A_606 : i32
      %lt3A_608 = arith.constant 0 : i32
      %lt3A_609 = arith.cmpi slt, %select_n3A_602, %lt3A_608 : i32
      %ne3A_610 = arith.xori %lt3A_607, %lt3A_609 : i1
      %and3A_611 = arith.andi %ne3A_610, %ne3A_605 : i1
      %add3A_612 = arith.addi %rem3A_603, %select_n3A_602 : i32
      %select_n3A_613 = arith.select %and3A_611, %add3A_612, %rem3A_603 : i32
      %mul3A_614 = arith.constant 2 : i32
      %mul3A_615 = arith.muli %select_n3A_613, %mul3A_614 : i32
      %get3A_616 = arith.index_cast %select_n3A_597 : i32 to index
      %get3A_617 = arith.constant 0 : index
      %get3A_618 = tpu.vector_load %arg13[%get3A_616, %get3A_617] {strides = array<i32>} : memref<200x64xf32, #tpu.memory_space<vmem>>, vector<16xf32>,
      %get3A_619 = arith.index_cast %select_n3A_597 : i32 to index
      %get3A_620 = arith.constant 16 : index
      %get3A_621 = tpu.vector_load %arg13[%get3A_619, %get3A_620] {strides = array<i32>} : memref<200x64xf32, #tpu.memory_space<vmem>>, vector<16xf32>,
      %get3A_622 = arith.index_cast %select_n3A_597 : i32 to index
      %get3A_623 = arith.constant 32 : index
      %get3A_624 = tpu.vector_load %arg13[%get3A_622, %get3A_623] {strides = array<i32>} : memref<200x64xf32, #tpu.memory_space<vmem>>, vector<16xf32>,
      %get3A_625 = arith.index_cast %select_n3A_597 : i32 to index
      %get3A_626 = arith.constant 48 : index
      %get3A_627 = tpu.vector_load %arg13[%get3A_625, %get3A_626] {strides = array<i32>} : memref<200x64xf32, #tpu.memory_space<vmem>>, vector<16xf32>,
      %parallel_loop3A = arith.constant 0 : i32
      %parallel_loop3A_628 = arith.constant 128 : i32
      %parallel_loop3A_629 = arith.constant 1 : i32
      scf.for %parallel_loop3A_1283 = %parallel_loop3A to %parallel_loop3A_628 step %parallel_loop3A_629  : i32 {
        %parallel_loop3A_1284 = vector.broadcast %parallel_loop3A_1283 : i32 to vector<16xi32>
        %parallel_loop3A_1285 = arith.constant 0 : i32
        %parallel_loop3A_1286 = arith.addi %parallel_loop3A_1285, %parallel_loop3A_1283 : i32
        %parallel_loop3A_1287 = arith.index_cast %parallel_loop3A_1286 : i32 to index
        %parallel_loop3A_1288 = arith.constant 0 : index
        %parallel_loop3A_1289 = tpu.vector_load %arg9[%parallel_loop3A_1287, %parallel_loop3A_1288] {strides = array<i32>} : memref<256x64xf32, #tpu.memory_space<vmem>>, vector<16xf32>,
        %parallel_loop3A_1290 = arith.addf %parallel_loop3A_1289, %get3A_618 : vector<16xf32>
        tpu.vector_store_idx %arg11[%get3A_5, %parallel_loop3A_1284], %parallel_loop3A_1290 : memref<128x129xf32, #tpu.memory_space<vmem>>[vector<16xi32>, vector<16xi32>], vector<16xf32>,
        %parallel_loop3A_1291 = arith.constant 0 : i32
        %parallel_loop3A_1292 = arith.addi %parallel_loop3A_1291, %parallel_loop3A_1283 : i32
        %parallel_loop3A_1293 = arith.index_cast %parallel_loop3A_1292 : i32 to index
        %parallel_loop3A_1294 = arith.constant 16 : index
        %parallel_loop3A_1295 = tpu.vector_load %arg9[%parallel_loop3A_1293, %parallel_loop3A_1294] {strides = array<i32>} : memref<256x64xf32, #tpu.memory_space<vmem>>, vector<16xf32>,
        %parallel_loop3A_1296 = arith.addf %parallel_loop3A_1295, %get3A_621 : vector<16xf32>
        tpu.vector_store_idx %arg11[%get3A_13, %parallel_loop3A_1284], %parallel_loop3A_1296 : memref<128x129xf32, #tpu.memory_space<vmem>>[vector<16xi32>, vector<16xi32>], vector<16xf32>,
        %parallel_loop3A_1297 = arith.constant 0 : i32
        %parallel_loop3A_1298 = arith.addi %parallel_loop3A_1297, %parallel_loop3A_1283 : i32
        %parallel_loop3A_1299 = arith.index_cast %parallel_loop3A_1298 : i32 to index
        %parallel_loop3A_1300 = arith.constant 32 : index
        %parallel_loop3A_1301 = tpu.vector_load %arg9[%parallel_loop3A_1299, %parallel_loop3A_1300] {strides = array<i32>} : memref<256x64xf32, #tpu.memory_space<vmem>>, vector<16xf32>,
        %parallel_loop3A_1302 = arith.addf %parallel_loop3A_1301, %get3A_624 : vector<16xf32>
        tpu.vector_store_idx %arg11[%get3A_21, %parallel_loop3A_1284], %parallel_loop3A_1302 : memref<128x129xf32, #tpu.memory_space<vmem>>[vector<16xi32>, vector<16xi32>], vector<16xf32>,
        %parallel_loop3A_1303 = arith.constant 0 : i32
        %parallel_loop3A_1304 = arith.addi %parallel_loop3A_1303, %parallel_loop3A_1283 : i32
        %parallel_loop3A_1305 = arith.index_cast %parallel_loop3A_1304 : i32 to index
        %parallel_loop3A_1306 = arith.constant 48 : index
        %parallel_loop3A_1307 = tpu.vector_load %arg9[%parallel_loop3A_1305, %parallel_loop3A_1306] {strides = array<i32>} : memref<256x64xf32, #tpu.memory_space<vmem>>, vector<16xf32>,
        %parallel_loop3A_1308 = arith.addf %parallel_loop3A_1307, %get3A_627 : vector<16xf32>
        tpu.vector_store_idx %arg11[%get3A_29, %parallel_loop3A_1284], %parallel_loop3A_1308 : memref<128x129xf32, #tpu.memory_space<vmem>>[vector<16xi32>, vector<16xi32>], vector<16xf32>,
        %parallel_loop3A_1309 = arith.constant 128 : i32
        %parallel_loop3A_1310 = arith.addi %parallel_loop3A_1309, %parallel_loop3A_1283 : i32
        %parallel_loop3A_1311 = arith.index_cast %parallel_loop3A_1310 : i32 to index
        %parallel_loop3A_1312 = arith.constant 0 : index
        %parallel_loop3A_1313 = tpu.vector_load %arg9[%parallel_loop3A_1311, %parallel_loop3A_1312] {strides = array<i32>} : memref<256x64xf32, #tpu.memory_space<vmem>>, vector<16xf32>,
        %parallel_loop3A_1314 = arith.addf %parallel_loop3A_1313, %get3A_618 : vector<16xf32>
        tpu.vector_store_idx %arg11[%get3A_9, %parallel_loop3A_1284], %parallel_loop3A_1314 : memref<128x129xf32, #tpu.memory_space<vmem>>[vector<16xi32>, vector<16xi32>], vector<16xf32>,
        %parallel_loop3A_1315 = arith.constant 128 : i32
        %parallel_loop3A_1316 = arith.addi %parallel_loop3A_1315, %parallel_loop3A_1283 : i32
        %parallel_loop3A_1317 = arith.index_cast %parallel_loop3A_1316 : i32 to index
        %parallel_loop3A_1318 = arith.constant 16 : index
        %parallel_loop3A_1319 = tpu.vector_load %arg9[%parallel_loop3A_1317, %parallel_loop3A_1318] {strides = array<i32>} : memref<256x64xf32, #tpu.memory_space<vmem>>, vector<16xf32>,
        %parallel_loop3A_1320 = arith.addf %parallel_loop3A_1319, %get3A_621 : vector<16xf32>
        tpu.vector_store_idx %arg11[%get3A_17, %parallel_loop3A_1284], %parallel_loop3A_1320 : memref<128x129xf32, #tpu.memory_space<vmem>>[vector<16xi32>, vector<16xi32>], vector<16xf32>,
        %parallel_loop3A_1321 = arith.constant 128 : i32
        %parallel_loop3A_1322 = arith.addi %parallel_loop3A_1321, %parallel_loop3A_1283 : i32
        %parallel_loop3A_1323 = arith.index_cast %parallel_loop3A_1322 : i32 to index
        %parallel_loop3A_1324 = arith.constant 32 : index
        %parallel_loop3A_1325 = tpu.vector_load %arg9[%parallel_loop3A_1323, %parallel_loop3A_1324] {strides = array<i32>} : memref<256x64xf32, #tpu.memory_space<vmem>>, vector<16xf32>,
        %parallel_loop3A_1326 = arith.addf %parallel_loop3A_1325, %get3A_624 : vector<16xf32>
        tpu.vector_store_idx %arg11[%get3A_25, %parallel_loop3A_1284], %parallel_loop3A_1326 : memref<128x129xf32, #tpu.memory_space<vmem>>[vector<16xi32>, vector<16xi32>], vector<16xf32>,
        %parallel_loop3A_1327 = arith.constant 128 : i32
        %parallel_loop3A_1328 = arith.addi %parallel_loop3A_1327, %parallel_loop3A_1283 : i32
        %parallel_loop3A_1329 = arith.index_cast %parallel_loop3A_1328 : i32 to index
        %parallel_loop3A_1330 = arith.constant 48 : index
        %parallel_loop3A_1331 = tpu.vector_load %arg9[%parallel_loop3A_1329, %parallel_loop3A_1330] {strides = array<i32>} : memref<256x64xf32, #tpu.memory_space<vmem>>, vector<16xf32>,
        %parallel_loop3A_1332 = arith.addf %parallel_loop3A_1331, %get3A_627 : vector<16xf32>
        tpu.vector_store_idx %arg11[%get3A_33, %parallel_loop3A_1284], %parallel_loop3A_1332 : memref<128x129xf32, #tpu.memory_space<vmem>>[vector<16xi32>, vector<16xi32>], vector<16xf32>,
      } {sc.loop_unroll_factor = 16 : i64, sc.parallel_access}
      %add3A_630 = arith.constant 0 : i32
      %add3A_631 = arith.addi %mul3A_615, %add3A_630 : i32
      %mul3A_632 = arith.constant 8 : i32
      %mul3A_633 = arith.muli %add3A_631, %mul3A_632 : i32
      %add3A_634 = arith.constant 0 : i32
      %add3A_635 = arith.addi %add3A_634, %mul3A_633 : i32
      %dma_start3A_636 = arith.constant 0 : i32
      %dma_start3A_637 = arith.constant 0 : i32
      %dma_start3A_638 = tpu.memref_slice %arg11[%dma_start3A_636, %dma_start3A_637] : memref<128x129xf32, #tpu.memory_space<vmem>> -> memref<8x128xf32, #tpu.memory_space<vmem>>
      %dma_start3A_639 = arith.constant 0 : i32
      %dma_start3A_640 = tpu.memref_slice %arg6[%select_n3A_597, %add3A_635, %dma_start3A_639] : memref<200x2048x128xf32, #tpu.memory_space<hbm>> -> memref<1x8x128xf32, #tpu.memory_space<hbm>>
      %dma_start3A_641 = tpu.memref_squeeze %dma_start3A_640 : memref<1x8x128xf32, #tpu.memory_space<hbm>> -> memref<8x128xf32, #tpu.memory_space<hbm>>
      %dma_start3A_642 = arith.constant 0 : i32
      %dma_start3A_643 = tpu.memref_slice %arg6[%select_n3A_597, %add3A_635, %dma_start3A_642] : memref<200x2048x128xf32, #tpu.memory_space<hbm>> -> memref<1x8x128xf32, #tpu.memory_space<hbm>>
      %dma_start3A_644 = tpu.memref_squeeze %dma_start3A_643 : memref<1x8x128xf32, #tpu.memory_space<hbm>> -> memref<8x128xf32, #tpu.memory_space<hbm>>
      %dma_start3A_645 = arith.constant 0 : i32
      %dma_start3A_646 = arith.constant 0 : i32
      %dma_start3A_647 = tpu.memref_slice %arg11[%dma_start3A_645, %dma_start3A_646] : memref<128x129xf32, #tpu.memory_space<vmem>> -> memref<8x128xf32, #tpu.memory_space<vmem>>
      tpu.enqueue_dma source(%dma_start3A_647 : memref<8x128xf32, #tpu.memory_space<vmem>>) target(%dma_start3A_644 : memref<8x128xf32, #tpu.memory_space<hbm>>) target_semaphore(%arg17 : memref<!tpu.dma_semaphore, #tpu.memory_space<semaphore_mem>>)
      %add3A_648 = arith.constant 1 : i32
      %add3A_649 = arith.addi %mul3A_615, %add3A_648 : i32
      %mul3A_650 = arith.constant 8 : i32
      %mul3A_651 = arith.muli %add3A_649, %mul3A_650 : i32
      %add3A_652 = arith.constant 0 : i32
      %add3A_653 = arith.addi %add3A_652, %mul3A_651 : i32
      %dma_start3A_654 = arith.constant 64 : i32
      %dma_start3A_655 = arith.constant 0 : i32
      %dma_start3A_656 = tpu.memref_slice %arg11[%dma_start3A_654, %dma_start3A_655] : memref<128x129xf32, #tpu.memory_space<vmem>> -> memref<8x128xf32, #tpu.memory_space<vmem>>
      %dma_start3A_657 = arith.constant 0 : i32
      %dma_start3A_658 = tpu.memref_slice %arg6[%select_n3A_597, %add3A_653, %dma_start3A_657] : memref<200x2048x128xf32, #tpu.memory_space<hbm>> -> memref<1x8x128xf32, #tpu.memory_space<hbm>>
      %dma_start3A_659 = tpu.memref_squeeze %dma_start3A_658 : memref<1x8x128xf32, #tpu.memory_space<hbm>> -> memref<8x128xf32, #tpu.memory_space<hbm>>
      %dma_start3A_660 = arith.constant 0 : i32
      %dma_start3A_661 = tpu.memref_slice %arg6[%select_n3A_597, %add3A_653, %dma_start3A_660] : memref<200x2048x128xf32, #tpu.memory_space<hbm>> -> memref<1x8x128xf32, #tpu.memory_space<hbm>>
      %dma_start3A_662 = tpu.memref_squeeze %dma_start3A_661 : memref<1x8x128xf32, #tpu.memory_space<hbm>> -> memref<8x128xf32, #tpu.memory_space<hbm>>
      %dma_start3A_663 = arith.constant 64 : i32
      %dma_start3A_664 = arith.constant 0 : i32
      %dma_start3A_665 = tpu.memref_slice %arg11[%dma_start3A_663, %dma_start3A_664] : memref<128x129xf32, #tpu.memory_space<vmem>> -> memref<8x128xf32, #tpu.memory_space<vmem>>
      tpu.enqueue_dma source(%dma_start3A_665 : memref<8x128xf32, #tpu.memory_space<vmem>>) target(%dma_start3A_662 : memref<8x128xf32, #tpu.memory_space<hbm>>) target_semaphore(%arg17 : memref<!tpu.dma_semaphore, #tpu.memory_space<semaphore_mem>>)
      %add3A_666 = arith.constant 0 : i32
      %add3A_667 = arith.addi %mul3A_615, %add3A_666 : i32
      %mul3A_668 = arith.constant 8 : i32
      %mul3A_669 = arith.muli %add3A_667, %mul3A_668 : i32
      %add3A_670 = arith.constant 256 : i32
      %add3A_671 = arith.addi %add3A_670, %mul3A_669 : i32
      %dma_start3A_672 = arith.constant 8 : i32
      %dma_start3A_673 = arith.constant 0 : i32
      %dma_start3A_674 = tpu.memref_slice %arg11[%dma_start3A_672, %dma_start3A_673] : memref<128x129xf32, #tpu.memory_space<vmem>> -> memref<8x128xf32, #tpu.memory_space<vmem>>
      %dma_start3A_675 = arith.constant 0 : i32
      %dma_start3A_676 = tpu.memref_slice %arg6[%select_n3A_597, %add3A_671, %dma_start3A_675] : memref<200x2048x128xf32, #tpu.memory_space<hbm>> -> memref<1x8x128xf32, #tpu.memory_space<hbm>>
      %dma_start3A_677 = tpu.memref_squeeze %dma_start3A_676 : memref<1x8x128xf32, #tpu.memory_space<hbm>> -> memref<8x128xf32, #tpu.memory_space<hbm>>
      %dma_start3A_678 = arith.constant 0 : i32
      %dma_start3A_679 = tpu.memref_slice %arg6[%select_n3A_597, %add3A_671, %dma_start3A_678] : memref<200x2048x128xf32, #tpu.memory_space<hbm>> -> memref<1x8x128xf32, #tpu.memory_space<hbm>>
      %dma_start3A_680 = tpu.memref_squeeze %dma_start3A_679 : memref<1x8x128xf32, #tpu.memory_space<hbm>> -> memref<8x128xf32, #tpu.memory_space<hbm>>
      %dma_start3A_681 = arith.constant 8 : i32
      %dma_start3A_682 = arith.constant 0 : i32
      %dma_start3A_683 = tpu.memref_slice %arg11[%dma_start3A_681, %dma_start3A_682] : memref<128x129xf32, #tpu.memory_space<vmem>> -> memref<8x128xf32, #tpu.memory_space<vmem>>
      tpu.enqueue_dma source(%dma_start3A_683 : memref<8x128xf32, #tpu.memory_space<vmem>>) target(%dma_start3A_680 : memref<8x128xf32, #tpu.memory_space<hbm>>) target_semaphore(%arg17 : memref<!tpu.dma_semaphore, #tpu.memory_space<semaphore_mem>>)
      %add3A_684 = arith.constant 1 : i32
      %add3A_685 = arith.addi %mul3A_615, %add3A_684 : i32
      %mul3A_686 = arith.constant 8 : i32
      %mul3A_687 = arith.muli %add3A_685, %mul3A_686 : i32
      %add3A_688 = arith.constant 256 : i32
      %add3A_689 = arith.addi %add3A_688, %mul3A_687 : i32
      %dma_start3A_690 = arith.constant 72 : i32
      %dma_start3A_691 = arith.constant 0 : i32
      %dma_start3A_692 = tpu.memref_slice %arg11[%dma_start3A_690, %dma_start3A_691] : memref<128x129xf32, #tpu.memory_space<vmem>> -> memref<8x128xf32, #tpu.memory_space<vmem>>
      %dma_start3A_693 = arith.constant 0 : i32
      %dma_start3A_694 = tpu.memref_slice %arg6[%select_n3A_597, %add3A_689, %dma_start3A_693] : memref<200x2048x128xf32, #tpu.memory_space<hbm>> -> memref<1x8x128xf32, #tpu.memory_space<hbm>>
      %dma_start3A_695 = tpu.memref_squeeze %dma_start3A_694 : memref<1x8x128xf32, #tpu.memory_space<hbm>> -> memref<8x128xf32, #tpu.memory_space<hbm>>
      %dma_start3A_696 = arith.constant 0 : i32
      %dma_start3A_697 = tpu.memref_slice %arg6[%select_n3A_597, %add3A_689, %dma_start3A_696] : memref<200x2048x128xf32, #tpu.memory_space<hbm>> -> memref<1x8x128xf32, #tpu.memory_space<hbm>>
      %dma_start3A_698 = tpu.memref_squeeze %dma_start3A_697 : memref<1x8x128xf32, #tpu.memory_space<hbm>> -> memref<8x128xf32, #tpu.memory_space<hbm>>
      %dma_start3A_699 = arith.constant 72 : i32
      %dma_start3A_700 = arith.constant 0 : i32
      %dma_start3A_701 = tpu.memref_slice %arg11[%dma_start3A_699, %dma_start3A_700] : memref<128x129xf32, #tpu.memory_space<vmem>> -> memref<8x128xf32, #tpu.memory_space<vmem>>
      tpu.enqueue_dma source(%dma_start3A_701 : memref<8x128xf32, #tpu.memory_space<vmem>>) target(%dma_start3A_698 : memref<8x128xf32, #tpu.memory_space<hbm>>) target_semaphore(%arg17 : memref<!tpu.dma_semaphore, #tpu.memory_space<semaphore_mem>>)
      %add3A_702 = arith.constant 0 : i32
      %add3A_703 = arith.addi %mul3A_615, %add3A_702 : i32
      %mul3A_704 = arith.constant 8 : i32
      %mul3A_705 = arith.muli %add3A_703, %mul3A_704 : i32
      %add3A_706 = arith.constant 512 : i32
      %add3A_707 = arith.addi %add3A_706, %mul3A_705 : i32
      %dma_start3A_708 = arith.constant 16 : i32
      %dma_start3A_709 = arith.constant 0 : i32
      %dma_start3A_710 = tpu.memref_slice %arg11[%dma_start3A_708, %dma_start3A_709] : memref<128x129xf32, #tpu.memory_space<vmem>> -> memref<8x128xf32, #tpu.memory_space<vmem>>
      %dma_start3A_711 = arith.constant 0 : i32
      %dma_start3A_712 = tpu.memref_slice %arg6[%select_n3A_597, %add3A_707, %dma_start3A_711] : memref<200x2048x128xf32, #tpu.memory_space<hbm>> -> memref<1x8x128xf32, #tpu.memory_space<hbm>>
      %dma_start3A_713 = tpu.memref_squeeze %dma_start3A_712 : memref<1x8x128xf32, #tpu.memory_space<hbm>> -> memref<8x128xf32, #tpu.memory_space<hbm>>
      %dma_start3A_714 = arith.constant 0 : i32
      %dma_start3A_715 = tpu.memref_slice %arg6[%select_n3A_597, %add3A_707, %dma_start3A_714] : memref<200x2048x128xf32, #tpu.memory_space<hbm>> -> memref<1x8x128xf32, #tpu.memory_space<hbm>>
      %dma_start3A_716 = tpu.memref_squeeze %dma_start3A_715 : memref<1x8x128xf32, #tpu.memory_space<hbm>> -> memref<8x128xf32, #tpu.memory_space<hbm>>
      %dma_start3A_717 = arith.constant 16 : i32
      %dma_start3A_718 = arith.constant 0 : i32
      %dma_start3A_719 = tpu.memref_slice %arg11[%dma_start3A_717, %dma_start3A_718] : memref<128x129xf32, #tpu.memory_space<vmem>> -> memref<8x128xf32, #tpu.memory_space<vmem>>
      tpu.enqueue_dma source(%dma_start3A_719 : memref<8x128xf32, #tpu.memory_space<vmem>>) target(%dma_start3A_716 : memref<8x128xf32, #tpu.memory_space<hbm>>) target_semaphore(%arg17 : memref<!tpu.dma_semaphore, #tpu.memory_space<semaphore_mem>>)
      %add3A_720 = arith.constant 1 : i32
      %add3A_721 = arith.addi %mul3A_615, %add3A_720 : i32
      %mul3A_722 = arith.constant 8 : i32
      %mul3A_723 = arith.muli %add3A_721, %mul3A_722 : i32
      %add3A_724 = arith.constant 512 : i32
      %add3A_725 = arith.addi %add3A_724, %mul3A_723 : i32
      %dma_start3A_726 = arith.constant 80 : i32
      %dma_start3A_727 = arith.constant 0 : i32
      %dma_start3A_728 = tpu.memref_slice %arg11[%dma_start3A_726, %dma_start3A_727] : memref<128x129xf32, #tpu.memory_space<vmem>> -> memref<8x128xf32, #tpu.memory_space<vmem>>
      %dma_start3A_729 = arith.constant 0 : i32
      %dma_start3A_730 = tpu.memref_slice %arg6[%select_n3A_597, %add3A_725, %dma_start3A_729] : memref<200x2048x128xf32, #tpu.memory_space<hbm>> -> memref<1x8x128xf32, #tpu.memory_space<hbm>>
      %dma_start3A_731 = tpu.memref_squeeze %dma_start3A_730 : memref<1x8x128xf32, #tpu.memory_space<hbm>> -> memref<8x128xf32, #tpu.memory_space<hbm>>
      %dma_start3A_732 = arith.constant 0 : i32
      %dma_start3A_733 = tpu.memref_slice %arg6[%select_n3A_597, %add3A_725, %dma_start3A_732] : memref<200x2048x128xf32, #tpu.memory_space<hbm>> -> memref<1x8x128xf32, #tpu.memory_space<hbm>>
      %dma_start3A_734 = tpu.memref_squeeze %dma_start3A_733 : memref<1x8x128xf32, #tpu.memory_space<hbm>> -> memref<8x128xf32, #tpu.memory_space<hbm>>
      %dma_start3A_735 = arith.constant 80 : i32
      %dma_start3A_736 = arith.constant 0 : i32
      %dma_start3A_737 = tpu.memref_slice %arg11[%dma_start3A_735, %dma_start3A_736] : memref<128x129xf32, #tpu.memory_space<vmem>> -> memref<8x128xf32, #tpu.memory_space<vmem>>
      tpu.enqueue_dma source(%dma_start3A_737 : memref<8x128xf32, #tpu.memory_space<vmem>>) target(%dma_start3A_734 : memref<8x128xf32, #tpu.memory_space<hbm>>) target_semaphore(%arg17 : memref<!tpu.dma_semaphore, #tpu.memory_space<semaphore_mem>>)
      %add3A_738 = arith.constant 0 : i32
      %add3A_739 = arith.addi %mul3A_615, %add3A_738 : i32
      %mul3A_740 = arith.constant 8 : i32
      %mul3A_741 = arith.muli %add3A_739, %mul3A_740 : i32
      %add3A_742 = arith.constant 768 : i32
      %add3A_743 = arith.addi %add3A_742, %mul3A_741 : i32
      %dma_start3A_744 = arith.constant 24 : i32
      %dma_start3A_745 = arith.constant 0 : i32
      %dma_start3A_746 = tpu.memref_slice %arg11[%dma_start3A_744, %dma_start3A_745] : memref<128x129xf32, #tpu.memory_space<vmem>> -> memref<8x128xf32, #tpu.memory_space<vmem>>
      %dma_start3A_747 = arith.constant 0 : i32
      %dma_start3A_748 = tpu.memref_slice %arg6[%select_n3A_597, %add3A_743, %dma_start3A_747] : memref<200x2048x128xf32, #tpu.memory_space<hbm>> -> memref<1x8x128xf32, #tpu.memory_space<hbm>>
      %dma_start3A_749 = tpu.memref_squeeze %dma_start3A_748 : memref<1x8x128xf32, #tpu.memory_space<hbm>> -> memref<8x128xf32, #tpu.memory_space<hbm>>
      %dma_start3A_750 = arith.constant 0 : i32
      %dma_start3A_751 = tpu.memref_slice %arg6[%select_n3A_597, %add3A_743, %dma_start3A_750] : memref<200x2048x128xf32, #tpu.memory_space<hbm>> -> memref<1x8x128xf32, #tpu.memory_space<hbm>>
      %dma_start3A_752 = tpu.memref_squeeze %dma_start3A_751 : memref<1x8x128xf32, #tpu.memory_space<hbm>> -> memref<8x128xf32, #tpu.memory_space<hbm>>
      %dma_start3A_753 = arith.constant 24 : i32
      %dma_start3A_754 = arith.constant 0 : i32
      %dma_start3A_755 = tpu.memref_slice %arg11[%dma_start3A_753, %dma_start3A_754] : memref<128x129xf32, #tpu.memory_space<vmem>> -> memref<8x128xf32, #tpu.memory_space<vmem>>
      tpu.enqueue_dma source(%dma_start3A_755 : memref<8x128xf32, #tpu.memory_space<vmem>>) target(%dma_start3A_752 : memref<8x128xf32, #tpu.memory_space<hbm>>) target_semaphore(%arg17 : memref<!tpu.dma_semaphore, #tpu.memory_space<semaphore_mem>>)
      %add3A_756 = arith.constant 1 : i32
      %add3A_757 = arith.addi %mul3A_615, %add3A_756 : i32
      %mul3A_758 = arith.constant 8 : i32
      %mul3A_759 = arith.muli %add3A_757, %mul3A_758 : i32
      %add3A_760 = arith.constant 768 : i32
      %add3A_761 = arith.addi %add3A_760, %mul3A_759 : i32
      %dma_start3A_762 = arith.constant 88 : i32
      %dma_start3A_763 = arith.constant 0 : i32
      %dma_start3A_764 = tpu.memref_slice %arg11[%dma_start3A_762, %dma_start3A_763] : memref<128x129xf32, #tpu.memory_space<vmem>> -> memref<8x128xf32, #tpu.memory_space<vmem>>
      %dma_start3A_765 = arith.constant 0 : i32
      %dma_start3A_766 = tpu.memref_slice %arg6[%select_n3A_597, %add3A_761, %dma_start3A_765] : memref<200x2048x128xf32, #tpu.memory_space<hbm>> -> memref<1x8x128xf32, #tpu.memory_space<hbm>>
      %dma_start3A_767 = tpu.memref_squeeze %dma_start3A_766 : memref<1x8x128xf32, #tpu.memory_space<hbm>> -> memref<8x128xf32, #tpu.memory_space<hbm>>
      %dma_start3A_768 = arith.constant 0 : i32
      %dma_start3A_769 = tpu.memref_slice %arg6[%select_n3A_597, %add3A_761, %dma_start3A_768] : memref<200x2048x128xf32, #tpu.memory_space<hbm>> -> memref<1x8x128xf32, #tpu.memory_space<hbm>>
      %dma_start3A_770 = tpu.memref_squeeze %dma_start3A_769 : memref<1x8x128xf32, #tpu.memory_space<hbm>> -> memref<8x128xf32, #tpu.memory_space<hbm>>
      %dma_start3A_771 = arith.constant 88 : i32
      %dma_start3A_772 = arith.constant 0 : i32
      %dma_start3A_773 = tpu.memref_slice %arg11[%dma_start3A_771, %dma_start3A_772] : memref<128x129xf32, #tpu.memory_space<vmem>> -> memref<8x128xf32, #tpu.memory_space<vmem>>
      tpu.enqueue_dma source(%dma_start3A_773 : memref<8x128xf32, #tpu.memory_space<vmem>>) target(%dma_start3A_770 : memref<8x128xf32, #tpu.memory_space<hbm>>) target_semaphore(%arg17 : memref<!tpu.dma_semaphore, #tpu.memory_space<semaphore_mem>>)
      %add3A_774 = arith.constant 0 : i32
      %add3A_775 = arith.addi %mul3A_615, %add3A_774 : i32
      %mul3A_776 = arith.constant 8 : i32
      %mul3A_777 = arith.muli %add3A_775, %mul3A_776 : i32
      %add3A_778 = arith.constant 1024 : i32
      %add3A_779 = arith.addi %add3A_778, %mul3A_777 : i32
      %dma_start3A_780 = arith.constant 32 : i32
      %dma_start3A_781 = arith.constant 0 : i32
      %dma_start3A_782 = tpu.memref_slice %arg11[%dma_start3A_780, %dma_start3A_781] : memref<128x129xf32, #tpu.memory_space<vmem>> -> memref<8x128xf32, #tpu.memory_space<vmem>>
      %dma_start3A_783 = arith.constant 0 : i32
      %dma_start3A_784 = tpu.memref_slice %arg6[%select_n3A_597, %add3A_779, %dma_start3A_783] : memref<200x2048x128xf32, #tpu.memory_space<hbm>> -> memref<1x8x128xf32, #tpu.memory_space<hbm>>
      %dma_start3A_785 = tpu.memref_squeeze %dma_start3A_784 : memref<1x8x128xf32, #tpu.memory_space<hbm>> -> memref<8x128xf32, #tpu.memory_space<hbm>>
      %dma_start3A_786 = arith.constant 0 : i32
      %dma_start3A_787 = tpu.memref_slice %arg6[%select_n3A_597, %add3A_779, %dma_start3A_786] : memref<200x2048x128xf32, #tpu.memory_space<hbm>> -> memref<1x8x128xf32, #tpu.memory_space<hbm>>
      %dma_start3A_788 = tpu.memref_squeeze %dma_start3A_787 : memref<1x8x128xf32, #tpu.memory_space<hbm>> -> memref<8x128xf32, #tpu.memory_space<hbm>>
      %dma_start3A_789 = arith.constant 32 : i32
      %dma_start3A_790 = arith.constant 0 : i32
      %dma_start3A_791 = tpu.memref_slice %arg11[%dma_start3A_789, %dma_start3A_790] : memref<128x129xf32, #tpu.memory_space<vmem>> -> memref<8x128xf32, #tpu.memory_space<vmem>>
      tpu.enqueue_dma source(%dma_start3A_791 : memref<8x128xf32, #tpu.memory_space<vmem>>) target(%dma_start3A_788 : memref<8x128xf32, #tpu.memory_space<hbm>>) target_semaphore(%arg17 : memref<!tpu.dma_semaphore, #tpu.memory_space<semaphore_mem>>)
      %add3A_792 = arith.constant 1 : i32
      %add3A_793 = arith.addi %mul3A_615, %add3A_792 : i32
      %mul3A_794 = arith.constant 8 : i32
      %mul3A_795 = arith.muli %add3A_793, %mul3A_794 : i32
      %add3A_796 = arith.constant 1024 : i32
      %add3A_797 = arith.addi %add3A_796, %mul3A_795 : i32
      %dma_start3A_798 = arith.constant 96 : i32
      %dma_start3A_799 = arith.constant 0 : i32
      %dma_start3A_800 = tpu.memref_slice %arg11[%dma_start3A_798, %dma_start3A_799] : memref<128x129xf32, #tpu.memory_space<vmem>> -> memref<8x128xf32, #tpu.memory_space<vmem>>
      %dma_start3A_801 = arith.constant 0 : i32
      %dma_start3A_802 = tpu.memref_slice %arg6[%select_n3A_597, %add3A_797, %dma_start3A_801] : memref<200x2048x128xf32, #tpu.memory_space<hbm>> -> memref<1x8x128xf32, #tpu.memory_space<hbm>>
      %dma_start3A_803 = tpu.memref_squeeze %dma_start3A_802 : memref<1x8x128xf32, #tpu.memory_space<hbm>> -> memref<8x128xf32, #tpu.memory_space<hbm>>
      %dma_start3A_804 = arith.constant 0 : i32
      %dma_start3A_805 = tpu.memref_slice %arg6[%select_n3A_597, %add3A_797, %dma_start3A_804] : memref<200x2048x128xf32, #tpu.memory_space<hbm>> -> memref<1x8x128xf32, #tpu.memory_space<hbm>>
      %dma_start3A_806 = tpu.memref_squeeze %dma_start3A_805 : memref<1x8x128xf32, #tpu.memory_space<hbm>> -> memref<8x128xf32, #tpu.memory_space<hbm>>
      %dma_start3A_807 = arith.constant 96 : i32
      %dma_start3A_808 = arith.constant 0 : i32
      %dma_start3A_809 = tpu.memref_slice %arg11[%dma_start3A_807, %dma_start3A_808] : memref<128x129xf32, #tpu.memory_space<vmem>> -> memref<8x128xf32, #tpu.memory_space<vmem>>
      tpu.enqueue_dma source(%dma_start3A_809 : memref<8x128xf32, #tpu.memory_space<vmem>>) target(%dma_start3A_806 : memref<8x128xf32, #tpu.memory_space<hbm>>) target_semaphore(%arg17 : memref<!tpu.dma_semaphore, #tpu.memory_space<semaphore_mem>>)
      %add3A_810 = arith.constant 0 : i32
      %add3A_811 = arith.addi %mul3A_615, %add3A_810 : i32
      %mul3A_812 = arith.constant 8 : i32
      %mul3A_813 = arith.muli %add3A_811, %mul3A_812 : i32
      %add3A_814 = arith.constant 1280 : i32
      %add3A_815 = arith.addi %add3A_814, %mul3A_813 : i32
      %dma_start3A_816 = arith.constant 40 : i32
      %dma_start3A_817 = arith.constant 0 : i32
      %dma_start3A_818 = tpu.memref_slice %arg11[%dma_start3A_816, %dma_start3A_817] : memref<128x129xf32, #tpu.memory_space<vmem>> -> memref<8x128xf32, #tpu.memory_space<vmem>>
      %dma_start3A_819 = arith.constant 0 : i32
      %dma_start3A_820 = tpu.memref_slice %arg6[%select_n3A_597, %add3A_815, %dma_start3A_819] : memref<200x2048x128xf32, #tpu.memory_space<hbm>> -> memref<1x8x128xf32, #tpu.memory_space<hbm>>
      %dma_start3A_821 = tpu.memref_squeeze %dma_start3A_820 : memref<1x8x128xf32, #tpu.memory_space<hbm>> -> memref<8x128xf32, #tpu.memory_space<hbm>>
      %dma_start3A_822 = arith.constant 0 : i32
      %dma_start3A_823 = tpu.memref_slice %arg6[%select_n3A_597, %add3A_815, %dma_start3A_822] : memref<200x2048x128xf32, #tpu.memory_space<hbm>> -> memref<1x8x128xf32, #tpu.memory_space<hbm>>
      %dma_start3A_824 = tpu.memref_squeeze %dma_start3A_823 : memref<1x8x128xf32, #tpu.memory_space<hbm>> -> memref<8x128xf32, #tpu.memory_space<hbm>>
      %dma_start3A_825 = arith.constant 40 : i32
      %dma_start3A_826 = arith.constant 0 : i32
      %dma_start3A_827 = tpu.memref_slice %arg11[%dma_start3A_825, %dma_start3A_826] : memref<128x129xf32, #tpu.memory_space<vmem>> -> memref<8x128xf32, #tpu.memory_space<vmem>>
      tpu.enqueue_dma source(%dma_start3A_827 : memref<8x128xf32, #tpu.memory_space<vmem>>) target(%dma_start3A_824 : memref<8x128xf32, #tpu.memory_space<hbm>>) target_semaphore(%arg17 : memref<!tpu.dma_semaphore, #tpu.memory_space<semaphore_mem>>)
      %add3A_828 = arith.constant 1 : i32
      %add3A_829 = arith.addi %mul3A_615, %add3A_828 : i32
      %mul3A_830 = arith.constant 8 : i32
      %mul3A_831 = arith.muli %add3A_829, %mul3A_830 : i32
      %add3A_832 = arith.constant 1280 : i32
      %add3A_833 = arith.addi %add3A_832, %mul3A_831 : i32
      %dma_start3A_834 = arith.constant 104 : i32
      %dma_start3A_835 = arith.constant 0 : i32
      %dma_start3A_836 = tpu.memref_slice %arg11[%dma_start3A_834, %dma_start3A_835] : memref<128x129xf32, #tpu.memory_space<vmem>> -> memref<8x128xf32, #tpu.memory_space<vmem>>
      %dma_start3A_837 = arith.constant 0 : i32
      %dma_start3A_838 = tpu.memref_slice %arg6[%select_n3A_597, %add3A_833, %dma_start3A_837] : memref<200x2048x128xf32, #tpu.memory_space<hbm>> -> memref<1x8x128xf32, #tpu.memory_space<hbm>>
      %dma_start3A_839 = tpu.memref_squeeze %dma_start3A_838 : memref<1x8x128xf32, #tpu.memory_space<hbm>> -> memref<8x128xf32, #tpu.memory_space<hbm>>
      %dma_start3A_840 = arith.constant 0 : i32
      %dma_start3A_841 = tpu.memref_slice %arg6[%select_n3A_597, %add3A_833, %dma_start3A_840] : memref<200x2048x128xf32, #tpu.memory_space<hbm>> -> memref<1x8x128xf32, #tpu.memory_space<hbm>>
      %dma_start3A_842 = tpu.memref_squeeze %dma_start3A_841 : memref<1x8x128xf32, #tpu.memory_space<hbm>> -> memref<8x128xf32, #tpu.memory_space<hbm>>
      %dma_start3A_843 = arith.constant 104 : i32
      %dma_start3A_844 = arith.constant 0 : i32
      %dma_start3A_845 = tpu.memref_slice %arg11[%dma_start3A_843, %dma_start3A_844] : memref<128x129xf32, #tpu.memory_space<vmem>> -> memref<8x128xf32, #tpu.memory_space<vmem>>
      tpu.enqueue_dma source(%dma_start3A_845 : memref<8x128xf32, #tpu.memory_space<vmem>>) target(%dma_start3A_842 : memref<8x128xf32, #tpu.memory_space<hbm>>) target_semaphore(%arg17 : memref<!tpu.dma_semaphore, #tpu.memory_space<semaphore_mem>>)
      %add3A_846 = arith.constant 0 : i32
      %add3A_847 = arith.addi %mul3A_615, %add3A_846 : i32
      %mul3A_848 = arith.constant 8 : i32
      %mul3A_849 = arith.muli %add3A_847, %mul3A_848 : i32
      %add3A_850 = arith.constant 1536 : i32
      %add3A_851 = arith.addi %add3A_850, %mul3A_849 : i32
      %dma_start3A_852 = arith.constant 48 : i32
      %dma_start3A_853 = arith.constant 0 : i32
      %dma_start3A_854 = tpu.memref_slice %arg11[%dma_start3A_852, %dma_start3A_853] : memref<128x129xf32, #tpu.memory_space<vmem>> -> memref<8x128xf32, #tpu.memory_space<vmem>>
      %dma_start3A_855 = arith.constant 0 : i32
      %dma_start3A_856 = tpu.memref_slice %arg6[%select_n3A_597, %add3A_851, %dma_start3A_855] : memref<200x2048x128xf32, #tpu.memory_space<hbm>> -> memref<1x8x128xf32, #tpu.memory_space<hbm>>
      %dma_start3A_857 = tpu.memref_squeeze %dma_start3A_856 : memref<1x8x128xf32, #tpu.memory_space<hbm>> -> memref<8x128xf32, #tpu.memory_space<hbm>>
      %dma_start3A_858 = arith.constant 0 : i32
      %dma_start3A_859 = tpu.memref_slice %arg6[%select_n3A_597, %add3A_851, %dma_start3A_858] : memref<200x2048x128xf32, #tpu.memory_space<hbm>> -> memref<1x8x128xf32, #tpu.memory_space<hbm>>
      %dma_start3A_860 = tpu.memref_squeeze %dma_start3A_859 : memref<1x8x128xf32, #tpu.memory_space<hbm>> -> memref<8x128xf32, #tpu.memory_space<hbm>>
      %dma_start3A_861 = arith.constant 48 : i32
      %dma_start3A_862 = arith.constant 0 : i32
      %dma_start3A_863 = tpu.memref_slice %arg11[%dma_start3A_861, %dma_start3A_862] : memref<128x129xf32, #tpu.memory_space<vmem>> -> memref<8x128xf32, #tpu.memory_space<vmem>>
      tpu.enqueue_dma source(%dma_start3A_863 : memref<8x128xf32, #tpu.memory_space<vmem>>) target(%dma_start3A_860 : memref<8x128xf32, #tpu.memory_space<hbm>>) target_semaphore(%arg17 : memref<!tpu.dma_semaphore, #tpu.memory_space<semaphore_mem>>)
      %add3A_864 = arith.constant 1 : i32
      %add3A_865 = arith.addi %mul3A_615, %add3A_864 : i32
      %mul3A_866 = arith.constant 8 : i32
      %mul3A_867 = arith.muli %add3A_865, %mul3A_866 : i32
      %add3A_868 = arith.constant 1536 : i32
      %add3A_869 = arith.addi %add3A_868, %mul3A_867 : i32
      %dma_start3A_870 = arith.constant 112 : i32
      %dma_start3A_871 = arith.constant 0 : i32
      %dma_start3A_872 = tpu.memref_slice %arg11[%dma_start3A_870, %dma_start3A_871] : memref<128x129xf32, #tpu.memory_space<vmem>> -> memref<8x128xf32, #tpu.memory_space<vmem>>
      %dma_start3A_873 = arith.constant 0 : i32
      %dma_start3A_874 = tpu.memref_slice %arg6[%select_n3A_597, %add3A_869, %dma_start3A_873] : memref<200x2048x128xf32, #tpu.memory_space<hbm>> -> memref<1x8x128xf32, #tpu.memory_space<hbm>>
      %dma_start3A_875 = tpu.memref_squeeze %dma_start3A_874 : memref<1x8x128xf32, #tpu.memory_space<hbm>> -> memref<8x128xf32, #tpu.memory_space<hbm>>
      %dma_start3A_876 = arith.constant 0 : i32
      %dma_start3A_877 = tpu.memref_slice %arg6[%select_n3A_597, %add3A_869, %dma_start3A_876] : memref<200x2048x128xf32, #tpu.memory_space<hbm>> -> memref<1x8x128xf32, #tpu.memory_space<hbm>>
      %dma_start3A_878 = tpu.memref_squeeze %dma_start3A_877 : memref<1x8x128xf32, #tpu.memory_space<hbm>> -> memref<8x128xf32, #tpu.memory_space<hbm>>
      %dma_start3A_879 = arith.constant 112 : i32
      %dma_start3A_880 = arith.constant 0 : i32
      %dma_start3A_881 = tpu.memref_slice %arg11[%dma_start3A_879, %dma_start3A_880] : memref<128x129xf32, #tpu.memory_space<vmem>> -> memref<8x128xf32, #tpu.memory_space<vmem>>
      tpu.enqueue_dma source(%dma_start3A_881 : memref<8x128xf32, #tpu.memory_space<vmem>>) target(%dma_start3A_878 : memref<8x128xf32, #tpu.memory_space<hbm>>) target_semaphore(%arg17 : memref<!tpu.dma_semaphore, #tpu.memory_space<semaphore_mem>>)
      %add3A_882 = arith.constant 0 : i32
      %add3A_883 = arith.addi %mul3A_615, %add3A_882 : i32
      %mul3A_884 = arith.constant 8 : i32
      %mul3A_885 = arith.muli %add3A_883, %mul3A_884 : i32
      %add3A_886 = arith.constant 1792 : i32
      %add3A_887 = arith.addi %add3A_886, %mul3A_885 : i32
      %dma_start3A_888 = arith.constant 56 : i32
      %dma_start3A_889 = arith.constant 0 : i32
      %dma_start3A_890 = tpu.memref_slice %arg11[%dma_start3A_888, %dma_start3A_889] : memref<128x129xf32, #tpu.memory_space<vmem>> -> memref<8x128xf32, #tpu.memory_space<vmem>>
      %dma_start3A_891 = arith.constant 0 : i32
      %dma_start3A_892 = tpu.memref_slice %arg6[%select_n3A_597, %add3A_887, %dma_start3A_891] : memref<200x2048x128xf32, #tpu.memory_space<hbm>> -> memref<1x8x128xf32, #tpu.memory_space<hbm>>
      %dma_start3A_893 = tpu.memref_squeeze %dma_start3A_892 : memref<1x8x128xf32, #tpu.memory_space<hbm>> -> memref<8x128xf32, #tpu.memory_space<hbm>>
      %dma_start3A_894 = arith.constant 0 : i32
      %dma_start3A_895 = tpu.memref_slice %arg6[%select_n3A_597, %add3A_887, %dma_start3A_894] : memref<200x2048x128xf32, #tpu.memory_space<hbm>> -> memref<1x8x128xf32, #tpu.memory_space<hbm>>
      %dma_start3A_896 = tpu.memref_squeeze %dma_start3A_895 : memref<1x8x128xf32, #tpu.memory_space<hbm>> -> memref<8x128xf32, #tpu.memory_space<hbm>>
      %dma_start3A_897 = arith.constant 56 : i32
      %dma_start3A_898 = arith.constant 0 : i32
      %dma_start3A_899 = tpu.memref_slice %arg11[%dma_start3A_897, %dma_start3A_898] : memref<128x129xf32, #tpu.memory_space<vmem>> -> memref<8x128xf32, #tpu.memory_space<vmem>>
      tpu.enqueue_dma source(%dma_start3A_899 : memref<8x128xf32, #tpu.memory_space<vmem>>) target(%dma_start3A_896 : memref<8x128xf32, #tpu.memory_space<hbm>>) target_semaphore(%arg17 : memref<!tpu.dma_semaphore, #tpu.memory_space<semaphore_mem>>)
      %add3A_900 = arith.constant 1 : i32
      %add3A_901 = arith.addi %mul3A_615, %add3A_900 : i32
      %mul3A_902 = arith.constant 8 : i32
      %mul3A_903 = arith.muli %add3A_901, %mul3A_902 : i32
      %add3A_904 = arith.constant 1792 : i32
      %add3A_905 = arith.addi %add3A_904, %mul3A_903 : i32
      %dma_start3A_906 = arith.constant 120 : i32
      %dma_start3A_907 = arith.constant 0 : i32
      %dma_start3A_908 = tpu.memref_slice %arg11[%dma_start3A_906, %dma_start3A_907] : memref<128x129xf32, #tpu.memory_space<vmem>> -> memref<8x128xf32, #tpu.memory_space<vmem>>
      %dma_start3A_909 = arith.constant 0 : i32
      %dma_start3A_910 = tpu.memref_slice %arg6[%select_n3A_597, %add3A_905, %dma_start3A_909] : memref<200x2048x128xf32, #tpu.memory_space<hbm>> -> memref<1x8x128xf32, #tpu.memory_space<hbm>>
      %dma_start3A_911 = tpu.memref_squeeze %dma_start3A_910 : memref<1x8x128xf32, #tpu.memory_space<hbm>> -> memref<8x128xf32, #tpu.memory_space<hbm>>
      %dma_start3A_912 = arith.constant 0 : i32
      %dma_start3A_913 = tpu.memref_slice %arg6[%select_n3A_597, %add3A_905, %dma_start3A_912] : memref<200x2048x128xf32, #tpu.memory_space<hbm>> -> memref<1x8x128xf32, #tpu.memory_space<hbm>>
      %dma_start3A_914 = tpu.memref_squeeze %dma_start3A_913 : memref<1x8x128xf32, #tpu.memory_space<hbm>> -> memref<8x128xf32, #tpu.memory_space<hbm>>
      %dma_start3A_915 = arith.constant 120 : i32
      %dma_start3A_916 = arith.constant 0 : i32
      %dma_start3A_917 = tpu.memref_slice %arg11[%dma_start3A_915, %dma_start3A_916] : memref<128x129xf32, #tpu.memory_space<vmem>> -> memref<8x128xf32, #tpu.memory_space<vmem>>
      tpu.enqueue_dma source(%dma_start3A_917 : memref<8x128xf32, #tpu.memory_space<vmem>>) target(%dma_start3A_914 : memref<8x128xf32, #tpu.memory_space<hbm>>) target_semaphore(%arg17 : memref<!tpu.dma_semaphore, #tpu.memory_space<semaphore_mem>>)
      %add3A_918 = arith.addi %mul3A_2, %mul3A_556 : i32
      %add3A_919 = arith.constant 1 : i32
      %add3A_920 = arith.addi %add3A_918, %add3A_919 : i32
      %dma_wait3A_921 = arith.constant 0 : i32
      %dma_wait3A_922 = arith.constant 0 : i32
      %dma_wait3A_923 = tpu.memref_slice %arg3[%dma_wait3A_921, %dma_wait3A_922] : memref<1000000x64xf32, #tpu.memory_space<hbm>> -> memref<1000000x64xf32, #tpu.memory_space<hbm>>
      tpu.wait_indirect_dma semaphore(%arg16 : memref<!tpu.dma_semaphore, #tpu.memory_space<semaphore_mem>>) src(%dma_wait3A_923 : memref<1000000x64xf32, #tpu.memory_space<hbm>>) dst(%arg10 : memref<256x64xf32, #tpu.memory_space<vmem>>)
      %add3A_924 = arith.constant 1 : i32
      %add3A_925 = arith.addi %add3A_920, %add3A_924 : i32
      %add3A_926 = arith.constant 100 : i32
      %add3A_927 = arith.addi %mul3A_2, %add3A_926 : i32
      %lt3A_928 = arith.cmpi slt, %add3A_925, %add3A_927 : i32
      %convert_element_type3A_929 = arith.extui %lt3A_928 : i1 to i32
      %cond3A_930 = arith.constant 0 : i32
      %cond3A_931 = arith.cmpi ne, %convert_element_type3A_929, %cond3A_930 : i32
      scf.if %cond3A_931 {
        %add3A_1283 = arith.constant 1 : i32
        %add3A_1284 = arith.addi %add3A_920, %add3A_1283 : i32
        %jit3A_1285 = arith.constant 16 : i32
        %div3A_1286 = arith.divsi %add3A_1284, %jit3A_1285 : i32
        %sign3A_1287 = arith.constant 0 : i32
        %sign3A_1288 = arith.cmpi sgt, %add3A_1284, %sign3A_1287 : i32
        %sign3A_1289 = arith.extui %sign3A_1288 : i1 to i32
        %sign3A_1290 = arith.constant 0 : i32
        %sign3A_1291 = arith.cmpi slt, %add3A_1284, %sign3A_1290 : i32
        %sign3A_1292 = arith.extui %sign3A_1291 : i1 to i32
        %sign3A_1293 = arith.subi %sign3A_1289, %sign3A_1292 : i32
        %sign3A_1294 = arith.constant 0 : i32
        %sign3A_1295 = arith.cmpi sgt, %jit3A_1285, %sign3A_1294 : i32
        %sign3A_1296 = arith.extui %sign3A_1295 : i1 to i32
        %sign3A_1297 = arith.constant 0 : i32
        %sign3A_1298 = arith.cmpi slt, %jit3A_1285, %sign3A_1297 : i32
        %sign3A_1299 = arith.extui %sign3A_1298 : i1 to i32
        %sign3A_1300 = arith.subi %sign3A_1296, %sign3A_1299 : i32
        %ne3A_1301 = arith.cmpi ne, %sign3A_1293, %sign3A_1300 : i32
        %rem3A_1302 = arith.remsi %add3A_1284, %jit3A_1285 : i32
        %ne3A_1303 = arith.constant 0 : i32
        %ne3A_1304 = arith.cmpi ne, %rem3A_1302, %ne3A_1303 : i32
        %and3A_1305 = arith.andi %ne3A_1301, %ne3A_1304 : i1
        %sub3A_1306 = arith.constant 1 : i32
        %sub3A_1307 = arith.subi %div3A_1286, %sub3A_1306 : i32
        %select_n3A_1308 = arith.select %and3A_1305, %sub3A_1307, %div3A_1286 : i32
        %jit3A_1309 = arith.constant 16 : i32
        %eq3A_1310 = arith.constant 0 : i32
        %eq3A_1311 = arith.cmpi eq, %jit3A_1309, %eq3A_1310 : i32
        %jit3A_1312 = arith.constant 1 : i32
        %select_n3A_1313 = arith.select %eq3A_1311, %jit3A_1312, %jit3A_1309 : i32
        %rem3A_1314 = arith.remsi %add3A_1284, %select_n3A_1313 : i32
        %ne3A_1315 = arith.constant 0 : i32
        %ne3A_1316 = arith.cmpi ne, %rem3A_1314, %ne3A_1315 : i32
        %lt3A_1317 = arith.constant 0 : i32
        %lt3A_1318 = arith.cmpi slt, %rem3A_1314, %lt3A_1317 : i32
        %lt3A_1319 = arith.constant 0 : i32
        %lt3A_1320 = arith.cmpi slt, %select_n3A_1313, %lt3A_1319 : i32
        %ne3A_1321 = arith.xori %lt3A_1318, %lt3A_1320 : i1
        %and3A_1322 = arith.andi %ne3A_1321, %ne3A_1316 : i1
        %add3A_1323 = arith.addi %rem3A_1314, %select_n3A_1313 : i32
        %select_n3A_1324 = arith.select %and3A_1322, %add3A_1323, %rem3A_1314 : i32
        %mul3A_1325 = arith.constant 2 : i32
        %mul3A_1326 = arith.muli %select_n3A_1324, %mul3A_1325 : i32
        %mul3A_1327 = arith.constant 128 : i32
        %mul3A_1328 = arith.muli %mul3A_1326, %mul3A_1327 : i32
        "tpu.region"() ({
          %run_scoped3A = tpu.sem_alloc : memref<!tpu.dma_semaphore, #tpu.memory_space<semaphore_mem>>
          %dma_start3A_1332 = tpu.memref_slice %arg2[%select_n3A_1308, %mul3A_1328] : memref<200x4096xi32, #tpu.memory_space<hbm>> -> memref<1x256xi32, #tpu.memory_space<hbm>>
          %dma_start3A_1333 = tpu.memref_squeeze %dma_start3A_1332 : memref<1x256xi32, #tpu.memory_space<hbm>> -> memref<256xi32, #tpu.memory_space<hbm>>
          %dma_start3A_1334 = tpu.memref_slice %arg2[%select_n3A_1308, %mul3A_1328] : memref<200x4096xi32, #tpu.memory_space<hbm>> -> memref<1x256xi32, #tpu.memory_space<hbm>>
          %dma_start3A_1335 = tpu.memref_squeeze %dma_start3A_1334 : memref<1x256xi32, #tpu.memory_space<hbm>> -> memref<256xi32, #tpu.memory_space<hbm>>
          tpu.enqueue_dma source(%dma_start3A_1335 : memref<256xi32, #tpu.memory_space<hbm>>) target(%arg7 : memref<256xi32, #tpu.memory_space<vmem>>) target_semaphore(%run_scoped3A : memref<!tpu.dma_semaphore, #tpu.memory_space<semaphore_mem>>)
          %dma_wait3A_1336 = tpu.memref_slice %arg2[%select_n3A_1308, %mul3A_1328] : memref<200x4096xi32, #tpu.memory_space<hbm>> -> memref<1x256xi32, #tpu.memory_space<hbm>>
          %dma_wait3A_1337 = tpu.memref_squeeze %dma_wait3A_1336 : memref<1x256xi32, #tpu.memory_space<hbm>> -> memref<256xi32, #tpu.memory_space<hbm>>
          %dma_wait3A_1338 = tpu.memref_slice %arg2[%select_n3A_1308, %mul3A_1328] : memref<200x4096xi32, #tpu.memory_space<hbm>> -> memref<1x256xi32, #tpu.memory_space<hbm>>
          %dma_wait3A_1339 = tpu.memref_squeeze %dma_wait3A_1338 : memref<1x256xi32, #tpu.memory_space<hbm>> -> memref<256xi32, #tpu.memory_space<hbm>>
          tpu.wait_dma2 semaphore(%run_scoped3A : memref<!tpu.dma_semaphore, #tpu.memory_space<semaphore_mem>>) src(%dma_wait3A_1339 : memref<256xi32, #tpu.memory_space<hbm>>) dst(%arg7 : memref<256xi32, #tpu.memory_space<vmem>>)
          tpu.yield
        }) : () -> ()
        %dma_start3A_1329 = arith.constant 0 : i32
        %dma_start3A_1330 = arith.constant 0 : i32
        %dma_start3A_1331 = tpu.memref_slice %arg3[%dma_start3A_1329, %dma_start3A_1330] : memref<1000000x64xf32, #tpu.memory_space<hbm>> -> memref<1000000x64xf32, #tpu.memory_space<hbm>>
        tpu.enqueue_indirect_dma source(%dma_start3A_1331 : memref<1000000x64xf32, #tpu.memory_space<hbm>>) target(%arg9 : memref<256x64xf32, #tpu.memory_space<vmem>>) offsets(%arg7 : memref<256xi32, #tpu.memory_space<vmem>>) semaphore(%arg15 : memref<!tpu.dma_semaphore, #tpu.memory_space<semaphore_mem>>)
      } else {
      }
      %add3A_932 = arith.constant 2 : i32
      %add3A_933 = arith.addi %mul3A_2, %add3A_932 : i32
      %ge3A_934 = arith.cmpi sge, %add3A_920, %add3A_933 : i32
      %convert_element_type3A_935 = arith.extui %ge3A_934 : i1 to i32
      %cond3A_936 = arith.constant 0 : i32
      %cond3A_937 = arith.cmpi ne, %convert_element_type3A_935, %cond3A_936 : i32
      scf.if %cond3A_937 {
        %dma_wait3A_1283 = arith.constant 0 : i32
        %dma_wait3A_1284 = arith.constant 0 : i32
        %dma_wait3A_1285 = arith.constant 0 : i32
        %dma_wait3A_1286 = tpu.memref_slice %arg12[%dma_wait3A_1284, %dma_wait3A_1285] : memref<128x129xf32, #tpu.memory_space<vmem>> -> memref<8x128xf32, #tpu.memory_space<vmem>>
        %dma_wait3A_1287 = arith.constant 0 : i32
        %dma_wait3A_1288 = arith.constant 0 : i32
        %dma_wait3A_1289 = tpu.memref_slice %arg6[%dma_wait3A_1283, %dma_wait3A_1287, %dma_wait3A_1288] : memref<200x2048x128xf32, #tpu.memory_space<hbm>> -> memref<1x8x128xf32, #tpu.memory_space<hbm>>
        %dma_wait3A_1290 = tpu.memref_squeeze %dma_wait3A_1289 : memref<1x8x128xf32, #tpu.memory_space<hbm>> -> memref<8x128xf32, #tpu.memory_space<hbm>>
        %dma_wait3A_1291 = arith.constant 0 : i32
        %dma_wait3A_1292 = arith.constant 0 : i32
        %dma_wait3A_1293 = tpu.memref_slice %arg6[%dma_wait3A_1283, %dma_wait3A_1291, %dma_wait3A_1292] : memref<200x2048x128xf32, #tpu.memory_space<hbm>> -> memref<1x8x128xf32, #tpu.memory_space<hbm>>
        %dma_wait3A_1294 = tpu.memref_squeeze %dma_wait3A_1293 : memref<1x8x128xf32, #tpu.memory_space<hbm>> -> memref<8x128xf32, #tpu.memory_space<hbm>>
        %dma_wait3A_1295 = arith.constant 0 : i32
        %dma_wait3A_1296 = arith.constant 0 : i32
        %dma_wait3A_1297 = tpu.memref_slice %arg12[%dma_wait3A_1295, %dma_wait3A_1296] : memref<128x129xf32, #tpu.memory_space<vmem>> -> memref<8x128xf32, #tpu.memory_space<vmem>>
        tpu.wait_dma2 semaphore(%arg18 : memref<!tpu.dma_semaphore, #tpu.memory_space<semaphore_mem>>) src(%dma_wait3A_1297 : memref<8x128xf32, #tpu.memory_space<vmem>>) dst(%dma_wait3A_1294 : memref<8x128xf32, #tpu.memory_space<hbm>>)
        %dma_wait3A_1298 = arith.constant 0 : i32
        %dma_wait3A_1299 = arith.constant 64 : i32
        %dma_wait3A_1300 = arith.constant 0 : i32
        %dma_wait3A_1301 = tpu.memref_slice %arg12[%dma_wait3A_1299, %dma_wait3A_1300] : memref<128x129xf32, #tpu.memory_space<vmem>> -> memref<8x128xf32, #tpu.memory_space<vmem>>
        %dma_wait3A_1302 = arith.constant 8 : i32
        %dma_wait3A_1303 = arith.constant 0 : i32
        %dma_wait3A_1304 = tpu.memref_slice %arg6[%dma_wait3A_1298, %dma_wait3A_1302, %dma_wait3A_1303] : memref<200x2048x128xf32, #tpu.memory_space<hbm>> -> memref<1x8x128xf32, #tpu.memory_space<hbm>>
        %dma_wait3A_1305 = tpu.memref_squeeze %dma_wait3A_1304 : memref<1x8x128xf32, #tpu.memory_space<hbm>> -> memref<8x128xf32, #tpu.memory_space<hbm>>
        %dma_wait3A_1306 = arith.constant 8 : i32
        %dma_wait3A_1307 = arith.constant 0 : i32
        %dma_wait3A_1308 = tpu.memref_slice %arg6[%dma_wait3A_1298, %dma_wait3A_1306, %dma_wait3A_1307] : memref<200x2048x128xf32, #tpu.memory_space<hbm>> -> memref<1x8x128xf32, #tpu.memory_space<hbm>>
        %dma_wait3A_1309 = tpu.memref_squeeze %dma_wait3A_1308 : memref<1x8x128xf32, #tpu.memory_space<hbm>> -> memref<8x128xf32, #tpu.memory_space<hbm>>
        %dma_wait3A_1310 = arith.constant 64 : i32
        %dma_wait3A_1311 = arith.constant 0 : i32
        %dma_wait3A_1312 = tpu.memref_slice %arg12[%dma_wait3A_1310, %dma_wait3A_1311] : memref<128x129xf32, #tpu.memory_space<vmem>> -> memref<8x128xf32, #tpu.memory_space<vmem>>
        tpu.wait_dma2 semaphore(%arg18 : memref<!tpu.dma_semaphore, #tpu.memory_space<semaphore_mem>>) src(%dma_wait3A_1312 : memref<8x128xf32, #tpu.memory_space<vmem>>) dst(%dma_wait3A_1309 : memref<8x128xf32, #tpu.memory_space<hbm>>)
        %dma_wait3A_1313 = arith.constant 0 : i32
        %dma_wait3A_1314 = arith.constant 8 : i32
        %dma_wait3A_1315 = arith.constant 0 : i32
        %dma_wait3A_1316 = tpu.memref_slice %arg12[%dma_wait3A_1314, %dma_wait3A_1315] : memref<128x129xf32, #tpu.memory_space<vmem>> -> memref<8x128xf32, #tpu.memory_space<vmem>>
        %dma_wait3A_1317 = arith.constant 256 : i32
        %dma_wait3A_1318 = arith.constant 0 : i32
        %dma_wait3A_1319 = tpu.memref_slice %arg6[%dma_wait3A_1313, %dma_wait3A_1317, %dma_wait3A_1318] : memref<200x2048x128xf32, #tpu.memory_space<hbm>> -> memref<1x8x128xf32, #tpu.memory_space<hbm>>
        %dma_wait3A_1320 = tpu.memref_squeeze %dma_wait3A_1319 : memref<1x8x128xf32, #tpu.memory_space<hbm>> -> memref<8x128xf32, #tpu.memory_space<hbm>>
        %dma_wait3A_1321 = arith.constant 256 : i32
        %dma_wait3A_1322 = arith.constant 0 : i32
        %dma_wait3A_1323 = tpu.memref_slice %arg6[%dma_wait3A_1313, %dma_wait3A_1321, %dma_wait3A_1322] : memref<200x2048x128xf32, #tpu.memory_space<hbm>> -> memref<1x8x128xf32, #tpu.memory_space<hbm>>
        %dma_wait3A_1324 = tpu.memref_squeeze %dma_wait3A_1323 : memref<1x8x128xf32, #tpu.memory_space<hbm>> -> memref<8x128xf32, #tpu.memory_space<hbm>>
        %dma_wait3A_1325 = arith.constant 8 : i32
        %dma_wait3A_1326 = arith.constant 0 : i32
        %dma_wait3A_1327 = tpu.memref_slice %arg12[%dma_wait3A_1325, %dma_wait3A_1326] : memref<128x129xf32, #tpu.memory_space<vmem>> -> memref<8x128xf32, #tpu.memory_space<vmem>>
        tpu.wait_dma2 semaphore(%arg18 : memref<!tpu.dma_semaphore, #tpu.memory_space<semaphore_mem>>) src(%dma_wait3A_1327 : memref<8x128xf32, #tpu.memory_space<vmem>>) dst(%dma_wait3A_1324 : memref<8x128xf32, #tpu.memory_space<hbm>>)
        %dma_wait3A_1328 = arith.constant 0 : i32
        %dma_wait3A_1329 = arith.constant 72 : i32
        %dma_wait3A_1330 = arith.constant 0 : i32
        %dma_wait3A_1331 = tpu.memref_slice %arg12[%dma_wait3A_1329, %dma_wait3A_1330] : memref<128x129xf32, #tpu.memory_space<vmem>> -> memref<8x128xf32, #tpu.memory_space<vmem>>
        %dma_wait3A_1332 = arith.constant 264 : i32
        %dma_wait3A_1333 = arith.constant 0 : i32
        %dma_wait3A_1334 = tpu.memref_slice %arg6[%dma_wait3A_1328, %dma_wait3A_1332, %dma_wait3A_1333] : memref<200x2048x128xf32, #tpu.memory_space<hbm>> -> memref<1x8x128xf32, #tpu.memory_space<hbm>>
        %dma_wait3A_1335 = tpu.memref_squeeze %dma_wait3A_1334 : memref<1x8x128xf32, #tpu.memory_space<hbm>> -> memref<8x128xf32, #tpu.memory_space<hbm>>
        %dma_wait3A_1336 = arith.constant 264 : i32
        %dma_wait3A_1337 = arith.constant 0 : i32
        %dma_wait3A_1338 = tpu.memref_slice %arg6[%dma_wait3A_1328, %dma_wait3A_1336, %dma_wait3A_1337] : memref<200x2048x128xf32, #tpu.memory_space<hbm>> -> memref<1x8x128xf32, #tpu.memory_space<hbm>>
        %dma_wait3A_1339 = tpu.memref_squeeze %dma_wait3A_1338 : memref<1x8x128xf32, #tpu.memory_space<hbm>> -> memref<8x128xf32, #tpu.memory_space<hbm>>
        %dma_wait3A_1340 = arith.constant 72 : i32
        %dma_wait3A_1341 = arith.constant 0 : i32
        %dma_wait3A_1342 = tpu.memref_slice %arg12[%dma_wait3A_1340, %dma_wait3A_1341] : memref<128x129xf32, #tpu.memory_space<vmem>> -> memref<8x128xf32, #tpu.memory_space<vmem>>
        tpu.wait_dma2 semaphore(%arg18 : memref<!tpu.dma_semaphore, #tpu.memory_space<semaphore_mem>>) src(%dma_wait3A_1342 : memref<8x128xf32, #tpu.memory_space<vmem>>) dst(%dma_wait3A_1339 : memref<8x128xf32, #tpu.memory_space<hbm>>)
        %dma_wait3A_1343 = arith.constant 0 : i32
        %dma_wait3A_1344 = arith.constant 16 : i32
        %dma_wait3A_1345 = arith.constant 0 : i32
        %dma_wait3A_1346 = tpu.memref_slice %arg12[%dma_wait3A_1344, %dma_wait3A_1345] : memref<128x129xf32, #tpu.memory_space<vmem>> -> memref<8x128xf32, #tpu.memory_space<vmem>>
        %dma_wait3A_1347 = arith.constant 512 : i32
        %dma_wait3A_1348 = arith.constant 0 : i32
        %dma_wait3A_1349 = tpu.memref_slice %arg6[%dma_wait3A_1343, %dma_wait3A_1347, %dma_wait3A_1348] : memref<200x2048x128xf32, #tpu.memory_space<hbm>> -> memref<1x8x128xf32, #tpu.memory_space<hbm>>
        %dma_wait3A_1350 = tpu.memref_squeeze %dma_wait3A_1349 : memref<1x8x128xf32, #tpu.memory_space<hbm>> -> memref<8x128xf32, #tpu.memory_space<hbm>>
        %dma_wait3A_1351 = arith.constant 512 : i32
        %dma_wait3A_1352 = arith.constant 0 : i32
        %dma_wait3A_1353 = tpu.memref_slice %arg6[%dma_wait3A_1343, %dma_wait3A_1351, %dma_wait3A_1352] : memref<200x2048x128xf32, #tpu.memory_space<hbm>> -> memref<1x8x128xf32, #tpu.memory_space<hbm>>
        %dma_wait3A_1354 = tpu.memref_squeeze %dma_wait3A_1353 : memref<1x8x128xf32, #tpu.memory_space<hbm>> -> memref<8x128xf32, #tpu.memory_space<hbm>>
        %dma_wait3A_1355 = arith.constant 16 : i32
        %dma_wait3A_1356 = arith.constant 0 : i32
        %dma_wait3A_1357 = tpu.memref_slice %arg12[%dma_wait3A_1355, %dma_wait3A_1356] : memref<128x129xf32, #tpu.memory_space<vmem>> -> memref<8x128xf32, #tpu.memory_space<vmem>>
        tpu.wait_dma2 semaphore(%arg18 : memref<!tpu.dma_semaphore, #tpu.memory_space<semaphore_mem>>) src(%dma_wait3A_1357 : memref<8x128xf32, #tpu.memory_space<vmem>>) dst(%dma_wait3A_1354 : memref<8x128xf32, #tpu.memory_space<hbm>>)
        %dma_wait3A_1358 = arith.constant 0 : i32
        %dma_wait3A_1359 = arith.constant 80 : i32
        %dma_wait3A_1360 = arith.constant 0 : i32
        %dma_wait3A_1361 = tpu.memref_slice %arg12[%dma_wait3A_1359, %dma_wait3A_1360] : memref<128x129xf32, #tpu.memory_space<vmem>> -> memref<8x128xf32, #tpu.memory_space<vmem>>
        %dma_wait3A_1362 = arith.constant 520 : i32
        %dma_wait3A_1363 = arith.constant 0 : i32
        %dma_wait3A_1364 = tpu.memref_slice %arg6[%dma_wait3A_1358, %dma_wait3A_1362, %dma_wait3A_1363] : memref<200x2048x128xf32, #tpu.memory_space<hbm>> -> memref<1x8x128xf32, #tpu.memory_space<hbm>>
        %dma_wait3A_1365 = tpu.memref_squeeze %dma_wait3A_1364 : memref<1x8x128xf32, #tpu.memory_space<hbm>> -> memref<8x128xf32, #tpu.memory_space<hbm>>
        %dma_wait3A_1366 = arith.constant 520 : i32
        %dma_wait3A_1367 = arith.constant 0 : i32
        %dma_wait3A_1368 = tpu.memref_slice %arg6[%dma_wait3A_1358, %dma_wait3A_1366, %dma_wait3A_1367] : memref<200x2048x128xf32, #tpu.memory_space<hbm>> -> memref<1x8x128xf32, #tpu.memory_space<hbm>>
        %dma_wait3A_1369 = tpu.memref_squeeze %dma_wait3A_1368 : memref<1x8x128xf32, #tpu.memory_space<hbm>> -> memref<8x128xf32, #tpu.memory_space<hbm>>
        %dma_wait3A_1370 = arith.constant 80 : i32
        %dma_wait3A_1371 = arith.constant 0 : i32
        %dma_wait3A_1372 = tpu.memref_slice %arg12[%dma_wait3A_1370, %dma_wait3A_1371] : memref<128x129xf32, #tpu.memory_space<vmem>> -> memref<8x128xf32, #tpu.memory_space<vmem>>
        tpu.wait_dma2 semaphore(%arg18 : memref<!tpu.dma_semaphore, #tpu.memory_space<semaphore_mem>>) src(%dma_wait3A_1372 : memref<8x128xf32, #tpu.memory_space<vmem>>) dst(%dma_wait3A_1369 : memref<8x128xf32, #tpu.memory_space<hbm>>)
        %dma_wait3A_1373 = arith.constant 0 : i32
        %dma_wait3A_1374 = arith.constant 24 : i32
        %dma_wait3A_1375 = arith.constant 0 : i32
        %dma_wait3A_1376 = tpu.memref_slice %arg12[%dma_wait3A_1374, %dma_wait3A_1375] : memref<128x129xf32, #tpu.memory_space<vmem>> -> memref<8x128xf32, #tpu.memory_space<vmem>>
        %dma_wait3A_1377 = arith.constant 768 : i32
        %dma_wait3A_1378 = arith.constant 0 : i32
        %dma_wait3A_1379 = tpu.memref_slice %arg6[%dma_wait3A_1373, %dma_wait3A_1377, %dma_wait3A_1378] : memref<200x2048x128xf32, #tpu.memory_space<hbm>> -> memref<1x8x128xf32, #tpu.memory_space<hbm>>
        %dma_wait3A_1380 = tpu.memref_squeeze %dma_wait3A_1379 : memref<1x8x128xf32, #tpu.memory_space<hbm>> -> memref<8x128xf32, #tpu.memory_space<hbm>>
        %dma_wait3A_1381 = arith.constant 768 : i32
        %dma_wait3A_1382 = arith.constant 0 : i32
        %dma_wait3A_1383 = tpu.memref_slice %arg6[%dma_wait3A_1373, %dma_wait3A_1381, %dma_wait3A_1382] : memref<200x2048x128xf32, #tpu.memory_space<hbm>> -> memref<1x8x128xf32, #tpu.memory_space<hbm>>
        %dma_wait3A_1384 = tpu.memref_squeeze %dma_wait3A_1383 : memref<1x8x128xf32, #tpu.memory_space<hbm>> -> memref<8x128xf32, #tpu.memory_space<hbm>>
        %dma_wait3A_1385 = arith.constant 24 : i32
        %dma_wait3A_1386 = arith.constant 0 : i32
        %dma_wait3A_1387 = tpu.memref_slice %arg12[%dma_wait3A_1385, %dma_wait3A_1386] : memref<128x129xf32, #tpu.memory_space<vmem>> -> memref<8x128xf32, #tpu.memory_space<vmem>>
        tpu.wait_dma2 semaphore(%arg18 : memref<!tpu.dma_semaphore, #tpu.memory_space<semaphore_mem>>) src(%dma_wait3A_1387 : memref<8x128xf32, #tpu.memory_space<vmem>>) dst(%dma_wait3A_1384 : memref<8x128xf32, #tpu.memory_space<hbm>>)
        %dma_wait3A_1388 = arith.constant 0 : i32
        %dma_wait3A_1389 = arith.constant 88 : i32
        %dma_wait3A_1390 = arith.constant 0 : i32
        %dma_wait3A_1391 = tpu.memref_slice %arg12[%dma_wait3A_1389, %dma_wait3A_1390] : memref<128x129xf32, #tpu.memory_space<vmem>> -> memref<8x128xf32, #tpu.memory_space<vmem>>
        %dma_wait3A_1392 = arith.constant 776 : i32
        %dma_wait3A_1393 = arith.constant 0 : i32
        %dma_wait3A_1394 = tpu.memref_slice %arg6[%dma_wait3A_1388, %dma_wait3A_1392, %dma_wait3A_1393] : memref<200x2048x128xf32, #tpu.memory_space<hbm>> -> memref<1x8x128xf32, #tpu.memory_space<hbm>>
        %dma_wait3A_1395 = tpu.memref_squeeze %dma_wait3A_1394 : memref<1x8x128xf32, #tpu.memory_space<hbm>> -> memref<8x128xf32, #tpu.memory_space<hbm>>
        %dma_wait3A_1396 = arith.constant 776 : i32
        %dma_wait3A_1397 = arith.constant 0 : i32
        %dma_wait3A_1398 = tpu.memref_slice %arg6[%dma_wait3A_1388, %dma_wait3A_1396, %dma_wait3A_1397] : memref<200x2048x128xf32, #tpu.memory_space<hbm>> -> memref<1x8x128xf32, #tpu.memory_space<hbm>>
        %dma_wait3A_1399 = tpu.memref_squeeze %dma_wait3A_1398 : memref<1x8x128xf32, #tpu.memory_space<hbm>> -> memref<8x128xf32, #tpu.memory_space<hbm>>
        %dma_wait3A_1400 = arith.constant 88 : i32
        %dma_wait3A_1401 = arith.constant 0 : i32
        %dma_wait3A_1402 = tpu.memref_slice %arg12[%dma_wait3A_1400, %dma_wait3A_1401] : memref<128x129xf32, #tpu.memory_space<vmem>> -> memref<8x128xf32, #tpu.memory_space<vmem>>
        tpu.wait_dma2 semaphore(%arg18 : memref<!tpu.dma_semaphore, #tpu.memory_space<semaphore_mem>>) src(%dma_wait3A_1402 : memref<8x128xf32, #tpu.memory_space<vmem>>) dst(%dma_wait3A_1399 : memref<8x128xf32, #tpu.memory_space<hbm>>)
        %dma_wait3A_1403 = arith.constant 0 : i32
        %dma_wait3A_1404 = arith.constant 32 : i32
        %dma_wait3A_1405 = arith.constant 0 : i32
        %dma_wait3A_1406 = tpu.memref_slice %arg12[%dma_wait3A_1404, %dma_wait3A_1405] : memref<128x129xf32, #tpu.memory_space<vmem>> -> memref<8x128xf32, #tpu.memory_space<vmem>>
        %dma_wait3A_1407 = arith.constant 1024 : i32
        %dma_wait3A_1408 = arith.constant 0 : i32
        %dma_wait3A_1409 = tpu.memref_slice %arg6[%dma_wait3A_1403, %dma_wait3A_1407, %dma_wait3A_1408] : memref<200x2048x128xf32, #tpu.memory_space<hbm>> -> memref<1x8x128xf32, #tpu.memory_space<hbm>>
        %dma_wait3A_1410 = tpu.memref_squeeze %dma_wait3A_1409 : memref<1x8x128xf32, #tpu.memory_space<hbm>> -> memref<8x128xf32, #tpu.memory_space<hbm>>
        %dma_wait3A_1411 = arith.constant 1024 : i32
        %dma_wait3A_1412 = arith.constant 0 : i32
        %dma_wait3A_1413 = tpu.memref_slice %arg6[%dma_wait3A_1403, %dma_wait3A_1411, %dma_wait3A_1412] : memref<200x2048x128xf32, #tpu.memory_space<hbm>> -> memref<1x8x128xf32, #tpu.memory_space<hbm>>
        %dma_wait3A_1414 = tpu.memref_squeeze %dma_wait3A_1413 : memref<1x8x128xf32, #tpu.memory_space<hbm>> -> memref<8x128xf32, #tpu.memory_space<hbm>>
        %dma_wait3A_1415 = arith.constant 32 : i32
        %dma_wait3A_1416 = arith.constant 0 : i32
        %dma_wait3A_1417 = tpu.memref_slice %arg12[%dma_wait3A_1415, %dma_wait3A_1416] : memref<128x129xf32, #tpu.memory_space<vmem>> -> memref<8x128xf32, #tpu.memory_space<vmem>>
        tpu.wait_dma2 semaphore(%arg18 : memref<!tpu.dma_semaphore, #tpu.memory_space<semaphore_mem>>) src(%dma_wait3A_1417 : memref<8x128xf32, #tpu.memory_space<vmem>>) dst(%dma_wait3A_1414 : memref<8x128xf32, #tpu.memory_space<hbm>>)
        %dma_wait3A_1418 = arith.constant 0 : i32
        %dma_wait3A_1419 = arith.constant 96 : i32
        %dma_wait3A_1420 = arith.constant 0 : i32
        %dma_wait3A_1421 = tpu.memref_slice %arg12[%dma_wait3A_1419, %dma_wait3A_1420] : memref<128x129xf32, #tpu.memory_space<vmem>> -> memref<8x128xf32, #tpu.memory_space<vmem>>
        %dma_wait3A_1422 = arith.constant 1032 : i32
        %dma_wait3A_1423 = arith.constant 0 : i32
        %dma_wait3A_1424 = tpu.memref_slice %arg6[%dma_wait3A_1418, %dma_wait3A_1422, %dma_wait3A_1423] : memref<200x2048x128xf32, #tpu.memory_space<hbm>> -> memref<1x8x128xf32, #tpu.memory_space<hbm>>
        %dma_wait3A_1425 = tpu.memref_squeeze %dma_wait3A_1424 : memref<1x8x128xf32, #tpu.memory_space<hbm>> -> memref<8x128xf32, #tpu.memory_space<hbm>>
        %dma_wait3A_1426 = arith.constant 1032 : i32
        %dma_wait3A_1427 = arith.constant 0 : i32
        %dma_wait3A_1428 = tpu.memref_slice %arg6[%dma_wait3A_1418, %dma_wait3A_1426, %dma_wait3A_1427] : memref<200x2048x128xf32, #tpu.memory_space<hbm>> -> memref<1x8x128xf32, #tpu.memory_space<hbm>>
        %dma_wait3A_1429 = tpu.memref_squeeze %dma_wait3A_1428 : memref<1x8x128xf32, #tpu.memory_space<hbm>> -> memref<8x128xf32, #tpu.memory_space<hbm>>
        %dma_wait3A_1430 = arith.constant 96 : i32
        %dma_wait3A_1431 = arith.constant 0 : i32
        %dma_wait3A_1432 = tpu.memref_slice %arg12[%dma_wait3A_1430, %dma_wait3A_1431] : memref<128x129xf32, #tpu.memory_space<vmem>> -> memref<8x128xf32, #tpu.memory_space<vmem>>
        tpu.wait_dma2 semaphore(%arg18 : memref<!tpu.dma_semaphore, #tpu.memory_space<semaphore_mem>>) src(%dma_wait3A_1432 : memref<8x128xf32, #tpu.memory_space<vmem>>) dst(%dma_wait3A_1429 : memref<8x128xf32, #tpu.memory_space<hbm>>)
        %dma_wait3A_1433 = arith.constant 0 : i32
        %dma_wait3A_1434 = arith.constant 40 : i32
        %dma_wait3A_1435 = arith.constant 0 : i32
        %dma_wait3A_1436 = tpu.memref_slice %arg12[%dma_wait3A_1434, %dma_wait3A_1435] : memref<128x129xf32, #tpu.memory_space<vmem>> -> memref<8x128xf32, #tpu.memory_space<vmem>>
        %dma_wait3A_1437 = arith.constant 1280 : i32
        %dma_wait3A_1438 = arith.constant 0 : i32
        %dma_wait3A_1439 = tpu.memref_slice %arg6[%dma_wait3A_1433, %dma_wait3A_1437, %dma_wait3A_1438] : memref<200x2048x128xf32, #tpu.memory_space<hbm>> -> memref<1x8x128xf32, #tpu.memory_space<hbm>>
        %dma_wait3A_1440 = tpu.memref_squeeze %dma_wait3A_1439 : memref<1x8x128xf32, #tpu.memory_space<hbm>> -> memref<8x128xf32, #tpu.memory_space<hbm>>
        %dma_wait3A_1441 = arith.constant 1280 : i32
        %dma_wait3A_1442 = arith.constant 0 : i32
        %dma_wait3A_1443 = tpu.memref_slice %arg6[%dma_wait3A_1433, %dma_wait3A_1441, %dma_wait3A_1442] : memref<200x2048x128xf32, #tpu.memory_space<hbm>> -> memref<1x8x128xf32, #tpu.memory_space<hbm>>
        %dma_wait3A_1444 = tpu.memref_squeeze %dma_wait3A_1443 : memref<1x8x128xf32, #tpu.memory_space<hbm>> -> memref<8x128xf32, #tpu.memory_space<hbm>>
        %dma_wait3A_1445 = arith.constant 40 : i32
        %dma_wait3A_1446 = arith.constant 0 : i32
        %dma_wait3A_1447 = tpu.memref_slice %arg12[%dma_wait3A_1445, %dma_wait3A_1446] : memref<128x129xf32, #tpu.memory_space<vmem>> -> memref<8x128xf32, #tpu.memory_space<vmem>>
        tpu.wait_dma2 semaphore(%arg18 : memref<!tpu.dma_semaphore, #tpu.memory_space<semaphore_mem>>) src(%dma_wait3A_1447 : memref<8x128xf32, #tpu.memory_space<vmem>>) dst(%dma_wait3A_1444 : memref<8x128xf32, #tpu.memory_space<hbm>>)
        %dma_wait3A_1448 = arith.constant 0 : i32
        %dma_wait3A_1449 = arith.constant 104 : i32
        %dma_wait3A_1450 = arith.constant 0 : i32
        %dma_wait3A_1451 = tpu.memref_slice %arg12[%dma_wait3A_1449, %dma_wait3A_1450] : memref<128x129xf32, #tpu.memory_space<vmem>> -> memref<8x128xf32, #tpu.memory_space<vmem>>
        %dma_wait3A_1452 = arith.constant 1288 : i32
        %dma_wait3A_1453 = arith.constant 0 : i32
        %dma_wait3A_1454 = tpu.memref_slice %arg6[%dma_wait3A_1448, %dma_wait3A_1452, %dma_wait3A_1453] : memref<200x2048x128xf32, #tpu.memory_space<hbm>> -> memref<1x8x128xf32, #tpu.memory_space<hbm>>
        %dma_wait3A_1455 = tpu.memref_squeeze %dma_wait3A_1454 : memref<1x8x128xf32, #tpu.memory_space<hbm>> -> memref<8x128xf32, #tpu.memory_space<hbm>>
        %dma_wait3A_1456 = arith.constant 1288 : i32
        %dma_wait3A_1457 = arith.constant 0 : i32
        %dma_wait3A_1458 = tpu.memref_slice %arg6[%dma_wait3A_1448, %dma_wait3A_1456, %dma_wait3A_1457] : memref<200x2048x128xf32, #tpu.memory_space<hbm>> -> memref<1x8x128xf32, #tpu.memory_space<hbm>>
        %dma_wait3A_1459 = tpu.memref_squeeze %dma_wait3A_1458 : memref<1x8x128xf32, #tpu.memory_space<hbm>> -> memref<8x128xf32, #tpu.memory_space<hbm>>
        %dma_wait3A_1460 = arith.constant 104 : i32
        %dma_wait3A_1461 = arith.constant 0 : i32
        %dma_wait3A_1462 = tpu.memref_slice %arg12[%dma_wait3A_1460, %dma_wait3A_1461] : memref<128x129xf32, #tpu.memory_space<vmem>> -> memref<8x128xf32, #tpu.memory_space<vmem>>
        tpu.wait_dma2 semaphore(%arg18 : memref<!tpu.dma_semaphore, #tpu.memory_space<semaphore_mem>>) src(%dma_wait3A_1462 : memref<8x128xf32, #tpu.memory_space<vmem>>) dst(%dma_wait3A_1459 : memref<8x128xf32, #tpu.memory_space<hbm>>)
        %dma_wait3A_1463 = arith.constant 0 : i32
        %dma_wait3A_1464 = arith.constant 48 : i32
        %dma_wait3A_1465 = arith.constant 0 : i32
        %dma_wait3A_1466 = tpu.memref_slice %arg12[%dma_wait3A_1464, %dma_wait3A_1465] : memref<128x129xf32, #tpu.memory_space<vmem>> -> memref<8x128xf32, #tpu.memory_space<vmem>>
        %dma_wait3A_1467 = arith.constant 1536 : i32
        %dma_wait3A_1468 = arith.constant 0 : i32
        %dma_wait3A_1469 = tpu.memref_slice %arg6[%dma_wait3A_1463, %dma_wait3A_1467, %dma_wait3A_1468] : memref<200x2048x128xf32, #tpu.memory_space<hbm>> -> memref<1x8x128xf32, #tpu.memory_space<hbm>>
        %dma_wait3A_1470 = tpu.memref_squeeze %dma_wait3A_1469 : memref<1x8x128xf32, #tpu.memory_space<hbm>> -> memref<8x128xf32, #tpu.memory_space<hbm>>
        %dma_wait3A_1471 = arith.constant 1536 : i32
        %dma_wait3A_1472 = arith.constant 0 : i32
        %dma_wait3A_1473 = tpu.memref_slice %arg6[%dma_wait3A_1463, %dma_wait3A_1471, %dma_wait3A_1472] : memref<200x2048x128xf32, #tpu.memory_space<hbm>> -> memref<1x8x128xf32, #tpu.memory_space<hbm>>
        %dma_wait3A_1474 = tpu.memref_squeeze %dma_wait3A_1473 : memref<1x8x128xf32, #tpu.memory_space<hbm>> -> memref<8x128xf32, #tpu.memory_space<hbm>>
        %dma_wait3A_1475 = arith.constant 48 : i32
        %dma_wait3A_1476 = arith.constant 0 : i32
        %dma_wait3A_1477 = tpu.memref_slice %arg12[%dma_wait3A_1475, %dma_wait3A_1476] : memref<128x129xf32, #tpu.memory_space<vmem>> -> memref<8x128xf32, #tpu.memory_space<vmem>>
        tpu.wait_dma2 semaphore(%arg18 : memref<!tpu.dma_semaphore, #tpu.memory_space<semaphore_mem>>) src(%dma_wait3A_1477 : memref<8x128xf32, #tpu.memory_space<vmem>>) dst(%dma_wait3A_1474 : memref<8x128xf32, #tpu.memory_space<hbm>>)
        %dma_wait3A_1478 = arith.constant 0 : i32
        %dma_wait3A_1479 = arith.constant 112 : i32
        %dma_wait3A_1480 = arith.constant 0 : i32
        %dma_wait3A_1481 = tpu.memref_slice %arg12[%dma_wait3A_1479, %dma_wait3A_1480] : memref<128x129xf32, #tpu.memory_space<vmem>> -> memref<8x128xf32, #tpu.memory_space<vmem>>
        %dma_wait3A_1482 = arith.constant 1544 : i32
        %dma_wait3A_1483 = arith.constant 0 : i32
        %dma_wait3A_1484 = tpu.memref_slice %arg6[%dma_wait3A_1478, %dma_wait3A_1482, %dma_wait3A_1483] : memref<200x2048x128xf32, #tpu.memory_space<hbm>> -> memref<1x8x128xf32, #tpu.memory_space<hbm>>
        %dma_wait3A_1485 = tpu.memref_squeeze %dma_wait3A_1484 : memref<1x8x128xf32, #tpu.memory_space<hbm>> -> memref<8x128xf32, #tpu.memory_space<hbm>>
        %dma_wait3A_1486 = arith.constant 1544 : i32
        %dma_wait3A_1487 = arith.constant 0 : i32
        %dma_wait3A_1488 = tpu.memref_slice %arg6[%dma_wait3A_1478, %dma_wait3A_1486, %dma_wait3A_1487] : memref<200x2048x128xf32, #tpu.memory_space<hbm>> -> memref<1x8x128xf32, #tpu.memory_space<hbm>>
        %dma_wait3A_1489 = tpu.memref_squeeze %dma_wait3A_1488 : memref<1x8x128xf32, #tpu.memory_space<hbm>> -> memref<8x128xf32, #tpu.memory_space<hbm>>
        %dma_wait3A_1490 = arith.constant 112 : i32
        %dma_wait3A_1491 = arith.constant 0 : i32
        %dma_wait3A_1492 = tpu.memref_slice %arg12[%dma_wait3A_1490, %dma_wait3A_1491] : memref<128x129xf32, #tpu.memory_space<vmem>> -> memref<8x128xf32, #tpu.memory_space<vmem>>
        tpu.wait_dma2 semaphore(%arg18 : memref<!tpu.dma_semaphore, #tpu.memory_space<semaphore_mem>>) src(%dma_wait3A_1492 : memref<8x128xf32, #tpu.memory_space<vmem>>) dst(%dma_wait3A_1489 : memref<8x128xf32, #tpu.memory_space<hbm>>)
        %dma_wait3A_1493 = arith.constant 0 : i32
        %dma_wait3A_1494 = arith.constant 56 : i32
        %dma_wait3A_1495 = arith.constant 0 : i32
        %dma_wait3A_1496 = tpu.memref_slice %arg12[%dma_wait3A_1494, %dma_wait3A_1495] : memref<128x129xf32, #tpu.memory_space<vmem>> -> memref<8x128xf32, #tpu.memory_space<vmem>>
        %dma_wait3A_1497 = arith.constant 1792 : i32
        %dma_wait3A_1498 = arith.constant 0 : i32
        %dma_wait3A_1499 = tpu.memref_slice %arg6[%dma_wait3A_1493, %dma_wait3A_1497, %dma_wait3A_1498] : memref<200x2048x128xf32, #tpu.memory_space<hbm>> -> memref<1x8x128xf32, #tpu.memory_space<hbm>>
        %dma_wait3A_1500 = tpu.memref_squeeze %dma_wait3A_1499 : memref<1x8x128xf32, #tpu.memory_space<hbm>> -> memref<8x128xf32, #tpu.memory_space<hbm>>
        %dma_wait3A_1501 = arith.constant 1792 : i32
        %dma_wait3A_1502 = arith.constant 0 : i32
        %dma_wait3A_1503 = tpu.memref_slice %arg6[%dma_wait3A_1493, %dma_wait3A_1501, %dma_wait3A_1502] : memref<200x2048x128xf32, #tpu.memory_space<hbm>> -> memref<1x8x128xf32, #tpu.memory_space<hbm>>
        %dma_wait3A_1504 = tpu.memref_squeeze %dma_wait3A_1503 : memref<1x8x128xf32, #tpu.memory_space<hbm>> -> memref<8x128xf32, #tpu.memory_space<hbm>>
        %dma_wait3A_1505 = arith.constant 56 : i32
        %dma_wait3A_1506 = arith.constant 0 : i32
        %dma_wait3A_1507 = tpu.memref_slice %arg12[%dma_wait3A_1505, %dma_wait3A_1506] : memref<128x129xf32, #tpu.memory_space<vmem>> -> memref<8x128xf32, #tpu.memory_space<vmem>>
        tpu.wait_dma2 semaphore(%arg18 : memref<!tpu.dma_semaphore, #tpu.memory_space<semaphore_mem>>) src(%dma_wait3A_1507 : memref<8x128xf32, #tpu.memory_space<vmem>>) dst(%dma_wait3A_1504 : memref<8x128xf32, #tpu.memory_space<hbm>>)
        %dma_wait3A_1508 = arith.constant 0 : i32
        %dma_wait3A_1509 = arith.constant 120 : i32
        %dma_wait3A_1510 = arith.constant 0 : i32
        %dma_wait3A_1511 = tpu.memref_slice %arg12[%dma_wait3A_1509, %dma_wait3A_1510] : memref<128x129xf32, #tpu.memory_space<vmem>> -> memref<8x128xf32, #tpu.memory_space<vmem>>
        %dma_wait3A_1512 = arith.constant 1800 : i32
        %dma_wait3A_1513 = arith.constant 0 : i32
        %dma_wait3A_1514 = tpu.memref_slice %arg6[%dma_wait3A_1508, %dma_wait3A_1512, %dma_wait3A_1513] : memref<200x2048x128xf32, #tpu.memory_space<hbm>> -> memref<1x8x128xf32, #tpu.memory_space<hbm>>
        %dma_wait3A_1515 = tpu.memref_squeeze %dma_wait3A_1514 : memref<1x8x128xf32, #tpu.memory_space<hbm>> -> memref<8x128xf32, #tpu.memory_space<hbm>>
        %dma_wait3A_1516 = arith.constant 1800 : i32
        %dma_wait3A_1517 = arith.constant 0 : i32
        %dma_wait3A_1518 = tpu.memref_slice %arg6[%dma_wait3A_1508, %dma_wait3A_1516, %dma_wait3A_1517] : memref<200x2048x128xf32, #tpu.memory_space<hbm>> -> memref<1x8x128xf32, #tpu.memory_space<hbm>>
        %dma_wait3A_1519 = tpu.memref_squeeze %dma_wait3A_1518 : memref<1x8x128xf32, #tpu.memory_space<hbm>> -> memref<8x128xf32, #tpu.memory_space<hbm>>
        %dma_wait3A_1520 = arith.constant 120 : i32
        %dma_wait3A_1521 = arith.constant 0 : i32
        %dma_wait3A_1522 = tpu.memref_slice %arg12[%dma_wait3A_1520, %dma_wait3A_1521] : memref<128x129xf32, #tpu.memory_space<vmem>> -> memref<8x128xf32, #tpu.memory_space<vmem>>
        tpu.wait_dma2 semaphore(%arg18 : memref<!tpu.dma_semaphore, #tpu.memory_space<semaphore_mem>>) src(%dma_wait3A_1522 : memref<8x128xf32, #tpu.memory_space<vmem>>) dst(%dma_wait3A_1519 : memref<8x128xf32, #tpu.memory_space<hbm>>)
      } else {
      }
      %jit3A_938 = arith.constant 16 : i32
      %div3A_939 = arith.divsi %add3A_920, %jit3A_938 : i32
      %sign3A_940 = arith.constant 0 : i32
      %sign3A_941 = arith.cmpi sgt, %add3A_920, %sign3A_940 : i32
      %sign3A_942 = arith.extui %sign3A_941 : i1 to i32
      %sign3A_943 = arith.constant 0 : i32
      %sign3A_944 = arith.cmpi slt, %add3A_920, %sign3A_943 : i32
      %sign3A_945 = arith.extui %sign3A_944 : i1 to i32
      %sign3A_946 = arith.subi %sign3A_942, %sign3A_945 : i32
      %sign3A_947 = arith.constant 0 : i32
      %sign3A_948 = arith.cmpi sgt, %jit3A_938, %sign3A_947 : i32
      %sign3A_949 = arith.extui %sign3A_948 : i1 to i32
      %sign3A_950 = arith.constant 0 : i32
      %sign3A_951 = arith.cmpi slt, %jit3A_938, %sign3A_950 : i32
      %sign3A_952 = arith.extui %sign3A_951 : i1 to i32
      %sign3A_953 = arith.subi %sign3A_949, %sign3A_952 : i32
      %ne3A_954 = arith.cmpi ne, %sign3A_946, %sign3A_953 : i32
      %rem3A_955 = arith.remsi %add3A_920, %jit3A_938 : i32
      %ne3A_956 = arith.constant 0 : i32
      %ne3A_957 = arith.cmpi ne, %rem3A_955, %ne3A_956 : i32
      %and3A_958 = arith.andi %ne3A_954, %ne3A_957 : i1
      %sub3A_959 = arith.constant 1 : i32
      %sub3A_960 = arith.subi %div3A_939, %sub3A_959 : i32
      %select_n3A_961 = arith.select %and3A_958, %sub3A_960, %div3A_939 : i32
      %jit3A_962 = arith.constant 16 : i32
      %eq3A_963 = arith.constant 0 : i32
      %eq3A_964 = arith.cmpi eq, %jit3A_962, %eq3A_963 : i32
      %jit3A_965 = arith.constant 1 : i32
      %select_n3A_966 = arith.select %eq3A_964, %jit3A_965, %jit3A_962 : i32
      %rem3A_967 = arith.remsi %add3A_920, %select_n3A_966 : i32
      %ne3A_968 = arith.constant 0 : i32
      %ne3A_969 = arith.cmpi ne, %rem3A_967, %ne3A_968 : i32
      %lt3A_970 = arith.constant 0 : i32
      %lt3A_971 = arith.cmpi slt, %rem3A_967, %lt3A_970 : i32
      %lt3A_972 = arith.constant 0 : i32
      %lt3A_973 = arith.cmpi slt, %select_n3A_966, %lt3A_972 : i32
      %ne3A_974 = arith.xori %lt3A_971, %lt3A_973 : i1
      %and3A_975 = arith.andi %ne3A_974, %ne3A_969 : i1
      %add3A_976 = arith.addi %rem3A_967, %select_n3A_966 : i32
      %select_n3A_977 = arith.select %and3A_975, %add3A_976, %rem3A_967 : i32
      %mul3A_978 = arith.constant 2 : i32
      %mul3A_979 = arith.muli %select_n3A_977, %mul3A_978 : i32
      %get3A_980 = arith.index_cast %select_n3A_961 : i32 to index
      %get3A_981 = arith.constant 0 : index
      %get3A_982 = tpu.vector_load %arg13[%get3A_980, %get3A_981] {strides = array<i32>} : memref<200x64xf32, #tpu.memory_space<vmem>>, vector<16xf32>,
      %get3A_983 = arith.index_cast %select_n3A_961 : i32 to index
      %get3A_984 = arith.constant 16 : index
      %get3A_985 = tpu.vector_load %arg13[%get3A_983, %get3A_984] {strides = array<i32>} : memref<200x64xf32, #tpu.memory_space<vmem>>, vector<16xf32>,
      %get3A_986 = arith.index_cast %select_n3A_961 : i32 to index
      %get3A_987 = arith.constant 32 : index
      %get3A_988 = tpu.vector_load %arg13[%get3A_986, %get3A_987] {strides = array<i32>} : memref<200x64xf32, #tpu.memory_space<vmem>>, vector<16xf32>,
      %get3A_989 = arith.index_cast %select_n3A_961 : i32 to index
      %get3A_990 = arith.constant 48 : index
      %get3A_991 = tpu.vector_load %arg13[%get3A_989, %get3A_990] {strides = array<i32>} : memref<200x64xf32, #tpu.memory_space<vmem>>, vector<16xf32>,
      %parallel_loop3A_992 = arith.constant 0 : i32
      %parallel_loop3A_993 = arith.constant 128 : i32
      %parallel_loop3A_994 = arith.constant 1 : i32
      scf.for %parallel_loop3A_1283 = %parallel_loop3A_992 to %parallel_loop3A_993 step %parallel_loop3A_994  : i32 {
        %parallel_loop3A_1284 = vector.broadcast %parallel_loop3A_1283 : i32 to vector<16xi32>
        %parallel_loop3A_1285 = arith.constant 0 : i32
        %parallel_loop3A_1286 = arith.addi %parallel_loop3A_1285, %parallel_loop3A_1283 : i32
        %parallel_loop3A_1287 = arith.index_cast %parallel_loop3A_1286 : i32 to index
        %parallel_loop3A_1288 = arith.constant 0 : index
        %parallel_loop3A_1289 = tpu.vector_load %arg10[%parallel_loop3A_1287, %parallel_loop3A_1288] {strides = array<i32>} : memref<256x64xf32, #tpu.memory_space<vmem>>, vector<16xf32>,
        %parallel_loop3A_1290 = arith.addf %parallel_loop3A_1289, %get3A_982 : vector<16xf32>
        tpu.vector_store_idx %arg12[%get3A_5, %parallel_loop3A_1284], %parallel_loop3A_1290 : memref<128x129xf32, #tpu.memory_space<vmem>>[vector<16xi32>, vector<16xi32>], vector<16xf32>,
        %parallel_loop3A_1291 = arith.constant 0 : i32
        %parallel_loop3A_1292 = arith.addi %parallel_loop3A_1291, %parallel_loop3A_1283 : i32
        %parallel_loop3A_1293 = arith.index_cast %parallel_loop3A_1292 : i32 to index
        %parallel_loop3A_1294 = arith.constant 16 : index
        %parallel_loop3A_1295 = tpu.vector_load %arg10[%parallel_loop3A_1293, %parallel_loop3A_1294] {strides = array<i32>} : memref<256x64xf32, #tpu.memory_space<vmem>>, vector<16xf32>,
        %parallel_loop3A_1296 = arith.addf %parallel_loop3A_1295, %get3A_985 : vector<16xf32>
        tpu.vector_store_idx %arg12[%get3A_13, %parallel_loop3A_1284], %parallel_loop3A_1296 : memref<128x129xf32, #tpu.memory_space<vmem>>[vector<16xi32>, vector<16xi32>], vector<16xf32>,
        %parallel_loop3A_1297 = arith.constant 0 : i32
        %parallel_loop3A_1298 = arith.addi %parallel_loop3A_1297, %parallel_loop3A_1283 : i32
        %parallel_loop3A_1299 = arith.index_cast %parallel_loop3A_1298 : i32 to index
        %parallel_loop3A_1300 = arith.constant 32 : index
        %parallel_loop3A_1301 = tpu.vector_load %arg10[%parallel_loop3A_1299, %parallel_loop3A_1300] {strides = array<i32>} : memref<256x64xf32, #tpu.memory_space<vmem>>, vector<16xf32>,
        %parallel_loop3A_1302 = arith.addf %parallel_loop3A_1301, %get3A_988 : vector<16xf32>
        tpu.vector_store_idx %arg12[%get3A_21, %parallel_loop3A_1284], %parallel_loop3A_1302 : memref<128x129xf32, #tpu.memory_space<vmem>>[vector<16xi32>, vector<16xi32>], vector<16xf32>,
        %parallel_loop3A_1303 = arith.constant 0 : i32
        %parallel_loop3A_1304 = arith.addi %parallel_loop3A_1303, %parallel_loop3A_1283 : i32
        %parallel_loop3A_1305 = arith.index_cast %parallel_loop3A_1304 : i32 to index
        %parallel_loop3A_1306 = arith.constant 48 : index
        %parallel_loop3A_1307 = tpu.vector_load %arg10[%parallel_loop3A_1305, %parallel_loop3A_1306] {strides = array<i32>} : memref<256x64xf32, #tpu.memory_space<vmem>>, vector<16xf32>,
        %parallel_loop3A_1308 = arith.addf %parallel_loop3A_1307, %get3A_991 : vector<16xf32>
        tpu.vector_store_idx %arg12[%get3A_29, %parallel_loop3A_1284], %parallel_loop3A_1308 : memref<128x129xf32, #tpu.memory_space<vmem>>[vector<16xi32>, vector<16xi32>], vector<16xf32>,
        %parallel_loop3A_1309 = arith.constant 128 : i32
        %parallel_loop3A_1310 = arith.addi %parallel_loop3A_1309, %parallel_loop3A_1283 : i32
        %parallel_loop3A_1311 = arith.index_cast %parallel_loop3A_1310 : i32 to index
        %parallel_loop3A_1312 = arith.constant 0 : index
        %parallel_loop3A_1313 = tpu.vector_load %arg10[%parallel_loop3A_1311, %parallel_loop3A_1312] {strides = array<i32>} : memref<256x64xf32, #tpu.memory_space<vmem>>, vector<16xf32>,
        %parallel_loop3A_1314 = arith.addf %parallel_loop3A_1313, %get3A_982 : vector<16xf32>
        tpu.vector_store_idx %arg12[%get3A_9, %parallel_loop3A_1284], %parallel_loop3A_1314 : memref<128x129xf32, #tpu.memory_space<vmem>>[vector<16xi32>, vector<16xi32>], vector<16xf32>,
        %parallel_loop3A_1315 = arith.constant 128 : i32
        %parallel_loop3A_1316 = arith.addi %parallel_loop3A_1315, %parallel_loop3A_1283 : i32
        %parallel_loop3A_1317 = arith.index_cast %parallel_loop3A_1316 : i32 to index
        %parallel_loop3A_1318 = arith.constant 16 : index
        %parallel_loop3A_1319 = tpu.vector_load %arg10[%parallel_loop3A_1317, %parallel_loop3A_1318] {strides = array<i32>} : memref<256x64xf32, #tpu.memory_space<vmem>>, vector<16xf32>,
        %parallel_loop3A_1320 = arith.addf %parallel_loop3A_1319, %get3A_985 : vector<16xf32>
        tpu.vector_store_idx %arg12[%get3A_17, %parallel_loop3A_1284], %parallel_loop3A_1320 : memref<128x129xf32, #tpu.memory_space<vmem>>[vector<16xi32>, vector<16xi32>], vector<16xf32>,
        %parallel_loop3A_1321 = arith.constant 128 : i32
        %parallel_loop3A_1322 = arith.addi %parallel_loop3A_1321, %parallel_loop3A_1283 : i32
        %parallel_loop3A_1323 = arith.index_cast %parallel_loop3A_1322 : i32 to index
        %parallel_loop3A_1324 = arith.constant 32 : index
        %parallel_loop3A_1325 = tpu.vector_load %arg10[%parallel_loop3A_1323, %parallel_loop3A_1324] {strides = array<i32>} : memref<256x64xf32, #tpu.memory_space<vmem>>, vector<16xf32>,
        %parallel_loop3A_1326 = arith.addf %parallel_loop3A_1325, %get3A_988 : vector<16xf32>
        tpu.vector_store_idx %arg12[%get3A_25, %parallel_loop3A_1284], %parallel_loop3A_1326 : memref<128x129xf32, #tpu.memory_space<vmem>>[vector<16xi32>, vector<16xi32>], vector<16xf32>,
        %parallel_loop3A_1327 = arith.constant 128 : i32
        %parallel_loop3A_1328 = arith.addi %parallel_loop3A_1327, %parallel_loop3A_1283 : i32
        %parallel_loop3A_1329 = arith.index_cast %parallel_loop3A_1328 : i32 to index
        %parallel_loop3A_1330 = arith.constant 48 : index
        %parallel_loop3A_1331 = tpu.vector_load %arg10[%parallel_loop3A_1329, %parallel_loop3A_1330] {strides = array<i32>} : memref<256x64xf32, #tpu.memory_space<vmem>>, vector<16xf32>,
        %parallel_loop3A_1332 = arith.addf %parallel_loop3A_1331, %get3A_991 : vector<16xf32>
        tpu.vector_store_idx %arg12[%get3A_33, %parallel_loop3A_1284], %parallel_loop3A_1332 : memref<128x129xf32, #tpu.memory_space<vmem>>[vector<16xi32>, vector<16xi32>], vector<16xf32>,
      } {sc.loop_unroll_factor = 16 : i64, sc.parallel_access}
      %add3A_995 = arith.constant 0 : i32
      %add3A_996 = arith.addi %mul3A_979, %add3A_995 : i32
      %mul3A_997 = arith.constant 8 : i32
      %mul3A_998 = arith.muli %add3A_996, %mul3A_997 : i32
      %add3A_999 = arith.constant 0 : i32
      %add3A_1000 = arith.addi %add3A_999, %mul3A_998 : i32
      %dma_start3A_1001 = arith.constant 0 : i32
      %dma_start3A_1002 = arith.constant 0 : i32
      %dma_start3A_1003 = tpu.memref_slice %arg12[%dma_start3A_1001, %dma_start3A_1002] : memref<128x129xf32, #tpu.memory_space<vmem>> -> memref<8x128xf32, #tpu.memory_space<vmem>>
      %dma_start3A_1004 = arith.constant 0 : i32
      %dma_start3A_1005 = tpu.memref_slice %arg6[%select_n3A_961, %add3A_1000, %dma_start3A_1004] : memref<200x2048x128xf32, #tpu.memory_space<hbm>> -> memref<1x8x128xf32, #tpu.memory_space<hbm>>
      %dma_start3A_1006 = tpu.memref_squeeze %dma_start3A_1005 : memref<1x8x128xf32, #tpu.memory_space<hbm>> -> memref<8x128xf32, #tpu.memory_space<hbm>>
      %dma_start3A_1007 = arith.constant 0 : i32
      %dma_start3A_1008 = tpu.memref_slice %arg6[%select_n3A_961, %add3A_1000, %dma_start3A_1007] : memref<200x2048x128xf32, #tpu.memory_space<hbm>> -> memref<1x8x128xf32, #tpu.memory_space<hbm>>
      %dma_start3A_1009 = tpu.memref_squeeze %dma_start3A_1008 : memref<1x8x128xf32, #tpu.memory_space<hbm>> -> memref<8x128xf32, #tpu.memory_space<hbm>>
      %dma_start3A_1010 = arith.constant 0 : i32
      %dma_start3A_1011 = arith.constant 0 : i32
      %dma_start3A_1012 = tpu.memref_slice %arg12[%dma_start3A_1010, %dma_start3A_1011] : memref<128x129xf32, #tpu.memory_space<vmem>> -> memref<8x128xf32, #tpu.memory_space<vmem>>
      tpu.enqueue_dma source(%dma_start3A_1012 : memref<8x128xf32, #tpu.memory_space<vmem>>) target(%dma_start3A_1009 : memref<8x128xf32, #tpu.memory_space<hbm>>) target_semaphore(%arg18 : memref<!tpu.dma_semaphore, #tpu.memory_space<semaphore_mem>>)
      %add3A_1013 = arith.constant 1 : i32
      %add3A_1014 = arith.addi %mul3A_979, %add3A_1013 : i32
      %mul3A_1015 = arith.constant 8 : i32
      %mul3A_1016 = arith.muli %add3A_1014, %mul3A_1015 : i32
      %add3A_1017 = arith.constant 0 : i32
      %add3A_1018 = arith.addi %add3A_1017, %mul3A_1016 : i32
      %dma_start3A_1019 = arith.constant 64 : i32
      %dma_start3A_1020 = arith.constant 0 : i32
      %dma_start3A_1021 = tpu.memref_slice %arg12[%dma_start3A_1019, %dma_start3A_1020] : memref<128x129xf32, #tpu.memory_space<vmem>> -> memref<8x128xf32, #tpu.memory_space<vmem>>
      %dma_start3A_1022 = arith.constant 0 : i32
      %dma_start3A_1023 = tpu.memref_slice %arg6[%select_n3A_961, %add3A_1018, %dma_start3A_1022] : memref<200x2048x128xf32, #tpu.memory_space<hbm>> -> memref<1x8x128xf32, #tpu.memory_space<hbm>>
      %dma_start3A_1024 = tpu.memref_squeeze %dma_start3A_1023 : memref<1x8x128xf32, #tpu.memory_space<hbm>> -> memref<8x128xf32, #tpu.memory_space<hbm>>
      %dma_start3A_1025 = arith.constant 0 : i32
      %dma_start3A_1026 = tpu.memref_slice %arg6[%select_n3A_961, %add3A_1018, %dma_start3A_1025] : memref<200x2048x128xf32, #tpu.memory_space<hbm>> -> memref<1x8x128xf32, #tpu.memory_space<hbm>>
      %dma_start3A_1027 = tpu.memref_squeeze %dma_start3A_1026 : memref<1x8x128xf32, #tpu.memory_space<hbm>> -> memref<8x128xf32, #tpu.memory_space<hbm>>
      %dma_start3A_1028 = arith.constant 64 : i32
      %dma_start3A_1029 = arith.constant 0 : i32
      %dma_start3A_1030 = tpu.memref_slice %arg12[%dma_start3A_1028, %dma_start3A_1029] : memref<128x129xf32, #tpu.memory_space<vmem>> -> memref<8x128xf32, #tpu.memory_space<vmem>>
      tpu.enqueue_dma source(%dma_start3A_1030 : memref<8x128xf32, #tpu.memory_space<vmem>>) target(%dma_start3A_1027 : memref<8x128xf32, #tpu.memory_space<hbm>>) target_semaphore(%arg18 : memref<!tpu.dma_semaphore, #tpu.memory_space<semaphore_mem>>)
      %add3A_1031 = arith.constant 0 : i32
      %add3A_1032 = arith.addi %mul3A_979, %add3A_1031 : i32
      %mul3A_1033 = arith.constant 8 : i32
      %mul3A_1034 = arith.muli %add3A_1032, %mul3A_1033 : i32
      %add3A_1035 = arith.constant 256 : i32
      %add3A_1036 = arith.addi %add3A_1035, %mul3A_1034 : i32
      %dma_start3A_1037 = arith.constant 8 : i32
      %dma_start3A_1038 = arith.constant 0 : i32
      %dma_start3A_1039 = tpu.memref_slice %arg12[%dma_start3A_1037, %dma_start3A_1038] : memref<128x129xf32, #tpu.memory_space<vmem>> -> memref<8x128xf32, #tpu.memory_space<vmem>>
      %dma_start3A_1040 = arith.constant 0 : i32
      %dma_start3A_1041 = tpu.memref_slice %arg6[%select_n3A_961, %add3A_1036, %dma_start3A_1040] : memref<200x2048x128xf32, #tpu.memory_space<hbm>> -> memref<1x8x128xf32, #tpu.memory_space<hbm>>
      %dma_start3A_1042 = tpu.memref_squeeze %dma_start3A_1041 : memref<1x8x128xf32, #tpu.memory_space<hbm>> -> memref<8x128xf32, #tpu.memory_space<hbm>>
      %dma_start3A_1043 = arith.constant 0 : i32
      %dma_start3A_1044 = tpu.memref_slice %arg6[%select_n3A_961, %add3A_1036, %dma_start3A_1043] : memref<200x2048x128xf32, #tpu.memory_space<hbm>> -> memref<1x8x128xf32, #tpu.memory_space<hbm>>
      %dma_start3A_1045 = tpu.memref_squeeze %dma_start3A_1044 : memref<1x8x128xf32, #tpu.memory_space<hbm>> -> memref<8x128xf32, #tpu.memory_space<hbm>>
      %dma_start3A_1046 = arith.constant 8 : i32
      %dma_start3A_1047 = arith.constant 0 : i32
      %dma_start3A_1048 = tpu.memref_slice %arg12[%dma_start3A_1046, %dma_start3A_1047] : memref<128x129xf32, #tpu.memory_space<vmem>> -> memref<8x128xf32, #tpu.memory_space<vmem>>
      tpu.enqueue_dma source(%dma_start3A_1048 : memref<8x128xf32, #tpu.memory_space<vmem>>) target(%dma_start3A_1045 : memref<8x128xf32, #tpu.memory_space<hbm>>) target_semaphore(%arg18 : memref<!tpu.dma_semaphore, #tpu.memory_space<semaphore_mem>>)
      %add3A_1049 = arith.constant 1 : i32
      %add3A_1050 = arith.addi %mul3A_979, %add3A_1049 : i32
      %mul3A_1051 = arith.constant 8 : i32
      %mul3A_1052 = arith.muli %add3A_1050, %mul3A_1051 : i32
      %add3A_1053 = arith.constant 256 : i32
      %add3A_1054 = arith.addi %add3A_1053, %mul3A_1052 : i32
      %dma_start3A_1055 = arith.constant 72 : i32
      %dma_start3A_1056 = arith.constant 0 : i32
      %dma_start3A_1057 = tpu.memref_slice %arg12[%dma_start3A_1055, %dma_start3A_1056] : memref<128x129xf32, #tpu.memory_space<vmem>> -> memref<8x128xf32, #tpu.memory_space<vmem>>
      %dma_start3A_1058 = arith.constant 0 : i32
      %dma_start3A_1059 = tpu.memref_slice %arg6[%select_n3A_961, %add3A_1054, %dma_start3A_1058] : memref<200x2048x128xf32, #tpu.memory_space<hbm>> -> memref<1x8x128xf32, #tpu.memory_space<hbm>>
      %dma_start3A_1060 = tpu.memref_squeeze %dma_start3A_1059 : memref<1x8x128xf32, #tpu.memory_space<hbm>> -> memref<8x128xf32, #tpu.memory_space<hbm>>
      %dma_start3A_1061 = arith.constant 0 : i32
      %dma_start3A_1062 = tpu.memref_slice %arg6[%select_n3A_961, %add3A_1054, %dma_start3A_1061] : memref<200x2048x128xf32, #tpu.memory_space<hbm>> -> memref<1x8x128xf32, #tpu.memory_space<hbm>>
      %dma_start3A_1063 = tpu.memref_squeeze %dma_start3A_1062 : memref<1x8x128xf32, #tpu.memory_space<hbm>> -> memref<8x128xf32, #tpu.memory_space<hbm>>
      %dma_start3A_1064 = arith.constant 72 : i32
      %dma_start3A_1065 = arith.constant 0 : i32
      %dma_start3A_1066 = tpu.memref_slice %arg12[%dma_start3A_1064, %dma_start3A_1065] : memref<128x129xf32, #tpu.memory_space<vmem>> -> memref<8x128xf32, #tpu.memory_space<vmem>>
      tpu.enqueue_dma source(%dma_start3A_1066 : memref<8x128xf32, #tpu.memory_space<vmem>>) target(%dma_start3A_1063 : memref<8x128xf32, #tpu.memory_space<hbm>>) target_semaphore(%arg18 : memref<!tpu.dma_semaphore, #tpu.memory_space<semaphore_mem>>)
      %add3A_1067 = arith.constant 0 : i32
      %add3A_1068 = arith.addi %mul3A_979, %add3A_1067 : i32
      %mul3A_1069 = arith.constant 8 : i32
      %mul3A_1070 = arith.muli %add3A_1068, %mul3A_1069 : i32
      %add3A_1071 = arith.constant 512 : i32
      %add3A_1072 = arith.addi %add3A_1071, %mul3A_1070 : i32
      %dma_start3A_1073 = arith.constant 16 : i32
      %dma_start3A_1074 = arith.constant 0 : i32
      %dma_start3A_1075 = tpu.memref_slice %arg12[%dma_start3A_1073, %dma_start3A_1074] : memref<128x129xf32, #tpu.memory_space<vmem>> -> memref<8x128xf32, #tpu.memory_space<vmem>>
      %dma_start3A_1076 = arith.constant 0 : i32
      %dma_start3A_1077 = tpu.memref_slice %arg6[%select_n3A_961, %add3A_1072, %dma_start3A_1076] : memref<200x2048x128xf32, #tpu.memory_space<hbm>> -> memref<1x8x128xf32, #tpu.memory_space<hbm>>
      %dma_start3A_1078 = tpu.memref_squeeze %dma_start3A_1077 : memref<1x8x128xf32, #tpu.memory_space<hbm>> -> memref<8x128xf32, #tpu.memory_space<hbm>>
      %dma_start3A_1079 = arith.constant 0 : i32
      %dma_start3A_1080 = tpu.memref_slice %arg6[%select_n3A_961, %add3A_1072, %dma_start3A_1079] : memref<200x2048x128xf32, #tpu.memory_space<hbm>> -> memref<1x8x128xf32, #tpu.memory_space<hbm>>
      %dma_start3A_1081 = tpu.memref_squeeze %dma_start3A_1080 : memref<1x8x128xf32, #tpu.memory_space<hbm>> -> memref<8x128xf32, #tpu.memory_space<hbm>>
      %dma_start3A_1082 = arith.constant 16 : i32
      %dma_start3A_1083 = arith.constant 0 : i32
      %dma_start3A_1084 = tpu.memref_slice %arg12[%dma_start3A_1082, %dma_start3A_1083] : memref<128x129xf32, #tpu.memory_space<vmem>> -> memref<8x128xf32, #tpu.memory_space<vmem>>
      tpu.enqueue_dma source(%dma_start3A_1084 : memref<8x128xf32, #tpu.memory_space<vmem>>) target(%dma_start3A_1081 : memref<8x128xf32, #tpu.memory_space<hbm>>) target_semaphore(%arg18 : memref<!tpu.dma_semaphore, #tpu.memory_space<semaphore_mem>>)
      %add3A_1085 = arith.constant 1 : i32
      %add3A_1086 = arith.addi %mul3A_979, %add3A_1085 : i32
      %mul3A_1087 = arith.constant 8 : i32
      %mul3A_1088 = arith.muli %add3A_1086, %mul3A_1087 : i32
      %add3A_1089 = arith.constant 512 : i32
      %add3A_1090 = arith.addi %add3A_1089, %mul3A_1088 : i32
      %dma_start3A_1091 = arith.constant 80 : i32
      %dma_start3A_1092 = arith.constant 0 : i32
      %dma_start3A_1093 = tpu.memref_slice %arg12[%dma_start3A_1091, %dma_start3A_1092] : memref<128x129xf32, #tpu.memory_space<vmem>> -> memref<8x128xf32, #tpu.memory_space<vmem>>
      %dma_start3A_1094 = arith.constant 0 : i32
      %dma_start3A_1095 = tpu.memref_slice %arg6[%select_n3A_961, %add3A_1090, %dma_start3A_1094] : memref<200x2048x128xf32, #tpu.memory_space<hbm>> -> memref<1x8x128xf32, #tpu.memory_space<hbm>>
      %dma_start3A_1096 = tpu.memref_squeeze %dma_start3A_1095 : memref<1x8x128xf32, #tpu.memory_space<hbm>> -> memref<8x128xf32, #tpu.memory_space<hbm>>
      %dma_start3A_1097 = arith.constant 0 : i32
      %dma_start3A_1098 = tpu.memref_slice %arg6[%select_n3A_961, %add3A_1090, %dma_start3A_1097] : memref<200x2048x128xf32, #tpu.memory_space<hbm>> -> memref<1x8x128xf32, #tpu.memory_space<hbm>>
      %dma_start3A_1099 = tpu.memref_squeeze %dma_start3A_1098 : memref<1x8x128xf32, #tpu.memory_space<hbm>> -> memref<8x128xf32, #tpu.memory_space<hbm>>
      %dma_start3A_1100 = arith.constant 80 : i32
      %dma_start3A_1101 = arith.constant 0 : i32
      %dma_start3A_1102 = tpu.memref_slice %arg12[%dma_start3A_1100, %dma_start3A_1101] : memref<128x129xf32, #tpu.memory_space<vmem>> -> memref<8x128xf32, #tpu.memory_space<vmem>>
      tpu.enqueue_dma source(%dma_start3A_1102 : memref<8x128xf32, #tpu.memory_space<vmem>>) target(%dma_start3A_1099 : memref<8x128xf32, #tpu.memory_space<hbm>>) target_semaphore(%arg18 : memref<!tpu.dma_semaphore, #tpu.memory_space<semaphore_mem>>)
      %add3A_1103 = arith.constant 0 : i32
      %add3A_1104 = arith.addi %mul3A_979, %add3A_1103 : i32
      %mul3A_1105 = arith.constant 8 : i32
      %mul3A_1106 = arith.muli %add3A_1104, %mul3A_1105 : i32
      %add3A_1107 = arith.constant 768 : i32
      %add3A_1108 = arith.addi %add3A_1107, %mul3A_1106 : i32
      %dma_start3A_1109 = arith.constant 24 : i32
      %dma_start3A_1110 = arith.constant 0 : i32
      %dma_start3A_1111 = tpu.memref_slice %arg12[%dma_start3A_1109, %dma_start3A_1110] : memref<128x129xf32, #tpu.memory_space<vmem>> -> memref<8x128xf32, #tpu.memory_space<vmem>>
      %dma_start3A_1112 = arith.constant 0 : i32
      %dma_start3A_1113 = tpu.memref_slice %arg6[%select_n3A_961, %add3A_1108, %dma_start3A_1112] : memref<200x2048x128xf32, #tpu.memory_space<hbm>> -> memref<1x8x128xf32, #tpu.memory_space<hbm>>
      %dma_start3A_1114 = tpu.memref_squeeze %dma_start3A_1113 : memref<1x8x128xf32, #tpu.memory_space<hbm>> -> memref<8x128xf32, #tpu.memory_space<hbm>>
      %dma_start3A_1115 = arith.constant 0 : i32
      %dma_start3A_1116 = tpu.memref_slice %arg6[%select_n3A_961, %add3A_1108, %dma_start3A_1115] : memref<200x2048x128xf32, #tpu.memory_space<hbm>> -> memref<1x8x128xf32, #tpu.memory_space<hbm>>
      %dma_start3A_1117 = tpu.memref_squeeze %dma_start3A_1116 : memref<1x8x128xf32, #tpu.memory_space<hbm>> -> memref<8x128xf32, #tpu.memory_space<hbm>>
      %dma_start3A_1118 = arith.constant 24 : i32
      %dma_start3A_1119 = arith.constant 0 : i32
      %dma_start3A_1120 = tpu.memref_slice %arg12[%dma_start3A_1118, %dma_start3A_1119] : memref<128x129xf32, #tpu.memory_space<vmem>> -> memref<8x128xf32, #tpu.memory_space<vmem>>
      tpu.enqueue_dma source(%dma_start3A_1120 : memref<8x128xf32, #tpu.memory_space<vmem>>) target(%dma_start3A_1117 : memref<8x128xf32, #tpu.memory_space<hbm>>) target_semaphore(%arg18 : memref<!tpu.dma_semaphore, #tpu.memory_space<semaphore_mem>>)
      %add3A_1121 = arith.constant 1 : i32
      %add3A_1122 = arith.addi %mul3A_979, %add3A_1121 : i32
      %mul3A_1123 = arith.constant 8 : i32
      %mul3A_1124 = arith.muli %add3A_1122, %mul3A_1123 : i32
      %add3A_1125 = arith.constant 768 : i32
      %add3A_1126 = arith.addi %add3A_1125, %mul3A_1124 : i32
      %dma_start3A_1127 = arith.constant 88 : i32
      %dma_start3A_1128 = arith.constant 0 : i32
      %dma_start3A_1129 = tpu.memref_slice %arg12[%dma_start3A_1127, %dma_start3A_1128] : memref<128x129xf32, #tpu.memory_space<vmem>> -> memref<8x128xf32, #tpu.memory_space<vmem>>
      %dma_start3A_1130 = arith.constant 0 : i32
      %dma_start3A_1131 = tpu.memref_slice %arg6[%select_n3A_961, %add3A_1126, %dma_start3A_1130] : memref<200x2048x128xf32, #tpu.memory_space<hbm>> -> memref<1x8x128xf32, #tpu.memory_space<hbm>>
      %dma_start3A_1132 = tpu.memref_squeeze %dma_start3A_1131 : memref<1x8x128xf32, #tpu.memory_space<hbm>> -> memref<8x128xf32, #tpu.memory_space<hbm>>
      %dma_start3A_1133 = arith.constant 0 : i32
      %dma_start3A_1134 = tpu.memref_slice %arg6[%select_n3A_961, %add3A_1126, %dma_start3A_1133] : memref<200x2048x128xf32, #tpu.memory_space<hbm>> -> memref<1x8x128xf32, #tpu.memory_space<hbm>>
      %dma_start3A_1135 = tpu.memref_squeeze %dma_start3A_1134 : memref<1x8x128xf32, #tpu.memory_space<hbm>> -> memref<8x128xf32, #tpu.memory_space<hbm>>
      %dma_start3A_1136 = arith.constant 88 : i32
      %dma_start3A_1137 = arith.constant 0 : i32
      %dma_start3A_1138 = tpu.memref_slice %arg12[%dma_start3A_1136, %dma_start3A_1137] : memref<128x129xf32, #tpu.memory_space<vmem>> -> memref<8x128xf32, #tpu.memory_space<vmem>>
      tpu.enqueue_dma source(%dma_start3A_1138 : memref<8x128xf32, #tpu.memory_space<vmem>>) target(%dma_start3A_1135 : memref<8x128xf32, #tpu.memory_space<hbm>>) target_semaphore(%arg18 : memref<!tpu.dma_semaphore, #tpu.memory_space<semaphore_mem>>)
      %add3A_1139 = arith.constant 0 : i32
      %add3A_1140 = arith.addi %mul3A_979, %add3A_1139 : i32
      %mul3A_1141 = arith.constant 8 : i32
      %mul3A_1142 = arith.muli %add3A_1140, %mul3A_1141 : i32
      %add3A_1143 = arith.constant 1024 : i32
      %add3A_1144 = arith.addi %add3A_1143, %mul3A_1142 : i32
      %dma_start3A_1145 = arith.constant 32 : i32
      %dma_start3A_1146 = arith.constant 0 : i32
      %dma_start3A_1147 = tpu.memref_slice %arg12[%dma_start3A_1145, %dma_start3A_1146] : memref<128x129xf32, #tpu.memory_space<vmem>> -> memref<8x128xf32, #tpu.memory_space<vmem>>
      %dma_start3A_1148 = arith.constant 0 : i32
      %dma_start3A_1149 = tpu.memref_slice %arg6[%select_n3A_961, %add3A_1144, %dma_start3A_1148] : memref<200x2048x128xf32, #tpu.memory_space<hbm>> -> memref<1x8x128xf32, #tpu.memory_space<hbm>>
      %dma_start3A_1150 = tpu.memref_squeeze %dma_start3A_1149 : memref<1x8x128xf32, #tpu.memory_space<hbm>> -> memref<8x128xf32, #tpu.memory_space<hbm>>
      %dma_start3A_1151 = arith.constant 0 : i32
      %dma_start3A_1152 = tpu.memref_slice %arg6[%select_n3A_961, %add3A_1144, %dma_start3A_1151] : memref<200x2048x128xf32, #tpu.memory_space<hbm>> -> memref<1x8x128xf32, #tpu.memory_space<hbm>>
      %dma_start3A_1153 = tpu.memref_squeeze %dma_start3A_1152 : memref<1x8x128xf32, #tpu.memory_space<hbm>> -> memref<8x128xf32, #tpu.memory_space<hbm>>
      %dma_start3A_1154 = arith.constant 32 : i32
      %dma_start3A_1155 = arith.constant 0 : i32
      %dma_start3A_1156 = tpu.memref_slice %arg12[%dma_start3A_1154, %dma_start3A_1155] : memref<128x129xf32, #tpu.memory_space<vmem>> -> memref<8x128xf32, #tpu.memory_space<vmem>>
      tpu.enqueue_dma source(%dma_start3A_1156 : memref<8x128xf32, #tpu.memory_space<vmem>>) target(%dma_start3A_1153 : memref<8x128xf32, #tpu.memory_space<hbm>>) target_semaphore(%arg18 : memref<!tpu.dma_semaphore, #tpu.memory_space<semaphore_mem>>)
      %add3A_1157 = arith.constant 1 : i32
      %add3A_1158 = arith.addi %mul3A_979, %add3A_1157 : i32
      %mul3A_1159 = arith.constant 8 : i32
      %mul3A_1160 = arith.muli %add3A_1158, %mul3A_1159 : i32
      %add3A_1161 = arith.constant 1024 : i32
      %add3A_1162 = arith.addi %add3A_1161, %mul3A_1160 : i32
      %dma_start3A_1163 = arith.constant 96 : i32
      %dma_start3A_1164 = arith.constant 0 : i32
      %dma_start3A_1165 = tpu.memref_slice %arg12[%dma_start3A_1163, %dma_start3A_1164] : memref<128x129xf32, #tpu.memory_space<vmem>> -> memref<8x128xf32, #tpu.memory_space<vmem>>
      %dma_start3A_1166 = arith.constant 0 : i32
      %dma_start3A_1167 = tpu.memref_slice %arg6[%select_n3A_961, %add3A_1162, %dma_start3A_1166] : memref<200x2048x128xf32, #tpu.memory_space<hbm>> -> memref<1x8x128xf32, #tpu.memory_space<hbm>>
      %dma_start3A_1168 = tpu.memref_squeeze %dma_start3A_1167 : memref<1x8x128xf32, #tpu.memory_space<hbm>> -> memref<8x128xf32, #tpu.memory_space<hbm>>
      %dma_start3A_1169 = arith.constant 0 : i32
      %dma_start3A_1170 = tpu.memref_slice %arg6[%select_n3A_961, %add3A_1162, %dma_start3A_1169] : memref<200x2048x128xf32, #tpu.memory_space<hbm>> -> memref<1x8x128xf32, #tpu.memory_space<hbm>>
      %dma_start3A_1171 = tpu.memref_squeeze %dma_start3A_1170 : memref<1x8x128xf32, #tpu.memory_space<hbm>> -> memref<8x128xf32, #tpu.memory_space<hbm>>
      %dma_start3A_1172 = arith.constant 96 : i32
      %dma_start3A_1173 = arith.constant 0 : i32
      %dma_start3A_1174 = tpu.memref_slice %arg12[%dma_start3A_1172, %dma_start3A_1173] : memref<128x129xf32, #tpu.memory_space<vmem>> -> memref<8x128xf32, #tpu.memory_space<vmem>>
      tpu.enqueue_dma source(%dma_start3A_1174 : memref<8x128xf32, #tpu.memory_space<vmem>>) target(%dma_start3A_1171 : memref<8x128xf32, #tpu.memory_space<hbm>>) target_semaphore(%arg18 : memref<!tpu.dma_semaphore, #tpu.memory_space<semaphore_mem>>)
      %add3A_1175 = arith.constant 0 : i32
      %add3A_1176 = arith.addi %mul3A_979, %add3A_1175 : i32
      %mul3A_1177 = arith.constant 8 : i32
      %mul3A_1178 = arith.muli %add3A_1176, %mul3A_1177 : i32
      %add3A_1179 = arith.constant 1280 : i32
      %add3A_1180 = arith.addi %add3A_1179, %mul3A_1178 : i32
      %dma_start3A_1181 = arith.constant 40 : i32
      %dma_start3A_1182 = arith.constant 0 : i32
      %dma_start3A_1183 = tpu.memref_slice %arg12[%dma_start3A_1181, %dma_start3A_1182] : memref<128x129xf32, #tpu.memory_space<vmem>> -> memref<8x128xf32, #tpu.memory_space<vmem>>
      %dma_start3A_1184 = arith.constant 0 : i32
      %dma_start3A_1185 = tpu.memref_slice %arg6[%select_n3A_961, %add3A_1180, %dma_start3A_1184] : memref<200x2048x128xf32, #tpu.memory_space<hbm>> -> memref<1x8x128xf32, #tpu.memory_space<hbm>>
      %dma_start3A_1186 = tpu.memref_squeeze %dma_start3A_1185 : memref<1x8x128xf32, #tpu.memory_space<hbm>> -> memref<8x128xf32, #tpu.memory_space<hbm>>
      %dma_start3A_1187 = arith.constant 0 : i32
      %dma_start3A_1188 = tpu.memref_slice %arg6[%select_n3A_961, %add3A_1180, %dma_start3A_1187] : memref<200x2048x128xf32, #tpu.memory_space<hbm>> -> memref<1x8x128xf32, #tpu.memory_space<hbm>>
      %dma_start3A_1189 = tpu.memref_squeeze %dma_start3A_1188 : memref<1x8x128xf32, #tpu.memory_space<hbm>> -> memref<8x128xf32, #tpu.memory_space<hbm>>
      %dma_start3A_1190 = arith.constant 40 : i32
      %dma_start3A_1191 = arith.constant 0 : i32
      %dma_start3A_1192 = tpu.memref_slice %arg12[%dma_start3A_1190, %dma_start3A_1191] : memref<128x129xf32, #tpu.memory_space<vmem>> -> memref<8x128xf32, #tpu.memory_space<vmem>>
      tpu.enqueue_dma source(%dma_start3A_1192 : memref<8x128xf32, #tpu.memory_space<vmem>>) target(%dma_start3A_1189 : memref<8x128xf32, #tpu.memory_space<hbm>>) target_semaphore(%arg18 : memref<!tpu.dma_semaphore, #tpu.memory_space<semaphore_mem>>)
      %add3A_1193 = arith.constant 1 : i32
      %add3A_1194 = arith.addi %mul3A_979, %add3A_1193 : i32
      %mul3A_1195 = arith.constant 8 : i32
      %mul3A_1196 = arith.muli %add3A_1194, %mul3A_1195 : i32
      %add3A_1197 = arith.constant 1280 : i32
      %add3A_1198 = arith.addi %add3A_1197, %mul3A_1196 : i32
      %dma_start3A_1199 = arith.constant 104 : i32
      %dma_start3A_1200 = arith.constant 0 : i32
      %dma_start3A_1201 = tpu.memref_slice %arg12[%dma_start3A_1199, %dma_start3A_1200] : memref<128x129xf32, #tpu.memory_space<vmem>> -> memref<8x128xf32, #tpu.memory_space<vmem>>
      %dma_start3A_1202 = arith.constant 0 : i32
      %dma_start3A_1203 = tpu.memref_slice %arg6[%select_n3A_961, %add3A_1198, %dma_start3A_1202] : memref<200x2048x128xf32, #tpu.memory_space<hbm>> -> memref<1x8x128xf32, #tpu.memory_space<hbm>>
      %dma_start3A_1204 = tpu.memref_squeeze %dma_start3A_1203 : memref<1x8x128xf32, #tpu.memory_space<hbm>> -> memref<8x128xf32, #tpu.memory_space<hbm>>
      %dma_start3A_1205 = arith.constant 0 : i32
      %dma_start3A_1206 = tpu.memref_slice %arg6[%select_n3A_961, %add3A_1198, %dma_start3A_1205] : memref<200x2048x128xf32, #tpu.memory_space<hbm>> -> memref<1x8x128xf32, #tpu.memory_space<hbm>>
      %dma_start3A_1207 = tpu.memref_squeeze %dma_start3A_1206 : memref<1x8x128xf32, #tpu.memory_space<hbm>> -> memref<8x128xf32, #tpu.memory_space<hbm>>
      %dma_start3A_1208 = arith.constant 104 : i32
      %dma_start3A_1209 = arith.constant 0 : i32
      %dma_start3A_1210 = tpu.memref_slice %arg12[%dma_start3A_1208, %dma_start3A_1209] : memref<128x129xf32, #tpu.memory_space<vmem>> -> memref<8x128xf32, #tpu.memory_space<vmem>>
      tpu.enqueue_dma source(%dma_start3A_1210 : memref<8x128xf32, #tpu.memory_space<vmem>>) target(%dma_start3A_1207 : memref<8x128xf32, #tpu.memory_space<hbm>>) target_semaphore(%arg18 : memref<!tpu.dma_semaphore, #tpu.memory_space<semaphore_mem>>)
      %add3A_1211 = arith.constant 0 : i32
      %add3A_1212 = arith.addi %mul3A_979, %add3A_1211 : i32
      %mul3A_1213 = arith.constant 8 : i32
      %mul3A_1214 = arith.muli %add3A_1212, %mul3A_1213 : i32
      %add3A_1215 = arith.constant 1536 : i32
      %add3A_1216 = arith.addi %add3A_1215, %mul3A_1214 : i32
      %dma_start3A_1217 = arith.constant 48 : i32
      %dma_start3A_1218 = arith.constant 0 : i32
      %dma_start3A_1219 = tpu.memref_slice %arg12[%dma_start3A_1217, %dma_start3A_1218] : memref<128x129xf32, #tpu.memory_space<vmem>> -> memref<8x128xf32, #tpu.memory_space<vmem>>
      %dma_start3A_1220 = arith.constant 0 : i32
      %dma_start3A_1221 = tpu.memref_slice %arg6[%select_n3A_961, %add3A_1216, %dma_start3A_1220] : memref<200x2048x128xf32, #tpu.memory_space<hbm>> -> memref<1x8x128xf32, #tpu.memory_space<hbm>>
      %dma_start3A_1222 = tpu.memref_squeeze %dma_start3A_1221 : memref<1x8x128xf32, #tpu.memory_space<hbm>> -> memref<8x128xf32, #tpu.memory_space<hbm>>
      %dma_start3A_1223 = arith.constant 0 : i32
      %dma_start3A_1224 = tpu.memref_slice %arg6[%select_n3A_961, %add3A_1216, %dma_start3A_1223] : memref<200x2048x128xf32, #tpu.memory_space<hbm>> -> memref<1x8x128xf32, #tpu.memory_space<hbm>>
      %dma_start3A_1225 = tpu.memref_squeeze %dma_start3A_1224 : memref<1x8x128xf32, #tpu.memory_space<hbm>> -> memref<8x128xf32, #tpu.memory_space<hbm>>
      %dma_start3A_1226 = arith.constant 48 : i32
      %dma_start3A_1227 = arith.constant 0 : i32
      %dma_start3A_1228 = tpu.memref_slice %arg12[%dma_start3A_1226, %dma_start3A_1227] : memref<128x129xf32, #tpu.memory_space<vmem>> -> memref<8x128xf32, #tpu.memory_space<vmem>>
      tpu.enqueue_dma source(%dma_start3A_1228 : memref<8x128xf32, #tpu.memory_space<vmem>>) target(%dma_start3A_1225 : memref<8x128xf32, #tpu.memory_space<hbm>>) target_semaphore(%arg18 : memref<!tpu.dma_semaphore, #tpu.memory_space<semaphore_mem>>)
      %add3A_1229 = arith.constant 1 : i32
      %add3A_1230 = arith.addi %mul3A_979, %add3A_1229 : i32
      %mul3A_1231 = arith.constant 8 : i32
      %mul3A_1232 = arith.muli %add3A_1230, %mul3A_1231 : i32
      %add3A_1233 = arith.constant 1536 : i32
      %add3A_1234 = arith.addi %add3A_1233, %mul3A_1232 : i32
      %dma_start3A_1235 = arith.constant 112 : i32
      %dma_start3A_1236 = arith.constant 0 : i32
      %dma_start3A_1237 = tpu.memref_slice %arg12[%dma_start3A_1235, %dma_start3A_1236] : memref<128x129xf32, #tpu.memory_space<vmem>> -> memref<8x128xf32, #tpu.memory_space<vmem>>
      %dma_start3A_1238 = arith.constant 0 : i32
      %dma_start3A_1239 = tpu.memref_slice %arg6[%select_n3A_961, %add3A_1234, %dma_start3A_1238] : memref<200x2048x128xf32, #tpu.memory_space<hbm>> -> memref<1x8x128xf32, #tpu.memory_space<hbm>>
      %dma_start3A_1240 = tpu.memref_squeeze %dma_start3A_1239 : memref<1x8x128xf32, #tpu.memory_space<hbm>> -> memref<8x128xf32, #tpu.memory_space<hbm>>
      %dma_start3A_1241 = arith.constant 0 : i32
      %dma_start3A_1242 = tpu.memref_slice %arg6[%select_n3A_961, %add3A_1234, %dma_start3A_1241] : memref<200x2048x128xf32, #tpu.memory_space<hbm>> -> memref<1x8x128xf32, #tpu.memory_space<hbm>>
      %dma_start3A_1243 = tpu.memref_squeeze %dma_start3A_1242 : memref<1x8x128xf32, #tpu.memory_space<hbm>> -> memref<8x128xf32, #tpu.memory_space<hbm>>
      %dma_start3A_1244 = arith.constant 112 : i32
      %dma_start3A_1245 = arith.constant 0 : i32
      %dma_start3A_1246 = tpu.memref_slice %arg12[%dma_start3A_1244, %dma_start3A_1245] : memref<128x129xf32, #tpu.memory_space<vmem>> -> memref<8x128xf32, #tpu.memory_space<vmem>>
      tpu.enqueue_dma source(%dma_start3A_1246 : memref<8x128xf32, #tpu.memory_space<vmem>>) target(%dma_start3A_1243 : memref<8x128xf32, #tpu.memory_space<hbm>>) target_semaphore(%arg18 : memref<!tpu.dma_semaphore, #tpu.memory_space<semaphore_mem>>)
      %add3A_1247 = arith.constant 0 : i32
      %add3A_1248 = arith.addi %mul3A_979, %add3A_1247 : i32
      %mul3A_1249 = arith.constant 8 : i32
      %mul3A_1250 = arith.muli %add3A_1248, %mul3A_1249 : i32
      %add3A_1251 = arith.constant 1792 : i32
      %add3A_1252 = arith.addi %add3A_1251, %mul3A_1250 : i32
      %dma_start3A_1253 = arith.constant 56 : i32
      %dma_start3A_1254 = arith.constant 0 : i32
      %dma_start3A_1255 = tpu.memref_slice %arg12[%dma_start3A_1253, %dma_start3A_1254] : memref<128x129xf32, #tpu.memory_space<vmem>> -> memref<8x128xf32, #tpu.memory_space<vmem>>
      %dma_start3A_1256 = arith.constant 0 : i32
      %dma_start3A_1257 = tpu.memref_slice %arg6[%select_n3A_961, %add3A_1252, %dma_start3A_1256] : memref<200x2048x128xf32, #tpu.memory_space<hbm>> -> memref<1x8x128xf32, #tpu.memory_space<hbm>>
      %dma_start3A_1258 = tpu.memref_squeeze %dma_start3A_1257 : memref<1x8x128xf32, #tpu.memory_space<hbm>> -> memref<8x128xf32, #tpu.memory_space<hbm>>
      %dma_start3A_1259 = arith.constant 0 : i32
      %dma_start3A_1260 = tpu.memref_slice %arg6[%select_n3A_961, %add3A_1252, %dma_start3A_1259] : memref<200x2048x128xf32, #tpu.memory_space<hbm>> -> memref<1x8x128xf32, #tpu.memory_space<hbm>>
      %dma_start3A_1261 = tpu.memref_squeeze %dma_start3A_1260 : memref<1x8x128xf32, #tpu.memory_space<hbm>> -> memref<8x128xf32, #tpu.memory_space<hbm>>
      %dma_start3A_1262 = arith.constant 56 : i32
      %dma_start3A_1263 = arith.constant 0 : i32
      %dma_start3A_1264 = tpu.memref_slice %arg12[%dma_start3A_1262, %dma_start3A_1263] : memref<128x129xf32, #tpu.memory_space<vmem>> -> memref<8x128xf32, #tpu.memory_space<vmem>>
      tpu.enqueue_dma source(%dma_start3A_1264 : memref<8x128xf32, #tpu.memory_space<vmem>>) target(%dma_start3A_1261 : memref<8x128xf32, #tpu.memory_space<hbm>>) target_semaphore(%arg18 : memref<!tpu.dma_semaphore, #tpu.memory_space<semaphore_mem>>)
      %add3A_1265 = arith.constant 1 : i32
      %add3A_1266 = arith.addi %mul3A_979, %add3A_1265 : i32
      %mul3A_1267 = arith.constant 8 : i32
      %mul3A_1268 = arith.muli %add3A_1266, %mul3A_1267 : i32
      %add3A_1269 = arith.constant 1792 : i32
      %add3A_1270 = arith.addi %add3A_1269, %mul3A_1268 : i32
      %dma_start3A_1271 = arith.constant 120 : i32
      %dma_start3A_1272 = arith.constant 0 : i32
      %dma_start3A_1273 = tpu.memref_slice %arg12[%dma_start3A_1271, %dma_start3A_1272] : memref<128x129xf32, #tpu.memory_space<vmem>> -> memref<8x128xf32, #tpu.memory_space<vmem>>
      %dma_start3A_1274 = arith.constant 0 : i32
      %dma_start3A_1275 = tpu.memref_slice %arg6[%select_n3A_961, %add3A_1270, %dma_start3A_1274] : memref<200x2048x128xf32, #tpu.memory_space<hbm>> -> memref<1x8x128xf32, #tpu.memory_space<hbm>>
      %dma_start3A_1276 = tpu.memref_squeeze %dma_start3A_1275 : memref<1x8x128xf32, #tpu.memory_space<hbm>> -> memref<8x128xf32, #tpu.memory_space<hbm>>
      %dma_start3A_1277 = arith.constant 0 : i32
      %dma_start3A_1278 = tpu.memref_slice %arg6[%select_n3A_961, %add3A_1270, %dma_start3A_1277] : memref<200x2048x128xf32, #tpu.memory_space<hbm>> -> memref<1x8x128xf32, #tpu.memory_space<hbm>>
      %dma_start3A_1279 = tpu.memref_squeeze %dma_start3A_1278 : memref<1x8x128xf32, #tpu.memory_space<hbm>> -> memref<8x128xf32, #tpu.memory_space<hbm>>
      %dma_start3A_1280 = arith.constant 120 : i32
      %dma_start3A_1281 = arith.constant 0 : i32
      %dma_start3A_1282 = tpu.memref_slice %arg12[%dma_start3A_1280, %dma_start3A_1281] : memref<128x129xf32, #tpu.memory_space<vmem>> -> memref<8x128xf32, #tpu.memory_space<vmem>>
      tpu.enqueue_dma source(%dma_start3A_1282 : memref<8x128xf32, #tpu.memory_space<vmem>>) target(%dma_start3A_1279 : memref<8x128xf32, #tpu.memory_space<hbm>>) target_semaphore(%arg18 : memref<!tpu.dma_semaphore, #tpu.memory_space<semaphore_mem>>)
    }
    %scan3A_74 = arith.constant 50 : i32
    %dma_wait3A = arith.constant 0 : i32
    %dma_wait3A_75 = arith.constant 0 : i32
    %dma_wait3A_76 = arith.constant 0 : i32
    %dma_wait3A_77 = tpu.memref_slice %arg11[%dma_wait3A_75, %dma_wait3A_76] : memref<128x129xf32, #tpu.memory_space<vmem>> -> memref<8x128xf32, #tpu.memory_space<vmem>>
    %dma_wait3A_78 = arith.constant 0 : i32
    %dma_wait3A_79 = arith.constant 0 : i32
    %dma_wait3A_80 = tpu.memref_slice %arg6[%dma_wait3A, %dma_wait3A_78, %dma_wait3A_79] : memref<200x2048x128xf32, #tpu.memory_space<hbm>> -> memref<1x8x128xf32, #tpu.memory_space<hbm>>
    %dma_wait3A_81 = tpu.memref_squeeze %dma_wait3A_80 : memref<1x8x128xf32, #tpu.memory_space<hbm>> -> memref<8x128xf32, #tpu.memory_space<hbm>>
    %dma_wait3A_82 = arith.constant 0 : i32
    %dma_wait3A_83 = arith.constant 0 : i32
    %dma_wait3A_84 = tpu.memref_slice %arg6[%dma_wait3A, %dma_wait3A_82, %dma_wait3A_83] : memref<200x2048x128xf32, #tpu.memory_space<hbm>> -> memref<1x8x128xf32, #tpu.memory_space<hbm>>
    %dma_wait3A_85 = tpu.memref_squeeze %dma_wait3A_84 : memref<1x8x128xf32, #tpu.memory_space<hbm>> -> memref<8x128xf32, #tpu.memory_space<hbm>>
    %dma_wait3A_86 = arith.constant 0 : i32
    %dma_wait3A_87 = arith.constant 0 : i32
    %dma_wait3A_88 = tpu.memref_slice %arg11[%dma_wait3A_86, %dma_wait3A_87] : memref<128x129xf32, #tpu.memory_space<vmem>> -> memref<8x128xf32, #tpu.memory_space<vmem>>
    tpu.wait_dma2 semaphore(%arg17 : memref<!tpu.dma_semaphore, #tpu.memory_space<semaphore_mem>>) src(%dma_wait3A_88 : memref<8x128xf32, #tpu.memory_space<vmem>>) dst(%dma_wait3A_85 : memref<8x128xf32, #tpu.memory_space<hbm>>)
    %dma_wait3A_89 = arith.constant 0 : i32
    %dma_wait3A_90 = arith.constant 64 : i32
    %dma_wait3A_91 = arith.constant 0 : i32
    %dma_wait3A_92 = tpu.memref_slice %arg11[%dma_wait3A_90, %dma_wait3A_91] : memref<128x129xf32, #tpu.memory_space<vmem>> -> memref<8x128xf32, #tpu.memory_space<vmem>>
    %dma_wait3A_93 = arith.constant 8 : i32
    %dma_wait3A_94 = arith.constant 0 : i32
    %dma_wait3A_95 = tpu.memref_slice %arg6[%dma_wait3A_89, %dma_wait3A_93, %dma_wait3A_94] : memref<200x2048x128xf32, #tpu.memory_space<hbm>> -> memref<1x8x128xf32, #tpu.memory_space<hbm>>
    %dma_wait3A_96 = tpu.memref_squeeze %dma_wait3A_95 : memref<1x8x128xf32, #tpu.memory_space<hbm>> -> memref<8x128xf32, #tpu.memory_space<hbm>>
    %dma_wait3A_97 = arith.constant 8 : i32
    %dma_wait3A_98 = arith.constant 0 : i32
    %dma_wait3A_99 = tpu.memref_slice %arg6[%dma_wait3A_89, %dma_wait3A_97, %dma_wait3A_98] : memref<200x2048x128xf32, #tpu.memory_space<hbm>> -> memref<1x8x128xf32, #tpu.memory_space<hbm>>
    %dma_wait3A_100 = tpu.memref_squeeze %dma_wait3A_99 : memref<1x8x128xf32, #tpu.memory_space<hbm>> -> memref<8x128xf32, #tpu.memory_space<hbm>>
    %dma_wait3A_101 = arith.constant 64 : i32
    %dma_wait3A_102 = arith.constant 0 : i32
    %dma_wait3A_103 = tpu.memref_slice %arg11[%dma_wait3A_101, %dma_wait3A_102] : memref<128x129xf32, #tpu.memory_space<vmem>> -> memref<8x128xf32, #tpu.memory_space<vmem>>
    tpu.wait_dma2 semaphore(%arg17 : memref<!tpu.dma_semaphore, #tpu.memory_space<semaphore_mem>>) src(%dma_wait3A_103 : memref<8x128xf32, #tpu.memory_space<vmem>>) dst(%dma_wait3A_100 : memref<8x128xf32, #tpu.memory_space<hbm>>)
    %dma_wait3A_104 = arith.constant 0 : i32
    %dma_wait3A_105 = arith.constant 8 : i32
    %dma_wait3A_106 = arith.constant 0 : i32
    %dma_wait3A_107 = tpu.memref_slice %arg11[%dma_wait3A_105, %dma_wait3A_106] : memref<128x129xf32, #tpu.memory_space<vmem>> -> memref<8x128xf32, #tpu.memory_space<vmem>>
    %dma_wait3A_108 = arith.constant 256 : i32
    %dma_wait3A_109 = arith.constant 0 : i32
    %dma_wait3A_110 = tpu.memref_slice %arg6[%dma_wait3A_104, %dma_wait3A_108, %dma_wait3A_109] : memref<200x2048x128xf32, #tpu.memory_space<hbm>> -> memref<1x8x128xf32, #tpu.memory_space<hbm>>
    %dma_wait3A_111 = tpu.memref_squeeze %dma_wait3A_110 : memref<1x8x128xf32, #tpu.memory_space<hbm>> -> memref<8x128xf32, #tpu.memory_space<hbm>>
    %dma_wait3A_112 = arith.constant 256 : i32
    %dma_wait3A_113 = arith.constant 0 : i32
    %dma_wait3A_114 = tpu.memref_slice %arg6[%dma_wait3A_104, %dma_wait3A_112, %dma_wait3A_113] : memref<200x2048x128xf32, #tpu.memory_space<hbm>> -> memref<1x8x128xf32, #tpu.memory_space<hbm>>
    %dma_wait3A_115 = tpu.memref_squeeze %dma_wait3A_114 : memref<1x8x128xf32, #tpu.memory_space<hbm>> -> memref<8x128xf32, #tpu.memory_space<hbm>>
    %dma_wait3A_116 = arith.constant 8 : i32
    %dma_wait3A_117 = arith.constant 0 : i32
    %dma_wait3A_118 = tpu.memref_slice %arg11[%dma_wait3A_116, %dma_wait3A_117] : memref<128x129xf32, #tpu.memory_space<vmem>> -> memref<8x128xf32, #tpu.memory_space<vmem>>
    tpu.wait_dma2 semaphore(%arg17 : memref<!tpu.dma_semaphore, #tpu.memory_space<semaphore_mem>>) src(%dma_wait3A_118 : memref<8x128xf32, #tpu.memory_space<vmem>>) dst(%dma_wait3A_115 : memref<8x128xf32, #tpu.memory_space<hbm>>)
    %dma_wait3A_119 = arith.constant 0 : i32
    %dma_wait3A_120 = arith.constant 72 : i32
    %dma_wait3A_121 = arith.constant 0 : i32
    %dma_wait3A_122 = tpu.memref_slice %arg11[%dma_wait3A_120, %dma_wait3A_121] : memref<128x129xf32, #tpu.memory_space<vmem>> -> memref<8x128xf32, #tpu.memory_space<vmem>>
    %dma_wait3A_123 = arith.constant 264 : i32
    %dma_wait3A_124 = arith.constant 0 : i32
    %dma_wait3A_125 = tpu.memref_slice %arg6[%dma_wait3A_119, %dma_wait3A_123, %dma_wait3A_124] : memref<200x2048x128xf32, #tpu.memory_space<hbm>> -> memref<1x8x128xf32, #tpu.memory_space<hbm>>
    %dma_wait3A_126 = tpu.memref_squeeze %dma_wait3A_125 : memref<1x8x128xf32, #tpu.memory_space<hbm>> -> memref<8x128xf32, #tpu.memory_space<hbm>>
    %dma_wait3A_127 = arith.constant 264 : i32
    %dma_wait3A_128 = arith.constant 0 : i32
    %dma_wait3A_129 = tpu.memref_slice %arg6[%dma_wait3A_119, %dma_wait3A_127, %dma_wait3A_128] : memref<200x2048x128xf32, #tpu.memory_space<hbm>> -> memref<1x8x128xf32, #tpu.memory_space<hbm>>
    %dma_wait3A_130 = tpu.memref_squeeze %dma_wait3A_129 : memref<1x8x128xf32, #tpu.memory_space<hbm>> -> memref<8x128xf32, #tpu.memory_space<hbm>>
    %dma_wait3A_131 = arith.constant 72 : i32
    %dma_wait3A_132 = arith.constant 0 : i32
    %dma_wait3A_133 = tpu.memref_slice %arg11[%dma_wait3A_131, %dma_wait3A_132] : memref<128x129xf32, #tpu.memory_space<vmem>> -> memref<8x128xf32, #tpu.memory_space<vmem>>
    tpu.wait_dma2 semaphore(%arg17 : memref<!tpu.dma_semaphore, #tpu.memory_space<semaphore_mem>>) src(%dma_wait3A_133 : memref<8x128xf32, #tpu.memory_space<vmem>>) dst(%dma_wait3A_130 : memref<8x128xf32, #tpu.memory_space<hbm>>)
    %dma_wait3A_134 = arith.constant 0 : i32
    %dma_wait3A_135 = arith.constant 16 : i32
    %dma_wait3A_136 = arith.constant 0 : i32
    %dma_wait3A_137 = tpu.memref_slice %arg11[%dma_wait3A_135, %dma_wait3A_136] : memref<128x129xf32, #tpu.memory_space<vmem>> -> memref<8x128xf32, #tpu.memory_space<vmem>>
    %dma_wait3A_138 = arith.constant 512 : i32
    %dma_wait3A_139 = arith.constant 0 : i32
    %dma_wait3A_140 = tpu.memref_slice %arg6[%dma_wait3A_134, %dma_wait3A_138, %dma_wait3A_139] : memref<200x2048x128xf32, #tpu.memory_space<hbm>> -> memref<1x8x128xf32, #tpu.memory_space<hbm>>
    %dma_wait3A_141 = tpu.memref_squeeze %dma_wait3A_140 : memref<1x8x128xf32, #tpu.memory_space<hbm>> -> memref<8x128xf32, #tpu.memory_space<hbm>>
    %dma_wait3A_142 = arith.constant 512 : i32
    %dma_wait3A_143 = arith.constant 0 : i32
    %dma_wait3A_144 = tpu.memref_slice %arg6[%dma_wait3A_134, %dma_wait3A_142, %dma_wait3A_143] : memref<200x2048x128xf32, #tpu.memory_space<hbm>> -> memref<1x8x128xf32, #tpu.memory_space<hbm>>
    %dma_wait3A_145 = tpu.memref_squeeze %dma_wait3A_144 : memref<1x8x128xf32, #tpu.memory_space<hbm>> -> memref<8x128xf32, #tpu.memory_space<hbm>>
    %dma_wait3A_146 = arith.constant 16 : i32
    %dma_wait3A_147 = arith.constant 0 : i32
    %dma_wait3A_148 = tpu.memref_slice %arg11[%dma_wait3A_146, %dma_wait3A_147] : memref<128x129xf32, #tpu.memory_space<vmem>> -> memref<8x128xf32, #tpu.memory_space<vmem>>
    tpu.wait_dma2 semaphore(%arg17 : memref<!tpu.dma_semaphore, #tpu.memory_space<semaphore_mem>>) src(%dma_wait3A_148 : memref<8x128xf32, #tpu.memory_space<vmem>>) dst(%dma_wait3A_145 : memref<8x128xf32, #tpu.memory_space<hbm>>)
    %dma_wait3A_149 = arith.constant 0 : i32
    %dma_wait3A_150 = arith.constant 80 : i32
    %dma_wait3A_151 = arith.constant 0 : i32
    %dma_wait3A_152 = tpu.memref_slice %arg11[%dma_wait3A_150, %dma_wait3A_151] : memref<128x129xf32, #tpu.memory_space<vmem>> -> memref<8x128xf32, #tpu.memory_space<vmem>>
    %dma_wait3A_153 = arith.constant 520 : i32
    %dma_wait3A_154 = arith.constant 0 : i32
    %dma_wait3A_155 = tpu.memref_slice %arg6[%dma_wait3A_149, %dma_wait3A_153, %dma_wait3A_154] : memref<200x2048x128xf32, #tpu.memory_space<hbm>> -> memref<1x8x128xf32, #tpu.memory_space<hbm>>
    %dma_wait3A_156 = tpu.memref_squeeze %dma_wait3A_155 : memref<1x8x128xf32, #tpu.memory_space<hbm>> -> memref<8x128xf32, #tpu.memory_space<hbm>>
    %dma_wait3A_157 = arith.constant 520 : i32
    %dma_wait3A_158 = arith.constant 0 : i32
    %dma_wait3A_159 = tpu.memref_slice %arg6[%dma_wait3A_149, %dma_wait3A_157, %dma_wait3A_158] : memref<200x2048x128xf32, #tpu.memory_space<hbm>> -> memref<1x8x128xf32, #tpu.memory_space<hbm>>
    %dma_wait3A_160 = tpu.memref_squeeze %dma_wait3A_159 : memref<1x8x128xf32, #tpu.memory_space<hbm>> -> memref<8x128xf32, #tpu.memory_space<hbm>>
    %dma_wait3A_161 = arith.constant 80 : i32
    %dma_wait3A_162 = arith.constant 0 : i32
    %dma_wait3A_163 = tpu.memref_slice %arg11[%dma_wait3A_161, %dma_wait3A_162] : memref<128x129xf32, #tpu.memory_space<vmem>> -> memref<8x128xf32, #tpu.memory_space<vmem>>
    tpu.wait_dma2 semaphore(%arg17 : memref<!tpu.dma_semaphore, #tpu.memory_space<semaphore_mem>>) src(%dma_wait3A_163 : memref<8x128xf32, #tpu.memory_space<vmem>>) dst(%dma_wait3A_160 : memref<8x128xf32, #tpu.memory_space<hbm>>)
    %dma_wait3A_164 = arith.constant 0 : i32
    %dma_wait3A_165 = arith.constant 24 : i32
    %dma_wait3A_166 = arith.constant 0 : i32
    %dma_wait3A_167 = tpu.memref_slice %arg11[%dma_wait3A_165, %dma_wait3A_166] : memref<128x129xf32, #tpu.memory_space<vmem>> -> memref<8x128xf32, #tpu.memory_space<vmem>>
    %dma_wait3A_168 = arith.constant 768 : i32
    %dma_wait3A_169 = arith.constant 0 : i32
    %dma_wait3A_170 = tpu.memref_slice %arg6[%dma_wait3A_164, %dma_wait3A_168, %dma_wait3A_169] : memref<200x2048x128xf32, #tpu.memory_space<hbm>> -> memref<1x8x128xf32, #tpu.memory_space<hbm>>
    %dma_wait3A_171 = tpu.memref_squeeze %dma_wait3A_170 : memref<1x8x128xf32, #tpu.memory_space<hbm>> -> memref<8x128xf32, #tpu.memory_space<hbm>>
    %dma_wait3A_172 = arith.constant 768 : i32
    %dma_wait3A_173 = arith.constant 0 : i32
    %dma_wait3A_174 = tpu.memref_slice %arg6[%dma_wait3A_164, %dma_wait3A_172, %dma_wait3A_173] : memref<200x2048x128xf32, #tpu.memory_space<hbm>> -> memref<1x8x128xf32, #tpu.memory_space<hbm>>
    %dma_wait3A_175 = tpu.memref_squeeze %dma_wait3A_174 : memref<1x8x128xf32, #tpu.memory_space<hbm>> -> memref<8x128xf32, #tpu.memory_space<hbm>>
    %dma_wait3A_176 = arith.constant 24 : i32
    %dma_wait3A_177 = arith.constant 0 : i32
    %dma_wait3A_178 = tpu.memref_slice %arg11[%dma_wait3A_176, %dma_wait3A_177] : memref<128x129xf32, #tpu.memory_space<vmem>> -> memref<8x128xf32, #tpu.memory_space<vmem>>
    tpu.wait_dma2 semaphore(%arg17 : memref<!tpu.dma_semaphore, #tpu.memory_space<semaphore_mem>>) src(%dma_wait3A_178 : memref<8x128xf32, #tpu.memory_space<vmem>>) dst(%dma_wait3A_175 : memref<8x128xf32, #tpu.memory_space<hbm>>)
    %dma_wait3A_179 = arith.constant 0 : i32
    %dma_wait3A_180 = arith.constant 88 : i32
    %dma_wait3A_181 = arith.constant 0 : i32
    %dma_wait3A_182 = tpu.memref_slice %arg11[%dma_wait3A_180, %dma_wait3A_181] : memref<128x129xf32, #tpu.memory_space<vmem>> -> memref<8x128xf32, #tpu.memory_space<vmem>>
    %dma_wait3A_183 = arith.constant 776 : i32
    %dma_wait3A_184 = arith.constant 0 : i32
    %dma_wait3A_185 = tpu.memref_slice %arg6[%dma_wait3A_179, %dma_wait3A_183, %dma_wait3A_184] : memref<200x2048x128xf32, #tpu.memory_space<hbm>> -> memref<1x8x128xf32, #tpu.memory_space<hbm>>
    %dma_wait3A_186 = tpu.memref_squeeze %dma_wait3A_185 : memref<1x8x128xf32, #tpu.memory_space<hbm>> -> memref<8x128xf32, #tpu.memory_space<hbm>>
    %dma_wait3A_187 = arith.constant 776 : i32
    %dma_wait3A_188 = arith.constant 0 : i32
    %dma_wait3A_189 = tpu.memref_slice %arg6[%dma_wait3A_179, %dma_wait3A_187, %dma_wait3A_188] : memref<200x2048x128xf32, #tpu.memory_space<hbm>> -> memref<1x8x128xf32, #tpu.memory_space<hbm>>
    %dma_wait3A_190 = tpu.memref_squeeze %dma_wait3A_189 : memref<1x8x128xf32, #tpu.memory_space<hbm>> -> memref<8x128xf32, #tpu.memory_space<hbm>>
    %dma_wait3A_191 = arith.constant 88 : i32
    %dma_wait3A_192 = arith.constant 0 : i32
    %dma_wait3A_193 = tpu.memref_slice %arg11[%dma_wait3A_191, %dma_wait3A_192] : memref<128x129xf32, #tpu.memory_space<vmem>> -> memref<8x128xf32, #tpu.memory_space<vmem>>
    tpu.wait_dma2 semaphore(%arg17 : memref<!tpu.dma_semaphore, #tpu.memory_space<semaphore_mem>>) src(%dma_wait3A_193 : memref<8x128xf32, #tpu.memory_space<vmem>>) dst(%dma_wait3A_190 : memref<8x128xf32, #tpu.memory_space<hbm>>)
    %dma_wait3A_194 = arith.constant 0 : i32
    %dma_wait3A_195 = arith.constant 32 : i32
    %dma_wait3A_196 = arith.constant 0 : i32
    %dma_wait3A_197 = tpu.memref_slice %arg11[%dma_wait3A_195, %dma_wait3A_196] : memref<128x129xf32, #tpu.memory_space<vmem>> -> memref<8x128xf32, #tpu.memory_space<vmem>>
    %dma_wait3A_198 = arith.constant 1024 : i32
    %dma_wait3A_199 = arith.constant 0 : i32
    %dma_wait3A_200 = tpu.memref_slice %arg6[%dma_wait3A_194, %dma_wait3A_198, %dma_wait3A_199] : memref<200x2048x128xf32, #tpu.memory_space<hbm>> -> memref<1x8x128xf32, #tpu.memory_space<hbm>>
    %dma_wait3A_201 = tpu.memref_squeeze %dma_wait3A_200 : memref<1x8x128xf32, #tpu.memory_space<hbm>> -> memref<8x128xf32, #tpu.memory_space<hbm>>
    %dma_wait3A_202 = arith.constant 1024 : i32
    %dma_wait3A_203 = arith.constant 0 : i32
    %dma_wait3A_204 = tpu.memref_slice %arg6[%dma_wait3A_194, %dma_wait3A_202, %dma_wait3A_203] : memref<200x2048x128xf32, #tpu.memory_space<hbm>> -> memref<1x8x128xf32, #tpu.memory_space<hbm>>
    %dma_wait3A_205 = tpu.memref_squeeze %dma_wait3A_204 : memref<1x8x128xf32, #tpu.memory_space<hbm>> -> memref<8x128xf32, #tpu.memory_space<hbm>>
    %dma_wait3A_206 = arith.constant 32 : i32
    %dma_wait3A_207 = arith.constant 0 : i32
    %dma_wait3A_208 = tpu.memref_slice %arg11[%dma_wait3A_206, %dma_wait3A_207] : memref<128x129xf32, #tpu.memory_space<vmem>> -> memref<8x128xf32, #tpu.memory_space<vmem>>
    tpu.wait_dma2 semaphore(%arg17 : memref<!tpu.dma_semaphore, #tpu.memory_space<semaphore_mem>>) src(%dma_wait3A_208 : memref<8x128xf32, #tpu.memory_space<vmem>>) dst(%dma_wait3A_205 : memref<8x128xf32, #tpu.memory_space<hbm>>)
    %dma_wait3A_209 = arith.constant 0 : i32
    %dma_wait3A_210 = arith.constant 96 : i32
    %dma_wait3A_211 = arith.constant 0 : i32
    %dma_wait3A_212 = tpu.memref_slice %arg11[%dma_wait3A_210, %dma_wait3A_211] : memref<128x129xf32, #tpu.memory_space<vmem>> -> memref<8x128xf32, #tpu.memory_space<vmem>>
    %dma_wait3A_213 = arith.constant 1032 : i32
    %dma_wait3A_214 = arith.constant 0 : i32
    %dma_wait3A_215 = tpu.memref_slice %arg6[%dma_wait3A_209, %dma_wait3A_213, %dma_wait3A_214] : memref<200x2048x128xf32, #tpu.memory_space<hbm>> -> memref<1x8x128xf32, #tpu.memory_space<hbm>>
    %dma_wait3A_216 = tpu.memref_squeeze %dma_wait3A_215 : memref<1x8x128xf32, #tpu.memory_space<hbm>> -> memref<8x128xf32, #tpu.memory_space<hbm>>
    %dma_wait3A_217 = arith.constant 1032 : i32
    %dma_wait3A_218 = arith.constant 0 : i32
    %dma_wait3A_219 = tpu.memref_slice %arg6[%dma_wait3A_209, %dma_wait3A_217, %dma_wait3A_218] : memref<200x2048x128xf32, #tpu.memory_space<hbm>> -> memref<1x8x128xf32, #tpu.memory_space<hbm>>
    %dma_wait3A_220 = tpu.memref_squeeze %dma_wait3A_219 : memref<1x8x128xf32, #tpu.memory_space<hbm>> -> memref<8x128xf32, #tpu.memory_space<hbm>>
    %dma_wait3A_221 = arith.constant 96 : i32
    %dma_wait3A_222 = arith.constant 0 : i32
    %dma_wait3A_223 = tpu.memref_slice %arg11[%dma_wait3A_221, %dma_wait3A_222] : memref<128x129xf32, #tpu.memory_space<vmem>> -> memref<8x128xf32, #tpu.memory_space<vmem>>
    tpu.wait_dma2 semaphore(%arg17 : memref<!tpu.dma_semaphore, #tpu.memory_space<semaphore_mem>>) src(%dma_wait3A_223 : memref<8x128xf32, #tpu.memory_space<vmem>>) dst(%dma_wait3A_220 : memref<8x128xf32, #tpu.memory_space<hbm>>)
    %dma_wait3A_224 = arith.constant 0 : i32
    %dma_wait3A_225 = arith.constant 40 : i32
    %dma_wait3A_226 = arith.constant 0 : i32
    %dma_wait3A_227 = tpu.memref_slice %arg11[%dma_wait3A_225, %dma_wait3A_226] : memref<128x129xf32, #tpu.memory_space<vmem>> -> memref<8x128xf32, #tpu.memory_space<vmem>>
    %dma_wait3A_228 = arith.constant 1280 : i32
    %dma_wait3A_229 = arith.constant 0 : i32
    %dma_wait3A_230 = tpu.memref_slice %arg6[%dma_wait3A_224, %dma_wait3A_228, %dma_wait3A_229] : memref<200x2048x128xf32, #tpu.memory_space<hbm>> -> memref<1x8x128xf32, #tpu.memory_space<hbm>>
    %dma_wait3A_231 = tpu.memref_squeeze %dma_wait3A_230 : memref<1x8x128xf32, #tpu.memory_space<hbm>> -> memref<8x128xf32, #tpu.memory_space<hbm>>
    %dma_wait3A_232 = arith.constant 1280 : i32
    %dma_wait3A_233 = arith.constant 0 : i32
    %dma_wait3A_234 = tpu.memref_slice %arg6[%dma_wait3A_224, %dma_wait3A_232, %dma_wait3A_233] : memref<200x2048x128xf32, #tpu.memory_space<hbm>> -> memref<1x8x128xf32, #tpu.memory_space<hbm>>
    %dma_wait3A_235 = tpu.memref_squeeze %dma_wait3A_234 : memref<1x8x128xf32, #tpu.memory_space<hbm>> -> memref<8x128xf32, #tpu.memory_space<hbm>>
    %dma_wait3A_236 = arith.constant 40 : i32
    %dma_wait3A_237 = arith.constant 0 : i32
    %dma_wait3A_238 = tpu.memref_slice %arg11[%dma_wait3A_236, %dma_wait3A_237] : memref<128x129xf32, #tpu.memory_space<vmem>> -> memref<8x128xf32, #tpu.memory_space<vmem>>
    tpu.wait_dma2 semaphore(%arg17 : memref<!tpu.dma_semaphore, #tpu.memory_space<semaphore_mem>>) src(%dma_wait3A_238 : memref<8x128xf32, #tpu.memory_space<vmem>>) dst(%dma_wait3A_235 : memref<8x128xf32, #tpu.memory_space<hbm>>)
    %dma_wait3A_239 = arith.constant 0 : i32
    %dma_wait3A_240 = arith.constant 104 : i32
    %dma_wait3A_241 = arith.constant 0 : i32
    %dma_wait3A_242 = tpu.memref_slice %arg11[%dma_wait3A_240, %dma_wait3A_241] : memref<128x129xf32, #tpu.memory_space<vmem>> -> memref<8x128xf32, #tpu.memory_space<vmem>>
    %dma_wait3A_243 = arith.constant 1288 : i32
    %dma_wait3A_244 = arith.constant 0 : i32
    %dma_wait3A_245 = tpu.memref_slice %arg6[%dma_wait3A_239, %dma_wait3A_243, %dma_wait3A_244] : memref<200x2048x128xf32, #tpu.memory_space<hbm>> -> memref<1x8x128xf32, #tpu.memory_space<hbm>>
    %dma_wait3A_246 = tpu.memref_squeeze %dma_wait3A_245 : memref<1x8x128xf32, #tpu.memory_space<hbm>> -> memref<8x128xf32, #tpu.memory_space<hbm>>
    %dma_wait3A_247 = arith.constant 1288 : i32
    %dma_wait3A_248 = arith.constant 0 : i32
    %dma_wait3A_249 = tpu.memref_slice %arg6[%dma_wait3A_239, %dma_wait3A_247, %dma_wait3A_248] : memref<200x2048x128xf32, #tpu.memory_space<hbm>> -> memref<1x8x128xf32, #tpu.memory_space<hbm>>
    %dma_wait3A_250 = tpu.memref_squeeze %dma_wait3A_249 : memref<1x8x128xf32, #tpu.memory_space<hbm>> -> memref<8x128xf32, #tpu.memory_space<hbm>>
    %dma_wait3A_251 = arith.constant 104 : i32
    %dma_wait3A_252 = arith.constant 0 : i32
    %dma_wait3A_253 = tpu.memref_slice %arg11[%dma_wait3A_251, %dma_wait3A_252] : memref<128x129xf32, #tpu.memory_space<vmem>> -> memref<8x128xf32, #tpu.memory_space<vmem>>
    tpu.wait_dma2 semaphore(%arg17 : memref<!tpu.dma_semaphore, #tpu.memory_space<semaphore_mem>>) src(%dma_wait3A_253 : memref<8x128xf32, #tpu.memory_space<vmem>>) dst(%dma_wait3A_250 : memref<8x128xf32, #tpu.memory_space<hbm>>)
    %dma_wait3A_254 = arith.constant 0 : i32
    %dma_wait3A_255 = arith.constant 48 : i32
    %dma_wait3A_256 = arith.constant 0 : i32
    %dma_wait3A_257 = tpu.memref_slice %arg11[%dma_wait3A_255, %dma_wait3A_256] : memref<128x129xf32, #tpu.memory_space<vmem>> -> memref<8x128xf32, #tpu.memory_space<vmem>>
    %dma_wait3A_258 = arith.constant 1536 : i32
    %dma_wait3A_259 = arith.constant 0 : i32
    %dma_wait3A_260 = tpu.memref_slice %arg6[%dma_wait3A_254, %dma_wait3A_258, %dma_wait3A_259] : memref<200x2048x128xf32, #tpu.memory_space<hbm>> -> memref<1x8x128xf32, #tpu.memory_space<hbm>>
    %dma_wait3A_261 = tpu.memref_squeeze %dma_wait3A_260 : memref<1x8x128xf32, #tpu.memory_space<hbm>> -> memref<8x128xf32, #tpu.memory_space<hbm>>
    %dma_wait3A_262 = arith.constant 1536 : i32
    %dma_wait3A_263 = arith.constant 0 : i32
    %dma_wait3A_264 = tpu.memref_slice %arg6[%dma_wait3A_254, %dma_wait3A_262, %dma_wait3A_263] : memref<200x2048x128xf32, #tpu.memory_space<hbm>> -> memref<1x8x128xf32, #tpu.memory_space<hbm>>
    %dma_wait3A_265 = tpu.memref_squeeze %dma_wait3A_264 : memref<1x8x128xf32, #tpu.memory_space<hbm>> -> memref<8x128xf32, #tpu.memory_space<hbm>>
    %dma_wait3A_266 = arith.constant 48 : i32
    %dma_wait3A_267 = arith.constant 0 : i32
    %dma_wait3A_268 = tpu.memref_slice %arg11[%dma_wait3A_266, %dma_wait3A_267] : memref<128x129xf32, #tpu.memory_space<vmem>> -> memref<8x128xf32, #tpu.memory_space<vmem>>
    tpu.wait_dma2 semaphore(%arg17 : memref<!tpu.dma_semaphore, #tpu.memory_space<semaphore_mem>>) src(%dma_wait3A_268 : memref<8x128xf32, #tpu.memory_space<vmem>>) dst(%dma_wait3A_265 : memref<8x128xf32, #tpu.memory_space<hbm>>)
    %dma_wait3A_269 = arith.constant 0 : i32
    %dma_wait3A_270 = arith.constant 112 : i32
    %dma_wait3A_271 = arith.constant 0 : i32
    %dma_wait3A_272 = tpu.memref_slice %arg11[%dma_wait3A_270, %dma_wait3A_271] : memref<128x129xf32, #tpu.memory_space<vmem>> -> memref<8x128xf32, #tpu.memory_space<vmem>>
    %dma_wait3A_273 = arith.constant 1544 : i32
    %dma_wait3A_274 = arith.constant 0 : i32
    %dma_wait3A_275 = tpu.memref_slice %arg6[%dma_wait3A_269, %dma_wait3A_273, %dma_wait3A_274] : memref<200x2048x128xf32, #tpu.memory_space<hbm>> -> memref<1x8x128xf32, #tpu.memory_space<hbm>>
    %dma_wait3A_276 = tpu.memref_squeeze %dma_wait3A_275 : memref<1x8x128xf32, #tpu.memory_space<hbm>> -> memref<8x128xf32, #tpu.memory_space<hbm>>
    %dma_wait3A_277 = arith.constant 1544 : i32
    %dma_wait3A_278 = arith.constant 0 : i32
    %dma_wait3A_279 = tpu.memref_slice %arg6[%dma_wait3A_269, %dma_wait3A_277, %dma_wait3A_278] : memref<200x2048x128xf32, #tpu.memory_space<hbm>> -> memref<1x8x128xf32, #tpu.memory_space<hbm>>
    %dma_wait3A_280 = tpu.memref_squeeze %dma_wait3A_279 : memref<1x8x128xf32, #tpu.memory_space<hbm>> -> memref<8x128xf32, #tpu.memory_space<hbm>>
    %dma_wait3A_281 = arith.constant 112 : i32
    %dma_wait3A_282 = arith.constant 0 : i32
    %dma_wait3A_283 = tpu.memref_slice %arg11[%dma_wait3A_281, %dma_wait3A_282] : memref<128x129xf32, #tpu.memory_space<vmem>> -> memref<8x128xf32, #tpu.memory_space<vmem>>
    tpu.wait_dma2 semaphore(%arg17 : memref<!tpu.dma_semaphore, #tpu.memory_space<semaphore_mem>>) src(%dma_wait3A_283 : memref<8x128xf32, #tpu.memory_space<vmem>>) dst(%dma_wait3A_280 : memref<8x128xf32, #tpu.memory_space<hbm>>)
    %dma_wait3A_284 = arith.constant 0 : i32
    %dma_wait3A_285 = arith.constant 56 : i32
    %dma_wait3A_286 = arith.constant 0 : i32
    %dma_wait3A_287 = tpu.memref_slice %arg11[%dma_wait3A_285, %dma_wait3A_286] : memref<128x129xf32, #tpu.memory_space<vmem>> -> memref<8x128xf32, #tpu.memory_space<vmem>>
    %dma_wait3A_288 = arith.constant 1792 : i32
    %dma_wait3A_289 = arith.constant 0 : i32
    %dma_wait3A_290 = tpu.memref_slice %arg6[%dma_wait3A_284, %dma_wait3A_288, %dma_wait3A_289] : memref<200x2048x128xf32, #tpu.memory_space<hbm>> -> memref<1x8x128xf32, #tpu.memory_space<hbm>>
    %dma_wait3A_291 = tpu.memref_squeeze %dma_wait3A_290 : memref<1x8x128xf32, #tpu.memory_space<hbm>> -> memref<8x128xf32, #tpu.memory_space<hbm>>
    %dma_wait3A_292 = arith.constant 1792 : i32
    %dma_wait3A_293 = arith.constant 0 : i32
    %dma_wait3A_294 = tpu.memref_slice %arg6[%dma_wait3A_284, %dma_wait3A_292, %dma_wait3A_293] : memref<200x2048x128xf32, #tpu.memory_space<hbm>> -> memref<1x8x128xf32, #tpu.memory_space<hbm>>
    %dma_wait3A_295 = tpu.memref_squeeze %dma_wait3A_294 : memref<1x8x128xf32, #tpu.memory_space<hbm>> -> memref<8x128xf32, #tpu.memory_space<hbm>>
    %dma_wait3A_296 = arith.constant 56 : i32
    %dma_wait3A_297 = arith.constant 0 : i32
    %dma_wait3A_298 = tpu.memref_slice %arg11[%dma_wait3A_296, %dma_wait3A_297] : memref<128x129xf32, #tpu.memory_space<vmem>> -> memref<8x128xf32, #tpu.memory_space<vmem>>
    tpu.wait_dma2 semaphore(%arg17 : memref<!tpu.dma_semaphore, #tpu.memory_space<semaphore_mem>>) src(%dma_wait3A_298 : memref<8x128xf32, #tpu.memory_space<vmem>>) dst(%dma_wait3A_295 : memref<8x128xf32, #tpu.memory_space<hbm>>)
    %dma_wait3A_299 = arith.constant 0 : i32
    %dma_wait3A_300 = arith.constant 120 : i32
    %dma_wait3A_301 = arith.constant 0 : i32
    %dma_wait3A_302 = tpu.memref_slice %arg11[%dma_wait3A_300, %dma_wait3A_301] : memref<128x129xf32, #tpu.memory_space<vmem>> -> memref<8x128xf32, #tpu.memory_space<vmem>>
    %dma_wait3A_303 = arith.constant 1800 : i32
    %dma_wait3A_304 = arith.constant 0 : i32
    %dma_wait3A_305 = tpu.memref_slice %arg6[%dma_wait3A_299, %dma_wait3A_303, %dma_wait3A_304] : memref<200x2048x128xf32, #tpu.memory_space<hbm>> -> memref<1x8x128xf32, #tpu.memory_space<hbm>>
    %dma_wait3A_306 = tpu.memref_squeeze %dma_wait3A_305 : memref<1x8x128xf32, #tpu.memory_space<hbm>> -> memref<8x128xf32, #tpu.memory_space<hbm>>
    %dma_wait3A_307 = arith.constant 1800 : i32
    %dma_wait3A_308 = arith.constant 0 : i32
    %dma_wait3A_309 = tpu.memref_slice %arg6[%dma_wait3A_299, %dma_wait3A_307, %dma_wait3A_308] : memref<200x2048x128xf32, #tpu.memory_space<hbm>> -> memref<1x8x128xf32, #tpu.memory_space<hbm>>
    %dma_wait3A_310 = tpu.memref_squeeze %dma_wait3A_309 : memref<1x8x128xf32, #tpu.memory_space<hbm>> -> memref<8x128xf32, #tpu.memory_space<hbm>>
    %dma_wait3A_311 = arith.constant 120 : i32
    %dma_wait3A_312 = arith.constant 0 : i32
    %dma_wait3A_313 = tpu.memref_slice %arg11[%dma_wait3A_311, %dma_wait3A_312] : memref<128x129xf32, #tpu.memory_space<vmem>> -> memref<8x128xf32, #tpu.memory_space<vmem>>
    tpu.wait_dma2 semaphore(%arg17 : memref<!tpu.dma_semaphore, #tpu.memory_space<semaphore_mem>>) src(%dma_wait3A_313 : memref<8x128xf32, #tpu.memory_space<vmem>>) dst(%dma_wait3A_310 : memref<8x128xf32, #tpu.memory_space<hbm>>)
    %dma_wait3A_314 = arith.constant 0 : i32
    %dma_wait3A_315 = arith.constant 0 : i32
    %dma_wait3A_316 = arith.constant 0 : i32
    %dma_wait3A_317 = tpu.memref_slice %arg12[%dma_wait3A_315, %dma_wait3A_316] : memref<128x129xf32, #tpu.memory_space<vmem>> -> memref<8x128xf32, #tpu.memory_space<vmem>>
    %dma_wait3A_318 = arith.constant 0 : i32
    %dma_wait3A_319 = arith.constant 0 : i32
    %dma_wait3A_320 = tpu.memref_slice %arg6[%dma_wait3A_314, %dma_wait3A_318, %dma_wait3A_319] : memref<200x2048x128xf32, #tpu.memory_space<hbm>> -> memref<1x8x128xf32, #tpu.memory_space<hbm>>
    %dma_wait3A_321 = tpu.memref_squeeze %dma_wait3A_320 : memref<1x8x128xf32, #tpu.memory_space<hbm>> -> memref<8x128xf32, #tpu.memory_space<hbm>>
    %dma_wait3A_322 = arith.constant 0 : i32
    %dma_wait3A_323 = arith.constant 0 : i32
    %dma_wait3A_324 = tpu.memref_slice %arg6[%dma_wait3A_314, %dma_wait3A_322, %dma_wait3A_323] : memref<200x2048x128xf32, #tpu.memory_space<hbm>> -> memref<1x8x128xf32, #tpu.memory_space<hbm>>
    %dma_wait3A_325 = tpu.memref_squeeze %dma_wait3A_324 : memref<1x8x128xf32, #tpu.memory_space<hbm>> -> memref<8x128xf32, #tpu.memory_space<hbm>>
    %dma_wait3A_326 = arith.constant 0 : i32
    %dma_wait3A_327 = arith.constant 0 : i32
    %dma_wait3A_328 = tpu.memref_slice %arg12[%dma_wait3A_326, %dma_wait3A_327] : memref<128x129xf32, #tpu.memory_space<vmem>> -> memref<8x128xf32, #tpu.memory_space<vmem>>
    tpu.wait_dma2 semaphore(%arg18 : memref<!tpu.dma_semaphore, #tpu.memory_space<semaphore_mem>>) src(%dma_wait3A_328 : memref<8x128xf32, #tpu.memory_space<vmem>>) dst(%dma_wait3A_325 : memref<8x128xf32, #tpu.memory_space<hbm>>)
    %dma_wait3A_329 = arith.constant 0 : i32
    %dma_wait3A_330 = arith.constant 64 : i32
    %dma_wait3A_331 = arith.constant 0 : i32
    %dma_wait3A_332 = tpu.memref_slice %arg12[%dma_wait3A_330, %dma_wait3A_331] : memref<128x129xf32, #tpu.memory_space<vmem>> -> memref<8x128xf32, #tpu.memory_space<vmem>>
    %dma_wait3A_333 = arith.constant 8 : i32
    %dma_wait3A_334 = arith.constant 0 : i32
    %dma_wait3A_335 = tpu.memref_slice %arg6[%dma_wait3A_329, %dma_wait3A_333, %dma_wait3A_334] : memref<200x2048x128xf32, #tpu.memory_space<hbm>> -> memref<1x8x128xf32, #tpu.memory_space<hbm>>
    %dma_wait3A_336 = tpu.memref_squeeze %dma_wait3A_335 : memref<1x8x128xf32, #tpu.memory_space<hbm>> -> memref<8x128xf32, #tpu.memory_space<hbm>>
    %dma_wait3A_337 = arith.constant 8 : i32
    %dma_wait3A_338 = arith.constant 0 : i32
    %dma_wait3A_339 = tpu.memref_slice %arg6[%dma_wait3A_329, %dma_wait3A_337, %dma_wait3A_338] : memref<200x2048x128xf32, #tpu.memory_space<hbm>> -> memref<1x8x128xf32, #tpu.memory_space<hbm>>
    %dma_wait3A_340 = tpu.memref_squeeze %dma_wait3A_339 : memref<1x8x128xf32, #tpu.memory_space<hbm>> -> memref<8x128xf32, #tpu.memory_space<hbm>>
    %dma_wait3A_341 = arith.constant 64 : i32
    %dma_wait3A_342 = arith.constant 0 : i32
    %dma_wait3A_343 = tpu.memref_slice %arg12[%dma_wait3A_341, %dma_wait3A_342] : memref<128x129xf32, #tpu.memory_space<vmem>> -> memref<8x128xf32, #tpu.memory_space<vmem>>
    tpu.wait_dma2 semaphore(%arg18 : memref<!tpu.dma_semaphore, #tpu.memory_space<semaphore_mem>>) src(%dma_wait3A_343 : memref<8x128xf32, #tpu.memory_space<vmem>>) dst(%dma_wait3A_340 : memref<8x128xf32, #tpu.memory_space<hbm>>)
    %dma_wait3A_344 = arith.constant 0 : i32
    %dma_wait3A_345 = arith.constant 8 : i32
    %dma_wait3A_346 = arith.constant 0 : i32
    %dma_wait3A_347 = tpu.memref_slice %arg12[%dma_wait3A_345, %dma_wait3A_346] : memref<128x129xf32, #tpu.memory_space<vmem>> -> memref<8x128xf32, #tpu.memory_space<vmem>>
    %dma_wait3A_348 = arith.constant 256 : i32
    %dma_wait3A_349 = arith.constant 0 : i32
    %dma_wait3A_350 = tpu.memref_slice %arg6[%dma_wait3A_344, %dma_wait3A_348, %dma_wait3A_349] : memref<200x2048x128xf32, #tpu.memory_space<hbm>> -> memref<1x8x128xf32, #tpu.memory_space<hbm>>
    %dma_wait3A_351 = tpu.memref_squeeze %dma_wait3A_350 : memref<1x8x128xf32, #tpu.memory_space<hbm>> -> memref<8x128xf32, #tpu.memory_space<hbm>>
    %dma_wait3A_352 = arith.constant 256 : i32
    %dma_wait3A_353 = arith.constant 0 : i32
    %dma_wait3A_354 = tpu.memref_slice %arg6[%dma_wait3A_344, %dma_wait3A_352, %dma_wait3A_353] : memref<200x2048x128xf32, #tpu.memory_space<hbm>> -> memref<1x8x128xf32, #tpu.memory_space<hbm>>
    %dma_wait3A_355 = tpu.memref_squeeze %dma_wait3A_354 : memref<1x8x128xf32, #tpu.memory_space<hbm>> -> memref<8x128xf32, #tpu.memory_space<hbm>>
    %dma_wait3A_356 = arith.constant 8 : i32
    %dma_wait3A_357 = arith.constant 0 : i32
    %dma_wait3A_358 = tpu.memref_slice %arg12[%dma_wait3A_356, %dma_wait3A_357] : memref<128x129xf32, #tpu.memory_space<vmem>> -> memref<8x128xf32, #tpu.memory_space<vmem>>
    tpu.wait_dma2 semaphore(%arg18 : memref<!tpu.dma_semaphore, #tpu.memory_space<semaphore_mem>>) src(%dma_wait3A_358 : memref<8x128xf32, #tpu.memory_space<vmem>>) dst(%dma_wait3A_355 : memref<8x128xf32, #tpu.memory_space<hbm>>)
    %dma_wait3A_359 = arith.constant 0 : i32
    %dma_wait3A_360 = arith.constant 72 : i32
    %dma_wait3A_361 = arith.constant 0 : i32
    %dma_wait3A_362 = tpu.memref_slice %arg12[%dma_wait3A_360, %dma_wait3A_361] : memref<128x129xf32, #tpu.memory_space<vmem>> -> memref<8x128xf32, #tpu.memory_space<vmem>>
    %dma_wait3A_363 = arith.constant 264 : i32
    %dma_wait3A_364 = arith.constant 0 : i32
    %dma_wait3A_365 = tpu.memref_slice %arg6[%dma_wait3A_359, %dma_wait3A_363, %dma_wait3A_364] : memref<200x2048x128xf32, #tpu.memory_space<hbm>> -> memref<1x8x128xf32, #tpu.memory_space<hbm>>
    %dma_wait3A_366 = tpu.memref_squeeze %dma_wait3A_365 : memref<1x8x128xf32, #tpu.memory_space<hbm>> -> memref<8x128xf32, #tpu.memory_space<hbm>>
    %dma_wait3A_367 = arith.constant 264 : i32
    %dma_wait3A_368 = arith.constant 0 : i32
    %dma_wait3A_369 = tpu.memref_slice %arg6[%dma_wait3A_359, %dma_wait3A_367, %dma_wait3A_368] : memref<200x2048x128xf32, #tpu.memory_space<hbm>> -> memref<1x8x128xf32, #tpu.memory_space<hbm>>
    %dma_wait3A_370 = tpu.memref_squeeze %dma_wait3A_369 : memref<1x8x128xf32, #tpu.memory_space<hbm>> -> memref<8x128xf32, #tpu.memory_space<hbm>>
    %dma_wait3A_371 = arith.constant 72 : i32
    %dma_wait3A_372 = arith.constant 0 : i32
    %dma_wait3A_373 = tpu.memref_slice %arg12[%dma_wait3A_371, %dma_wait3A_372] : memref<128x129xf32, #tpu.memory_space<vmem>> -> memref<8x128xf32, #tpu.memory_space<vmem>>
    tpu.wait_dma2 semaphore(%arg18 : memref<!tpu.dma_semaphore, #tpu.memory_space<semaphore_mem>>) src(%dma_wait3A_373 : memref<8x128xf32, #tpu.memory_space<vmem>>) dst(%dma_wait3A_370 : memref<8x128xf32, #tpu.memory_space<hbm>>)
    %dma_wait3A_374 = arith.constant 0 : i32
    %dma_wait3A_375 = arith.constant 16 : i32
    %dma_wait3A_376 = arith.constant 0 : i32
    %dma_wait3A_377 = tpu.memref_slice %arg12[%dma_wait3A_375, %dma_wait3A_376] : memref<128x129xf32, #tpu.memory_space<vmem>> -> memref<8x128xf32, #tpu.memory_space<vmem>>
    %dma_wait3A_378 = arith.constant 512 : i32
    %dma_wait3A_379 = arith.constant 0 : i32
    %dma_wait3A_380 = tpu.memref_slice %arg6[%dma_wait3A_374, %dma_wait3A_378, %dma_wait3A_379] : memref<200x2048x128xf32, #tpu.memory_space<hbm>> -> memref<1x8x128xf32, #tpu.memory_space<hbm>>
    %dma_wait3A_381 = tpu.memref_squeeze %dma_wait3A_380 : memref<1x8x128xf32, #tpu.memory_space<hbm>> -> memref<8x128xf32, #tpu.memory_space<hbm>>
    %dma_wait3A_382 = arith.constant 512 : i32
    %dma_wait3A_383 = arith.constant 0 : i32
    %dma_wait3A_384 = tpu.memref_slice %arg6[%dma_wait3A_374, %dma_wait3A_382, %dma_wait3A_383] : memref<200x2048x128xf32, #tpu.memory_space<hbm>> -> memref<1x8x128xf32, #tpu.memory_space<hbm>>
    %dma_wait3A_385 = tpu.memref_squeeze %dma_wait3A_384 : memref<1x8x128xf32, #tpu.memory_space<hbm>> -> memref<8x128xf32, #tpu.memory_space<hbm>>
    %dma_wait3A_386 = arith.constant 16 : i32
    %dma_wait3A_387 = arith.constant 0 : i32
    %dma_wait3A_388 = tpu.memref_slice %arg12[%dma_wait3A_386, %dma_wait3A_387] : memref<128x129xf32, #tpu.memory_space<vmem>> -> memref<8x128xf32, #tpu.memory_space<vmem>>
    tpu.wait_dma2 semaphore(%arg18 : memref<!tpu.dma_semaphore, #tpu.memory_space<semaphore_mem>>) src(%dma_wait3A_388 : memref<8x128xf32, #tpu.memory_space<vmem>>) dst(%dma_wait3A_385 : memref<8x128xf32, #tpu.memory_space<hbm>>)
    %dma_wait3A_389 = arith.constant 0 : i32
    %dma_wait3A_390 = arith.constant 80 : i32
    %dma_wait3A_391 = arith.constant 0 : i32
    %dma_wait3A_392 = tpu.memref_slice %arg12[%dma_wait3A_390, %dma_wait3A_391] : memref<128x129xf32, #tpu.memory_space<vmem>> -> memref<8x128xf32, #tpu.memory_space<vmem>>
    %dma_wait3A_393 = arith.constant 520 : i32
    %dma_wait3A_394 = arith.constant 0 : i32
    %dma_wait3A_395 = tpu.memref_slice %arg6[%dma_wait3A_389, %dma_wait3A_393, %dma_wait3A_394] : memref<200x2048x128xf32, #tpu.memory_space<hbm>> -> memref<1x8x128xf32, #tpu.memory_space<hbm>>
    %dma_wait3A_396 = tpu.memref_squeeze %dma_wait3A_395 : memref<1x8x128xf32, #tpu.memory_space<hbm>> -> memref<8x128xf32, #tpu.memory_space<hbm>>
    %dma_wait3A_397 = arith.constant 520 : i32
    %dma_wait3A_398 = arith.constant 0 : i32
    %dma_wait3A_399 = tpu.memref_slice %arg6[%dma_wait3A_389, %dma_wait3A_397, %dma_wait3A_398] : memref<200x2048x128xf32, #tpu.memory_space<hbm>> -> memref<1x8x128xf32, #tpu.memory_space<hbm>>
    %dma_wait3A_400 = tpu.memref_squeeze %dma_wait3A_399 : memref<1x8x128xf32, #tpu.memory_space<hbm>> -> memref<8x128xf32, #tpu.memory_space<hbm>>
    %dma_wait3A_401 = arith.constant 80 : i32
    %dma_wait3A_402 = arith.constant 0 : i32
    %dma_wait3A_403 = tpu.memref_slice %arg12[%dma_wait3A_401, %dma_wait3A_402] : memref<128x129xf32, #tpu.memory_space<vmem>> -> memref<8x128xf32, #tpu.memory_space<vmem>>
    tpu.wait_dma2 semaphore(%arg18 : memref<!tpu.dma_semaphore, #tpu.memory_space<semaphore_mem>>) src(%dma_wait3A_403 : memref<8x128xf32, #tpu.memory_space<vmem>>) dst(%dma_wait3A_400 : memref<8x128xf32, #tpu.memory_space<hbm>>)
    %dma_wait3A_404 = arith.constant 0 : i32
    %dma_wait3A_405 = arith.constant 24 : i32
    %dma_wait3A_406 = arith.constant 0 : i32
    %dma_wait3A_407 = tpu.memref_slice %arg12[%dma_wait3A_405, %dma_wait3A_406] : memref<128x129xf32, #tpu.memory_space<vmem>> -> memref<8x128xf32, #tpu.memory_space<vmem>>
    %dma_wait3A_408 = arith.constant 768 : i32
    %dma_wait3A_409 = arith.constant 0 : i32
    %dma_wait3A_410 = tpu.memref_slice %arg6[%dma_wait3A_404, %dma_wait3A_408, %dma_wait3A_409] : memref<200x2048x128xf32, #tpu.memory_space<hbm>> -> memref<1x8x128xf32, #tpu.memory_space<hbm>>
    %dma_wait3A_411 = tpu.memref_squeeze %dma_wait3A_410 : memref<1x8x128xf32, #tpu.memory_space<hbm>> -> memref<8x128xf32, #tpu.memory_space<hbm>>
    %dma_wait3A_412 = arith.constant 768 : i32
    %dma_wait3A_413 = arith.constant 0 : i32
    %dma_wait3A_414 = tpu.memref_slice %arg6[%dma_wait3A_404, %dma_wait3A_412, %dma_wait3A_413] : memref<200x2048x128xf32, #tpu.memory_space<hbm>> -> memref<1x8x128xf32, #tpu.memory_space<hbm>>
    %dma_wait3A_415 = tpu.memref_squeeze %dma_wait3A_414 : memref<1x8x128xf32, #tpu.memory_space<hbm>> -> memref<8x128xf32, #tpu.memory_space<hbm>>
    %dma_wait3A_416 = arith.constant 24 : i32
    %dma_wait3A_417 = arith.constant 0 : i32
    %dma_wait3A_418 = tpu.memref_slice %arg12[%dma_wait3A_416, %dma_wait3A_417] : memref<128x129xf32, #tpu.memory_space<vmem>> -> memref<8x128xf32, #tpu.memory_space<vmem>>
    tpu.wait_dma2 semaphore(%arg18 : memref<!tpu.dma_semaphore, #tpu.memory_space<semaphore_mem>>) src(%dma_wait3A_418 : memref<8x128xf32, #tpu.memory_space<vmem>>) dst(%dma_wait3A_415 : memref<8x128xf32, #tpu.memory_space<hbm>>)
    %dma_wait3A_419 = arith.constant 0 : i32
    %dma_wait3A_420 = arith.constant 88 : i32
    %dma_wait3A_421 = arith.constant 0 : i32
    %dma_wait3A_422 = tpu.memref_slice %arg12[%dma_wait3A_420, %dma_wait3A_421] : memref<128x129xf32, #tpu.memory_space<vmem>> -> memref<8x128xf32, #tpu.memory_space<vmem>>
    %dma_wait3A_423 = arith.constant 776 : i32
    %dma_wait3A_424 = arith.constant 0 : i32
    %dma_wait3A_425 = tpu.memref_slice %arg6[%dma_wait3A_419, %dma_wait3A_423, %dma_wait3A_424] : memref<200x2048x128xf32, #tpu.memory_space<hbm>> -> memref<1x8x128xf32, #tpu.memory_space<hbm>>
    %dma_wait3A_426 = tpu.memref_squeeze %dma_wait3A_425 : memref<1x8x128xf32, #tpu.memory_space<hbm>> -> memref<8x128xf32, #tpu.memory_space<hbm>>
    %dma_wait3A_427 = arith.constant 776 : i32
    %dma_wait3A_428 = arith.constant 0 : i32
    %dma_wait3A_429 = tpu.memref_slice %arg6[%dma_wait3A_419, %dma_wait3A_427, %dma_wait3A_428] : memref<200x2048x128xf32, #tpu.memory_space<hbm>> -> memref<1x8x128xf32, #tpu.memory_space<hbm>>
    %dma_wait3A_430 = tpu.memref_squeeze %dma_wait3A_429 : memref<1x8x128xf32, #tpu.memory_space<hbm>> -> memref<8x128xf32, #tpu.memory_space<hbm>>
    %dma_wait3A_431 = arith.constant 88 : i32
    %dma_wait3A_432 = arith.constant 0 : i32
    %dma_wait3A_433 = tpu.memref_slice %arg12[%dma_wait3A_431, %dma_wait3A_432] : memref<128x129xf32, #tpu.memory_space<vmem>> -> memref<8x128xf32, #tpu.memory_space<vmem>>
    tpu.wait_dma2 semaphore(%arg18 : memref<!tpu.dma_semaphore, #tpu.memory_space<semaphore_mem>>) src(%dma_wait3A_433 : memref<8x128xf32, #tpu.memory_space<vmem>>) dst(%dma_wait3A_430 : memref<8x128xf32, #tpu.memory_space<hbm>>)
    %dma_wait3A_434 = arith.constant 0 : i32
    %dma_wait3A_435 = arith.constant 32 : i32
    %dma_wait3A_436 = arith.constant 0 : i32
    %dma_wait3A_437 = tpu.memref_slice %arg12[%dma_wait3A_435, %dma_wait3A_436] : memref<128x129xf32, #tpu.memory_space<vmem>> -> memref<8x128xf32, #tpu.memory_space<vmem>>
    %dma_wait3A_438 = arith.constant 1024 : i32
    %dma_wait3A_439 = arith.constant 0 : i32
    %dma_wait3A_440 = tpu.memref_slice %arg6[%dma_wait3A_434, %dma_wait3A_438, %dma_wait3A_439] : memref<200x2048x128xf32, #tpu.memory_space<hbm>> -> memref<1x8x128xf32, #tpu.memory_space<hbm>>
    %dma_wait3A_441 = tpu.memref_squeeze %dma_wait3A_440 : memref<1x8x128xf32, #tpu.memory_space<hbm>> -> memref<8x128xf32, #tpu.memory_space<hbm>>
    %dma_wait3A_442 = arith.constant 1024 : i32
    %dma_wait3A_443 = arith.constant 0 : i32
    %dma_wait3A_444 = tpu.memref_slice %arg6[%dma_wait3A_434, %dma_wait3A_442, %dma_wait3A_443] : memref<200x2048x128xf32, #tpu.memory_space<hbm>> -> memref<1x8x128xf32, #tpu.memory_space<hbm>>
    %dma_wait3A_445 = tpu.memref_squeeze %dma_wait3A_444 : memref<1x8x128xf32, #tpu.memory_space<hbm>> -> memref<8x128xf32, #tpu.memory_space<hbm>>
    %dma_wait3A_446 = arith.constant 32 : i32
    %dma_wait3A_447 = arith.constant 0 : i32
    %dma_wait3A_448 = tpu.memref_slice %arg12[%dma_wait3A_446, %dma_wait3A_447] : memref<128x129xf32, #tpu.memory_space<vmem>> -> memref<8x128xf32, #tpu.memory_space<vmem>>
    tpu.wait_dma2 semaphore(%arg18 : memref<!tpu.dma_semaphore, #tpu.memory_space<semaphore_mem>>) src(%dma_wait3A_448 : memref<8x128xf32, #tpu.memory_space<vmem>>) dst(%dma_wait3A_445 : memref<8x128xf32, #tpu.memory_space<hbm>>)
    %dma_wait3A_449 = arith.constant 0 : i32
    %dma_wait3A_450 = arith.constant 96 : i32
    %dma_wait3A_451 = arith.constant 0 : i32
    %dma_wait3A_452 = tpu.memref_slice %arg12[%dma_wait3A_450, %dma_wait3A_451] : memref<128x129xf32, #tpu.memory_space<vmem>> -> memref<8x128xf32, #tpu.memory_space<vmem>>
    %dma_wait3A_453 = arith.constant 1032 : i32
    %dma_wait3A_454 = arith.constant 0 : i32
    %dma_wait3A_455 = tpu.memref_slice %arg6[%dma_wait3A_449, %dma_wait3A_453, %dma_wait3A_454] : memref<200x2048x128xf32, #tpu.memory_space<hbm>> -> memref<1x8x128xf32, #tpu.memory_space<hbm>>
    %dma_wait3A_456 = tpu.memref_squeeze %dma_wait3A_455 : memref<1x8x128xf32, #tpu.memory_space<hbm>> -> memref<8x128xf32, #tpu.memory_space<hbm>>
    %dma_wait3A_457 = arith.constant 1032 : i32
    %dma_wait3A_458 = arith.constant 0 : i32
    %dma_wait3A_459 = tpu.memref_slice %arg6[%dma_wait3A_449, %dma_wait3A_457, %dma_wait3A_458] : memref<200x2048x128xf32, #tpu.memory_space<hbm>> -> memref<1x8x128xf32, #tpu.memory_space<hbm>>
    %dma_wait3A_460 = tpu.memref_squeeze %dma_wait3A_459 : memref<1x8x128xf32, #tpu.memory_space<hbm>> -> memref<8x128xf32, #tpu.memory_space<hbm>>
    %dma_wait3A_461 = arith.constant 96 : i32
    %dma_wait3A_462 = arith.constant 0 : i32
    %dma_wait3A_463 = tpu.memref_slice %arg12[%dma_wait3A_461, %dma_wait3A_462] : memref<128x129xf32, #tpu.memory_space<vmem>> -> memref<8x128xf32, #tpu.memory_space<vmem>>
    tpu.wait_dma2 semaphore(%arg18 : memref<!tpu.dma_semaphore, #tpu.memory_space<semaphore_mem>>) src(%dma_wait3A_463 : memref<8x128xf32, #tpu.memory_space<vmem>>) dst(%dma_wait3A_460 : memref<8x128xf32, #tpu.memory_space<hbm>>)
    %dma_wait3A_464 = arith.constant 0 : i32
    %dma_wait3A_465 = arith.constant 40 : i32
    %dma_wait3A_466 = arith.constant 0 : i32
    %dma_wait3A_467 = tpu.memref_slice %arg12[%dma_wait3A_465, %dma_wait3A_466] : memref<128x129xf32, #tpu.memory_space<vmem>> -> memref<8x128xf32, #tpu.memory_space<vmem>>
    %dma_wait3A_468 = arith.constant 1280 : i32
    %dma_wait3A_469 = arith.constant 0 : i32
    %dma_wait3A_470 = tpu.memref_slice %arg6[%dma_wait3A_464, %dma_wait3A_468, %dma_wait3A_469] : memref<200x2048x128xf32, #tpu.memory_space<hbm>> -> memref<1x8x128xf32, #tpu.memory_space<hbm>>
    %dma_wait3A_471 = tpu.memref_squeeze %dma_wait3A_470 : memref<1x8x128xf32, #tpu.memory_space<hbm>> -> memref<8x128xf32, #tpu.memory_space<hbm>>
    %dma_wait3A_472 = arith.constant 1280 : i32
    %dma_wait3A_473 = arith.constant 0 : i32
    %dma_wait3A_474 = tpu.memref_slice %arg6[%dma_wait3A_464, %dma_wait3A_472, %dma_wait3A_473] : memref<200x2048x128xf32, #tpu.memory_space<hbm>> -> memref<1x8x128xf32, #tpu.memory_space<hbm>>
    %dma_wait3A_475 = tpu.memref_squeeze %dma_wait3A_474 : memref<1x8x128xf32, #tpu.memory_space<hbm>> -> memref<8x128xf32, #tpu.memory_space<hbm>>
    %dma_wait3A_476 = arith.constant 40 : i32
    %dma_wait3A_477 = arith.constant 0 : i32
    %dma_wait3A_478 = tpu.memref_slice %arg12[%dma_wait3A_476, %dma_wait3A_477] : memref<128x129xf32, #tpu.memory_space<vmem>> -> memref<8x128xf32, #tpu.memory_space<vmem>>
    tpu.wait_dma2 semaphore(%arg18 : memref<!tpu.dma_semaphore, #tpu.memory_space<semaphore_mem>>) src(%dma_wait3A_478 : memref<8x128xf32, #tpu.memory_space<vmem>>) dst(%dma_wait3A_475 : memref<8x128xf32, #tpu.memory_space<hbm>>)
    %dma_wait3A_479 = arith.constant 0 : i32
    %dma_wait3A_480 = arith.constant 104 : i32
    %dma_wait3A_481 = arith.constant 0 : i32
    %dma_wait3A_482 = tpu.memref_slice %arg12[%dma_wait3A_480, %dma_wait3A_481] : memref<128x129xf32, #tpu.memory_space<vmem>> -> memref<8x128xf32, #tpu.memory_space<vmem>>
    %dma_wait3A_483 = arith.constant 1288 : i32
    %dma_wait3A_484 = arith.constant 0 : i32
    %dma_wait3A_485 = tpu.memref_slice %arg6[%dma_wait3A_479, %dma_wait3A_483, %dma_wait3A_484] : memref<200x2048x128xf32, #tpu.memory_space<hbm>> -> memref<1x8x128xf32, #tpu.memory_space<hbm>>
    %dma_wait3A_486 = tpu.memref_squeeze %dma_wait3A_485 : memref<1x8x128xf32, #tpu.memory_space<hbm>> -> memref<8x128xf32, #tpu.memory_space<hbm>>
    %dma_wait3A_487 = arith.constant 1288 : i32
    %dma_wait3A_488 = arith.constant 0 : i32
    %dma_wait3A_489 = tpu.memref_slice %arg6[%dma_wait3A_479, %dma_wait3A_487, %dma_wait3A_488] : memref<200x2048x128xf32, #tpu.memory_space<hbm>> -> memref<1x8x128xf32, #tpu.memory_space<hbm>>
    %dma_wait3A_490 = tpu.memref_squeeze %dma_wait3A_489 : memref<1x8x128xf32, #tpu.memory_space<hbm>> -> memref<8x128xf32, #tpu.memory_space<hbm>>
    %dma_wait3A_491 = arith.constant 104 : i32
    %dma_wait3A_492 = arith.constant 0 : i32
    %dma_wait3A_493 = tpu.memref_slice %arg12[%dma_wait3A_491, %dma_wait3A_492] : memref<128x129xf32, #tpu.memory_space<vmem>> -> memref<8x128xf32, #tpu.memory_space<vmem>>
    tpu.wait_dma2 semaphore(%arg18 : memref<!tpu.dma_semaphore, #tpu.memory_space<semaphore_mem>>) src(%dma_wait3A_493 : memref<8x128xf32, #tpu.memory_space<vmem>>) dst(%dma_wait3A_490 : memref<8x128xf32, #tpu.memory_space<hbm>>)
    %dma_wait3A_494 = arith.constant 0 : i32
    %dma_wait3A_495 = arith.constant 48 : i32
    %dma_wait3A_496 = arith.constant 0 : i32
    %dma_wait3A_497 = tpu.memref_slice %arg12[%dma_wait3A_495, %dma_wait3A_496] : memref<128x129xf32, #tpu.memory_space<vmem>> -> memref<8x128xf32, #tpu.memory_space<vmem>>
    %dma_wait3A_498 = arith.constant 1536 : i32
    %dma_wait3A_499 = arith.constant 0 : i32
    %dma_wait3A_500 = tpu.memref_slice %arg6[%dma_wait3A_494, %dma_wait3A_498, %dma_wait3A_499] : memref<200x2048x128xf32, #tpu.memory_space<hbm>> -> memref<1x8x128xf32, #tpu.memory_space<hbm>>
    %dma_wait3A_501 = tpu.memref_squeeze %dma_wait3A_500 : memref<1x8x128xf32, #tpu.memory_space<hbm>> -> memref<8x128xf32, #tpu.memory_space<hbm>>
    %dma_wait3A_502 = arith.constant 1536 : i32
    %dma_wait3A_503 = arith.constant 0 : i32
    %dma_wait3A_504 = tpu.memref_slice %arg6[%dma_wait3A_494, %dma_wait3A_502, %dma_wait3A_503] : memref<200x2048x128xf32, #tpu.memory_space<hbm>> -> memref<1x8x128xf32, #tpu.memory_space<hbm>>
    %dma_wait3A_505 = tpu.memref_squeeze %dma_wait3A_504 : memref<1x8x128xf32, #tpu.memory_space<hbm>> -> memref<8x128xf32, #tpu.memory_space<hbm>>
    %dma_wait3A_506 = arith.constant 48 : i32
    %dma_wait3A_507 = arith.constant 0 : i32
    %dma_wait3A_508 = tpu.memref_slice %arg12[%dma_wait3A_506, %dma_wait3A_507] : memref<128x129xf32, #tpu.memory_space<vmem>> -> memref<8x128xf32, #tpu.memory_space<vmem>>
    tpu.wait_dma2 semaphore(%arg18 : memref<!tpu.dma_semaphore, #tpu.memory_space<semaphore_mem>>) src(%dma_wait3A_508 : memref<8x128xf32, #tpu.memory_space<vmem>>) dst(%dma_wait3A_505 : memref<8x128xf32, #tpu.memory_space<hbm>>)
    %dma_wait3A_509 = arith.constant 0 : i32
    %dma_wait3A_510 = arith.constant 112 : i32
    %dma_wait3A_511 = arith.constant 0 : i32
    %dma_wait3A_512 = tpu.memref_slice %arg12[%dma_wait3A_510, %dma_wait3A_511] : memref<128x129xf32, #tpu.memory_space<vmem>> -> memref<8x128xf32, #tpu.memory_space<vmem>>
    %dma_wait3A_513 = arith.constant 1544 : i32
    %dma_wait3A_514 = arith.constant 0 : i32
    %dma_wait3A_515 = tpu.memref_slice %arg6[%dma_wait3A_509, %dma_wait3A_513, %dma_wait3A_514] : memref<200x2048x128xf32, #tpu.memory_space<hbm>> -> memref<1x8x128xf32, #tpu.memory_space<hbm>>
    %dma_wait3A_516 = tpu.memref_squeeze %dma_wait3A_515 : memref<1x8x128xf32, #tpu.memory_space<hbm>> -> memref<8x128xf32, #tpu.memory_space<hbm>>
    %dma_wait3A_517 = arith.constant 1544 : i32
    %dma_wait3A_518 = arith.constant 0 : i32
    %dma_wait3A_519 = tpu.memref_slice %arg6[%dma_wait3A_509, %dma_wait3A_517, %dma_wait3A_518] : memref<200x2048x128xf32, #tpu.memory_space<hbm>> -> memref<1x8x128xf32, #tpu.memory_space<hbm>>
    %dma_wait3A_520 = tpu.memref_squeeze %dma_wait3A_519 : memref<1x8x128xf32, #tpu.memory_space<hbm>> -> memref<8x128xf32, #tpu.memory_space<hbm>>
    %dma_wait3A_521 = arith.constant 112 : i32
    %dma_wait3A_522 = arith.constant 0 : i32
    %dma_wait3A_523 = tpu.memref_slice %arg12[%dma_wait3A_521, %dma_wait3A_522] : memref<128x129xf32, #tpu.memory_space<vmem>> -> memref<8x128xf32, #tpu.memory_space<vmem>>
    tpu.wait_dma2 semaphore(%arg18 : memref<!tpu.dma_semaphore, #tpu.memory_space<semaphore_mem>>) src(%dma_wait3A_523 : memref<8x128xf32, #tpu.memory_space<vmem>>) dst(%dma_wait3A_520 : memref<8x128xf32, #tpu.memory_space<hbm>>)
    %dma_wait3A_524 = arith.constant 0 : i32
    %dma_wait3A_525 = arith.constant 56 : i32
    %dma_wait3A_526 = arith.constant 0 : i32
    %dma_wait3A_527 = tpu.memref_slice %arg12[%dma_wait3A_525, %dma_wait3A_526] : memref<128x129xf32, #tpu.memory_space<vmem>> -> memref<8x128xf32, #tpu.memory_space<vmem>>
    %dma_wait3A_528 = arith.constant 1792 : i32
    %dma_wait3A_529 = arith.constant 0 : i32
    %dma_wait3A_530 = tpu.memref_slice %arg6[%dma_wait3A_524, %dma_wait3A_528, %dma_wait3A_529] : memref<200x2048x128xf32, #tpu.memory_space<hbm>> -> memref<1x8x128xf32, #tpu.memory_space<hbm>>
    %dma_wait3A_531 = tpu.memref_squeeze %dma_wait3A_530 : memref<1x8x128xf32, #tpu.memory_space<hbm>> -> memref<8x128xf32, #tpu.memory_space<hbm>>
    %dma_wait3A_532 = arith.constant 1792 : i32
    %dma_wait3A_533 = arith.constant 0 : i32
    %dma_wait3A_534 = tpu.memref_slice %arg6[%dma_wait3A_524, %dma_wait3A_532, %dma_wait3A_533] : memref<200x2048x128xf32, #tpu.memory_space<hbm>> -> memref<1x8x128xf32, #tpu.memory_space<hbm>>
    %dma_wait3A_535 = tpu.memref_squeeze %dma_wait3A_534 : memref<1x8x128xf32, #tpu.memory_space<hbm>> -> memref<8x128xf32, #tpu.memory_space<hbm>>
    %dma_wait3A_536 = arith.constant 56 : i32
    %dma_wait3A_537 = arith.constant 0 : i32
    %dma_wait3A_538 = tpu.memref_slice %arg12[%dma_wait3A_536, %dma_wait3A_537] : memref<128x129xf32, #tpu.memory_space<vmem>> -> memref<8x128xf32, #tpu.memory_space<vmem>>
    tpu.wait_dma2 semaphore(%arg18 : memref<!tpu.dma_semaphore, #tpu.memory_space<semaphore_mem>>) src(%dma_wait3A_538 : memref<8x128xf32, #tpu.memory_space<vmem>>) dst(%dma_wait3A_535 : memref<8x128xf32, #tpu.memory_space<hbm>>)
    %dma_wait3A_539 = arith.constant 0 : i32
    %dma_wait3A_540 = arith.constant 120 : i32
    %dma_wait3A_541 = arith.constant 0 : i32
    %dma_wait3A_542 = tpu.memref_slice %arg12[%dma_wait3A_540, %dma_wait3A_541] : memref<128x129xf32, #tpu.memory_space<vmem>> -> memref<8x128xf32, #tpu.memory_space<vmem>>
    %dma_wait3A_543 = arith.constant 1800 : i32
    %dma_wait3A_544 = arith.constant 0 : i32
    %dma_wait3A_545 = tpu.memref_slice %arg6[%dma_wait3A_539, %dma_wait3A_543, %dma_wait3A_544] : memref<200x2048x128xf32, #tpu.memory_space<hbm>> -> memref<1x8x128xf32, #tpu.memory_space<hbm>>
    %dma_wait3A_546 = tpu.memref_squeeze %dma_wait3A_545 : memref<1x8x128xf32, #tpu.memory_space<hbm>> -> memref<8x128xf32, #tpu.memory_space<hbm>>
    %dma_wait3A_547 = arith.constant 1800 : i32
    %dma_wait3A_548 = arith.constant 0 : i32
    %dma_wait3A_549 = tpu.memref_slice %arg6[%dma_wait3A_539, %dma_wait3A_547, %dma_wait3A_548] : memref<200x2048x128xf32, #tpu.memory_space<hbm>> -> memref<1x8x128xf32, #tpu.memory_space<hbm>>
    %dma_wait3A_550 = tpu.memref_squeeze %dma_wait3A_549 : memref<1x8x128xf32, #tpu.memory_space<hbm>> -> memref<8x128xf32, #tpu.memory_space<hbm>>
    %dma_wait3A_551 = arith.constant 120 : i32
    %dma_wait3A_552 = arith.constant 0 : i32
    %dma_wait3A_553 = tpu.memref_slice %arg12[%dma_wait3A_551, %dma_wait3A_552] : memref<128x129xf32, #tpu.memory_space<vmem>> -> memref<8x128xf32, #tpu.memory_space<vmem>>
    tpu.wait_dma2 semaphore(%arg18 : memref<!tpu.dma_semaphore, #tpu.memory_space<semaphore_mem>>) src(%dma_wait3A_553 : memref<8x128xf32, #tpu.memory_space<vmem>>) dst(%dma_wait3A_550 : memref<8x128xf32, #tpu.memory_space<hbm>>)
    return
  }
}

</mosaic_0001>

<sc_bundles>
// kernel: kernel.3.cloned.1.call-start
scs
__scs_entry_jumppad:
0x0: {  	(pc) =	sbr.rel $0x88, $3  }
0x1: {  	(tag) =	ssettag $0x0;
	lr =	simm.s32 $0x1  }
0x2: {  	[smem:$0x3F9E] =	sst lr;
	_ =	strace $0xD0000000  }
0x3: {  	_ = 	snop  }
0x4: {  	_ = 	snop  }
0x5: {  	_ = 	snop  }
0x6: {  	_ = 	snop  }
0x7: {  	_ = 	snop  }
__scs_overlays_trampoline_lowered:
0x8: {  	[smem:$0x3FAD] =	sst s0  }
0x9: {  	[smem:$0x3FAE] =	sst s1  }
0xa: {  	[smem:$0x3FAF] =	sst s2  }
0xb: {  	[smem:$0x3FB0] =	sst s3  }
0xc: {  	[smem:$0x3FB1] =	sst s4  }
0xd: {  	[smem:$0x3FB2] =	sst s5  }
0xe: {  	[smem:$0x3FB3] =	sst s6  }
0xf: {  	[smem:$0x3FB4] =	sst s7  }
0x10: {  	[smem:$0x3FB5] =	sst s8  }
0x11: {  	[smem:$0x3FB6] =	sst s9;
	s0 =	simm.s32 @!p0 $0x0  }
0x12: {  	s1 =	sld [smem:$0x3F9C];
	s0 =	simm.s32 @p0 $0x1  }
0x13: {  	[smem:$0x3FB7] =	sst s0;
	s0 =	simm.s32 @!p1 $0x0  }
0x14: {  	s2 =	sld [smem:$0x3F9B];
	s0 =	simm.s32 @p1 $0x1  }
0x15: {  	[smem:$0x3FB8] =	sst s0;
	s0 =	simm.s32 @!p2 $0x0  }
0x16: {  	s3 =	sld [smem:$0x3FDB];
	s0 =	simm.s32 @p2 $0x1  }
0x17: {  	s4 =	simm.s32 $0x1BF5;
	[smem:$0x3FBA] =	sst s0  }
0x18: {  	s0 =	sld [smem:$0x3F9D];
	_ =	swait.ge [sflag:s4], $0x0  }
0x19: {  	s7 =	sld [smem:$0x3F9E]  }
0x1a: {  	s8 =	sadd.s32 $0xFFFFE003, lr  }
0x1b: {  	s9 =	sadd.s32 $0xFFFFFEF7, lr;
	s5 =	simm.s32 $0xFFFFFFFF;
	p2 =	slt.u32 s8, $0xFFFFF086  }
0x1c: {  	p1 =	slt.u32 s9, $0xF7A;
	s5 =	simm.s32 @!p2 $0x0  }
0x1d: {  	s5 =	simm.s32 @p1 $0x1;
	p0 =	seq.s32 s7, s2  }
0x1e: {  	s7 =	smul.u32 @!p0 $0xF7A, s2;
	p2 =	seq.s32 @!p0 s5, $0x0  }
0x1f: {  	s9 =	smul.u32 $0xF7A, s1;
	s8 =	simm.s32 @!p0 $0x1BF5;
	p2 =	por !p2, p0  }
0x20: {  	[sflag:s8] =	ssyncset.s32 @!p0 $0xFFFFF086;
	s6 =	sadd.s32 @!p0 s3, s7;
	s7 =	simm.s32 @!p0 $0x108  }
0x21: {  	s3 =	sadd.s32 s3, s9;
	s6 =	sadd.s32 @!p0 $0x88, s6;
	s7 =	simm.s32 @p2 $0x1082  }
0x22: {  	[simem:s7], [sflag:s8] =	dma.local @!p0 [hbm:s6], $0xF7A  }
0x23: {  	s9 =	sor.u32 $0xD0000000, s2;
	s6 =	simm.s32 $0x108;
	_ =	swait.ge @!p0 [sflag:s8], $0x0  }
0x24: {  	s3 =	sadd.s32 $0x88, s3;
	s6 =	simm.s32 @!p1 $0x1082;
	[sflag:s4] =	ssyncset.s32 $0xFFFFF086  }
0x25: {  	[simem:s6], [sflag:s4] =	dma.local [hbm:s3], $0xF7A  }
0x26: {  	[smem:$0x3F9E] =	sst s1;
	(tag) =	ssettag s2;
	_ =	strace s9  }
0x27: {  	s1 =	sld [smem:$0x3FAE]  }
0x28: {  	s2 =	sld [smem:$0x3FAF]  }
0x29: {  	s4 =	sld [smem:$0x3FB1]  }
0x2a: {  	p0 =	seq.s32 s5, $0x0;
	s5 =	sld [smem:$0x3FB2]  }
0x2b: {  	s6 =	sld [smem:$0x3FB3]  }
0x2c: {  	s7 =	sld [smem:$0x3FB4]  }
0x2d: {  	s3 =	simm.s32 $0x108;
	s8 =	sld [smem:$0x3FB5]  }
0x2e: {  	s3 =	simm.s32 @!p0 $0x1082;
	s9 =	sld [smem:$0x3FB6]  }
0x2f: {  	lr =	sadd.s32 s0, s3;
	s0 =	sld [smem:$0x3FAD]  }
0x30: {  	s3 =	sld [smem:$0x3FB0]  }
0x31: {  	[smem:$0x3FB9] =	sst s10  }
0x32: {  	s10 =	sld [smem:$0x3FB7];
	_ =	sdelay $0x3  }
0x33: {  	p0 =	seq.s32 s10, $0x1;
	s10 =	sld [smem:$0x3FB9];
	_ =	sdelay $0x3  }
0x34: {  	[smem:$0x3FB9] =	sst s10  }
0x35: {  	s10 =	sld [smem:$0x3FB8];
	_ =	sdelay $0x3  }
0x36: {  	p1 =	seq.s32 s10, $0x1;
	s10 =	sld [smem:$0x3FB9];
	_ =	sdelay $0x3  }
0x37: {  	[smem:$0x3FB9] =	sst s10  }
0x38: {  	s10 =	sld [smem:$0x3FBA]  }
0x39: {  	_ = 	snop;
	(pc) =	sbr.ind lr, $3  }
0x3a: {  	_ = 	snop  }
0x3b: {  	_ = 	snop  }
0x3c: {  	p2 =	seq.s32 s10, $0x1;
	s10 =	sld [smem:$0x3FB9]  }
0x3d: {  	_ =	shalt  }
0x3e: {  	_ =	shalt  }
0x3f: {  	_ =	shalt  }
0x40: {  	_ =	shalt  }
0x41: {  	_ =	shalt  }
0x42: {  	_ =	shalt  }
0x43: {  	_ =	shalt  }
0x44: {  	_ =	shalt  }
0x45: {  	_ =	shalt  }
0x46: {  	_ =	shalt  }
0x47: {  	_ =	shalt  }
0x48: {  	_ =	shalt  }
0x49: {  	_ =	shalt  }
0x4a: {  	_ =	shalt  }
0x4b: {  	_ =	shalt  }
0x4c: {  	_ =	shalt  }
0x4d: {  	_ =	shalt  }
0x4e: {  	_ =	shalt  }
0x4f: {  	_ =	shalt  }
0x50: {  	_ =	shalt  }
0x51: {  	_ =	shalt  }
0x52: {  	_ =	shalt  }
0x53: {  	_ =	shalt  }
0x54: {  	_ =	shalt  }
0x55: {  	_ =	shalt  }
0x56: {  	_ =	shalt  }
0x57: {  	_ =	shalt  }
0x58: {  	_ =	shalt  }
0x59: {  	_ =	shalt  }
0x5a: {  	_ =	shalt  }
0x5b: {  	_ =	shalt  }
0x5c: {  	_ =	shalt  }
0x5d: {  	_ =	shalt  }
0x5e: {  	_ =	shalt  }
0x5f: {  	_ =	shalt  }
0x60: {  	_ =	shalt  }
0x61: {  	_ =	shalt  }
0x62: {  	_ =	shalt  }
0x63: {  	_ =	shalt  }
0x64: {  	_ =	shalt  }
0x65: {  	_ =	shalt  }
0x66: {  	_ =	shalt  }
0x67: {  	_ =	shalt  }
0x68: {  	_ =	shalt  }
0x69: {  	_ =	shalt  }
0x6a: {  	_ =	shalt  }
0x6b: {  	_ =	shalt  }
0x6c: {  	_ =	shalt  }
0x6d: {  	_ =	shalt  }
0x6e: {  	_ =	shalt  }
0x6f: {  	_ =	shalt  }
0x70: {  	_ =	shalt  }
0x71: {  	_ =	shalt  }
0x72: {  	_ =	shalt  }
0x73: {  	_ =	shalt  }
0x74: {  	_ =	shalt  }
0x75: {  	_ =	shalt  }
0x76: {  	_ =	shalt  }
0x77: {  	_ =	shalt  }
0x78: {  	_ =	shalt  }
0x79: {  	_ =	shalt  }
0x7a: {  	_ =	shalt  }
0x7b: {  	_ =	shalt  }
0x7c: {  	_ =	shalt  }
0x7d: {  	_ =	shalt  }
0x7e: {  	_ =	shalt  }
0x7f: {  	_ =	shalt  }
0x80: {  	_ =	shalt  }
0x81: {  	_ =	shalt  }
0x82: {  	_ =	shalt  }
0x83: {  	_ =	shalt  }
0x84: {  	_ =	shalt  }
0x85: {  	_ =	shalt  }
0x86: {  	_ =	shalt  }
0x87: {  	_ =	shalt  }
.Lfunc_end0:
.L_simem_size_0:
called_computation_lowered:
.L_overlay_start_0:
0x88: {  	s2 =	sld [smem:$0x3FD9]  }
0x89: {  	s3 =	sld [smem:$0x3FFE];
	_ =	sdelay $0x1  }
0x8a: {  	s1 =	srdreg.scid  }
0x8b: {  	s0 =	sand.u32 $0x1, s1  }
0x8c: {  	s17 =	sshll.u32 s0, $0xA;
	s2 =	sadd.s32 s3, s2  }
0x8d: {  	s2 =	sadd.s32 s2, s17  }
0x8e: {  	[smem:$0x3FC5] =	sst s2  }
0x8f: {  	_ = 	snop  }
0x90: {  	s2 =	sld [smem:$0x3FD0];
	(tm) =	ssettm $0x1  }
0x91: {  	s18 =	sld [smem:$0x3FFB];
	_ =	sdelay $0x3  }
0x92: {  	_ =	strace s18  }
0x93: {  	s3 =	sld [smem:$0x3FFC];
	_ =	sdelay $0x3  }
0x94: {  	_ =	strace s3  }
0x95: {  	s3 =	sld [smem:$0x3FFD];
	_ =	sdelay $0x3  }
0x96: {  	_ =	strace s3  }
0x97: {  	_ =	strace $0x8FFFFFFF  }
0x98: {  	s19 =	sld [smem:$0x3FDB];
	_ =	sdelay $0x1  }
0x99: {  	s4 =	simm.s32 $_scs_section_size  }
0x9a: {  	s5 =	simm.s32 $_size__tile_overlayer_lowered;
	s6 =	simm.s32 $_tile_overlayer_lowered  }
0x9b: {  	s22 =	simm.s32 $0x1BFF;
	s21 =	sshll.u32 s6, $0x1;
	s3 =	sadd.s32 s4, s19  }
0x9c: {  	s7 =	simm.s32 $0x0;
	s20 =	sshll.u32 s5, $0x1;
	s5 =	sadd.s32 s21, s3  }
0x9d: {  	[timem:s7], [sflag:s22] =	dma.local [hbm:s5], s20  }
0x9e: {  	_ =	swait.ge [sflag:s22], s20  }
0x9f: {  	s4 =	ssub.s32 $0x0, s20;
	[sflag:s22] =	ssyncset.done $0x0  }
0xa0: {  	[sflag:s22] =	ssyncadd.s32 s4;
	_ =	sdelay $0x1  }
0xa1: {  	s23 =	simm.s32 $0x1B8B  }
0xa2: {  	_ =	swait.ge [sflag:s23], $0x1  }
0xa3: {  	[sflag:s23] =	ssyncset.done $0x0  }
0xa4: {  	s25 =	simm.s32 $0x1B8E;
	s24 =	sld [smem:$0x3FFE];
	[sflag:s23] =	ssyncadd.s32 $0xFFFFFFFF  }
0xa5: {  	s26 =	simm.s32 $execute0_lowered;
	[smem:$0x3FD2] =	sst s25  }
0xa6: {  	s5 =	sshll.u32 s26, $0x1;
	_ =	strace $0x80000046;
	[dreg:$0x1] =	wrdreg $0xFFFFFFFF  }
0xa7: {  	s28 =	simm.s32 $_size_execute0_lowered;
	s3 =	sadd.s32 s3, s5;
	[dreg:$0x0] =	wrdreg $0x0  }
0xa8: {  	s5 =	sshll.u32 s28, $0x1;
	[dreg:$0x2] =	wrdreg s3  }
0xa9: {  	[dreg:$0x3] =	wrdreg s5  }
0xaa: {  	[dreg:$0x4] =	wrdreg $0xC0  }
0xab: {  	_ =	task [dreg:s7], $0x5FFFF  }
0xac: {  	[dreg:$0x1] =	wrdreg $0xFFFFFFFF  }
0xad: {  	[dreg:$0x0] =	wrdreg $0x60  }
0xae: {  	[dreg:$0x2] =	wrdreg s24  }
0xaf: {  	[dreg:$0x3] =	wrdreg s2  }
0xb0: {  	[dreg:$0x4] =	wrdreg $0x9  }
0xb1: {  	_ =	task.clear_ibuf [dreg:s7], $0x5FFFF;
	_ =	strace $0x90000046  }
0xb2: {  	s29 =	simm.s32 $0x9;
	_ =	strace $0x80000048  }
0xb3: {  	_ =	swait.ge [sflag:s29], $0x1  }
0xb4: {  	[sflag:s29] =	ssyncadd.s32 $0xFFFFFFFF  }
0xb5: {  	_ =	strace $0x90000048  }
0xb6: {  	_ =	sfence  }
0xb7: {  	s30 =	sld [smem:$0x0];
	_ =	sdelay $0x2  }
0xb8: {  	s31 =	sshll.u32 s1, $0xD;
	s1 =	sshrl.u32 s1, $0x2  }
0xb9: {  	s3 =	sand.u32 $0x4000, s31;
	s1 =	sadd.s32 s1, s30  }
0xba: {  	s0 =	sor.u32 s3, s0;
	s1 =	sshll.u32 s1, $0x11  }
0xbb: {  	s0 =	sor.u32 s1, s0  }
0xbc: {  	s0 =	sadd.s32 $0x8F2B, s0  }
0xbd: {  	[sflag:s0] =	ssyncadd.remote.s32 $0x1  }
0xbe: {  	_ =	sfence.sel $0xFFFF  }
0xbf: {  	[dreg:$0x0] =	wrdreg $0xFFFFFFFF;
	(pc) =	sbr.abs _section_cstart, $3  }
0xc0: {  	[dreg:$0x1] =	wrdreg $0xFFFFFFFF  }
0xc1: {  	_ =	task.clear_ibuf [dreg:s7], $0x2FFFF;
	_ =	strace $0x9FFFFFFF  }
0xc2: {  	(tm) =	ssettm $0x7FFFFFFF  }
0xc3: {  	_ =	shalt  }
tec
execute0_lowered:
.L_overlay_start_1:
0x0: {  	(tag) =	ssettag $0x1  }
0x1: {  	s0 =	rddreg [dreg:$0x0]  }
0x2: {  	s2 =	rddreg [dreg:$0x1];
	s1 =	srdreg.scid  }
0x3: {  	s4 =	stileid.u32;
	s3 =	simm.s32 $0x0;
	s13 =	simm.s32 $0x5  }
0x4: {  	s15 =	simm.s32 $0x100;
	s17 =	simm.s32 $0x1;
	s19 =	simm.s32 $0x8200  }
0x5: {  	s21 =	simm.s32 $0x2;
	s22 =	simm.s32 $0xC600;
	s29 =	simm.s32 $0x105C0  }
0x6: {  	s30 =	simm.s32 $0x10648;
	s31 =	simm.s32 $0x106D0;
	s12 =	simm.s32 $0x10868  }
0x7: {  	s14 =	simm.s32 $0x108F0;
	s16 =	simm.s32 $0x10978;
	s11 =	simm.s32 $0x0  }
0x8: {  	s1 =	sand.u32 $0x1, s1;
	s4 =	sshll.u32 s4, $0x1;
	[smem:$0x7FF] =	sst s3  }
0x9: {  	s5 =	sadd.s32 $0xF42E00, s0;
	s8 =	sadd.s32 $0x19A00, s0;
	s6 =	sor.u32 s1, s4  }
0xa: {  	_ =	strace $0x80000047;
	s4 =	sadd.s32 $0xA00, s0;
	[dreg:$0x3] =	wrdreg s8  }
0xb: {  	s1 =	ssub.s32 $0x2, s1;
	s0 =	sadd.s32 $0x1A200, s0;
	s7 =	smul.u32 $0x6400, s6  }
0xc: {  	s24 =	sshll.u32 s6, $0xA;
	s10 =	sshrl.u32 s1, $0x1;
	[dreg:$0x4] =	wrdreg s0  }
0xd: {  	s8 =	sand.u32 $0xC00, s24;
	s26 =	ssub.s32 s1, s10;
	s9 =	sand.u32 $0xFF000, s7  }
0xe: {  	s7 =	smul.u32 $0x64, s6;
	s0 =	smax.u32 s26, $0x1;
	s25 =	sor.u32 s8, s9  }
0xf: {  	s6 =	simm.s32 $0x3;
	[dreg:$0x6] =	wrdreg s0;
	s28 =	sshrl.u32 s25, $0x3  }
0x10: {  	v0 =	vimm.s32 $0x0;
	vm0 =	vcmask $0x300;
	s0 =	simm.s32 $0x10758;
	s8 =	simm.s32 $0x4;
	s1 =	sadd.s32 s4, s28  }
0x11: {  	v0 =	vsel vm0, $0x3, v0;
	s10 =	sadd.s32 $0x64, s7;
	[dreg:$0x5] =	wrdreg s1;
	s1 =	simm.s32 $0x107E0  }
.LBB2_1:
0x12: {  	[dreg:$0x7] =	wrdreg s11  }
0x13: {  	s9 =	rddreg [dreg:$0x3];
	s23 =	simm.s32 $0x10A00  }
0x14: {  	[tilespmem:s23], [sflag:$0x5] =	stream.linear.gather [hbm4b:s9+s3], $0x3200, $0x38;
	[tilespmem:$0x13C80] =	vst v63  }
0x15: {  	_ =	swait.ge [sflag:s13], $0x3200  }
0x16: {  	[sflag:s13] =	ssyncset.done $0x0  }
0x17: {  	s25 =	simm.s32 $0x13C00;
	s24 =	rddreg [dreg:$0x4];
	[sflag:s13] =	ssyncadd.s32 $0xFFFFCE00  }
0x18: {  	[tilespmem:s25], [sflag:$0x5] =	stream.linear.gather [hbm4b:s24+s3], $0x80, $0x38;
	[tilespmem:$0x13C80] =	vst v63  }
0x19: {  	_ =	swait.ge [sflag:s13], $0x80  }
0x1a: {  	[sflag:s13] =	ssyncset.done $0x0  }
0x1b: {  	[sflag:s13] =	ssyncadd.s32 $0xFFFFFF80  }
0x1c: {  	v1 =	vld [tilespmem:$0x13C00]  }
0x1d: {  	v2 =	vld [tilespmem:$0x13C10]  }
0x1e: {  	v3 =	vld [tilespmem:$0x13C20]  }
0x1f: {  	v4 =	vld [tilespmem:$0x13C30]  }
0x20: {  	v5 =	vld [tilespmem:$0x13C40]  }
0x21: {  	v6 =	vld [tilespmem:$0x13C50]  }
0x22: {  	s26 =	rddreg [dreg:$0x5];
	v7 =	vld [tilespmem:$0x13C60];
	v9 =	vmul.u32 $0x88, v1  }
0x23: {  	v1 =	vld [tilespmem:$0x13C70];
	[tilespmem:s3], [sflag:$0x5] =	stream.linear.gather [hbm4b:s26+s3], $0x100, $0x38  }
0x24: {  	v8 =	vor.u32 $0x1, v9;
	[tilespmem:$0x1FC90] =	vst v9  }
0x25: {  	v36 =	vor.u32 $0x2, v9;
	[tilespmem:$0x1FC30] =	vst v8  }
0x26: {  	v37 =	vor.u32 $0x3, v9;
	[tilespmem:$0x1FC40] =	vst v36  }
0x27: {  	v38 =	vor.u32 $0x4, v9;
	[tilespmem:$0x1FC50] =	vst v37  }
0x28: {  	v39 =	vor.u32 $0x5, v9;
	[tilespmem:$0x1FC60] =	vst v38  }
0x29: {  	v3 =	vmul.u32 $0x88, v3;
	v40 =	vor.u32 $0x6, v9;
	[tilespmem:$0x1FC70] =	vst v39  }
0x2a: {  	v5 =	vmul.u32 $0x88, v5;
	v41 =	vor.u32 $0x7, v9;
	[tilespmem:$0x1FC80] =	vst v40  }
0x2b: {  	[tilespmem:$0x1FCA0] =	vst v41;
	v43 =	vmul.u32 $0x88, v1;
	v1 =	vor.u32 $0x1, v3  }
0x2c: {  	[tilespmem:$0x1FCB0] =	vst v1;
	v1 =	vor.u32 $0x1, v5  }
0x2d: {  	[tilespmem:$0x1FCC0] =	vst v1;
	v1 =	vor.u32 $0x2, v3  }
0x2e: {  	v42 =	vmul.u32 $0x88, v2;
	v2 =	vor.u32 $0x2, v43;
	[tilespmem:$0x1FCD0] =	vst v1  }
0x2f: {  	v1 =	vor.u32 $0x2, v5;
	[tilespmem:$0x1FCF0] =	vst v2  }
0x30: {  	v7 =	vmul.u32 $0x88, v7;
	v2 =	vor.u32 $0x3, v3;
	[tilespmem:$0x1FCE0] =	vst v1  }
0x31: {  	[tilespmem:$0x1FD00] =	vst v2;
	v2 =	vor.u32 $0x3, v5  }
0x32: {  	v4 =	vmul.u32 $0x88, v4;
	[tilespmem:$0x1FD10] =	vst v2;
	v2 =	vor.u32 $0x3, v7  }
0x33: {  	v6 =	vmul.u32 $0x88, v6;
	[tilespmem:$0x1FD20] =	vst v2;
	v2 =	vor.u32 $0x3, v42  }
0x34: {  	[tilespmem:$0x1FD30] =	vst v2;
	v2 =	vor.u32 $0x3, v4  }
0x35: {  	[tilespmem:$0x1FD40] =	vst v2;
	v2 =	vor.u32 $0x3, v6  }
0x36: {  	[tilespmem:$0x1FD50] =	vst v2;
	v2 =	vor.u32 $0x3, v43  }
0x37: {  	[tilespmem:$0x1FD60] =	vst v2;
	v2 =	vor.u32 $0x4, v3  }
0x38: {  	[tilespmem:$0x1FD70] =	vst v2;
	v2 =	vor.u32 $0x4, v5  }
0x39: {  	[tilespmem:$0x1FD80] =	vst v2;
	v2 =	vor.u32 $0x4, v7  }
0x3a: {  	[tilespmem:$0x1FD90] =	vst v2;
	v2 =	vor.u32 $0x4, v42  }
0x3b: {  	[tilespmem:$0x1FDA0] =	vst v2;
	v2 =	vor.u32 $0x4, v4  }
0x3c: {  	[tilespmem:$0x1FDB0] =	vst v2;
	v2 =	vor.u32 $0x4, v6  }
0x3d: {  	[tilespmem:$0x1FDC0] =	vst v2;
	v2 =	vor.u32 $0x4, v43  }
0x3e: {  	[tilespmem:$0x1FDD0] =	vst v2;
	v2 =	vor.u32 $0x5, v3  }
0x3f: {  	[tilespmem:$0x1FDE0] =	vst v2;
	v2 =	vor.u32 $0x5, v5  }
0x40: {  	[tilespmem:$0x1FDF0] =	vst v2;
	v2 =	vor.u32 $0x5, v7  }
0x41: {  	[tilespmem:$0x1FE00] =	vst v2  }
0x42: {  	v2 =	vor.u32 $0x5, v42;
	_ =	swait.ge [sflag:s13], $0x100  }
0x43: {  	[tilespmem:$0x1FE10] =	vst v2  }
0x44: {  	[tilespmem:$0x1FEC0] =	vst v3  }
0x45: {  	[tilespmem:$0x1FEE0] =	vst v5  }
0x46: {  	v58 =	vor.u32 $0x1, v43;
	[tilespmem:$0x1FF50] =	vst v43  }
0x47: {  	v1 =	vor.u32 $0x2, v6;
	[tilespmem:$0x1FF60] =	vst v58  }
0x48: {  	v48 =	vor.u32 $0x1, v42;
	[tilespmem:$0x1FF70] =	vst v1  }
0x49: {  	v56 =	vor.u32 $0x2, v42;
	[tilespmem:$0x1FF80] =	vst v48  }
0x4a: {  	v50 =	vor.u32 $0x1, v6;
	[tilespmem:$0x1FF90] =	vst v56  }
0x4b: {  	v49 =	vor.u32 $0x1, v4;
	[tilespmem:$0x1FFA0] =	vst v50  }
0x4c: {  	v57 =	vor.u32 $0x2, v4;
	[tilespmem:$0x1FFB0] =	vst v49  }
0x4d: {  	v47 =	vor.u32 $0x1, v7;
	[tilespmem:$0x1FFC0] =	vst v57  }
0x4e: {  	v55 =	vor.u32 $0x2, v7;
	[tilespmem:$0x1FFD0] =	vst v47  }
0x4f: {  	[tilespmem:$0x1FFE0] =	vst v55  }
0x50: {  	v2 =	vor.u32 $0x5, v4;
	[tilespmem:$0x1FFF0] =	vst v6  }
0x51: {  	[sflag:s13] =	ssyncset.done $0x0;
	[tilespmem:$0x1FE20] =	vst v2;
	v2 =	vor.u32 $0x5, v6  }
0x52: {  	s28 =	simm.s32 $0x200;
	[sflag:s13] =	ssyncadd.s32 $0xFFFFFF00;
	[tilespmem:$0x1FE30] =	vst v2  }
0x53: {  	v2 =	vor.u32 $0x5, v43;
	[tilespmem:s28], [sflag:$0x1] =	stream.indirect.gather [hbm4b:s5+s15], $0x40, s3, s15, $0xb8;
	[tilespmem:$0x13C80] =	vst v63  }
0x54: {  	[tilespmem:$0x1FE40] =	vst v2;
	v2 =	vor.u32 $0x6, v3  }
0x55: {  	[tilespmem:$0x1FE50] =	vst v2;
	v2 =	vor.u32 $0x6, v5  }
0x56: {  	[tilespmem:$0x1FE60] =	vst v2;
	v2 =	vor.u32 $0x6, v7  }
0x57: {  	[tilespmem:$0x1FE70] =	vst v2;
	v2 =	vor.u32 $0x6, v42  }
0x58: {  	[tilespmem:$0x1FE80] =	vst v2;
	v2 =	vor.u32 $0x6, v4  }
0x59: {  	[tilespmem:$0x1FE90] =	vst v2;
	v2 =	vor.u32 $0x6, v6  }
0x5a: {  	[tilespmem:$0x1FEA0] =	vst v2;
	v2 =	vor.u32 $0x6, v43  }
0x5b: {  	[tilespmem:$0x1FEB0] =	vst v2;
	v2 =	vor.u32 $0x7, v3  }
0x5c: {  	[tilespmem:$0x1FED0] =	vst v2;
	v2 =	vor.u32 $0x7, v5  }
0x5d: {  	[tilespmem:$0x1FEF0] =	vst v2;
	v2 =	vor.u32 $0x7, v7  }
0x5e: {  	[tilespmem:$0x1FF00] =	vst v2;
	v2 =	vor.u32 $0x7, v42  }
0x5f: {  	[tilespmem:$0x1FF10] =	vst v2;
	v2 =	vor.u32 $0x7, v4  }
0x60: {  	[tilespmem:$0x1FF20] =	vst v2;
	v2 =	vor.u32 $0x7, v6  }
0x61: {  	[tilespmem:$0x1FF30] =	vst v2;
	v2 =	vor.u32 $0x7, v43  }
0x62: {  	s9 =	simm.s32 $0x0;
	v53 =	vmovc v7;
	v54 =	vmovc v42;
	v61 =	vmov v4;
	v51 =	vmov v6;
	v60 =	vmov v43;
	[tilespmem:$0x1FF40] =	vst v2  }
.LBB2_2:
0x63: {  	s11 =	sshll.u32 s9, $0x1  }
0x64: {  	s20 =	sadd.s32 s7, s11  }
0x65: {  	s11 =	sor.u32 $0x1, s20;
	s18 =	sshll.u32 s20, $0x5  }
0x66: {  	_ =	swait.ge [sflag:s17], $0x4000;
	s18 =	sand.u32 $0xFFFFE00, s18;
	s23 =	sshll.u32 s11, $0x5  }
0x67: {  	[sflag:s17] =	ssyncset.done $0x0;
	s23 =	sand.u32 $0x1E0, s23;
	s18 =	sadd.s32 s4, s18  }
0x68: {  	[sflag:s17] =	ssyncadd.s32 $0xFFFFC000;
	s18 =	sadd.s32 s23, s18  }
0x69: {  	[tilespmem:s15], [sflag:$0x5] =	stream.linear.gather [hbm4b:s18+s3], $0x100, $0x38;
	[tilespmem:$0x13C80] =	vst v63  }
0x6a: {  	_ =	swait.ge [sflag:s13], $0x100  }
0x6b: {  	p0 =	seq.s32 s9, $0x0;
	[sflag:s13] =	ssyncset.done $0x0  }
0x6c: {  	s25 =	simm.s32 $0x4200;
	s18 =	simm.s32 @!p0 $0x3;
	[sflag:s13] =	ssyncadd.s32 $0xFFFFFF00  }
0x6d: {  	[tilespmem:s25], [sflag:$0x2] =	stream.indirect.gather [hbm4b:s5+s15], $0x40, s15, s15, $0xb8;
	[tilespmem:$0x13C80] =	vst v63  }
0x6e: {  	_ =	swait.ge @!p0 [sflag:s18], $0x400  }
0x6f: {  	[sflag:s18] =	ssyncset.done @!p0 $0x0  }
0x70: {  	[sflag:s18] =	ssyncadd.s32 @!p0 $0xFFFFFC00  }
0x71: {  	_ =	swait.ge @!p0 [sflag:s18], $0x400  }
0x72: {  	[sflag:s18] =	ssyncset.done @!p0 $0x0  }
0x73: {  	[sflag:s18] =	ssyncadd.s32 @!p0 $0xFFFFFC00  }
0x74: {  	_ =	swait.ge @!p0 [sflag:s18], $0x400  }
0x75: {  	[sflag:s18] =	ssyncset.done @!p0 $0x0  }
0x76: {  	[sflag:s18] =	ssyncadd.s32 @!p0 $0xFFFFFC00  }
0x77: {  	_ =	swait.ge @!p0 [sflag:s18], $0x400  }
0x78: {  	[sflag:s18] =	ssyncset.done @!p0 $0x0  }
0x79: {  	[sflag:s18] =	ssyncadd.s32 @!p0 $0xFFFFFC00  }
0x7a: {  	_ =	swait.ge @!p0 [sflag:s18], $0x400  }
0x7b: {  	[sflag:s18] =	ssyncset.done @!p0 $0x0  }
0x7c: {  	[sflag:s18] =	ssyncadd.s32 @!p0 $0xFFFFFC00  }
0x7d: {  	_ =	swait.ge @!p0 [sflag:s18], $0x400  }
0x7e: {  	[sflag:s18] =	ssyncset.done @!p0 $0x0  }
0x7f: {  	[sflag:s18] =	ssyncadd.s32 @!p0 $0xFFFFFC00  }
0x80: {  	_ =	swait.ge @!p0 [sflag:s18], $0x400  }
0x81: {  	[sflag:s18] =	ssyncset.done @!p0 $0x0  }
0x82: {  	[sflag:s18] =	ssyncadd.s32 @!p0 $0xFFFFFC00  }
0x83: {  	_ =	swait.ge @!p0 [sflag:s18], $0x400  }
0x84: {  	[sflag:s18] =	ssyncset.done @!p0 $0x0  }
0x85: {  	[sflag:s18] =	ssyncadd.s32 @!p0 $0xFFFFFC00  }
0x86: {  	_ =	swait.ge @!p0 [sflag:s18], $0x400  }
0x87: {  	[sflag:s18] =	ssyncset.done @!p0 $0x0  }
0x88: {  	[sflag:s18] =	ssyncadd.s32 @!p0 $0xFFFFFC00  }
0x89: {  	_ =	swait.ge @!p0 [sflag:s18], $0x400  }
0x8a: {  	[sflag:s18] =	ssyncset.done @!p0 $0x0  }
0x8b: {  	[sflag:s18] =	ssyncadd.s32 @!p0 $0xFFFFFC00  }
0x8c: {  	_ =	swait.ge @!p0 [sflag:s18], $0x400  }
0x8d: {  	[sflag:s18] =	ssyncset.done @!p0 $0x0  }
0x8e: {  	[sflag:s18] =	ssyncadd.s32 @!p0 $0xFFFFFC00  }
0x8f: {  	_ =	swait.ge @!p0 [sflag:s18], $0x400  }
0x90: {  	[sflag:s18] =	ssyncset.done @!p0 $0x0  }
0x91: {  	[sflag:s18] =	ssyncadd.s32 @!p0 $0xFFFFFC00  }
0x92: {  	_ =	swait.ge @!p0 [sflag:s18], $0x400  }
0x93: {  	[sflag:s18] =	ssyncset.done @!p0 $0x0  }
0x94: {  	[sflag:s18] =	ssyncadd.s32 @!p0 $0xFFFFFC00  }
0x95: {  	_ =	swait.ge @!p0 [sflag:s18], $0x400  }
0x96: {  	[sflag:s18] =	ssyncset.done @!p0 $0x0  }
0x97: {  	s26 =	simm.s32 $0x0;
	s28 =	simm.s32 $0x1;
	[sflag:s18] =	ssyncadd.s32 @!p0 $0xFFFFFC00  }
0x98: {  	s24 =	simm.s32 $0x2;
	v2 =	vmov s26;
	v3 =	vmov s28;
	s26 =	simm.s32 $0x5;
	_ =	swait.ge @!p0 [sflag:s18], $0x400  }
0x99: {  	v4 =	vmov s24;
	v2 =	vshrl.u32 v2, $0x3;
	v7 =	vmov s26;
	s26 =	simm.s32 $0x8;
	s25 =	simm.s32 $0x3;
	[sflag:s18] =	ssyncset.done @!p0 $0x0  }
0x9a: {  	v10 =	vmov s26;
	s26 =	simm.s32 $0xB;
	v2 =	vshll.u32 v2, v0;
	v5 =	vmov s25;
	s25 =	simm.s32 $0x4;
	[sflag:s18] =	ssyncadd.s32 @!p0 $0xFFFFFC00  }
0x9b: {  	s24 =	simm.s32 $0xF;
	v13 =	vmov s26;
	s26 =	simm.s32 $0xE;
	v31 =	vbroadcast v2, $0x0;
	v6 =	vmov s25;
	_ =	swait.ge @!p0 [sflag:s18], $0x400  }
0x9c: {  	v2 =	vmov s24;
	v16 =	vmov s26;
	v19 =	vshrl.u32 v6, $0x3;
	v23 =	vld [tilespmem:$0x1FCA0]  }
0x9d: {  	s28 =	simm.s32 $0x6;
	v22 =	vshrl.u32 v16, $0x3;
	v16 =	vshll.u32 v19, v0;
	v19 =	vshrl.u32 v2, $0x3;
	v2 =	vld [tilespmem:$0x1FC90]  }
0x9e: {  	v8 =	vmov s28;
	s28 =	simm.s32 $0x9;
	v3 =	vshrl.u32 v3, $0x3;
	v25 =	vld [tilespmem:$0x1FC30]  }
0x9f: {  	v17 =	vshrl.u32 v4, $0x3;
	v11 =	vmov s28;
	s28 =	simm.s32 $0xC;
	v7 =	vshrl.u32 v7, $0x3;
	v26 =	vld [tilespmem:$0x1FC40]  }
0xa0: {  	v8 =	vshrl.u32 v8, $0x3;
	v20 =	vshll.u32 v3, v0;
	v14 =	vmov s28;
	s28 =	sshll.u32 s20, $0x2;
	[sflag:s18] =	ssyncset.done @!p0 $0x0;
	v27 =	vld [tilespmem:$0x1FC50]  }
0xa1: {  	v17 =	vshll.u32 v17, v0;
	v10 =	vshrl.u32 v10, $0x3;
	v11 =	vshrl.u32 v11, $0x3;
	v28 =	vld [tilespmem:$0x1FC60];
	[sflag:s18] =	ssyncadd.s32 @!p0 $0xFFFFFC00;
	s18 =	sand.u32 $0x3FFFFFC0, s28  }
0xa2: {  	v21 =	vshll.u32 v7, v0;
	v35 =	vshll.u32 v8, v0;
	v18 =	vshrl.u32 v5, $0x3;
	v5 =	vld [tilespmem:s18+$0x10A00]  }
0xa3: {  	v44 =	vbroadcast v20, $0x0;
	v45 =	vbroadcast v17, $0x0;
	s23 =	simm.s32 $0x2200;
	s25 =	simm.s32 $0x7;
	v19 =	vshll.u32 v19, v0;
	v4 =	vld [tilespmem:s18+$0x10A10]  }
0xa4: {  	v13 =	vshrl.u32 v13, $0x3;
	v9 =	vmov s25;
	v46 =	vbroadcast v19, $0x0;
	v8 =	vld [tilespmem:s23+$0xFFFFE3C0]  }
0xa5: {  	v14 =	vshrl.u32 v14, $0x3;
	v24 =	vshll.u32 v10, v0;
	v9 =	vshrl.u32 v9, $0x3;
	v6 =	vld [tilespmem:s23+$0xFFFFE000]  }
0xa6: {  	v36 =	vshll.u32 v11, v0;
	s25 =	simm.s32 $0xA;
	v39 =	vshll.u32 v9, v0;
	v3 =	vld [tilespmem:s18+$0x10A20];
	v9 =	vadd.s32 v23, v46  }
0xa7: {  	v33 =	vshll.u32 v13, v0;
	v12 =	vmov s25;
	s25 =	simm.s32 $0xD;
	v7 =	vld [tilespmem:s23+$0xFFFFE040];
	v10 =	vadd.s32 v2, v31  }
0xa8: {  	v32 =	vshll.u32 v14, v0;
	v15 =	vmov s25;
	v12 =	vshrl.u32 v12, $0x3;
	v11 =	vld [tilespmem:s23+$0xFFFFE080]  }
0xa9: {  	v34 =	vshll.u32 v12, v0;
	v29 =	vld [tilespmem:s18+$0x10A30];
	v12 =	vadd.s32 v25, v44;
	v8 =	vadd.f32 v8, v5  }
0xaa: {  	v15 =	vshrl.u32 v15, $0x3;
	v13 =	vld [tilespmem:s23+$0xFFFFE0C0];
	v14 =	vadd.s32 v26, v45;
	v6 =	vadd.f32 v6, v5  }
0xab: {  	v37 =	vshll.u32 v15, v0;
	v15 =	vld [tilespmem:s23+$0xFFFFE100];
	[tilespmem:v9+s19+$0x0] =	vst.idx.msk $0xffff, v8  }
0xac: {  	v41 =	vbroadcast v16, $0x0;
	v17 =	vld [tilespmem:s23+$0xFFFFE140];
	v7 =	vadd.f32 v7, v5;
	[tilespmem:v10+s19+$0x0] =	vst.idx.msk $0xffff, v6  }
0xad: {  	v38 =	vbroadcast v21, $0x0;
	v18 =	vshll.u32 v18, v0;
	v6 =	vadd.f32 v11, v5;
	v21 =	vld [tilespmem:$0x1FC70]  }
0xae: {  	v43 =	vbroadcast v18, $0x0;
	v19 =	vld [tilespmem:s23+$0xFFFFE180];
	v18 =	vadd.s32 v28, v41;
	[tilespmem:v12+s19+$0x0] =	vst.idx.msk $0xffff, v7  }
0xaf: {  	v30 =	vshll.u32 v22, v0;
	v22 =	vld [tilespmem:$0x1FC80];
	[tilespmem:v14+s19+$0x0] =	vst.idx.msk $0xffff, v6  }
0xb0: {  	v16 =	vadd.s32 v27, v43;
	v52 =	vld [tilespmem:$0x1FED0]  }
0xb1: {  	v42 =	vbroadcast v39, $0x0;
	v39 =	vbroadcast v24, $0x0;
	v14 =	vadd.f32 v15, v5;
	v15 =	vld [tilespmem:s23+$0xFFFFE200]  }
0xb2: {  	v35 =	vbroadcast v35, $0x0;
	v11 =	vadd.f32 v13, v5;
	v8 =	vadd.s32 v21, v38  }
0xb3: {  	v9 =	vld [tilespmem:s23+$0xFFFFE3D0];
	[tilespmem:v18+s19+$0x0] =	vst.idx.msk $0xffff, v14;
	v14 =	vadd.f32 v19, v5;
	v19 =	vadd.s32 v2, v39  }
0xb4: {  	v7 =	vld [tilespmem:s23+$0xFFFFE1C0];
	v12 =	vadd.s32 v22, v35  }
0xb5: {  	v40 =	vbroadcast v36, $0x0;
	[tilespmem:v16+s19+$0x0] =	vst.idx.msk $0xffff, v11;
	v16 =	vadd.f32 v17, v5;
	v11 =	vld [tilespmem:s23+$0xFFFFE240];
	v20 =	vadd.s32 v52, v46  }
0xb6: {  	v17 =	vadd.s32 v23, v42;
	v15 =	vadd.f32 v15, v5  }
0xb7: {  	v36 =	vbroadcast v34, $0x0;
	v6 =	vld [tilespmem:s23+$0xFFFFE280];
	[tilespmem:v8+s19+$0x0] =	vst.idx.msk $0xffff, v16;
	v16 =	vadd.s32 v25, v40  }
0xb8: {  	v33 =	vbroadcast v33, $0x0;
	v13 =	vld [tilespmem:s23+$0xFFFFE2C0];
	v9 =	vadd.f32 v9, v4;
	[tilespmem:v19+s19+$0x0] =	vst.idx.msk $0xffff, v15  }
0xb9: {  	v34 =	vbroadcast v32, $0x0;
	[tilespmem:v12+s19+$0x0] =	vst.idx.msk $0xffff, v14;
	v12 =	vadd.f32 v7, v5;
	v14 =	vadd.s32 v26, v36;
	v7 =	vld [tilespmem:s23+$0xFFFFE300]  }
0xba: {  	v32 =	vbroadcast v37, $0x0;
	v10 =	vld [tilespmem:s23+$0xFFFFE340];
	v18 =	vadd.s32 v27, v33;
	[tilespmem:v20+s19+$0x0] =	vst.idx.msk $0xffff, v9;
	v9 =	vadd.f32 v11, v5  }
0xbb: {  	v19 =	vld [tilespmem:s23+$0xFFFFE380];
	v11 =	vadd.s32 v28, v34;
	[tilespmem:v17+s19+$0x0] =	vst.idx.msk $0xffff, v12  }
0xbc: {  	v6 =	vadd.f32 v6, v5;
	v15 =	vadd.s32 v21, v32;
	v20 =	vld [tilespmem:s23+$0xFFFFE050];
	[tilespmem:v16+s19+$0x0] =	vst.idx.msk $0xffff, v9  }
0xbd: {  	v9 =	vadd.f32 v13, v5;
	v25 =	vld [tilespmem:$0x1FEF0]  }
0xbe: {  	v17 =	vld [tilespmem:s23+$0xFFFFE3E0];
	[tilespmem:v14+s19+$0x0] =	vst.idx.msk $0xffff, v6;
	v6 =	vadd.f32 v7, v5  }
0xbf: {  	v59 =	vld [tilespmem:$0x1FCB0];
	[tilespmem:v18+s19+$0x0] =	vst.idx.msk $0xffff, v9;
	v9 =	vadd.f32 v10, v5  }
0xc0: {  	v62 =	vld [tilespmem:$0x1FCD0];
	[tilespmem:v11+s19+$0x0] =	vst.idx.msk $0xffff, v6  }
0xc1: {  	v37 =	vbroadcast v30, $0x0;
	v12 =	vld [tilespmem:$0x1FD00];
	[tilespmem:v15+s19+$0x0] =	vst.idx.msk $0xffff, v9  }
0xc2: {  	v21 =	vld [tilespmem:$0x1FD70];
	v13 =	vadd.s32 v25, v46  }
0xc3: {  	v16 =	vld [tilespmem:s23+$0xFFFFE090];
	v7 =	vadd.s32 v22, v37  }
0xc4: {  	v8 =	vld [tilespmem:s23+$0xFFFFE0D0];
	v14 =	vadd.s32 v59, v44  }
0xc5: {  	v18 =	vld [tilespmem:s23+$0xFFFFE110];
	v6 =	vadd.f32 v17, v3;
	v10 =	vadd.s32 v62, v45  }
0xc6: {  	v9 =	vadd.f32 v19, v5;
	v11 =	vadd.s32 v12, v43  }
0xc7: {  	v15 =	vadd.f32 v20, v4;
	v19 =	vadd.s32 v21, v41;
	[tilespmem:v13+s19+$0x0] =	vst.idx.msk $0xffff, v6  }
0xc8: {  	v6 =	vadd.f32 v16, v4;
	v22 =	vld [tilespmem:$0x1FDE0];
	[tilespmem:v7+s19+$0x0] =	vst.idx.msk $0xffff, v9  }
0xc9: {  	v8 =	vadd.f32 v8, v4;
	v17 =	vld [tilespmem:s23+$0xFFFFE150];
	[tilespmem:v14+s19+$0x0] =	vst.idx.msk $0xffff, v15  }
0xca: {  	v23 =	vld [tilespmem:$0x1FE50];
	[tilespmem:v10+s19+$0x0] =	vst.idx.msk $0xffff, v6;
	v6 =	vadd.f32 v18, v4  }
0xcb: {  	v26 =	vld [tilespmem:$0x1FF00];
	[tilespmem:v11+s19+$0x0] =	vst.idx.msk $0xffff, v8  }
0xcc: {  	v20 =	vld [tilespmem:s23+$0xFFFFE190];
	[tilespmem:v19+s19+$0x0] =	vst.idx.msk $0xffff, v6  }
0xcd: {  	v2 =	vld [tilespmem:$0x1FEC0]  }
0xce: {  	v7 =	vld [tilespmem:s23+$0xFFFFE3F0];
	v13 =	vadd.s32 v22, v38  }
0xcf: {  	v14 =	vld [tilespmem:s23+$0xFFFFE1D0];
	v9 =	vadd.s32 v23, v35  }
0xd0: {  	v10 =	vld [tilespmem:s23+$0xFFFFE210];
	v15 =	vadd.s32 v26, v46  }
0xd1: {  	v16 =	vld [tilespmem:s23+$0xFFFFE250];
	v8 =	vadd.f32 v17, v4;
	v11 =	vadd.s32 v52, v42  }
0xd2: {  	v6 =	vadd.f32 v20, v4;
	v17 =	vadd.s32 v2, v39  }
0xd3: {  	v7 =	vadd.f32 v7, v29;
	[tilespmem:v13+s19+$0x0] =	vst.idx.msk $0xffff, v8;
	v8 =	vadd.s32 v59, v40  }
0xd4: {  	[tilespmem:v9+s19+$0x0] =	vst.idx.msk $0xffff, v6;
	v6 =	vadd.f32 v14, v4  }
0xd5: {  	v10 =	vadd.f32 v10, v4;
	[tilespmem:v15+s19+$0x0] =	vst.idx.msk $0xffff, v7  }
0xd6: {  	[tilespmem:v11+s19+$0x0] =	vst.idx.msk $0xffff, v6;
	v6 =	vadd.f32 v16, v4  }
0xd7: {  	v18 =	vld [tilespmem:s23+$0xFFFFE290];
	[tilespmem:v17+s19+$0x0] =	vst.idx.msk $0xffff, v10  }
0xd8: {  	v13 =	vld [tilespmem:s23+$0xFFFFE2D0];
	[tilespmem:v8+s19+$0x0] =	vst.idx.msk $0xffff, v6  }
0xd9: {  	v24 =	vld [tilespmem:$0x1FF10]  }
0xda: {  	v9 =	vadd.s32 v62, v36;
	v14 =	vld [tilespmem:s23+$0xFFFFE310]  }
0xdb: {  	v19 =	vadd.s32 v12, v33;
	v20 =	vld [tilespmem:s23+$0xFFFFE350]  }
0xdc: {  	v7 =	vadd.s32 v21, v34;
	v11 =	vld [tilespmem:s23+$0x3C0]  }
0xdd: {  	v15 =	vadd.s32 v22, v32;
	v10 =	vadd.f32 v18, v4  }
0xde: {  	v16 =	vld [tilespmem:s23+$0xFFFFE390];
	v6 =	vadd.f32 v13, v4;
	v8 =	vadd.s32 v24, v46  }
0xdf: {  	v17 =	vld [tilespmem:s23+$0xFFFFE010];
	[tilespmem:v9+s19+$0x0] =	vst.idx.msk $0xffff, v10;
	v9 =	vadd.f32 v14, v4  }
0xe0: {  	v13 =	vld [tilespmem:s23+$0xFFFFE060];
	[tilespmem:v19+s19+$0x0] =	vst.idx.msk $0xffff, v6;
	v6 =	vadd.f32 v20, v4  }
0xe1: {  	v63 =	vld [tilespmem:$0x1FCC0];
	[tilespmem:v7+s19+$0x0] =	vst.idx.msk $0xffff, v9;
	v7 =	vadd.f32 v11, v5  }
0xe2: {  	v52 =	vld [tilespmem:$0x1FCE0];
	[tilespmem:v15+s19+$0x0] =	vst.idx.msk $0xffff, v6  }
0xe3: {  	v12 =	vld [tilespmem:$0x1FD10];
	[tilespmem:v8+s19+$0x0] =	vst.idx.msk $0xffff, v7  }
0xe4: {  	v10 =	vadd.s32 v23, v37;
	v21 =	vld [tilespmem:$0x1FD80]  }
0xe5: {  	v18 =	vld [tilespmem:s23+$0xFFFFE0A0];
	v14 =	vadd.s32 v2, v31  }
0xe6: {  	v20 =	vld [tilespmem:s23+$0xFFFFE0E0];
	v19 =	vadd.s32 v63, v44  }
0xe7: {  	v11 =	vld [tilespmem:s23+$0xFFFFE120];
	v6 =	vadd.f32 v16, v4;
	v9 =	vadd.s32 v52, v45  }
0xe8: {  	v15 =	vadd.f32 v17, v4;
	v16 =	vadd.s32 v12, v43  }
0xe9: {  	v7 =	vadd.f32 v13, v3;
	[tilespmem:v10+s19+$0x0] =	vst.idx.msk $0xffff, v6;
	v8 =	vadd.s32 v21, v41  }
0xea: {  	v17 =	vld [tilespmem:s23+$0xFFFFE160];
	[tilespmem:v14+s19+$0x0] =	vst.idx.msk $0xffff, v15;
	v10 =	vadd.f32 v18, v3  }
0xeb: {  	v22 =	vld [tilespmem:$0x1FDF0];
	[tilespmem:v19+s19+$0x0] =	vst.idx.msk $0xffff, v7;
	v7 =	vadd.f32 v20, v3  }
0xec: {  	v2 =	vld [tilespmem:$0x1FF20];
	[tilespmem:v9+s19+$0x0] =	vst.idx.msk $0xffff, v10;
	v9 =	vadd.f32 v11, v3  }
0xed: {  	v23 =	vld [tilespmem:$0x1FE60];
	[tilespmem:v16+s19+$0x0] =	vst.idx.msk $0xffff, v7  }
0xee: {  	v15 =	vld [tilespmem:s23+$0xFFFFE1E0];
	[tilespmem:v8+s19+$0x0] =	vst.idx.msk $0xffff, v9  }
0xef: {  	v59 =	vld [tilespmem:$0x1FEE0]  }
0xf0: {  	v6 =	vld [tilespmem:s23+$0x3D0];
	v13 =	vadd.s32 v22, v38  }
0xf1: {  	v14 =	vld [tilespmem:s23+$0xFFFFE1A0];
	v16 =	vadd.s32 v25, v42  }
0xf2: {  	v11 =	vld [tilespmem:s23+$0xFFFFE220];
	v18 =	vadd.s32 v2, v46  }
0xf3: {  	v7 =	vadd.f32 v17, v3;
	v10 =	vadd.s32 v23, v35  }
0xf4: {  	v15 =	vadd.f32 v15, v3;
	v8 =	vadd.s32 v59, v39  }
0xf5: {  	v6 =	vadd.f32 v6, v4;
	[tilespmem:v13+s19+$0x0] =	vst.idx.msk $0xffff, v7  }
0xf6: {  	v7 =	vadd.f32 v14, v3;
	[tilespmem:v16+s19+$0x0] =	vst.idx.msk $0xffff, v15  }
0xf7: {  	[tilespmem:v18+s19+$0x0] =	vst.idx.msk $0xffff, v6;
	v6 =	vadd.f32 v11, v3  }
0xf8: {  	v17 =	vld [tilespmem:s23+$0xFFFFE260];
	[tilespmem:v10+s19+$0x0] =	vst.idx.msk $0xffff, v7  }
0xf9: {  	v9 =	vld [tilespmem:s23+$0xFFFFE2A0];
	[tilespmem:v8+s19+$0x0] =	vst.idx.msk $0xffff, v6  }
0xfa: {  	v62 =	vld [tilespmem:$0x1FF30]  }
0xfb: {  	v13 =	vadd.s32 v63, v40;
	v14 =	vld [tilespmem:s23+$0xFFFFE2E0]  }
0xfc: {  	v19 =	vadd.s32 v52, v36;
	v20 =	vld [tilespmem:s23+$0xFFFFE320]  }
0xfd: {  	v7 =	vadd.s32 v12, v33;
	v10 =	vld [tilespmem:s23+$0x3E0]  }
0xfe: {  	v15 =	vadd.s32 v21, v34;
	v16 =	vld [tilespmem:s23+$0xFFFFE360];
	v11 =	vadd.f32 v17, v3  }
0xff: {  	v6 =	vadd.f32 v9, v3;
	v8 =	vld [tilespmem:s23+$0xFFFFE3A0];
	v9 =	vadd.s32 v62, v46  }
0x100: {  	v17 =	vld [tilespmem:s23+$0xFFFFE020];
	[tilespmem:v13+s19+$0x0] =	vst.idx.msk $0xffff, v11;
	v11 =	vadd.f32 v14, v3;
	v13 =	vadd.s32 v22, v32  }
0x101: {  	v18 =	vadd.s32 v23, v37;
	v14 =	vld [tilespmem:s23+$0xFFFFE070];
	[tilespmem:v19+s19+$0x0] =	vst.idx.msk $0xffff, v6;
	v6 =	vadd.f32 v20, v3  }
0x102: {  	v19 =	vadd.s32 v59, v31;
	v20 =	vld [tilespmem:s23+$0xFFFFE0B0];
	[tilespmem:v7+s19+$0x0] =	vst.idx.msk $0xffff, v11;
	v7 =	vadd.f32 v10, v3  }
0x103: {  	v10 =	vadd.s32 v47, v44;
	[tilespmem:v15+s19+$0x0] =	vst.idx.msk $0xffff, v6;
	v6 =	vadd.f32 v16, v3  }
0x104: {  	v11 =	vld [tilespmem:s23+$0xFFFFE0F0];
	v15 =	vadd.s32 v55, v45;
	v8 =	vadd.f32 v8, v3;
	[tilespmem:v9+s19+$0x0] =	vst.idx.msk $0xffff, v7  }
0x105: {  	v7 =	vadd.f32 v17, v3;
	v12 =	vld [tilespmem:$0x1FD20];
	[tilespmem:v13+s19+$0x0] =	vst.idx.msk $0xffff, v6  }
0x106: {  	v13 =	vadd.f32 v14, v29;
	v21 =	vld [tilespmem:$0x1FD90];
	[tilespmem:v18+s19+$0x0] =	vst.idx.msk $0xffff, v8  }
0x107: {  	v16 =	vld [tilespmem:s23+$0xFFFFE130];
	[tilespmem:v19+s19+$0x0] =	vst.idx.msk $0xffff, v7;
	v7 =	vadd.f32 v20, v29  }
0x108: {  	v63 =	vld [tilespmem:$0x1FF40];
	[tilespmem:v10+s19+$0x0] =	vst.idx.msk $0xffff, v13  }
0x109: {  	v22 =	vld [tilespmem:$0x1FE00];
	[tilespmem:v15+s19+$0x0] =	vst.idx.msk $0xffff, v7  }
0x10a: {  	v23 =	vld [tilespmem:$0x1FE70]  }
0x10b: {  	v6 =	vld [tilespmem:s23+$0x3F0];
	v9 =	vadd.s32 v12, v43  }
0x10c: {  	v17 =	vld [tilespmem:s23+$0xFFFFE170];
	v14 =	vadd.s32 v21, v41  }
0x10d: {  	v8 =	vld [tilespmem:s23+$0xFFFFE1B0];
	v18 =	vadd.s32 v63, v46  }
0x10e: {  	v10 =	vadd.f32 v11, v29;
	v13 =	vld [tilespmem:s23+$0xFFFFE1F0];
	v11 =	vadd.s32 v22, v38  }
0x10f: {  	v7 =	vadd.f32 v16, v29;
	v16 =	vld [tilespmem:s23+$0xFFFFE230];
	v15 =	vadd.s32 v23, v35  }
0x110: {  	v6 =	vadd.f32 v6, v29;
	[tilespmem:v9+s19+$0x0] =	vst.idx.msk $0xffff, v10;
	v9 =	vadd.s32 v26, v42;
	v10 =	vld [tilespmem:s23+$0xFFFFE270]  }
0x111: {  	[tilespmem:v14+s19+$0x0] =	vst.idx.msk $0xffff, v7;
	v7 =	vadd.f32 v17, v29;
	v14 =	vadd.s32 v53, v39;
	v17 =	vld [tilespmem:s23+$0xFFFFE2B0]  }
0x112: {  	v19 =	vadd.s32 v47, v40;
	v20 =	vld [tilespmem:s23+$0xFFFFE2F0];
	v8 =	vadd.f32 v8, v29;
	[tilespmem:v18+s19+$0x0] =	vst.idx.msk $0xffff, v6  }
0x113: {  	v6 =	vadd.f32 v13, v29;
	[tilespmem:v11+s19+$0x0] =	vst.idx.msk $0xffff, v7;
	v7 =	vadd.s32 v55, v36;
	v11 =	vld [tilespmem:s23+$0xFFFFE330]  }
0x114: {  	v13 =	vadd.s32 v12, v33;
	[tilespmem:v15+s19+$0x0] =	vst.idx.msk $0xffff, v8;
	v8 =	vadd.f32 v16, v29;
	v15 =	vld [tilespmem:s23+$0xFFFFE370]  }
0x115: {  	[tilespmem:v9+s19+$0x0] =	vst.idx.msk $0xffff, v6;
	v6 =	vadd.f32 v10, v29;
	v9 =	vadd.s32 v21, v34;
	v10 =	vld [tilespmem:s23+$0xFFFFE3B0]  }
0x116: {  	v16 =	vld [tilespmem:s23+$0xFFFFE030];
	[tilespmem:v14+s19+$0x0] =	vst.idx.msk $0xffff, v8;
	v8 =	vadd.f32 v17, v29;
	v14 =	vadd.s32 v22, v32  }
0x117: {  	v18 =	vadd.s32 v23, v37;
	v17 =	vld [tilespmem:s23+$0x40];
	[tilespmem:v19+s19+$0x0] =	vst.idx.msk $0xffff, v6;
	v6 =	vadd.f32 v20, v29  }
0x118: {  	v19 =	vadd.s32 v53, v31;
	[tilespmem:v7+s19+$0x0] =	vst.idx.msk $0xffff, v8;
	v7 =	vadd.f32 v11, v29  }
0x119: {  	v20 =	vld [tilespmem:s23+$0x80];
	v8 =	vadd.s32 v48, v44;
	[tilespmem:v13+s19+$0x0] =	vst.idx.msk $0xffff, v6;
	v6 =	vadd.f32 v15, v29  }
0x11a: {  	[tilespmem:v9+s19+$0x0] =	vst.idx.msk $0xffff, v7;
	v7 =	vadd.f32 v10, v29  }
0x11b: {  	v9 =	vadd.f32 v16, v29;
	v12 =	vld [tilespmem:$0x1FD30];
	[tilespmem:v14+s19+$0x0] =	vst.idx.msk $0xffff, v6  }
0x11c: {  	v6 =	vadd.f32 v17, v5;
	v21 =	vld [tilespmem:$0x1FDA0];
	[tilespmem:v18+s19+$0x0] =	vst.idx.msk $0xffff, v7  }
0x11d: {  	v11 =	vld [tilespmem:s23+$0xC0];
	[tilespmem:v19+s19+$0x0] =	vst.idx.msk $0xffff, v9  }
0x11e: {  	v7 =	vadd.f32 v20, v5;
	v20 =	vld [tilespmem:$0x1FE10];
	[tilespmem:v8+s19+$0x0] =	vst.idx.msk $0xffff, v6  }
0x11f: {  	v22 =	vld [tilespmem:$0x1FE80]  }
0x120: {  	v13 =	vadd.s32 v56, v45;
	v15 =	vld [tilespmem:s23+$0x100]  }
0x121: {  	v16 =	vld [tilespmem:s23+$0x140];
	v10 =	vadd.s32 v12, v43  }
0x122: {  	v17 =	vld [tilespmem:s23+$0x180];
	v14 =	vadd.s32 v21, v41  }
0x123: {  	v18 =	vld [tilespmem:s23+$0x1C0];
	v9 =	vadd.s32 v20, v38  }
0x124: {  	v6 =	vadd.f32 v11, v5;
	v11 =	vld [tilespmem:s23+$0x200];
	v8 =	vadd.s32 v22, v35  }
0x125: {  	[tilespmem:v13+s19+$0x0] =	vst.idx.msk $0xffff, v7;
	v7 =	vadd.f32 v15, v5;
	v13 =	vadd.s32 v24, v42;
	v15 =	vld [tilespmem:s23+$0x240]  }
0x126: {  	[tilespmem:v10+s19+$0x0] =	vst.idx.msk $0xffff, v6;
	v6 =	vadd.f32 v16, v5;
	v10 =	vadd.s32 v54, v39;
	v16 =	vld [tilespmem:s23+$0x280]  }
0x127: {  	[tilespmem:v14+s19+$0x0] =	vst.idx.msk $0xffff, v7;
	v7 =	vadd.f32 v17, v5;
	v14 =	vadd.s32 v48, v40;
	v17 =	vld [tilespmem:s23+$0x2C0]  }
0x128: {  	[tilespmem:v9+s19+$0x0] =	vst.idx.msk $0xffff, v6;
	v6 =	vadd.f32 v18, v5;
	v9 =	vadd.s32 v56, v36;
	v18 =	vld [tilespmem:s23+$0x300]  }
0x129: {  	[tilespmem:v8+s19+$0x0] =	vst.idx.msk $0xffff, v7;
	v7 =	vadd.f32 v11, v5;
	v8 =	vadd.s32 v12, v33;
	v11 =	vld [tilespmem:s23+$0x340]  }
0x12a: {  	[tilespmem:v13+s19+$0x0] =	vst.idx.msk $0xffff, v6;
	v6 =	vadd.f32 v15, v5;
	v13 =	vadd.s32 v21, v34;
	v15 =	vld [tilespmem:s23+$0x380]  }
0x12b: {  	v19 =	vld [tilespmem:s23+$0x0];
	[tilespmem:v10+s19+$0x0] =	vst.idx.msk $0xffff, v7;
	v7 =	vadd.f32 v16, v5;
	v10 =	vadd.s32 v20, v32  }
0x12c: {  	v16 =	vld [tilespmem:s23+$0x50];
	[tilespmem:v14+s19+$0x0] =	vst.idx.msk $0xffff, v6;
	v6 =	vadd.f32 v17, v5;
	v14 =	vadd.s32 v22, v37  }
0x12d: {  	v17 =	vadd.s32 v54, v31;
	[tilespmem:v9+s19+$0x0] =	vst.idx.msk $0xffff, v7;
	v7 =	vadd.f32 v18, v5  }
0x12e: {  	v20 =	vld [tilespmem:s23+$0x90];
	v9 =	vadd.s32 v49, v44;
	[tilespmem:v8+s19+$0x0] =	vst.idx.msk $0xffff, v6;
	v6 =	vadd.f32 v11, v5  }
0x12f: {  	[tilespmem:v13+s19+$0x0] =	vst.idx.msk $0xffff, v7;
	v7 =	vadd.f32 v15, v5  }
0x130: {  	v13 =	vadd.f32 v19, v5;
	v12 =	vld [tilespmem:$0x1FD40];
	[tilespmem:v10+s19+$0x0] =	vst.idx.msk $0xffff, v6  }
0x131: {  	v6 =	vadd.f32 v16, v4;
	v21 =	vld [tilespmem:$0x1FDB0];
	[tilespmem:v14+s19+$0x0] =	vst.idx.msk $0xffff, v7  }
0x132: {  	v18 =	vld [tilespmem:s23+$0xD0];
	[tilespmem:v17+s19+$0x0] =	vst.idx.msk $0xffff, v13  }
0x133: {  	v7 =	vadd.f32 v20, v4;
	v20 =	vld [tilespmem:$0x1FE20];
	[tilespmem:v9+s19+$0x0] =	vst.idx.msk $0xffff, v6  }
0x134: {  	v22 =	vld [tilespmem:$0x1FE90]  }
0x135: {  	v8 =	vadd.s32 v57, v45;
	v11 =	vld [tilespmem:s23+$0x110]  }
0x136: {  	v19 =	vld [tilespmem:s23+$0x150];
	v15 =	vadd.s32 v12, v43  }
0x137: {  	v16 =	vld [tilespmem:s23+$0x190];
	v10 =	vadd.s32 v21, v41  }
0x138: {  	v14 =	vld [tilespmem:s23+$0x1D0];
	v13 =	vadd.s32 v20, v38  }
0x139: {  	v17 =	vld [tilespmem:s23+$0x210];
	v6 =	vadd.f32 v18, v4;
	v9 =	vadd.s32 v22, v35  }
0x13a: {  	[tilespmem:v8+s19+$0x0] =	vst.idx.msk $0xffff, v7;
	v7 =	vadd.f32 v11, v4;
	v8 =	vadd.s32 v2, v42;
	v11 =	vld [tilespmem:s23+$0x250]  }
0x13b: {  	v18 =	vld [tilespmem:s23+$0x290];
	[tilespmem:v15+s19+$0x0] =	vst.idx.msk $0xffff, v6;
	v6 =	vadd.f32 v19, v4;
	v15 =	vadd.s32 v61, v39  }
0x13c: {  	[tilespmem:v10+s19+$0x0] =	vst.idx.msk $0xffff, v7;
	v7 =	vadd.f32 v16, v4;
	v10 =	vadd.s32 v49, v40;
	v16 =	vld [tilespmem:s23+$0x2D0]  }
0x13d: {  	[tilespmem:v13+s19+$0x0] =	vst.idx.msk $0xffff, v6;
	v6 =	vadd.f32 v14, v4;
	v13 =	vadd.s32 v57, v36;
	v14 =	vld [tilespmem:s23+$0x310]  }
0x13e: {  	[tilespmem:v9+s19+$0x0] =	vst.idx.msk $0xffff, v7;
	v7 =	vadd.f32 v17, v4;
	v9 =	vadd.s32 v12, v33;
	v17 =	vld [tilespmem:s23+$0x350]  }
0x13f: {  	[tilespmem:v8+s19+$0x0] =	vst.idx.msk $0xffff, v6;
	v6 =	vadd.f32 v11, v4;
	v8 =	vadd.s32 v21, v34;
	v11 =	vld [tilespmem:s23+$0x390]  }
0x140: {  	v19 =	vld [tilespmem:s23+$0x10];
	[tilespmem:v15+s19+$0x0] =	vst.idx.msk $0xffff, v7;
	v7 =	vadd.f32 v18, v4;
	v15 =	vadd.s32 v20, v32  }
0x141: {  	v18 =	vld [tilespmem:s23+$0x60];
	[tilespmem:v10+s19+$0x0] =	vst.idx.msk $0xffff, v6;
	v6 =	vadd.f32 v16, v4;
	v10 =	vadd.s32 v22, v37  }
0x142: {  	v16 =	vadd.s32 v61, v31;
	[tilespmem:v13+s19+$0x0] =	vst.idx.msk $0xffff, v7;
	v7 =	vadd.f32 v14, v4  }
0x143: {  	v20 =	vld [tilespmem:s23+$0xA0];
	v13 =	vadd.s32 v50, v44;
	[tilespmem:v9+s19+$0x0] =	vst.idx.msk $0xffff, v6;
	v6 =	vadd.f32 v17, v4  }
0x144: {  	v14 =	vld [tilespmem:s23+$0xE0];
	[tilespmem:v8+s19+$0x0] =	vst.idx.msk $0xffff, v7;
	v7 =	vadd.f32 v11, v4  }
0x145: {  	v8 =	vadd.f32 v19, v4;
	v12 =	vld [tilespmem:$0x1FD50];
	[tilespmem:v15+s19+$0x0] =	vst.idx.msk $0xffff, v6  }
0x146: {  	v6 =	vadd.f32 v18, v3;
	v21 =	vld [tilespmem:$0x1FDC0];
	[tilespmem:v10+s19+$0x0] =	vst.idx.msk $0xffff, v7  }
0x147: {  	v17 =	vld [tilespmem:s23+$0x120];
	[tilespmem:v16+s19+$0x0] =	vst.idx.msk $0xffff, v8  }
0x148: {  	v7 =	vadd.f32 v20, v3;
	v20 =	vld [tilespmem:$0x1FE30];
	[tilespmem:v13+s19+$0x0] =	vst.idx.msk $0xffff, v6  }
0x149: {  	v22 =	vld [tilespmem:$0x1FEA0]  }
0x14a: {  	v9 =	vadd.s32 v1, v45;
	v19 =	vld [tilespmem:s23+$0x160]  }
0x14b: {  	v18 =	vld [tilespmem:s23+$0x1A0];
	v11 =	vadd.s32 v12, v43  }
0x14c: {  	v10 =	vld [tilespmem:s23+$0x1E0];
	v15 =	vadd.s32 v21, v41  }
0x14d: {  	v16 =	vld [tilespmem:s23+$0x260];
	v8 =	vadd.s32 v20, v38  }
0x14e: {  	v6 =	vadd.f32 v14, v3;
	v14 =	vld [tilespmem:s23+$0x220];
	v13 =	vadd.s32 v22, v35  }
0x14f: {  	[tilespmem:v9+s19+$0x0] =	vst.idx.msk $0xffff, v7;
	v7 =	vadd.f32 v17, v3;
	v17 =	vld [tilespmem:s23+$0x2A0]  }
0x150: {  	v9 =	vadd.s32 v62, v42;
	[tilespmem:v11+s19+$0x0] =	vst.idx.msk $0xffff, v6;
	v6 =	vadd.f32 v19, v3;
	v19 =	vld [tilespmem:s23+$0x20]  }
0x151: {  	v11 =	vadd.s32 v51, v39;
	[tilespmem:v15+s19+$0x0] =	vst.idx.msk $0xffff, v7;
	v7 =	vadd.f32 v18, v3;
	v18 =	vld [tilespmem:s23+$0x2E0]  }
0x152: {  	v15 =	vadd.s32 v50, v40;
	[tilespmem:v8+s19+$0x0] =	vst.idx.msk $0xffff, v6;
	v8 =	vld [tilespmem:s23+$0x320]  }
0x153: {  	v6 =	vadd.f32 v10, v3;
	v10 =	vld [tilespmem:s23+$0x360];
	[tilespmem:v13+s19+$0x0] =	vst.idx.msk $0xffff, v7;
	v13 =	vadd.s32 v1, v36  }
0x154: {  	v7 =	vadd.f32 v14, v3;
	v14 =	vadd.s32 v12, v33;
	v12 =	vadd.s32 v20, v32;
	v20 =	vld [tilespmem:s23+$0xB0]  }
0x155: {  	[tilespmem:v9+s19+$0x0] =	vst.idx.msk $0xffff, v6;
	v6 =	vadd.f32 v16, v3;
	v9 =	vld [tilespmem:s23+$0x3A0]  }
0x156: {  	[tilespmem:v11+s19+$0x0] =	vst.idx.msk $0xffff, v7;
	v7 =	vadd.f32 v17, v3;
	v17 =	vld [tilespmem:s23+$0x70]  }
0x157: {  	v11 =	vld [tilespmem:s23+$0xF0];
	[tilespmem:v15+s19+$0x0] =	vst.idx.msk $0xffff, v6  }
0x158: {  	s25 =	simm.s32 $0x10;
	v16 =	vadd.s32 v21, v34;
	[tilespmem:v13+s19+$0x0] =	vst.idx.msk $0xffff, v7;
	v13 =	vld [tilespmem:s23+$0x130]  }
0x159: {  	v6 =	vadd.f32 v18, v3;
	v15 =	vadd.s32 v22, v37;
	v7 =	vmov s25;
	v22 =	vld [tilespmem:$0x1FCF0]  }
0x15a: {  	v28 =	vshrl.u32 v7, $0x3;
	v7 =	vadd.f32 v19, v3;
	v19 =	vld [tilespmem:s23+$0x170]  }
0x15b: {  	[tilespmem:v14+s19+$0x0] =	vst.idx.msk $0xffff, v6;
	v6 =	vld [tilespmem:s23+$0x1B0]  }
0x15c: {  	v8 =	vadd.f32 v8, v3;
	v14 =	vld [tilespmem:s23+$0x2B0]  }
0x15d: {  	v23 =	vld [tilespmem:$0x1FD60]  }
0x15e: {  	v18 =	vadd.s32 v51, v31;
	v10 =	vadd.f32 v10, v3;
	[tilespmem:v16+s19+$0x0] =	vst.idx.msk $0xffff, v8;
	v8 =	vld [tilespmem:s23+$0x1F0]  }
0x15f: {  	v21 =	vadd.s32 v58, v44;
	v51 =	vld [tilespmem:$0x1FDD0]  }
0x160: {  	v9 =	vadd.f32 v9, v3;
	[tilespmem:v12+s19+$0x0] =	vst.idx.msk $0xffff, v10;
	v10 =	vld [tilespmem:s23+$0x2F0]  }
0x161: {  	v63 =	vadd.s32 v63, v42;
	v40 =	vadd.s32 v58, v40;
	v52 =	vld [tilespmem:$0x1FE40]  }
0x162: {  	v16 =	vadd.f32 v17, v29;
	v11 =	vadd.f32 v11, v29;
	[tilespmem:v15+s19+$0x0] =	vst.idx.msk $0xffff, v9;
	v9 =	vld [tilespmem:s23+$0x230]  }
0x163: {  	v12 =	vadd.f32 v20, v29;
	v59 =	vld [tilespmem:$0x1FEB0];
	[tilespmem:v18+s19+$0x0] =	vst.idx.msk $0xffff, v7;
	v44 =	vadd.s32 v22, v45  }
0x164: {  	v15 =	vld [tilespmem:s23+$0x330];
	v13 =	vadd.f32 v13, v29;
	[tilespmem:v21+s19+$0x0] =	vst.idx.msk $0xffff, v16;
	v21 =	vadd.s32 v60, v39  }
0x165: {  	v19 =	vadd.f32 v19, v29;
	v16 =	vadd.s32 v22, v36;
	v8 =	vadd.f32 v8, v29  }
0x166: {  	s26 =	simm.s32 $0x11;
	v7 =	vld [tilespmem:s23+$0x270];
	v6 =	vadd.f32 v6, v29;
	v14 =	vadd.f32 v14, v29;
	v17 =	vadd.s32 v51, v41  }
0x167: {  	v30 =	vmov s26;
	s28 =	simm.s32 $0x12;
	v43 =	vadd.s32 v23, v43;
	v9 =	vadd.f32 v9, v29;
	[tilespmem:v63+s19+$0x0] =	vst.idx.msk $0xffff, v8  }
0x168: {  	s25 =	simm.s32 $0x13;
	v41 =	vmov s28;
	s28 =	simm.s32 $0x15;
	v10 =	vadd.f32 v10, v29;
	v20 =	vadd.s32 v52, v38;
	[tilespmem:v44+s19+$0x0] =	vst.idx.msk $0xffff, v12  }
0x169: {  	s26 =	simm.s32 $0x14;
	v18 =	vld [tilespmem:s23+$0x30];
	v38 =	vmov s25;
	v42 =	vmov s28;
	s28 =	simm.s32 $0x18;
	v15 =	vadd.f32 v15, v29;
	[tilespmem:v21+s19+$0x0] =	vst.idx.msk $0xffff, v9  }
0x16a: {  	s25 =	simm.s32 $0x16;
	v62 =	vadd.s32 v59, v35;
	v35 =	vmov s26;
	v22 =	vmov s28;
	[tilespmem:v16+s19+$0x0] =	vst.idx.msk $0xffff, v14  }
0x16b: {  	s26 =	simm.s32 $0x17;
	v7 =	vadd.f32 v7, v29;
	s28 =	simm.s32 $0x1B;
	v44 =	vmov s25;
	[tilespmem:v17+s19+$0x0] =	vst.idx.msk $0xffff, v13;
	v17 =	vadd.s32 v23, v33  }
0x16c: {  	v2 =	vmov s26;
	v12 =	vadd.s32 v52, v32;
	v52 =	vmov s28;
	[tilespmem:v43+s19+$0x0] =	vst.idx.msk $0xffff, v11;
	v13 =	vld [tilespmem:s23+$0x370]  }
0x16d: {  	v9 =	vshll.u32 v28, v0;
	v14 =	vshrl.u32 v38, $0x3;
	[tilespmem:v20+s19+$0x0] =	vst.idx.msk $0xffff, v19;
	v20 =	vadd.s32 v51, v34  }
0x16e: {  	s28 =	simm.s32 $0x1E;
	v8 =	vadd.f32 v18, v29;
	v16 =	vshrl.u32 v22, $0x3;
	v11 =	vadd.s32 v59, v37;
	[tilespmem:v40+s19+$0x0] =	vst.idx.msk $0xffff, v7;
	v19 =	vld [tilespmem:s23+$0x3B0]  }
0x16f: {  	s25 =	simm.s32 $0x19;
	v21 =	vmov s28;
	v18 =	vshrl.u32 v44, $0x3;
	[tilespmem:v62+s19+$0x0] =	vst.idx.msk $0xffff, v6;
	v62 =	vadd.s32 v60, v31  }
0x170: {  	s26 =	simm.s32 $0x1A;
	v46 =	vbroadcast v9, $0x0;
	v23 =	vmov s25;
	s25 =	simm.s32 $0x1C;
	v9 =	vshrl.u32 v21, $0x3;
	[tilespmem:v17+s19+$0x0] =	vst.idx.msk $0xffff, v10  }
0x171: {  	v51 =	vmov s26;
	v59 =	vmov s25;
	s26 =	simm.s32 $0x1D;
	v7 =	vadd.f32 v13, v29;
	[tilespmem:$0x1FC20] =	vst v29  }
0x172: {  	v63 =	vmov s26;
	v13 =	vshrl.u32 v30, $0x3;
	v17 =	vshrl.u32 v42, $0x3;
	[tilespmem:v20+s19+$0x0] =	vst.idx.msk $0xffff, v15  }
0x173: {  	v10 =	vshrl.u32 v59, $0x3;
	v6 =	vadd.f32 v19, v29;
	v19 =	vshrl.u32 v41, $0x3;
	[tilespmem:v12+s19+$0x0] =	vst.idx.msk $0xffff, v7  }
0x174: {  	v20 =	vshrl.u32 v35, $0x3;
	v15 =	vshrl.u32 v2, $0x3;
	v7 =	vshrl.u32 v23, $0x3;
	[tilespmem:v62+s19+$0x0] =	vst.idx.msk $0xffff, v8  }
0x175: {  	s24 =	sshrl.u32 s20, $0x4;
	s25 =	simm.s32 $0x20;
	s26 =	simm.s32 $0x1F;
	v12 =	vshrl.u32 v52, $0x3;
	v8 =	vshrl.u32 v63, $0x3;
	[tilespmem:v11+s19+$0x0] =	vst.idx.msk $0xffff, v6;
	v11 =	vshrl.u32 v51, $0x3  }
.LBB2_3:
0x176: {  	v45 =	vld [tilespmem:$0x1FCA0]  }
0x177: {  	v38 =	vld [tilespmem:$0x1FC90]  }
0x178: {  	v39 =	vld [tilespmem:$0x1FC30]  }
0x179: {  	v40 =	vld [tilespmem:$0x1FC40]  }
0x17a: {  	v41 =	vld [tilespmem:$0x1FC50]  }
0x17b: {  	v42 =	vld [tilespmem:$0x1FC60]  }
0x17c: {  	v43 =	vld [tilespmem:$0x1FC70]  }
0x17d: {  	v44 =	vld [tilespmem:$0x1FC80]  }
0x17e: {  	v2 =	vld [tilespmem:$0x1FED0]  }
0x17f: {  	v62 =	vmov v55;
	v55 =	vmov v47;
	v47 =	vld [tilespmem:$0x1FEE0]  }
0x180: {  	v63 =	vmov v56;
	v56 =	vmov v48;
	v48 =	vmov v53;
	v53 =	vld [tilespmem:$0x1FCB0]  }
0x181: {  	v51 =	vmovc v1;
	v1 =	vmov v57;
	v57 =	vmov v49;
	v49 =	vmov v54;
	v54 =	vld [tilespmem:$0x1FCC0]  }
0x182: {  	s23 =	sadd.s32 $0x400, s23;
	v6 =	vld [tilespmem:$0x1FD00]  }
0x183: {  	v13 =	vshll.u32 v13, v0;
	v26 =	vld [tilespmem:s23+$0xFFFFE3C0]  }
0x184: {  	v22 =	vshll.u32 v19, v0;
	v19 =	vmov s26;
	v14 =	vshll.u32 v14, v0;
	v27 =	vld [tilespmem:s23+$0xFFFFE000]  }
0x185: {  	v23 =	vshll.u32 v20, v0;
	v29 =	vshll.u32 v12, v0;
	v19 =	vshrl.u32 v19, $0x3;
	v12 =	vld [tilespmem:s23+$0xFFFFE040]  }
0x186: {  	v17 =	vshll.u32 v17, v0;
	v24 =	vshll.u32 v18, v0;
	v31 =	vld [tilespmem:s23+$0xFFFFE080];
	v18 =	vshll.u32 v19, v0  }
0x187: {  	v15 =	vshll.u32 v15, v0;
	v25 =	vshll.u32 v16, v0;
	v35 =	vld [tilespmem:s23+$0xFFFFE140];
	v21 =	vbroadcast v18, $0x0  }
0x188: {  	v28 =	vshll.u32 v11, v0;
	v20 =	vbroadcast v22, $0x0;
	v33 =	vld [tilespmem:s23+$0xFFFFE0C0];
	v30 =	vadd.s32 v38, v46  }
0x189: {  	v16 =	vbroadcast v23, $0x0;
	v37 =	vld [tilespmem:s23+$0xFFFFE180];
	v19 =	vbroadcast v13, $0x0;
	v13 =	vadd.s32 v45, v21  }
0x18a: {  	v34 =	vshll.u32 v9, v0;
	v11 =	vbroadcast v17, $0x0;
	v17 =	vbroadcast v15, $0x0;
	v15 =	vld [tilespmem:s23+$0xFFFFE200]  }
0x18b: {  	v59 =	vmovc v58;
	v18 =	vbroadcast v14, $0x0;
	v14 =	vld [tilespmem:s23+$0xFFFFE100];
	v32 =	vadd.s32 v39, v19;
	v52 =	vadd.f32 v27, v5  }
0x18c: {  	v58 =	vmovc v50;
	v9 =	vadd.s32 v40, v20;
	v23 =	vadd.f32 v26, v5;
	v27 =	vadd.f32 v35, v5;
	v35 =	vld [tilespmem:s23+$0xFFFFE280]  }
0x18d: {  	v50 =	vmov v61;
	v61 =	vadd.s32 v41, v18;
	v12 =	vadd.f32 v12, v5;
	[tilespmem:v30+s19+$0x0] =	vst.idx.msk $0xffff, v52;
	v30 =	vld [tilespmem:s23+$0xFFFFE1C0]  }
0x18e: {  	[tilespmem:v13+s19+$0x0] =	vst.idx.msk $0xffff, v23;
	v13 =	vadd.f32 v31, v5;
	v31 =	vadd.s32 v45, v17;
	v45 =	vld [tilespmem:$0x1FEC0]  }
0x18f: {  	v22 =	vshll.u32 v8, v0;
	v8 =	vbroadcast v24, $0x0;
	v36 =	vadd.s32 v42, v16;
	v52 =	vmovc v60;
	v60 =	vld [tilespmem:$0x1FCD0]  }
0x190: {  	v23 =	vadd.s32 v43, v11;
	[tilespmem:v32+s19+$0x0] =	vst.idx.msk $0xffff, v12;
	v12 =	vadd.f32 v33, v5;
	v24 =	vld [tilespmem:s23+$0xFFFFE3D0]  }
0x191: {  	v7 =	vshll.u32 v7, v0;
	v26 =	vadd.s32 v44, v8;
	v32 =	vld [tilespmem:s23+$0xFFFFE240];
	[tilespmem:v9+s19+$0x0] =	vst.idx.msk $0xffff, v13  }
0x192: {  	v9 =	vadd.f32 v14, v5;
	v13 =	vbroadcast v25, $0x0;
	v25 =	vadd.s32 v2, v21;
	[tilespmem:v61+s19+$0x0] =	vst.idx.msk $0xffff, v12;
	v61 =	vld [tilespmem:$0x1FCE0]  }
0x193: {  	v14 =	vbroadcast v7, $0x0;
	v7 =	vadd.f32 v37, v5;
	v37 =	vld [tilespmem:$0x1FEF0]  }
0x194: {  	v12 =	vbroadcast v28, $0x0;
	[tilespmem:v36+s19+$0x0] =	vst.idx.msk $0xffff, v9;
	v9 =	vbroadcast v29, $0x0;
	v29 =	vld [tilespmem:s23+$0xFFFFE300]  }
0x195: {  	v36 =	vld [tilespmem:s23+$0xFFFFE340];
	[tilespmem:v23+s19+$0x0] =	vst.idx.msk $0xffff, v27;
	v23 =	vadd.s32 v39, v14;
	v24 =	vadd.f32 v24, v4  }
0x196: {  	v33 =	vadd.s32 v38, v13;
	[tilespmem:v26+s19+$0x0] =	vst.idx.msk $0xffff, v7;
	v28 =	vadd.s32 v40, v12;
	v40 =	vld [tilespmem:s23+$0xFFFFE380]  }
0x197: {  	v10 =	vshll.u32 v10, v0;
	v38 =	vld [tilespmem:$0x1FF00];
	v26 =	vadd.f32 v30, v5;
	[tilespmem:v25+s19+$0x0] =	vst.idx.msk $0xffff, v24  }
0x198: {  	v10 =	vbroadcast v10, $0x0;
	v7 =	vbroadcast v22, $0x0;
	v22 =	vadd.f32 v32, v5;
	v25 =	vld [tilespmem:s23+$0xFFFFE3E0]  }
0x199: {  	v15 =	vadd.f32 v15, v5;
	v27 =	vld [tilespmem:s23+$0xFFFFE2C0];
	[tilespmem:v31+s19+$0x0] =	vst.idx.msk $0xffff, v26  }
0x19a: {  	v24 =	vadd.s32 v42, v10;
	v42 =	vld [tilespmem:s23+$0xFFFFE090];
	[tilespmem:v23+s19+$0x0] =	vst.idx.msk $0xffff, v22;
	v23 =	vadd.s32 v37, v21  }
0x19b: {  	v30 =	vadd.s32 v41, v9;
	v41 =	vld [tilespmem:s23+$0xFFFFE050];
	v26 =	vadd.f32 v35, v5;
	[tilespmem:v33+s19+$0x0] =	vst.idx.msk $0xffff, v15;
	v15 =	vbroadcast v34, $0x0  }
0x19c: {  	v35 =	vld [tilespmem:s23+$0xFFFFE110]  }
0x19d: {  	[tilespmem:v28+s19+$0x0] =	vst.idx.msk $0xffff, v26;
	v34 =	vld [tilespmem:s23+$0xFFFFE0D0];
	v28 =	vadd.s32 v44, v15;
	v44 =	vadd.f32 v25, v3  }
0x19e: {  	v31 =	vadd.s32 v43, v7;
	v26 =	vld [tilespmem:s23+$0xFFFFE150]  }
0x19f: {  	v22 =	vadd.f32 v27, v5;
	[tilespmem:v23+s19+$0x0] =	vst.idx.msk $0xffff, v44;
	v23 =	vadd.f32 v42, v4;
	v42 =	vld [tilespmem:$0x1FDE0]  }
0x1a0: {  	v43 =	vadd.f32 v29, v5;
	v33 =	vld [tilespmem:s23+$0xFFFFE190]  }
0x1a1: {  	v29 =	vadd.s32 v53, v19;
	[tilespmem:v30+s19+$0x0] =	vst.idx.msk $0xffff, v22;
	v22 =	vadd.f32 v36, v5;
	v36 =	vld [tilespmem:$0x1FD70]  }
0x1a2: {  	v27 =	vld [tilespmem:s23+$0xFFFFE250];
	[tilespmem:v24+s19+$0x0] =	vst.idx.msk $0xffff, v43  }
0x1a3: {  	v30 =	vadd.s32 v60, v20;
	v43 =	vld [tilespmem:$0x1FE50];
	[tilespmem:v31+s19+$0x0] =	vst.idx.msk $0xffff, v22  }
0x1a4: {  	v22 =	vadd.f32 v40, v5;
	v31 =	vadd.f32 v41, v4;
	v40 =	vld [tilespmem:s23+$0xFFFFE310];
	v24 =	vadd.s32 v42, v11  }
0x1a5: {  	v41 =	vadd.f32 v26, v4;
	v26 =	vadd.s32 v2, v17;
	v2 =	vld [tilespmem:$0x1FF10]  }
0x1a6: {  	[tilespmem:v29+s19+$0x0] =	vst.idx.msk $0xffff, v31;
	v29 =	vld [tilespmem:s23+$0xFFFFE1D0];
	v32 =	vadd.s32 v36, v16  }
0x1a7: {  	v25 =	vadd.s32 v6, v18;
	[tilespmem:v28+s19+$0x0] =	vst.idx.msk $0xffff, v22;
	v44 =	vld [tilespmem:s23+$0xFFFFE290]  }
0x1a8: {  	v22 =	vld [tilespmem:s23+$0xFFFFE3F0];
	v28 =	vadd.s32 v43, v8;
	[tilespmem:v30+s19+$0x0] =	vst.idx.msk $0xffff, v23  }
0x1a9: {  	v23 =	vadd.f32 v35, v4;
	[tilespmem:v24+s19+$0x0] =	vst.idx.msk $0xffff, v41;
	v41 =	vld [tilespmem:$0x1FC20]  }
0x1aa: {  	v34 =	vadd.f32 v34, v4;
	v30 =	vld [tilespmem:s23+$0xFFFFE210]  }
0x1ab: {  	v31 =	vadd.s32 v38, v21;
	v39 =	vld [tilespmem:s23+$0xFFFFE060];
	[tilespmem:v32+s19+$0x0] =	vst.idx.msk $0xffff, v23;
	v23 =	vadd.f32 v33, v4  }
0x1ac: {  	v35 =	vld [tilespmem:s23+$0xFFFFE350];
	[tilespmem:v25+s19+$0x0] =	vst.idx.msk $0xffff, v34;
	v32 =	vadd.s32 v45, v13  }
0x1ad: {  	v25 =	vld [tilespmem:s23+$0xFFFFE2D0];
	[tilespmem:v28+s19+$0x0] =	vst.idx.msk $0xffff, v23;
	v23 =	vadd.f32 v29, v4;
	v24 =	vadd.s32 v53, v14  }
0x1ae: {  	v34 =	vadd.s32 v6, v9;
	v6 =	vld [tilespmem:$0x1FD10];
	v22 =	vadd.f32 v22, v41  }
0x1af: {  	v30 =	vadd.f32 v30, v4;
	v28 =	vadd.s32 v60, v12;
	v60 =	vld [tilespmem:s23+$0xFFFFE010];
	[tilespmem:v26+s19+$0x0] =	vst.idx.msk $0xffff, v23  }
0x1b0: {  	v29 =	vld [tilespmem:s23+$0xFFFFE1A0];
	[tilespmem:v31+s19+$0x0] =	vst.idx.msk $0xffff, v22;
	v22 =	vadd.f32 v27, v4  }
0x1b1: {  	v53 =	vld [tilespmem:s23+$0xFFFFE390];
	[tilespmem:v32+s19+$0x0] =	vst.idx.msk $0xffff, v30;
	v30 =	vadd.s32 v42, v7  }
0x1b2: {  	v23 =	vadd.s32 v36, v10;
	v26 =	vld [tilespmem:s23+$0x3C0];
	[tilespmem:v24+s19+$0x0] =	vst.idx.msk $0xffff, v22;
	v22 =	vadd.f32 v25, v4  }
0x1b3: {  	v44 =	vadd.f32 v44, v4;
	v42 =	vadd.s32 v43, v15;
	v43 =	vadd.s32 v45, v46;
	v45 =	vld [tilespmem:s23+$0xFFFFE120]  }
0x1b4: {  	v36 =	vadd.s32 v2, v21;
	v32 =	vld [tilespmem:s23+$0xFFFFE160];
	[tilespmem:v34+s19+$0x0] =	vst.idx.msk $0xffff, v22;
	v22 =	vadd.f32 v35, v4  }
0x1b5: {  	v40 =	vadd.f32 v40, v4;
	[tilespmem:v28+s19+$0x0] =	vst.idx.msk $0xffff, v44;
	v44 =	vld [tilespmem:s23+$0xFFFFE0A0]  }
0x1b6: {  	v35 =	vld [tilespmem:s23+$0xFFFFE0E0];
	[tilespmem:v30+s19+$0x0] =	vst.idx.msk $0xffff, v22;
	v22 =	vadd.f32 v53, v4  }
0x1b7: {  	[tilespmem:v23+s19+$0x0] =	vst.idx.msk $0xffff, v40;
	v23 =	vadd.f32 v26, v5;
	v30 =	vld [tilespmem:s23+$0xFFFFE1E0]  }
0x1b8: {  	[tilespmem:v42+s19+$0x0] =	vst.idx.msk $0xffff, v22;
	v42 =	vld [tilespmem:$0x1FDF0]  }
0x1b9: {  	v34 =	vadd.s32 v54, v19;
	[tilespmem:v36+s19+$0x0] =	vst.idx.msk $0xffff, v23;
	v36 =	vld [tilespmem:$0x1FD80]  }
0x1ba: {  	v26 =	vadd.s32 v61, v20;
	v23 =	vadd.f32 v39, v3;
	v39 =	vld [tilespmem:$0x1FF20]  }
0x1bb: {  	v40 =	vadd.s32 v37, v17;
	v37 =	vld [tilespmem:s23+$0xFFFFE2A0];
	v31 =	vadd.s32 v6, v18;
	v53 =	vadd.f32 v60, v4  }
0x1bc: {  	v60 =	vadd.f32 v44, v3;
	v44 =	vld [tilespmem:s23+$0xFFFFE260]  }
0x1bd: {  	[tilespmem:v43+s19+$0x0] =	vst.idx.msk $0xffff, v53;
	v22 =	vld [tilespmem:s23+$0x3D0];
	v28 =	vadd.s32 v42, v11  }
0x1be: {  	v43 =	vld [tilespmem:$0x1FE60];
	[tilespmem:v34+s19+$0x0] =	vst.idx.msk $0xffff, v23;
	v23 =	vadd.f32 v35, v3;
	v24 =	vadd.s32 v36, v16  }
0x1bf: {  	v53 =	vld [tilespmem:s23+$0xFFFFE220];
	[tilespmem:v26+s19+$0x0] =	vst.idx.msk $0xffff, v60;
	v30 =	vadd.f32 v30, v3;
	v33 =	vadd.s32 v39, v21  }
0x1c0: {  	v45 =	vadd.f32 v45, v3;
	v35 =	vld [tilespmem:$0x1FE00];
	[tilespmem:v31+s19+$0x0] =	vst.idx.msk $0xffff, v23;
	v23 =	vadd.f32 v32, v3  }
0x1c1: {  	v60 =	vadd.s32 v47, v13;
	[tilespmem:v40+s19+$0x0] =	vst.idx.msk $0xffff, v30;
	v40 =	vadd.f32 v44, v3;
	v44 =	vld [tilespmem:s23+$0xFFFFE360]  }
0x1c2: {  	v22 =	vadd.f32 v22, v4;
	[tilespmem:v28+s19+$0x0] =	vst.idx.msk $0xffff, v23;
	v23 =	vadd.f32 v29, v3;
	v29 =	vld [tilespmem:s23+$0xFFFFE2E0]  }
0x1c3: {  	v26 =	vadd.s32 v43, v8;
	[tilespmem:v24+s19+$0x0] =	vst.idx.msk $0xffff, v45;
	v45 =	vld [tilespmem:s23+$0xFFFFE320]  }
0x1c4: {  	[tilespmem:v33+s19+$0x0] =	vst.idx.msk $0xffff, v22;
	v22 =	vadd.f32 v53, v3;
	v24 =	vld [tilespmem:s23+$0xFFFFE3A0]  }
0x1c5: {  	v34 =	vadd.s32 v61, v12;
	v53 =	vld [tilespmem:s23+$0x3E0]  }
0x1c6: {  	v28 =	vadd.s32 v54, v14;
	[tilespmem:v60+s19+$0x0] =	vst.idx.msk $0xffff, v22;
	v22 =	vadd.f32 v37, v3;
	v37 =	vld [tilespmem:$0x1FF30]  }
0x1c7: {  	v60 =	vld [tilespmem:s23+$0xFFFFE020]  }
0x1c8: {  	[tilespmem:v26+s19+$0x0] =	vst.idx.msk $0xffff, v23;
	v23 =	vadd.s32 v6, v9;
	v6 =	vld [tilespmem:$0x1FD20]  }
0x1c9: {  	v30 =	vadd.s32 v36, v10;
	v31 =	vld [tilespmem:s23+$0xFFFFE230]  }
0x1ca: {  	[tilespmem:v34+s19+$0x0] =	vst.idx.msk $0xffff, v22;
	v34 =	vld [tilespmem:$0x1FE10]  }
0x1cb: {  	v36 =	vadd.s32 v42, v7;
	[tilespmem:v28+s19+$0x0] =	vst.idx.msk $0xffff, v40;
	v61 =	vadd.f32 v29, v3;
	v40 =	vld [tilespmem:s23+$0xFFFFE070]  }
0x1cc: {  	v22 =	vadd.f32 v45, v3;
	v45 =	vld [tilespmem:s23+$0xFFFFE0B0]  }
0x1cd: {  	v42 =	vadd.s32 v43, v15;
	v32 =	vld [tilespmem:s23+$0xFFFFE2B0];
	v54 =	vadd.s32 v37, v21;
	[tilespmem:v23+s19+$0x0] =	vst.idx.msk $0xffff, v61  }
0x1ce: {  	v23 =	vadd.f32 v53, v3;
	v53 =	vld [tilespmem:s23+$0xFFFFE0F0];
	[tilespmem:v30+s19+$0x0] =	vst.idx.msk $0xffff, v22;
	v22 =	vadd.f32 v44, v3  }
0x1cf: {  	v44 =	vld [tilespmem:s23+$0xFFFFE130]  }
0x1d0: {  	v24 =	vadd.f32 v24, v3;
	[tilespmem:v36+s19+$0x0] =	vst.idx.msk $0xffff, v22;
	v36 =	vld [tilespmem:$0x1FD90]  }
0x1d1: {  	v43 =	vadd.s32 v47, v46;
	v61 =	vld [tilespmem:s23+$0xFFFFE170]  }
0x1d2: {  	v47 =	vadd.s32 v55, v19;
	[tilespmem:v42+s19+$0x0] =	vst.idx.msk $0xffff, v24;
	v42 =	vld [tilespmem:$0x1FE70]  }
0x1d3: {  	v30 =	vadd.s32 v62, v20;
	[tilespmem:v54+s19+$0x0] =	vst.idx.msk $0xffff, v23;
	v54 =	vadd.f32 v40, v41;
	v40 =	vld [tilespmem:$0x1FF40]  }
0x1d4: {  	v25 =	vadd.s32 v6, v18;
	v26 =	vld [tilespmem:s23+$0xFFFFE3B0];
	v23 =	vadd.f32 v60, v3  }
0x1d5: {  	v22 =	vld [tilespmem:s23+$0x3F0];
	v60 =	vadd.s32 v36, v16  }
0x1d6: {  	v29 =	vadd.s32 v48, v13;
	[tilespmem:v43+s19+$0x0] =	vst.idx.msk $0xffff, v23;
	v23 =	vadd.f32 v45, v41;
	v45 =	vld [tilespmem:s23+$0xFFFFE1B0]  }
0x1d7: {  	[tilespmem:v47+s19+$0x0] =	vst.idx.msk $0xffff, v54;
	v47 =	vadd.f32 v53, v41;
	v53 =	vadd.s32 v35, v11;
	v54 =	vld [tilespmem:s23+$0xFFFFE1F0]  }
0x1d8: {  	v43 =	vld [tilespmem:s23+$0xFFFFE270];
	[tilespmem:v30+s19+$0x0] =	vst.idx.msk $0xffff, v23;
	v23 =	vadd.f32 v44, v41;
	v21 =	vadd.s32 v40, v21  }
0x1d9: {  	[tilespmem:v25+s19+$0x0] =	vst.idx.msk $0xffff, v47;
	v25 =	vadd.s32 v38, v17;
	v38 =	vadd.f32 v31, v41;
	v31 =	vld [tilespmem:s23+$0x40]  }
0x1da: {  	v44 =	vadd.s32 v6, v9;
	v6 =	vld [tilespmem:$0x1FD30];
	[tilespmem:v60+s19+$0x0] =	vst.idx.msk $0xffff, v23;
	v23 =	vadd.f32 v61, v41  }
0x1db: {  	v30 =	vadd.s32 v42, v8;
	v22 =	vadd.f32 v22, v41;
	[tilespmem:v29+s19+$0x0] =	vst.idx.msk $0xffff, v38;
	v38 =	vld [tilespmem:s23+$0xC0]  }
0x1dc: {  	v60 =	vadd.s32 v55, v14;
	v61 =	vld [tilespmem:s23+$0xFFFFE2F0];
	[tilespmem:v53+s19+$0x0] =	vst.idx.msk $0xffff, v23  }
0x1dd: {  	v23 =	vld [tilespmem:s23+$0xFFFFE330];
	[tilespmem:v21+s19+$0x0] =	vst.idx.msk $0xffff, v22;
	v21 =	vadd.f32 v54, v41;
	v22 =	vadd.s32 v62, v12  }
0x1de: {  	v47 =	vmov v55;
	v24 =	vadd.f32 v45, v41;
	v55 =	vmov v62;
	v62 =	vld [tilespmem:s23+$0xFFFFE370]  }
0x1df: {  	[tilespmem:v25+s19+$0x0] =	vst.idx.msk $0xffff, v21;
	v21 =	vadd.f32 v43, v41;
	v25 =	vadd.s32 v36, v10;
	v43 =	vld [tilespmem:s23+$0xFFFFE030]  }
0x1e0: {  	v29 =	vadd.s32 v35, v7;
	v35 =	vld [tilespmem:$0x1FDA0];
	v45 =	vadd.f32 v32, v41;
	[tilespmem:v30+s19+$0x0] =	vst.idx.msk $0xffff, v24  }
0x1e1: {  	v24 =	vld [tilespmem:s23+$0x200];
	[tilespmem:v60+s19+$0x0] =	vst.idx.msk $0xffff, v21;
	v21 =	vadd.f32 v61, v41;
	v61 =	vadd.s32 v48, v46  }
0x1e2: {  	v36 =	vld [tilespmem:s23+$0x80];
	v60 =	vadd.s32 v42, v15;
	[tilespmem:v22+s19+$0x0] =	vst.idx.msk $0xffff, v45;
	v22 =	vadd.f32 v23, v41  }
0x1e3: {  	v54 =	vld [tilespmem:s23+$0x180];
	[tilespmem:v44+s19+$0x0] =	vst.idx.msk $0xffff, v21;
	v21 =	vadd.f32 v62, v41  }
0x1e4: {  	v23 =	vadd.s32 v56, v19;
	v45 =	vld [tilespmem:s23+$0x140];
	[tilespmem:v25+s19+$0x0] =	vst.idx.msk $0xffff, v22;
	v42 =	vadd.f32 v43, v41  }
0x1e5: {  	v44 =	vadd.s32 v63, v20;
	v62 =	vld [tilespmem:s23+$0x100];
	v22 =	vadd.f32 v26, v41;
	[tilespmem:v29+s19+$0x0] =	vst.idx.msk $0xffff, v21  }
0x1e6: {  	v43 =	vadd.s32 v6, v18;
	[tilespmem:v61+s19+$0x0] =	vst.idx.msk $0xffff, v42;
	v61 =	vld [tilespmem:s23+$0x1C0]  }
0x1e7: {  	v21 =	vadd.f32 v31, v5;
	[tilespmem:v60+s19+$0x0] =	vst.idx.msk $0xffff, v22;
	v22 =	vadd.f32 v36, v5;
	v36 =	vld [tilespmem:$0x1FE80]  }
0x1e8: {  	v60 =	vadd.s32 v34, v11;
	v42 =	vld [tilespmem:s23+$0x280]  }
0x1e9: {  	v53 =	vmov v48;
	v48 =	vadd.s32 v35, v16;
	[tilespmem:v23+s19+$0x0] =	vst.idx.msk $0xffff, v21;
	v21 =	vadd.f32 v38, v5;
	v33 =	vld [tilespmem:s23+$0x0]  }
0x1ea: {  	[tilespmem:v44+s19+$0x0] =	vst.idx.msk $0xffff, v22;
	v22 =	vadd.f32 v62, v5;
	v44 =	vadd.s32 v2, v17;
	v62 =	vld [tilespmem:s23+$0x240]  }
0x1eb: {  	v2 =	vld [tilespmem:$0x1FFF0];
	[tilespmem:v43+s19+$0x0] =	vst.idx.msk $0xffff, v21;
	v21 =	vadd.f32 v45, v5  }
0x1ec: {  	v43 =	vadd.s32 v56, v14;
	v45 =	vld [tilespmem:s23+$0x2C0]  }
0x1ed: {  	v23 =	vadd.s32 v36, v8;
	[tilespmem:v60+s19+$0x0] =	vst.idx.msk $0xffff, v21;
	v21 =	vadd.f32 v61, v5;
	v61 =	vld [tilespmem:s23+$0x300]  }
0x1ee: {  	[tilespmem:v48+s19+$0x0] =	vst.idx.msk $0xffff, v22;
	v48 =	vmov v56;
	v56 =	vmov v63;
	v60 =	vadd.s32 v63, v12;
	v63 =	vld [tilespmem:s23+$0x380]  }
0x1ef: {  	[tilespmem:v44+s19+$0x0] =	vst.idx.msk $0xffff, v21;
	v21 =	vadd.f32 v62, v5;
	v62 =	vadd.s32 v35, v10;
	v35 =	vld [tilespmem:$0x1FDB0]  }
0x1f0: {  	v38 =	vadd.s32 v49, v13;
	v22 =	vadd.f32 v54, v5;
	v44 =	vadd.s32 v34, v7;
	v34 =	vld [tilespmem:$0x1FE30]  }
0x1f1: {  	[tilespmem:v43+s19+$0x0] =	vst.idx.msk $0xffff, v21;
	v21 =	vadd.f32 v45, v5;
	v45 =	vld [tilespmem:s23+$0x90]  }
0x1f2: {  	[tilespmem:v23+s19+$0x0] =	vst.idx.msk $0xffff, v22;
	v22 =	vadd.f32 v24, v5;
	v24 =	vld [tilespmem:s23+$0x340]  }
0x1f3: {  	v23 =	vadd.s32 v6, v9;
	v6 =	vld [tilespmem:$0x1FD40]  }
0x1f4: {  	v54 =	vmov v49;
	v43 =	vadd.s32 v49, v46;
	v49 =	vld [tilespmem:s23+$0x190]  }
0x1f5: {  	[tilespmem:v38+s19+$0x0] =	vst.idx.msk $0xffff, v22;
	v22 =	vadd.f32 v42, v5;
	v38 =	vld [tilespmem:s23+$0x50]  }
0x1f6: {  	v42 =	vadd.s32 v36, v15;
	v36 =	vld [tilespmem:$0x1FE90]  }
0x1f7: {  	[tilespmem:v60+s19+$0x0] =	vst.idx.msk $0xffff, v22;
	v22 =	vadd.f32 v61, v5;
	v61 =	vld [tilespmem:s23+$0xD0]  }
0x1f8: {  	[tilespmem:v23+s19+$0x0] =	vst.idx.msk $0xffff, v21;
	v21 =	vadd.f32 v24, v5;
	v24 =	vld [tilespmem:s23+$0x110];
	v28 =	vadd.s32 v6, v18  }
0x1f9: {  	v25 =	vadd.s32 v6, v9;
	v6 =	vld [tilespmem:$0x1FD50];
	[tilespmem:v62+s19+$0x0] =	vst.idx.msk $0xffff, v22;
	v22 =	vadd.f32 v63, v5  }
0x1fa: {  	v60 =	vadd.s32 v57, v19;
	v63 =	vld [tilespmem:s23+$0x150]  }
0x1fb: {  	v23 =	vadd.s32 v1, v20;
	[tilespmem:v42+s19+$0x0] =	vst.idx.msk $0xffff, v22;
	v42 =	vld [tilespmem:$0x1FE20]  }
0x1fc: {  	v62 =	vadd.f32 v33, v5;
	[tilespmem:v44+s19+$0x0] =	vst.idx.msk $0xffff, v21;
	v21 =	vadd.f32 v38, v4;
	v38 =	vld [tilespmem:s23+$0x290]  }
0x1fd: {  	v44 =	vadd.s32 v35, v16;
	v22 =	vadd.f32 v45, v4;
	v45 =	vld [tilespmem:s23+$0x1D0]  }
0x1fe: {  	[tilespmem:v43+s19+$0x0] =	vst.idx.msk $0xffff, v62;
	v62 =	vld [tilespmem:s23+$0x250]  }
0x1ff: {  	[tilespmem:v60+s19+$0x0] =	vst.idx.msk $0xffff, v21;
	v21 =	vadd.f32 v61, v4;
	v60 =	vadd.s32 v36, v8;
	v61 =	vld [tilespmem:s23+$0x210]  }
0x200: {  	v31 =	vld [tilespmem:s23+$0x350];
	[tilespmem:v23+s19+$0x0] =	vst.idx.msk $0xffff, v22;
	v22 =	vadd.f32 v24, v4;
	v43 =	vadd.s32 v42, v11  }
0x201: {  	v33 =	vld [tilespmem:s23+$0x10];
	[tilespmem:v28+s19+$0x0] =	vst.idx.msk $0xffff, v21;
	v21 =	vadd.f32 v63, v4;
	v63 =	vadd.s32 v50, v13  }
0x202: {  	v23 =	vadd.s32 v39, v17;
	v24 =	vld [tilespmem:s23+$0x390];
	[tilespmem:v44+s19+$0x0] =	vst.idx.msk $0xffff, v22;
	v22 =	vadd.f32 v49, v4  }
0x203: {  	v27 =	vadd.s32 v1, v12;
	v44 =	vld [tilespmem:s23+$0x2D0]  }
0x204: {  	v39 =	vadd.s32 v57, v14;
	[tilespmem:v60+s19+$0x0] =	vst.idx.msk $0xffff, v22;
	v22 =	vadd.f32 v61, v4;
	v60 =	vld [tilespmem:s23+$0xE0]  }
0x205: {  	[tilespmem:v43+s19+$0x0] =	vst.idx.msk $0xffff, v21;
	v21 =	vadd.f32 v45, v4;
	v45 =	vld [tilespmem:s23+$0x310]  }
0x206: {  	[tilespmem:v63+s19+$0x0] =	vst.idx.msk $0xffff, v22;
	v22 =	vadd.f32 v38, v4;
	v63 =	vld [tilespmem:s23+$0x120]  }
0x207: {  	v43 =	vld [tilespmem:s23+$0x60];
	[tilespmem:v23+s19+$0x0] =	vst.idx.msk $0xffff, v21;
	v21 =	vadd.f32 v62, v4;
	v23 =	vadd.s32 v35, v10  }
0x208: {  	v42 =	vadd.s32 v42, v7;
	[tilespmem:v27+s19+$0x0] =	vst.idx.msk $0xffff, v22;
	v35 =	vld [tilespmem:$0x1FDC0]  }
0x209: {  	v38 =	vadd.s32 v36, v15;
	[tilespmem:v39+s19+$0x0] =	vst.idx.msk $0xffff, v21;
	v21 =	vadd.f32 v44, v4;
	v44 =	vld [tilespmem:s23+$0xA0]  }
0x20a: {  	v36 =	vld [tilespmem:$0x1FEA0];
	v62 =	vadd.s32 v51, v20;
	v39 =	vadd.s32 v50, v46;
	v22 =	vadd.f32 v45, v4  }
0x20b: {  	v61 =	vmov v50;
	v50 =	vld [tilespmem:s23+$0x160];
	v45 =	vadd.s32 v58, v19;
	[tilespmem:v25+s19+$0x0] =	vst.idx.msk $0xffff, v21;
	v21 =	vadd.f32 v31, v4  }
0x20c: {  	[tilespmem:v23+s19+$0x0] =	vst.idx.msk $0xffff, v22;
	v22 =	vadd.f32 v24, v4;
	v23 =	vadd.f32 v33, v4;
	v33 =	vld [tilespmem:$0x1FD60]  }
0x20d: {  	v24 =	vadd.s32 v6, v18;
	[tilespmem:v42+s19+$0x0] =	vst.idx.msk $0xffff, v21;
	v21 =	vadd.f32 v43, v3;
	v43 =	vld [tilespmem:s23+$0x1A0]  }
0x20e: {  	v42 =	vadd.s32 v35, v16;
	[tilespmem:v38+s19+$0x0] =	vst.idx.msk $0xffff, v22;
	v22 =	vadd.f32 v44, v3;
	v44 =	vld [tilespmem:s23+$0x1E0]  }
0x20f: {  	[tilespmem:v39+s19+$0x0] =	vst.idx.msk $0xffff, v23;
	v23 =	vadd.s32 v34, v11;
	v38 =	vld [tilespmem:s23+$0x2A0]  }
0x210: {  	v39 =	vadd.s32 v58, v14;
	[tilespmem:v45+s19+$0x0] =	vst.idx.msk $0xffff, v21;
	v21 =	vadd.f32 v60, v3;
	v60 =	vld [tilespmem:s23+$0x220]  }
0x211: {  	v45 =	vadd.s32 v36, v8;
	[tilespmem:v62+s19+$0x0] =	vst.idx.msk $0xffff, v22;
	v22 =	vadd.f32 v63, v3;
	v63 =	vld [tilespmem:s23+$0x260]  }
0x212: {  	v62 =	vadd.s32 v37, v17;
	[tilespmem:v24+s19+$0x0] =	vst.idx.msk $0xffff, v21;
	v21 =	vadd.f32 v50, v3;
	v50 =	vmov v58;
	v58 =	vld [tilespmem:s23+$0x3A0]  }
0x213: {  	v37 =	vadd.s32 v2, v13;
	[tilespmem:v42+s19+$0x0] =	vst.idx.msk $0xffff, v22;
	v42 =	vld [tilespmem:s23+$0x2E0]  }
0x214: {  	v22 =	vadd.f32 v43, v3;
	v43 =	vld [tilespmem:s23+$0x320];
	[tilespmem:v23+s19+$0x0] =	vst.idx.msk $0xffff, v21  }
0x215: {  	v21 =	vadd.f32 v44, v3;
	v23 =	vadd.s32 v51, v12;
	v44 =	vadd.s32 v6, v9;
	v6 =	vld [tilespmem:$0x1FCF0]  }
0x216: {  	[tilespmem:v45+s19+$0x0] =	vst.idx.msk $0xffff, v22;
	v22 =	vadd.f32 v60, v3;
	v45 =	vld [tilespmem:s23+$0x360]  }
0x217: {  	v49 =	vmov v57;
	v19 =	vadd.s32 v59, v19;
	v60 =	vld [tilespmem:s23+$0x20];
	[tilespmem:v62+s19+$0x0] =	vst.idx.msk $0xffff, v21;
	v21 =	vadd.f32 v63, v3  }
0x218: {  	v57 =	vmov v1;
	v14 =	vadd.s32 v59, v14;
	v63 =	vld [tilespmem:s23+$0x70];
	[tilespmem:v37+s19+$0x0] =	vst.idx.msk $0xffff, v22;
	v22 =	vadd.f32 v38, v3  }
0x219: {  	v1 =	vmov v51;
	v51 =	vadd.s32 v35, v10;
	v38 =	vld [tilespmem:s23+$0xB0];
	[tilespmem:v39+s19+$0x0] =	vst.idx.msk $0xffff, v21;
	v21 =	vadd.f32 v42, v3  }
0x21a: {  	v36 =	vadd.s32 v36, v15;
	v62 =	vadd.s32 v34, v7;
	[tilespmem:v23+s19+$0x0] =	vst.idx.msk $0xffff, v22;
	v23 =	vld [tilespmem:s23+$0xF0]  }
0x21b: {  	v17 =	vadd.s32 v40, v17;
	[tilespmem:v44+s19+$0x0] =	vst.idx.msk $0xffff, v21;
	v21 =	vadd.f32 v45, v3;
	v45 =	vld [tilespmem:$0x1FDD0]  }
0x21c: {  	v37 =	vadd.s32 v2, v46;
	v22 =	vadd.f32 v43, v3;
	v42 =	vadd.f32 v60, v3;
	v60 =	vld [tilespmem:$0x1FE40]  }
0x21d: {  	v13 =	vadd.s32 v52, v13;
	v18 =	vadd.s32 v33, v18;
	v44 =	vadd.f32 v63, v41;
	v63 =	vld [tilespmem:$0x1FEB0]  }
0x21e: {  	s28 =	sadd.s32 $0x1, s25;
	v27 =	vld [tilespmem:s23+$0x130];
	v39 =	vmov s25;
	v20 =	vadd.s32 v6, v20;
	[tilespmem:v51+s19+$0x0] =	vst.idx.msk $0xffff, v22;
	v22 =	vadd.f32 v58, v3  }
0x21f: {  	v9 =	vadd.s32 v33, v9;
	v25 =	vshrl.u32 v39, $0x3;
	v43 =	vld [tilespmem:s23+$0x170];
	[tilespmem:v62+s19+$0x0] =	vst.idx.msk $0xffff, v21;
	v21 =	vmov s28;
	s28 =	sadd.s32 $0x2, s25  }
0x220: {  	v12 =	vadd.s32 v6, v12;
	v51 =	vld [tilespmem:s23+$0x1B0];
	[tilespmem:v36+s19+$0x0] =	vst.idx.msk $0xffff, v22;
	v22 =	vmov s28;
	s28 =	sadd.s32 $0x3, s25;
	v16 =	vadd.s32 v45, v16  }
0x221: {  	[tilespmem:v37+s19+$0x0] =	vst.idx.msk $0xffff, v42;
	v58 =	vadd.f32 v38, v41;
	v62 =	vld [tilespmem:s23+$0x1F0];
	v31 =	vmov s28;
	s28 =	sadd.s32 $0x4, s25;
	v11 =	vadd.s32 v60, v11  }
0x222: {  	[tilespmem:v19+s19+$0x0] =	vst.idx.msk $0xffff, v44;
	v19 =	vadd.f32 v23, v41;
	v23 =	vld [tilespmem:s23+$0x230];
	v24 =	vmov s28;
	s28 =	sadd.s32 $0x5, s25;
	v8 =	vadd.s32 v63, v8  }
0x223: {  	v39 =	vld [tilespmem:s23+$0x270];
	v6 =	vadd.s32 v52, v46;
	[tilespmem:v20+s19+$0x0] =	vst.idx.msk $0xffff, v58;
	v20 =	vadd.f32 v27, v41;
	v40 =	vmov s28;
	s28 =	sadd.s32 $0x6, s25  }
0x224: {  	v25 =	vshll.u32 v25, v0;
	[tilespmem:v18+s19+$0x0] =	vst.idx.msk $0xffff, v19;
	v18 =	vadd.f32 v43, v41;
	v19 =	vld [tilespmem:s23+$0x2B0];
	v42 =	vmov s28;
	s28 =	sadd.s32 $0x7, s25  }
0x225: {  	v46 =	vbroadcast v25, $0x0;
	v43 =	vmov s28;
	s28 =	sadd.s32 $0x8, s25;
	[tilespmem:v16+s19+$0x0] =	vst.idx.msk $0xffff, v20;
	v16 =	vadd.f32 v51, v41;
	v20 =	vld [tilespmem:s23+$0x2F0]  }
0x226: {  	v10 =	vadd.s32 v45, v10;
	v44 =	vmov s28;
	s28 =	sadd.s32 $0x9, s25;
	[tilespmem:v11+s19+$0x0] =	vst.idx.msk $0xffff, v18;
	v11 =	vadd.f32 v62, v41;
	v18 =	vld [tilespmem:s23+$0x330]  }
0x227: {  	v7 =	vadd.s32 v60, v7;
	[tilespmem:v8+s19+$0x0] =	vst.idx.msk $0xffff, v16;
	v8 =	vadd.f32 v23, v41;
	v16 =	vld [tilespmem:s23+$0x370];
	v23 =	vmov s28;
	s28 =	sadd.s32 $0xA, s25  }
0x228: {  	s26 =	sadd.s32 $0xD, s25;
	v15 =	vadd.s32 v63, v15;
	[tilespmem:v17+s19+$0x0] =	vst.idx.msk $0xffff, v11;
	v11 =	vadd.f32 v39, v41;
	v17 =	vld [tilespmem:s23+$0x3B0];
	v45 =	vmov s28;
	s28 =	sadd.s32 $0xB, s25  }
0x229: {  	v32 =	vld [tilespmem:s23+$0x30];
	v62 =	vmov s26;
	[tilespmem:v13+s19+$0x0] =	vst.idx.msk $0xffff, v8;
	v8 =	vadd.f32 v19, v41;
	v51 =	vmov s28  }
0x22a: {  	s28 =	sadd.s32 $0xC, s25;
	[tilespmem:v14+s19+$0x0] =	vst.idx.msk $0xffff, v11;
	v13 =	vshrl.u32 v21, $0x3;
	v19 =	vshrl.u32 v22, $0x3;
	v11 =	vadd.f32 v20, v41  }
0x22b: {  	p1 =	slt.u32 s25, $0x70;
	v58 =	vmovc v59;
	v14 =	vshrl.u32 v31, $0x3;
	v59 =	vmov s28;
	s28 =	sadd.s32 $0xE, s25;
	[tilespmem:v12+s19+$0x0] =	vst.idx.msk $0xffff, v8;
	v8 =	vadd.f32 v18, v41  }
.Ltmp0:
0x22c: {  	v20 =	vshrl.u32 v24, $0x3;
	v63 =	vmov s28;
	[tilespmem:v9+s19+$0x0] =	vst.idx.msk $0xffff, v11;
	v9 =	vadd.f32 v16, v41;
	(pc) =	sbr.rel @p1 .LBB2_3-.Ltmp0, $4  }
0x22d: {  	v18 =	vshrl.u32 v42, $0x3;
	v12 =	vshrl.u32 v51, $0x3;
	[tilespmem:v10+s19+$0x0] =	vst.idx.msk $0xffff, v8;
	v8 =	vadd.f32 v17, v41  }
0x22e: {  	v16 =	vshrl.u32 v44, $0x3;
	v11 =	vshrl.u32 v45, $0x3;
	v10 =	vadd.f32 v32, v41;
	[tilespmem:v7+s19+$0x0] =	vst.idx.msk $0xffff, v9  }
0x22f: {  	v17 =	vshrl.u32 v40, $0x3;
	v7 =	vshrl.u32 v23, $0x3;
	v9 =	vshrl.u32 v63, $0x3;
	[tilespmem:v15+s19+$0x0] =	vst.idx.msk $0xffff, v8  }
0x230: {  	v60 =	vmovc v52;
	s26 =	sadd.s32 $0xF, s25;
	s25 =	sadd.s32 $0x10, s25;
	v15 =	vshrl.u32 v43, $0x3;
	[tilespmem:v6+s19+$0x0] =	vst.idx.msk $0xffff, v10;
	v10 =	vshrl.u32 v59, $0x3;
	v8 =	vshrl.u32 v62, $0x3  }
0x231: {  	v45 =	vld [tilespmem:$0x1FCA0]  }
0x232: {  	v43 =	vld [tilespmem:$0x1FC90]  }
0x233: {  	v21 =	vmov s26;
	v44 =	vld [tilespmem:$0x1FC30]  }
0x234: {  	v40 =	vld [tilespmem:$0x1FC40];
	v21 =	vshrl.u32 v21, $0x3  }
0x235: {  	s23 =	sadd.s32 $0x400, s23;
	v42 =	vld [tilespmem:$0x1FC50];
	v21 =	vshll.u32 v21, v0  }
0x236: {  	v13 =	vshll.u32 v13, v0;
	v19 =	vshll.u32 v19, v0;
	v22 =	vld [tilespmem:s23+$0xFFFFE3C0];
	v21 =	vbroadcast v21, $0x0  }
0x237: {  	v14 =	vshll.u32 v14, v0;
	v20 =	vshll.u32 v20, v0;
	v24 =	vshll.u32 v7, v0;
	v23 =	vld [tilespmem:s23+$0xFFFFE000]  }
0x238: {  	v25 =	vshll.u32 v11, v0;
	v11 =	vld [tilespmem:s23+$0xFFFFE040];
	v7 =	vbroadcast v13, $0x0;
	v13 =	vadd.s32 v45, v21  }
0x239: {  	v17 =	vshll.u32 v17, v0;
	v26 =	vshll.u32 v12, v0;
	v39 =	vld [tilespmem:$0x1FC60];
	v28 =	vadd.s32 v43, v46  }
0x23a: {  	v30 =	vshll.u32 v8, v0;
	v29 =	vld [tilespmem:s23+$0xFFFFE080];
	v12 =	vbroadcast v19, $0x0;
	v19 =	vadd.s32 v44, v7  }
0x23b: {  	v32 =	vshll.u32 v9, v0;
	v31 =	vld [tilespmem:s23+$0xFFFFE0C0];
	v9 =	vbroadcast v20, $0x0;
	v20 =	vadd.f32 v22, v5  }
0x23c: {  	v8 =	vbroadcast v14, $0x0;
	v33 =	vld [tilespmem:s23+$0xFFFFE100];
	v14 =	vadd.s32 v40, v12;
	v22 =	vadd.f32 v23, v5  }
0x23d: {  	v27 =	vshll.u32 v10, v0;
	v34 =	vld [tilespmem:s23+$0xFFFFE140];
	v10 =	vbroadcast v17, $0x0;
	v17 =	vadd.f32 v11, v5;
	[tilespmem:v13+s19+$0x0] =	vst.idx.msk $0xffff, v20  }
0x23e: {  	v18 =	vshll.u32 v18, v0;
	v36 =	vld [tilespmem:s23+$0xFFFFE180];
	[tilespmem:v28+s19+$0x0] =	vst.idx.msk $0xffff, v22  }
0x23f: {  	v11 =	vbroadcast v18, $0x0;
	v18 =	vadd.f32 v29, v5;
	v41 =	vld [tilespmem:$0x1FC70];
	[tilespmem:v19+s19+$0x0] =	vst.idx.msk $0xffff, v17  }
0x240: {  	v16 =	vshll.u32 v16, v0;
	v37 =	vld [tilespmem:$0x1FC80]  }
0x241: {  	v23 =	vadd.s32 v42, v8;
	v29 =	vld [tilespmem:s23+$0xFFFFE200];
	[tilespmem:v14+s19+$0x0] =	vst.idx.msk $0xffff, v18;
	v14 =	vbroadcast v16, $0x0  }
0x242: {  	v35 =	vadd.s32 v39, v9;
	v38 =	vld [tilespmem:$0x1FED0]  }
0x243: {  	v15 =	vshll.u32 v15, v0;
	v63 =	vld [tilespmem:s23+$0xFFFFE1C0];
	v52 =	vadd.s32 v43, v14  }
0x244: {  	v13 =	vbroadcast v15, $0x0;
	v22 =	vld [tilespmem:s23+$0xFFFFE3D0];
	v17 =	vadd.f32 v31, v5;
	v20 =	vadd.s32 v41, v10  }
0x245: {  	v15 =	vbroadcast v24, $0x0;
	v18 =	vadd.f32 v33, v5;
	v19 =	vadd.s32 v37, v11  }
0x246: {  	v33 =	vld [tilespmem:s23+$0xFFFFE240];
	[tilespmem:v23+s19+$0x0] =	vst.idx.msk $0xffff, v17;
	v23 =	vadd.s32 v45, v13;
	v45 =	vmov v43;
	v43 =	vadd.f32 v29, v5  }
0x247: {  	v17 =	vadd.f32 v34, v5;
	[tilespmem:v35+s19+$0x0] =	vst.idx.msk $0xffff, v18;
	v31 =	vadd.s32 v38, v21  }
0x248: {  	v16 =	vbroadcast v25, $0x0;
	v25 =	vadd.s32 v44, v15;
	v18 =	vadd.f32 v36, v5;
	[tilespmem:v52+s19+$0x0] =	vst.idx.msk $0xffff, v43  }
0x249: {  	[tilespmem:v20+s19+$0x0] =	vst.idx.msk $0xffff, v17;
	v20 =	vadd.f32 v22, v4;
	v22 =	vadd.f32 v63, v5  }
0x24a: {  	[tilespmem:v19+s19+$0x0] =	vst.idx.msk $0xffff, v18  }
0x24b: {  	v59 =	vld [tilespmem:s23+$0xFFFFE280];
	[tilespmem:v23+s19+$0x0] =	vst.idx.msk $0xffff, v22;
	v22 =	vadd.f32 v33, v5  }
0x24c: {  	v35 =	vld [tilespmem:s23+$0xFFFFE2C0];
	v19 =	vbroadcast v27, $0x0;
	[tilespmem:v31+s19+$0x0] =	vst.idx.msk $0xffff, v20  }
0x24d: {  	v62 =	vadd.s32 v40, v16;
	v17 =	vbroadcast v26, $0x0;
	v63 =	vld [tilespmem:s23+$0xFFFFE300];
	[tilespmem:v25+s19+$0x0] =	vst.idx.msk $0xffff, v22  }
0x24e: {  	v23 =	vadd.s32 v39, v19;
	v39 =	vld [tilespmem:$0x1FEF0]  }
0x24f: {  	v36 =	vld [tilespmem:s23+$0xFFFFE340];
	v18 =	vbroadcast v30, $0x0;
	v29 =	vadd.s32 v42, v17  }
0x250: {  	v44 =	vadd.f32 v59, v5;
	v59 =	vld [tilespmem:s23+$0xFFFFE050]  }
0x251: {  	v30 =	vld [tilespmem:s23+$0xFFFFE3E0];
	v27 =	vadd.s32 v41, v18  }
0x252: {  	v52 =	vld [tilespmem:s23+$0xFFFFE380];
	v22 =	vadd.f32 v35, v5;
	[tilespmem:v62+s19+$0x0] =	vst.idx.msk $0xffff, v44  }
0x253: {  	v62 =	vadd.f32 v63, v5;
	v44 =	vld [tilespmem:$0x1FCB0];
	v25 =	vadd.s32 v39, v21  }
0x254: {  	v33 =	vld [tilespmem:s23+$0xFFFFE090];
	[tilespmem:v29+s19+$0x0] =	vst.idx.msk $0xffff, v22;
	v22 =	vadd.f32 v36, v5  }
0x255: {  	v20 =	vbroadcast v32, $0x0;
	v40 =	vld [tilespmem:$0x1FCD0];
	[tilespmem:v23+s19+$0x0] =	vst.idx.msk $0xffff, v62  }
0x256: {  	v23 =	vadd.f32 v30, v3;
	v41 =	vld [tilespmem:$0x1FD00];
	[tilespmem:v27+s19+$0x0] =	vst.idx.msk $0xffff, v22  }
0x257: {  	v26 =	vadd.s32 v37, v20;
	v42 =	vld [tilespmem:$0x1FD70]  }
0x258: {  	v37 =	vld [tilespmem:s23+$0xFFFFE0D0];
	v63 =	vadd.s32 v44, v7;
	[tilespmem:v25+s19+$0x0] =	vst.idx.msk $0xffff, v23  }
0x259: {  	v43 =	vld [tilespmem:$0x1FDE0]  }
0x25a: {  	v35 =	vld [tilespmem:s23+$0xFFFFE110];
	v22 =	vadd.f32 v52, v5;
	v29 =	vadd.s32 v40, v12  }
0x25b: {  	v52 =	vadd.f32 v59, v4;
	v24 =	vadd.s32 v41, v8  }
0x25c: {  	v30 =	vld [tilespmem:s23+$0xFFFFE150];
	v59 =	vadd.s32 v42, v9;
	[tilespmem:v26+s19+$0x0] =	vst.idx.msk $0xffff, v22  }
0x25d: {  	v62 =	vld [tilespmem:s23+$0xFFFFE190];
	v23 =	vadd.f32 v33, v4;
	[tilespmem:v63+s19+$0x0] =	vst.idx.msk $0xffff, v52  }
0x25e: {  	v63 =	vadd.f32 v37, v4;
	v36 =	vld [tilespmem:$0x1FE50];
	v25 =	vadd.s32 v43, v10  }
0x25f: {  	[tilespmem:v29+s19+$0x0] =	vst.idx.msk $0xffff, v23;
	v23 =	vadd.f32 v35, v4  }
0x260: {  	v37 =	vld [tilespmem:$0x1FF00];
	[tilespmem:v24+s19+$0x0] =	vst.idx.msk $0xffff, v63  }
0x261: {  	v28 =	vld [tilespmem:s23+$0xFFFFE1D0];
	v24 =	vadd.f32 v30, v4;
	[tilespmem:v59+s19+$0x0] =	vst.idx.msk $0xffff, v23  }
0x262: {  	v23 =	vadd.f32 v62, v4;
	v62 =	vld [tilespmem:$0x1FEC0]  }
0x263: {  	v22 =	vld [tilespmem:s23+$0xFFFFE3F0];
	v27 =	vadd.s32 v36, v11;
	[tilespmem:v25+s19+$0x0] =	vst.idx.msk $0xffff, v24  }
0x264: {  	v51 =	vmov v2;
	v2 =	vld [tilespmem:$0x1FC20]  }
0x265: {  	v26 =	vadd.s32 v38, v13;
	v29 =	vld [tilespmem:s23+$0xFFFFE210]  }
0x266: {  	v30 =	vld [tilespmem:s23+$0xFFFFE250];
	v33 =	vadd.s32 v37, v21  }
0x267: {  	v52 =	vadd.s32 v62, v14  }
0x268: {  	v24 =	vadd.s32 v44, v15;
	[tilespmem:v27+s19+$0x0] =	vst.idx.msk $0xffff, v23;
	v23 =	vadd.f32 v28, v4  }
0x269: {  	v38 =	vld [tilespmem:s23+$0xFFFFE2D0];
	v22 =	vadd.f32 v22, v2  }
0x26a: {  	v29 =	vadd.f32 v29, v4;
	[tilespmem:v26+s19+$0x0] =	vst.idx.msk $0xffff, v23  }
0x26b: {  	[tilespmem:v33+s19+$0x0] =	vst.idx.msk $0xffff, v22;
	v22 =	vadd.f32 v30, v4  }
0x26c: {  	[tilespmem:v52+s19+$0x0] =	vst.idx.msk $0xffff, v29  }
0x26d: {  	v59 =	vld [tilespmem:s23+$0xFFFFE290];
	[tilespmem:v24+s19+$0x0] =	vst.idx.msk $0xffff, v22  }
0x26e: {  	v22 =	vadd.f32 v38, v4;
	v38 =	vld [tilespmem:$0x1FF10]  }
0x26f: {  	v63 =	vld [tilespmem:s23+$0xFFFFE310];
	v27 =	vadd.s32 v40, v16  }
0x270: {  	v40 =	vadd.s32 v41, v17;
	v41 =	vld [tilespmem:s23+$0xFFFFE350]  }
0x271: {  	v23 =	vadd.s32 v42, v19;
	v26 =	vld [tilespmem:s23+$0x3C0]  }
0x272: {  	v44 =	vadd.f32 v59, v4;
	v30 =	vadd.s32 v43, v18  }
0x273: {  	v59 =	vld [tilespmem:s23+$0xFFFFE010];
	v24 =	vadd.s32 v38, v21  }
0x274: {  	v63 =	vadd.f32 v63, v4;
	v25 =	vld [tilespmem:s23+$0xFFFFE060];
	[tilespmem:v27+s19+$0x0] =	vst.idx.msk $0xffff, v44  }
0x275: {  	v52 =	vld [tilespmem:s23+$0xFFFFE390];
	[tilespmem:v40+s19+$0x0] =	vst.idx.msk $0xffff, v22;
	v22 =	vadd.f32 v41, v4  }
0x276: {  	v42 =	vld [tilespmem:$0x1FCC0];
	[tilespmem:v23+s19+$0x0] =	vst.idx.msk $0xffff, v63;
	v23 =	vadd.f32 v26, v5  }
0x277: {  	v6 =	vmov v46;
	v29 =	vadd.s32 v62, v46;
	v46 =	vld [tilespmem:$0x1FCE0];
	[tilespmem:v30+s19+$0x0] =	vst.idx.msk $0xffff, v22  }
0x278: {  	v41 =	vld [tilespmem:$0x1FD10];
	[tilespmem:v24+s19+$0x0] =	vst.idx.msk $0xffff, v23  }
0x279: {  	v28 =	vadd.s32 v36, v20;
	v43 =	vld [tilespmem:$0x1FD80]  }
0x27a: {  	v33 =	vld [tilespmem:s23+$0xFFFFE0A0]  }
0x27b: {  	v36 =	vld [tilespmem:s23+$0xFFFFE0E0];
	v34 =	vadd.s32 v42, v7  }
0x27c: {  	v27 =	vld [tilespmem:s23+$0xFFFFE120];
	v22 =	vadd.f32 v52, v4;
	v26 =	vadd.s32 v46, v12  }
0x27d: {  	v52 =	vadd.f32 v59, v4;
	v31 =	vadd.s32 v41, v8  }
0x27e: {  	v23 =	vadd.f32 v25, v3;
	[tilespmem:v28+s19+$0x0] =	vst.idx.msk $0xffff, v22;
	v63 =	vadd.s32 v43, v9  }
0x27f: {  	v44 =	vadd.f32 v33, v3;
	v59 =	vld [tilespmem:s23+$0xFFFFE160];
	[tilespmem:v29+s19+$0x0] =	vst.idx.msk $0xffff, v52  }
0x280: {  	v40 =	vld [tilespmem:$0x1FDF0];
	[tilespmem:v34+s19+$0x0] =	vst.idx.msk $0xffff, v23;
	v23 =	vadd.f32 v36, v3  }
0x281: {  	v52 =	vadd.f32 v27, v3;
	v36 =	vld [tilespmem:$0x1FF20];
	[tilespmem:v26+s19+$0x0] =	vst.idx.msk $0xffff, v44  }
0x282: {  	v44 =	vld [tilespmem:$0x1FE60];
	[tilespmem:v31+s19+$0x0] =	vst.idx.msk $0xffff, v23  }
0x283: {  	v30 =	vld [tilespmem:s23+$0xFFFFE1E0];
	[tilespmem:v63+s19+$0x0] =	vst.idx.msk $0xffff, v52  }
0x284: {  	v63 =	vld [tilespmem:$0x1FEE0]  }
0x285: {  	v22 =	vld [tilespmem:s23+$0x3D0];
	v28 =	vadd.s32 v40, v10  }
0x286: {  	v29 =	vld [tilespmem:s23+$0xFFFFE1A0];
	v31 =	vadd.s32 v39, v13  }
0x287: {  	v27 =	vld [tilespmem:s23+$0xFFFFE220];
	v33 =	vadd.s32 v36, v21  }
0x288: {  	v23 =	vadd.f32 v59, v3;
	v26 =	vadd.s32 v44, v11  }
0x289: {  	v30 =	vadd.f32 v30, v3;
	v24 =	vadd.s32 v63, v14  }
0x28a: {  	v22 =	vadd.f32 v22, v4;
	[tilespmem:v28+s19+$0x0] =	vst.idx.msk $0xffff, v23  }
0x28b: {  	v23 =	vadd.f32 v29, v3;
	[tilespmem:v31+s19+$0x0] =	vst.idx.msk $0xffff, v30  }
0x28c: {  	[tilespmem:v33+s19+$0x0] =	vst.idx.msk $0xffff, v22;
	v22 =	vadd.f32 v27, v3  }
0x28d: {  	v59 =	vld [tilespmem:s23+$0xFFFFE260];
	[tilespmem:v26+s19+$0x0] =	vst.idx.msk $0xffff, v23  }
0x28e: {  	v39 =	vld [tilespmem:s23+$0xFFFFE2A0];
	[tilespmem:v24+s19+$0x0] =	vst.idx.msk $0xffff, v22  }
0x28f: {  	v34 =	vadd.s32 v46, v16;
	v46 =	vld [tilespmem:$0x1FF30]  }
0x290: {  	v52 =	vld [tilespmem:s23+$0xFFFFE2E0];
	v28 =	vadd.s32 v42, v15  }
0x291: {  	v35 =	vld [tilespmem:s23+$0xFFFFE320]  }
0x292: {  	v23 =	vadd.s32 v41, v17;
	v26 =	vld [tilespmem:s23+$0x3E0]  }
0x293: {  	v59 =	vadd.f32 v59, v3;
	v30 =	vadd.s32 v43, v19;
	v31 =	vld [tilespmem:s23+$0xFFFFE360]  }
0x294: {  	v22 =	vadd.f32 v39, v3;
	v39 =	vld [tilespmem:s23+$0xFFFFE3A0];
	v41 =	vadd.s32 v46, v21  }
0x295: {  	v42 =	vld [tilespmem:s23+$0xFFFFE020];
	v43 =	vadd.f32 v52, v3;
	v52 =	vadd.s32 v40, v18;
	[tilespmem:v28+s19+$0x0] =	vst.idx.msk $0xffff, v59  }
0x296: {  	v33 =	vadd.s32 v44, v20;
	v59 =	vld [tilespmem:s23+$0xFFFFE070];
	[tilespmem:v34+s19+$0x0] =	vst.idx.msk $0xffff, v22;
	v22 =	vadd.f32 v35, v3  }
0x297: {  	[tilespmem:v23+s19+$0x0] =	vst.idx.msk $0xffff, v43;
	v23 =	vadd.f32 v26, v3;
	v34 =	vadd.s32 v63, v6;
	v35 =	vld [tilespmem:s23+$0xFFFFE0B0]  }
0x298: {  	v26 =	vadd.s32 v47, v7;
	[tilespmem:v30+s19+$0x0] =	vst.idx.msk $0xffff, v22;
	v22 =	vadd.f32 v31, v3  }
0x299: {  	v27 =	vld [tilespmem:s23+$0xFFFFE0F0];
	v30 =	vadd.s32 v55, v12;
	v24 =	vadd.f32 v39, v3;
	[tilespmem:v41+s19+$0x0] =	vst.idx.msk $0xffff, v23  }
0x29a: {  	v23 =	vadd.f32 v42, v3;
	v40 =	vld [tilespmem:$0x1FD20];
	[tilespmem:v52+s19+$0x0] =	vst.idx.msk $0xffff, v22  }
0x29b: {  	v52 =	vadd.f32 v59, v2;
	v42 =	vld [tilespmem:$0x1FD90];
	[tilespmem:v33+s19+$0x0] =	vst.idx.msk $0xffff, v24  }
0x29c: {  	v31 =	vld [tilespmem:s23+$0xFFFFE130];
	[tilespmem:v34+s19+$0x0] =	vst.idx.msk $0xffff, v23;
	v23 =	vadd.f32 v35, v2  }
0x29d: {  	v35 =	vld [tilespmem:$0x1FF40];
	[tilespmem:v26+s19+$0x0] =	vst.idx.msk $0xffff, v52  }
0x29e: {  	v41 =	vld [tilespmem:$0x1FE00];
	[tilespmem:v30+s19+$0x0] =	vst.idx.msk $0xffff, v23  }
0x29f: {  	v44 =	vld [tilespmem:$0x1FE70]  }
0x2a0: {  	v22 =	vld [tilespmem:s23+$0x3F0];
	v25 =	vadd.s32 v40, v8  }
0x2a1: {  	v59 =	vld [tilespmem:s23+$0xFFFFE170];
	v29 =	vadd.s32 v42, v9  }
0x2a2: {  	v24 =	vld [tilespmem:s23+$0xFFFFE1B0];
	v21 =	vadd.s32 v35, v21  }
0x2a3: {  	v28 =	vld [tilespmem:s23+$0xFFFFE1F0];
	v34 =	vadd.f32 v27, v2;
	v27 =	vadd.s32 v41, v10  }
0x2a4: {  	v39 =	vld [tilespmem:s23+$0xFFFFE230];
	v23 =	vadd.f32 v31, v2;
	v30 =	vadd.s32 v44, v11  }
0x2a5: {  	v43 =	vadd.s32 v37, v13;
	v52 =	vld [tilespmem:s23+$0xFFFFE270];
	v22 =	vadd.f32 v22, v2;
	[tilespmem:v25+s19+$0x0] =	vst.idx.msk $0xffff, v34  }
0x2a6: {  	[tilespmem:v29+s19+$0x0] =	vst.idx.msk $0xffff, v23;
	v23 =	vadd.f32 v59, v2;
	v29 =	vadd.s32 v53, v14;
	v59 =	vld [tilespmem:s23+$0xFFFFE2B0]  }
0x2a7: {  	v33 =	vadd.s32 v47, v15;
	v24 =	vadd.f32 v24, v2;
	v34 =	vld [tilespmem:s23+$0xFFFFE2F0];
	[tilespmem:v21+s19+$0x0] =	vst.idx.msk $0xffff, v22  }
0x2a8: {  	v21 =	vadd.f32 v28, v2;
	v22 =	vadd.s32 v55, v16;
	[tilespmem:v27+s19+$0x0] =	vst.idx.msk $0xffff, v23;
	v23 =	vld [tilespmem:s23+$0xFFFFE330]  }
0x2a9: {  	v37 =	vadd.f32 v39, v2;
	v39 =	vadd.s32 v40, v17;
	v40 =	vld [tilespmem:s23+$0xFFFFE370];
	[tilespmem:v30+s19+$0x0] =	vst.idx.msk $0xffff, v24  }
0x2aa: {  	v42 =	vadd.s32 v42, v19;
	[tilespmem:v43+s19+$0x0] =	vst.idx.msk $0xffff, v21;
	v21 =	vadd.f32 v52, v2;
	v43 =	vld [tilespmem:s23+$0xFFFFE3B0]  }
0x2ab: {  	v52 =	vld [tilespmem:s23+$0xFFFFE030];
	[tilespmem:v29+s19+$0x0] =	vst.idx.msk $0xffff, v37;
	v59 =	vadd.f32 v59, v2;
	v29 =	vadd.s32 v41, v18  }
0x2ac: {  	v31 =	vld [tilespmem:s23+$0x40];
	v32 =	vadd.s32 v44, v20;
	[tilespmem:v33+s19+$0x0] =	vst.idx.msk $0xffff, v21;
	v21 =	vadd.f32 v34, v2  }
0x2ad: {  	v33 =	vadd.s32 v53, v6;
	[tilespmem:v22+s19+$0x0] =	vst.idx.msk $0xffff, v59;
	v22 =	vadd.f32 v23, v2  }
0x2ae: {  	v34 =	vld [tilespmem:s23+$0x80];
	v23 =	vadd.s32 v48, v7;
	[tilespmem:v39+s19+$0x0] =	vst.idx.msk $0xffff, v21;
	v21 =	vadd.f32 v40, v2  }
0x2af: {  	[tilespmem:v42+s19+$0x0] =	vst.idx.msk $0xffff, v22;
	v22 =	vadd.f32 v43, v2  }
0x2b0: {  	v39 =	vadd.f32 v52, v2;
	v43 =	vld [tilespmem:$0x1FD30];
	[tilespmem:v29+s19+$0x0] =	vst.idx.msk $0xffff, v21  }
0x2b1: {  	v21 =	vadd.f32 v31, v5;
	v44 =	vld [tilespmem:$0x1FDA0];
	[tilespmem:v32+s19+$0x0] =	vst.idx.msk $0xffff, v22  }
0x2b2: {  	v37 =	vld [tilespmem:s23+$0xC0];
	[tilespmem:v33+s19+$0x0] =	vst.idx.msk $0xffff, v39  }
0x2b3: {  	v22 =	vadd.f32 v34, v5;
	v34 =	vld [tilespmem:$0x1FE10];
	[tilespmem:v23+s19+$0x0] =	vst.idx.msk $0xffff, v21  }
0x2b4: {  	v39 =	vld [tilespmem:$0x1FE80]  }
0x2b5: {  	v28 =	vld [tilespmem:s23+$0x100];
	v27 =	vadd.s32 v56, v12  }
0x2b6: {  	v59 =	vld [tilespmem:s23+$0x140];
	v52 =	vadd.s32 v43, v8  }
0x2b7: {  	v31 =	vld [tilespmem:s23+$0x180];
	v29 =	vadd.s32 v44, v9  }
0x2b8: {  	v32 =	vld [tilespmem:s23+$0x1C0];
	v25 =	vadd.s32 v34, v10  }
0x2b9: {  	v42 =	vld [tilespmem:s23+$0x200];
	v21 =	vadd.f32 v37, v5;
	v23 =	vadd.s32 v39, v11  }
0x2ba: {  	[tilespmem:v27+s19+$0x0] =	vst.idx.msk $0xffff, v22;
	v22 =	vadd.f32 v28, v5;
	v27 =	vadd.s32 v38, v13;
	v28 =	vld [tilespmem:s23+$0x240]  }
0x2bb: {  	[tilespmem:v52+s19+$0x0] =	vst.idx.msk $0xffff, v21;
	v21 =	vadd.f32 v59, v5;
	v52 =	vadd.s32 v54, v14;
	v59 =	vld [tilespmem:s23+$0x280]  }
0x2bc: {  	v37 =	vadd.s32 v48, v15;
	v38 =	vld [tilespmem:s23+$0x2C0];
	[tilespmem:v29+s19+$0x0] =	vst.idx.msk $0xffff, v22;
	v22 =	vadd.f32 v31, v5  }
0x2bd: {  	v40 =	vadd.s32 v56, v16;
	v41 =	vld [tilespmem:s23+$0x300];
	[tilespmem:v25+s19+$0x0] =	vst.idx.msk $0xffff, v21;
	v21 =	vadd.f32 v32, v5  }
0x2be: {  	[tilespmem:v23+s19+$0x0] =	vst.idx.msk $0xffff, v22;
	v22 =	vadd.f32 v42, v5;
	v23 =	vadd.s32 v43, v17;
	v42 =	vld [tilespmem:s23+$0x340]  }
0x2bf: {  	v43 =	vadd.s32 v44, v19;
	v44 =	vld [tilespmem:s23+$0x380];
	[tilespmem:v27+s19+$0x0] =	vst.idx.msk $0xffff, v21;
	v21 =	vadd.f32 v28, v5  }
0x2c0: {  	v33 =	vld [tilespmem:s23+$0x0];
	v26 =	vadd.s32 v34, v18;
	[tilespmem:v52+s19+$0x0] =	vst.idx.msk $0xffff, v22;
	v22 =	vadd.f32 v59, v5  }
0x2c1: {  	v30 =	vld [tilespmem:s23+$0x50];
	v52 =	vadd.s32 v39, v20;
	[tilespmem:v37+s19+$0x0] =	vst.idx.msk $0xffff, v21;
	v21 =	vadd.f32 v38, v5  }
0x2c2: {  	v59 =	vadd.s32 v54, v6;
	[tilespmem:v40+s19+$0x0] =	vst.idx.msk $0xffff, v22;
	v22 =	vadd.f32 v41, v5  }
0x2c3: {  	v38 =	vadd.s32 v49, v7;
	[tilespmem:v23+s19+$0x0] =	vst.idx.msk $0xffff, v21;
	v21 =	vadd.f32 v42, v5  }
0x2c4: {  	v39 =	vld [tilespmem:s23+$0xD0];
	[tilespmem:v43+s19+$0x0] =	vst.idx.msk $0xffff, v22;
	v22 =	vadd.f32 v44, v5  }
0x2c5: {  	v5 =	vadd.f32 v33, v5;
	v43 =	vld [tilespmem:$0x1FD40];
	[tilespmem:v26+s19+$0x0] =	vst.idx.msk $0xffff, v21  }
0x2c6: {  	v21 =	vadd.f32 v30, v4;
	v33 =	vld [tilespmem:$0x1FDB0];
	[tilespmem:v52+s19+$0x0] =	vst.idx.msk $0xffff, v22  }
0x2c7: {  	v37 =	vld [tilespmem:s23+$0x90];
	[tilespmem:v59+s19+$0x0] =	vst.idx.msk $0xffff, v5  }
0x2c8: {  	v34 =	vld [tilespmem:$0x1FE20];
	[tilespmem:v38+s19+$0x0] =	vst.idx.msk $0xffff, v21  }
0x2c9: {  	v38 =	vld [tilespmem:$0x1FE90]  }
0x2ca: {  	v24 =	vld [tilespmem:s23+$0x110];
	v23 =	vadd.s32 v57, v12  }
0x2cb: {  	v40 =	vld [tilespmem:s23+$0x150];
	v27 =	vadd.s32 v43, v8  }
0x2cc: {  	v22 =	vld [tilespmem:s23+$0x190];
	v41 =	vadd.s32 v33, v9  }
0x2cd: {  	v44 =	vld [tilespmem:s23+$0x1D0];
	v5 =	vadd.f32 v37, v4;
	v42 =	vadd.s32 v34, v10  }
0x2ce: {  	v59 =	vld [tilespmem:s23+$0x210];
	v21 =	vadd.f32 v39, v4;
	v52 =	vadd.s32 v38, v11  }
0x2cf: {  	[tilespmem:v23+s19+$0x0] =	vst.idx.msk $0xffff, v5;
	v5 =	vadd.f32 v24, v4;
	v23 =	vadd.s32 v36, v13;
	v36 =	vld [tilespmem:s23+$0x250]  }
0x2d0: {  	v37 =	vadd.s32 v61, v14;
	v39 =	vld [tilespmem:s23+$0x290];
	[tilespmem:v27+s19+$0x0] =	vst.idx.msk $0xffff, v21;
	v21 =	vadd.f32 v40, v4  }
0x2d1: {  	v40 =	vld [tilespmem:s23+$0x2D0];
	[tilespmem:v41+s19+$0x0] =	vst.idx.msk $0xffff, v5;
	v5 =	vadd.f32 v22, v4;
	v22 =	vadd.s32 v49, v15  }
0x2d2: {  	v41 =	vadd.s32 v57, v16;
	[tilespmem:v42+s19+$0x0] =	vst.idx.msk $0xffff, v21;
	v21 =	vadd.f32 v44, v4;
	v42 =	vld [tilespmem:s23+$0x310]  }
0x2d3: {  	v44 =	vadd.s32 v43, v17;
	[tilespmem:v52+s19+$0x0] =	vst.idx.msk $0xffff, v5;
	v5 =	vadd.f32 v59, v4;
	v52 =	vld [tilespmem:s23+$0x350]  }
0x2d4: {  	v59 =	vld [tilespmem:s23+$0x390];
	[tilespmem:v23+s19+$0x0] =	vst.idx.msk $0xffff, v21;
	v21 =	vadd.f32 v36, v4;
	v23 =	vadd.s32 v33, v19  }
0x2d5: {  	v36 =	vld [tilespmem:s23+$0x10];
	[tilespmem:v37+s19+$0x0] =	vst.idx.msk $0xffff, v5;
	v5 =	vadd.f32 v39, v4;
	v37 =	vadd.s32 v34, v18  }
0x2d6: {  	v39 =	vld [tilespmem:s23+$0x60];
	[tilespmem:v22+s19+$0x0] =	vst.idx.msk $0xffff, v21;
	v21 =	vadd.f32 v40, v4;
	v22 =	vadd.s32 v38, v20  }
0x2d7: {  	v26 =	vadd.s32 v61, v6;
	[tilespmem:v41+s19+$0x0] =	vst.idx.msk $0xffff, v5;
	v5 =	vadd.f32 v42, v4  }
0x2d8: {  	v33 =	vld [tilespmem:s23+$0xA0];
	v40 =	vadd.s32 v50, v7;
	[tilespmem:v44+s19+$0x0] =	vst.idx.msk $0xffff, v21;
	v21 =	vadd.f32 v52, v4  }
0x2d9: {  	[tilespmem:v23+s19+$0x0] =	vst.idx.msk $0xffff, v5;
	v5 =	vadd.f32 v59, v4  }
0x2da: {  	v4 =	vadd.f32 v36, v4;
	v32 =	vld [tilespmem:$0x1FD50];
	[tilespmem:v37+s19+$0x0] =	vst.idx.msk $0xffff, v21  }
0x2db: {  	v21 =	vadd.f32 v39, v3;
	v36 =	vld [tilespmem:$0x1FDC0];
	[tilespmem:v22+s19+$0x0] =	vst.idx.msk $0xffff, v5  }
0x2dc: {  	v41 =	vld [tilespmem:s23+$0xE0];
	[tilespmem:v26+s19+$0x0] =	vst.idx.msk $0xffff, v4  }
0x2dd: {  	v4 =	vadd.f32 v33, v3;
	v33 =	vld [tilespmem:$0x1FE30];
	[tilespmem:v40+s19+$0x0] =	vst.idx.msk $0xffff, v21  }
0x2de: {  	v34 =	vld [tilespmem:$0x1FEA0]  }
0x2df: {  	v43 =	vld [tilespmem:s23+$0x120];
	v42 =	vadd.s32 v1, v12  }
0x2e0: {  	v44 =	vld [tilespmem:s23+$0x160];
	v23 =	vadd.s32 v32, v8  }
0x2e1: {  	v59 =	vld [tilespmem:s23+$0x1A0];
	v52 =	vadd.s32 v36, v9  }
0x2e2: {  	v22 =	vld [tilespmem:s23+$0x1E0];
	v5 =	vadd.s32 v33, v10  }
0x2e3: {  	v21 =	vadd.f32 v41, v3;
	v41 =	vld [tilespmem:s23+$0x220];
	v40 =	vadd.s32 v34, v11  }
0x2e4: {  	[tilespmem:v42+s19+$0x0] =	vst.idx.msk $0xffff, v4;
	v4 =	vadd.f32 v43, v3;
	v42 =	vadd.s32 v46, v13;
	v43 =	vld [tilespmem:s23+$0x260]  }
0x2e5: {  	[tilespmem:v23+s19+$0x0] =	vst.idx.msk $0xffff, v21;
	v21 =	vadd.f32 v44, v3;
	v23 =	vadd.s32 v51, v14;
	v44 =	vld [tilespmem:s23+$0x2A0]  }
0x2e6: {  	v46 =	vadd.s32 v50, v15;
	[tilespmem:v52+s19+$0x0] =	vst.idx.msk $0xffff, v4;
	v4 =	vadd.f32 v59, v3;
	v52 =	vld [tilespmem:s23+$0x2E0]  }
0x2e7: {  	[tilespmem:v5+s19+$0x0] =	vst.idx.msk $0xffff, v21;
	v5 =	vadd.f32 v22, v3;
	v21 =	vadd.s32 v1, v16;
	v22 =	vld [tilespmem:s23+$0x320]  }
0x2e8: {  	v37 =	vld [tilespmem:s23+$0x360];
	v59 =	vadd.s32 v32, v17;
	[tilespmem:v40+s19+$0x0] =	vst.idx.msk $0xffff, v4;
	v4 =	vadd.f32 v41, v3  }
0x2e9: {  	v39 =	vadd.s32 v36, v19;
	v40 =	vld [tilespmem:s23+$0x3A0];
	[tilespmem:v42+s19+$0x0] =	vst.idx.msk $0xffff, v5;
	v5 =	vadd.f32 v43, v3  }
0x2ea: {  	v41 =	vld [tilespmem:s23+$0x20];
	[tilespmem:v23+s19+$0x0] =	vst.idx.msk $0xffff, v4;
	v4 =	vadd.f32 v44, v3;
	v23 =	vadd.s32 v33, v18  }
0x2eb: {  	v42 =	vld [tilespmem:s23+$0x70];
	v43 =	vadd.s32 v34, v20;
	[tilespmem:v46+s19+$0x0] =	vst.idx.msk $0xffff, v5;
	v5 =	vadd.f32 v52, v3  }
0x2ec: {  	v44 =	vadd.s32 v51, v6;
	v46 =	vld [tilespmem:s23+$0xB0];
	[tilespmem:v21+s19+$0x0] =	vst.idx.msk $0xffff, v4;
	v4 =	vadd.f32 v22, v3  }
0x2ed: {  	v7 =	vadd.s32 v58, v7;
	v21 =	vld [tilespmem:s23+$0xF0];
	[tilespmem:v59+s19+$0x0] =	vst.idx.msk $0xffff, v5;
	v5 =	vadd.f32 v37, v3  }
0x2ee: {  	v52 =	vld [tilespmem:$0x1FCF0];
	[tilespmem:v39+s19+$0x0] =	vst.idx.msk $0xffff, v4;
	v4 =	vadd.f32 v40, v3  }
0x2ef: {  	v3 =	vadd.f32 v41, v3;
	v59 =	vld [tilespmem:$0x1FD60];
	[tilespmem:v23+s19+$0x0] =	vst.idx.msk $0xffff, v5  }
0x2f0: {  	v5 =	vadd.f32 v42, v2;
	v26 =	vld [tilespmem:$0x1FDD0];
	[tilespmem:v43+s19+$0x0] =	vst.idx.msk $0xffff, v4  }
0x2f1: {  	v22 =	vld [tilespmem:s23+$0x130];
	[tilespmem:v44+s19+$0x0] =	vst.idx.msk $0xffff, v3  }
0x2f2: {  	v36 =	vld [tilespmem:$0x1FE40];
	[tilespmem:v7+s19+$0x0] =	vst.idx.msk $0xffff, v5  }
0x2f3: {  	v5 =	vadd.f32 v21, v2;
	v21 =	vld [tilespmem:$0x1FEB0];
	v12 =	vadd.s32 v52, v12  }
0x2f4: {  	v8 =	vadd.s32 v59, v8  }
0x2f5: {  	v34 =	vld [tilespmem:s23+$0x170];
	v9 =	vadd.s32 v26, v9  }
0x2f6: {  	v23 =	vld [tilespmem:s23+$0x1B0];
	v3 =	vadd.f32 v46, v2  }
0x2f7: {  	v4 =	vadd.s32 v36, v10;
	v10 =	vld [tilespmem:s23+$0x1F0]  }
0x2f8: {  	v7 =	vadd.s32 v21, v11;
	v11 =	vld [tilespmem:s23+$0x230];
	[tilespmem:v12+s19+$0x0] =	vst.idx.msk $0xffff, v3;
	v3 =	vadd.f32 v22, v2  }
0x2f9: {  	v12 =	vadd.s32 v35, v13;
	v13 =	vld [tilespmem:s23+$0x270];
	[tilespmem:v8+s19+$0x0] =	vst.idx.msk $0xffff, v5  }
0x2fa: {  	v5 =	vadd.f32 v34, v2;
	v8 =	vadd.s32 v60, v14;
	v14 =	vld [tilespmem:s23+$0x2B0];
	[tilespmem:v9+s19+$0x0] =	vst.idx.msk $0xffff, v3  }
0x2fb: {  	v3 =	vadd.f32 v23, v2;
	v9 =	vadd.s32 v58, v15;
	v15 =	vld [tilespmem:s23+$0x2F0]  }
0x2fc: {  	[tilespmem:v4+s19+$0x0] =	vst.idx.msk $0xffff, v5;
	v4 =	vadd.f32 v10, v2;
	v5 =	vadd.s32 v52, v16;
	v10 =	vld [tilespmem:s23+$0x330]  }
0x2fd: {  	[tilespmem:v7+s19+$0x0] =	vst.idx.msk $0xffff, v3;
	v3 =	vadd.f32 v11, v2;
	v7 =	vadd.s32 v59, v17;
	v11 =	vld [tilespmem:s23+$0x370]  }
0x2fe: {  	[tilespmem:v12+s19+$0x0] =	vst.idx.msk $0xffff, v4;
	v4 =	vadd.f32 v13, v2;
	v12 =	vadd.s32 v26, v19;
	v13 =	vld [tilespmem:s23+$0x3B0]  }
0x2ff: {  	v16 =	vld [tilespmem:s23+$0x30];
	[tilespmem:v8+s19+$0x0] =	vst.idx.msk $0xffff, v3;
	v3 =	vadd.f32 v14, v2;
	v8 =	vadd.s32 v36, v18  }
0x300: {  	[tilespmem:v9+s19+$0x0] =	vst.idx.msk $0xffff, v4;
	v9 =	vadd.s32 v21, v20;
	v4 =	vadd.f32 v15, v2  }
0x301: {  	v6 =	vadd.s32 v60, v6;
	[tilespmem:v5+s19+$0x0] =	vst.idx.msk $0xffff, v3;
	v3 =	vadd.f32 v10, v2  }
0x302: {  	s25 =	sshll.u32 s20, $0xB;
	[tilespmem:v7+s19+$0x0] =	vst.idx.msk $0xffff, v4;
	v4 =	vadd.f32 v11, v2  }
0x303: {  	s25 =	sand.u32 $0x7000, s25;
	s23 =	sshll.u32 s24, $0x12;
	[tilespmem:v12+s19+$0x0] =	vst.idx.msk $0xffff, v3;
	v3 =	vadd.f32 v13, v2  }
0x304: {  	s24 =	sor.u32 s25, s23;
	v2 =	vadd.f32 v16, v2;
	[tilespmem:v8+s19+$0x0] =	vst.idx.msk $0xffff, v4  }
0x305: {  	s24 =	sshrl.u32 s24, $0x3;
	[tilespmem:v9+s19+$0x0] =	vst.idx.msk $0xffff, v3  }
0x306: {  	s24 =	sadd.s32 s2, s24;
	[tilespmem:v6+s19+$0x0] =	vst.idx.msk $0xffff, v2  }
0x307: {  	[hbm4b:s24+s3] =	stream.linear.scatter [tilespmem:s19], [sflag:$0x3], $0x80, $0x38;
	[tilespmem:$0x13C80] =	vst v63  }
0x308: {  	s28 =	simm.s32 $0x8288;
	s26 =	sadd.s32 $0x10, s24  }
0x309: {  	[hbm4b:s26+s3] =	stream.linear.scatter [tilespmem:s28], [sflag:$0x3], $0x80, $0x38;
	[tilespmem:$0x13C80] =	vst v63  }
0x30a: {  	s26 =	sadd.s32 $0x20, s24;
	s28 =	simm.s32 $0x8310  }
0x30b: {  	[hbm4b:s26+s3] =	stream.linear.scatter [tilespmem:s28], [sflag:$0x3], $0x80, $0x38;
	[tilespmem:$0x13C80] =	vst v63  }
0x30c: {  	s26 =	sadd.s32 $0x30, s24;
	s28 =	simm.s32 $0x8398  }
0x30d: {  	[hbm4b:s26+s3] =	stream.linear.scatter [tilespmem:s28], [sflag:$0x3], $0x80, $0x38;
	[tilespmem:$0x13C80] =	vst v63  }
0x30e: {  	s26 =	sadd.s32 $0x40, s24;
	s28 =	simm.s32 $0x8420  }
0x30f: {  	[hbm4b:s26+s3] =	stream.linear.scatter [tilespmem:s28], [sflag:$0x3], $0x80, $0x38;
	[tilespmem:$0x13C80] =	vst v63  }
0x310: {  	s26 =	sadd.s32 $0x50, s24;
	s28 =	simm.s32 $0x84A8  }
0x311: {  	[hbm4b:s26+s3] =	stream.linear.scatter [tilespmem:s28], [sflag:$0x3], $0x80, $0x38;
	[tilespmem:$0x13C80] =	vst v63  }
0x312: {  	s26 =	sadd.s32 $0x60, s24;
	s28 =	simm.s32 $0x8530  }
0x313: {  	[hbm4b:s26+s3] =	stream.linear.scatter [tilespmem:s28], [sflag:$0x3], $0x80, $0x38;
	[tilespmem:$0x13C80] =	vst v63  }
0x314: {  	s26 =	sadd.s32 $0x70, s24;
	s28 =	simm.s32 $0x85B8  }
0x315: {  	[hbm4b:s26+s3] =	stream.linear.scatter [tilespmem:s28], [sflag:$0x3], $0x80, $0x38;
	[tilespmem:$0x13C80] =	vst v63  }
0x316: {  	s26 =	sadd.s32 $0x80, s24;
	s28 =	simm.s32 $0xA400  }
0x317: {  	[hbm4b:s26+s3] =	stream.linear.scatter [tilespmem:s28], [sflag:$0x3], $0x80, $0x38;
	[tilespmem:$0x13C80] =	vst v63  }
0x318: {  	s26 =	sadd.s32 $0x90, s24;
	s28 =	simm.s32 $0xA488  }
0x319: {  	[hbm4b:s26+s3] =	stream.linear.scatter [tilespmem:s28], [sflag:$0x3], $0x80, $0x38;
	[tilespmem:$0x13C80] =	vst v63  }
0x31a: {  	s26 =	sadd.s32 $0xA0, s24;
	s28 =	simm.s32 $0xA510  }
0x31b: {  	[hbm4b:s26+s3] =	stream.linear.scatter [tilespmem:s28], [sflag:$0x3], $0x80, $0x38;
	[tilespmem:$0x13C80] =	vst v63  }
0x31c: {  	s26 =	sadd.s32 $0xB0, s24;
	s28 =	simm.s32 $0xA598  }
0x31d: {  	[hbm4b:s26+s3] =	stream.linear.scatter [tilespmem:s28], [sflag:$0x3], $0x80, $0x38;
	[tilespmem:$0x13C80] =	vst v63  }
0x31e: {  	s26 =	sadd.s32 $0xC0, s24;
	s28 =	simm.s32 $0xA620  }
0x31f: {  	[hbm4b:s26+s3] =	stream.linear.scatter [tilespmem:s28], [sflag:$0x3], $0x80, $0x38;
	[tilespmem:$0x13C80] =	vst v63  }
0x320: {  	s26 =	sadd.s32 $0xD0, s24;
	s28 =	simm.s32 $0xA6A8  }
0x321: {  	[hbm4b:s26+s3] =	stream.linear.scatter [tilespmem:s28], [sflag:$0x3], $0x80, $0x38;
	[tilespmem:$0x13C80] =	vst v63  }
0x322: {  	s26 =	sadd.s32 $0xE0, s24;
	s28 =	simm.s32 $0xA730  }
0x323: {  	[hbm4b:s26+s3] =	stream.linear.scatter [tilespmem:s28], [sflag:$0x3], $0x80, $0x38;
	[tilespmem:$0x13C80] =	vst v63  }
0x324: {  	s26 =	sadd.s32 $0xF0, s24;
	s28 =	simm.s32 $0xA7B8  }
0x325: {  	[hbm4b:s26+s3] =	stream.linear.scatter [tilespmem:s28], [sflag:$0x3], $0x80, $0x38;
	[tilespmem:$0x13C80] =	vst v63  }
0x326: {  	s26 =	sadd.s32 $0x1000, s24;
	s28 =	simm.s32 $0x8640  }
0x327: {  	[hbm4b:s26+s3] =	stream.linear.scatter [tilespmem:s28], [sflag:$0x3], $0x80, $0x38;
	[tilespmem:$0x13C80] =	vst v63  }
0x328: {  	s26 =	sadd.s32 $0x1010, s24;
	s28 =	simm.s32 $0x86C8  }
0x329: {  	[hbm4b:s26+s3] =	stream.linear.scatter [tilespmem:s28], [sflag:$0x3], $0x80, $0x38;
	[tilespmem:$0x13C80] =	vst v63  }
0x32a: {  	s26 =	sadd.s32 $0x1020, s24;
	s28 =	simm.s32 $0x8750  }
0x32b: {  	[hbm4b:s26+s3] =	stream.linear.scatter [tilespmem:s28], [sflag:$0x3], $0x80, $0x38;
	[tilespmem:$0x13C80] =	vst v63  }
0x32c: {  	s26 =	sadd.s32 $0x1030, s24;
	s28 =	simm.s32 $0x87D8  }
0x32d: {  	[hbm4b:s26+s3] =	stream.linear.scatter [tilespmem:s28], [sflag:$0x3], $0x80, $0x38;
	[tilespmem:$0x13C80] =	vst v63  }
0x32e: {  	s26 =	sadd.s32 $0x1040, s24;
	s28 =	simm.s32 $0x8860  }
0x32f: {  	[hbm4b:s26+s3] =	stream.linear.scatter [tilespmem:s28], [sflag:$0x3], $0x80, $0x38;
	[tilespmem:$0x13C80] =	vst v63  }
0x330: {  	s26 =	sadd.s32 $0x1050, s24;
	s28 =	simm.s32 $0x88E8  }
0x331: {  	[hbm4b:s26+s3] =	stream.linear.scatter [tilespmem:s28], [sflag:$0x3], $0x80, $0x38;
	[tilespmem:$0x13C80] =	vst v63  }
0x332: {  	s26 =	sadd.s32 $0x1060, s24;
	s28 =	simm.s32 $0x8970  }
0x333: {  	[hbm4b:s26+s3] =	stream.linear.scatter [tilespmem:s28], [sflag:$0x3], $0x80, $0x38;
	[tilespmem:$0x13C80] =	vst v63  }
0x334: {  	s26 =	sadd.s32 $0x1070, s24;
	s28 =	simm.s32 $0x89F8  }
0x335: {  	[hbm4b:s26+s3] =	stream.linear.scatter [tilespmem:s28], [sflag:$0x3], $0x80, $0x38;
	[tilespmem:$0x13C80] =	vst v63  }
0x336: {  	s26 =	sadd.s32 $0x1080, s24;
	s28 =	simm.s32 $0xA840  }
0x337: {  	[hbm4b:s26+s3] =	stream.linear.scatter [tilespmem:s28], [sflag:$0x3], $0x80, $0x38;
	[tilespmem:$0x13C80] =	vst v63  }
0x338: {  	s26 =	sadd.s32 $0x1090, s24;
	s28 =	simm.s32 $0xA8C8  }
0x339: {  	[hbm4b:s26+s3] =	stream.linear.scatter [tilespmem:s28], [sflag:$0x3], $0x80, $0x38;
	[tilespmem:$0x13C80] =	vst v63  }
0x33a: {  	s26 =	sadd.s32 $0x10A0, s24;
	s28 =	simm.s32 $0xA950  }
0x33b: {  	[hbm4b:s26+s3] =	stream.linear.scatter [tilespmem:s28], [sflag:$0x3], $0x80, $0x38;
	[tilespmem:$0x13C80] =	vst v63  }
0x33c: {  	s26 =	sadd.s32 $0x10B0, s24;
	s28 =	simm.s32 $0xA9D8  }
0x33d: {  	[hbm4b:s26+s3] =	stream.linear.scatter [tilespmem:s28], [sflag:$0x3], $0x80, $0x38;
	[tilespmem:$0x13C80] =	vst v63  }
0x33e: {  	s26 =	sadd.s32 $0x10C0, s24;
	s28 =	simm.s32 $0xAA60  }
0x33f: {  	[hbm4b:s26+s3] =	stream.linear.scatter [tilespmem:s28], [sflag:$0x3], $0x80, $0x38;
	[tilespmem:$0x13C80] =	vst v63  }
0x340: {  	s26 =	sadd.s32 $0x10D0, s24;
	s28 =	simm.s32 $0xAAE8  }
0x341: {  	[hbm4b:s26+s3] =	stream.linear.scatter [tilespmem:s28], [sflag:$0x3], $0x80, $0x38;
	[tilespmem:$0x13C80] =	vst v63  }
0x342: {  	s26 =	sadd.s32 $0x10E0, s24;
	s28 =	simm.s32 $0xAB70  }
0x343: {  	[hbm4b:s26+s3] =	stream.linear.scatter [tilespmem:s28], [sflag:$0x3], $0x80, $0x38;
	[tilespmem:$0x13C80] =	vst v63  }
0x344: {  	s26 =	sadd.s32 $0x10F0, s24;
	s28 =	simm.s32 $0xABF8  }
0x345: {  	[hbm4b:s26+s3] =	stream.linear.scatter [tilespmem:s28], [sflag:$0x3], $0x80, $0x38;
	[tilespmem:$0x13C80] =	vst v63  }
0x346: {  	s26 =	sadd.s32 $0x2000, s24;
	s28 =	simm.s32 $0x8A80  }
0x347: {  	[hbm4b:s26+s3] =	stream.linear.scatter [tilespmem:s28], [sflag:$0x3], $0x80, $0x38;
	[tilespmem:$0x13C80] =	vst v63  }
0x348: {  	s26 =	sadd.s32 $0x2010, s24;
	s28 =	simm.s32 $0x8B08  }
0x349: {  	[hbm4b:s26+s3] =	stream.linear.scatter [tilespmem:s28], [sflag:$0x3], $0x80, $0x38;
	[tilespmem:$0x13C80] =	vst v63  }
0x34a: {  	s26 =	sadd.s32 $0x2020, s24;
	s28 =	simm.s32 $0x8B90  }
0x34b: {  	[hbm4b:s26+s3] =	stream.linear.scatter [tilespmem:s28], [sflag:$0x3], $0x80, $0x38;
	[tilespmem:$0x13C80] =	vst v63  }
0x34c: {  	s26 =	sadd.s32 $0x2030, s24;
	s28 =	simm.s32 $0x8C18  }
0x34d: {  	[hbm4b:s26+s3] =	stream.linear.scatter [tilespmem:s28], [sflag:$0x3], $0x80, $0x38;
	[tilespmem:$0x13C80] =	vst v63  }
0x34e: {  	s26 =	sadd.s32 $0x2040, s24;
	s28 =	simm.s32 $0x8CA0  }
0x34f: {  	[hbm4b:s26+s3] =	stream.linear.scatter [tilespmem:s28], [sflag:$0x3], $0x80, $0x38;
	[tilespmem:$0x13C80] =	vst v63  }
0x350: {  	s26 =	sadd.s32 $0x2050, s24;
	s28 =	simm.s32 $0x8D28  }
0x351: {  	[hbm4b:s26+s3] =	stream.linear.scatter [tilespmem:s28], [sflag:$0x3], $0x80, $0x38;
	[tilespmem:$0x13C80] =	vst v63  }
0x352: {  	s26 =	sadd.s32 $0x2060, s24;
	s28 =	simm.s32 $0x8DB0  }
0x353: {  	[hbm4b:s26+s3] =	stream.linear.scatter [tilespmem:s28], [sflag:$0x3], $0x80, $0x38;
	[tilespmem:$0x13C80] =	vst v63  }
0x354: {  	s26 =	sadd.s32 $0x2070, s24;
	s28 =	simm.s32 $0x8E38  }
0x355: {  	[hbm4b:s26+s3] =	stream.linear.scatter [tilespmem:s28], [sflag:$0x3], $0x80, $0x38;
	[tilespmem:$0x13C80] =	vst v63  }
0x356: {  	s26 =	sadd.s32 $0x2080, s24;
	s28 =	simm.s32 $0xAC80  }
0x357: {  	[hbm4b:s26+s3] =	stream.linear.scatter [tilespmem:s28], [sflag:$0x3], $0x80, $0x38;
	[tilespmem:$0x13C80] =	vst v63  }
0x358: {  	s26 =	sadd.s32 $0x2090, s24;
	s28 =	simm.s32 $0xAD08  }
0x359: {  	[hbm4b:s26+s3] =	stream.linear.scatter [tilespmem:s28], [sflag:$0x3], $0x80, $0x38;
	[tilespmem:$0x13C80] =	vst v63  }
0x35a: {  	s26 =	sadd.s32 $0x20A0, s24;
	s28 =	simm.s32 $0xAD90  }
0x35b: {  	[hbm4b:s26+s3] =	stream.linear.scatter [tilespmem:s28], [sflag:$0x3], $0x80, $0x38;
	[tilespmem:$0x13C80] =	vst v63  }
0x35c: {  	s26 =	sadd.s32 $0x20B0, s24;
	s28 =	simm.s32 $0xAE18  }
0x35d: {  	[hbm4b:s26+s3] =	stream.linear.scatter [tilespmem:s28], [sflag:$0x3], $0x80, $0x38;
	[tilespmem:$0x13C80] =	vst v63  }
0x35e: {  	s26 =	sadd.s32 $0x20C0, s24;
	s28 =	simm.s32 $0xAEA0  }
0x35f: {  	[hbm4b:s26+s3] =	stream.linear.scatter [tilespmem:s28], [sflag:$0x3], $0x80, $0x38;
	[tilespmem:$0x13C80] =	vst v63  }
0x360: {  	s26 =	sadd.s32 $0x20D0, s24;
	s28 =	simm.s32 $0xAF28  }
0x361: {  	[hbm4b:s26+s3] =	stream.linear.scatter [tilespmem:s28], [sflag:$0x3], $0x80, $0x38;
	[tilespmem:$0x13C80] =	vst v63  }
0x362: {  	s26 =	sadd.s32 $0x20E0, s24;
	s28 =	simm.s32 $0xAFB0  }
0x363: {  	[hbm4b:s26+s3] =	stream.linear.scatter [tilespmem:s28], [sflag:$0x3], $0x80, $0x38;
	[tilespmem:$0x13C80] =	vst v63  }
0x364: {  	s26 =	sadd.s32 $0x20F0, s24;
	s28 =	simm.s32 $0xB038  }
0x365: {  	[hbm4b:s26+s3] =	stream.linear.scatter [tilespmem:s28], [sflag:$0x3], $0x80, $0x38;
	[tilespmem:$0x13C80] =	vst v63  }
0x366: {  	s26 =	sadd.s32 $0x3000, s24;
	s28 =	simm.s32 $0x8EC0  }
0x367: {  	[hbm4b:s26+s3] =	stream.linear.scatter [tilespmem:s28], [sflag:$0x3], $0x80, $0x38;
	[tilespmem:$0x13C80] =	vst v63  }
0x368: {  	s26 =	sadd.s32 $0x3010, s24;
	s28 =	simm.s32 $0x8F48  }
0x369: {  	[hbm4b:s26+s3] =	stream.linear.scatter [tilespmem:s28], [sflag:$0x3], $0x80, $0x38;
	[tilespmem:$0x13C80] =	vst v63  }
0x36a: {  	s26 =	sadd.s32 $0x3020, s24;
	s28 =	simm.s32 $0x8FD0  }
0x36b: {  	[hbm4b:s26+s3] =	stream.linear.scatter [tilespmem:s28], [sflag:$0x3], $0x80, $0x38;
	[tilespmem:$0x13C80] =	vst v63  }
0x36c: {  	s26 =	sadd.s32 $0x3030, s24;
	s28 =	simm.s32 $0x9058  }
0x36d: {  	[hbm4b:s26+s3] =	stream.linear.scatter [tilespmem:s28], [sflag:$0x3], $0x80, $0x38;
	[tilespmem:$0x13C80] =	vst v63  }
0x36e: {  	s26 =	sadd.s32 $0x3040, s24;
	s28 =	simm.s32 $0x90E0  }
0x36f: {  	[hbm4b:s26+s3] =	stream.linear.scatter [tilespmem:s28], [sflag:$0x3], $0x80, $0x38;
	[tilespmem:$0x13C80] =	vst v63  }
0x370: {  	s26 =	sadd.s32 $0x3050, s24;
	s28 =	simm.s32 $0x9168  }
0x371: {  	[hbm4b:s26+s3] =	stream.linear.scatter [tilespmem:s28], [sflag:$0x3], $0x80, $0x38;
	[tilespmem:$0x13C80] =	vst v63  }
0x372: {  	s26 =	sadd.s32 $0x3060, s24;
	s28 =	simm.s32 $0x91F0  }
0x373: {  	[hbm4b:s26+s3] =	stream.linear.scatter [tilespmem:s28], [sflag:$0x3], $0x80, $0x38;
	[tilespmem:$0x13C80] =	vst v63  }
0x374: {  	s26 =	sadd.s32 $0x3070, s24;
	s28 =	simm.s32 $0x9278  }
0x375: {  	[hbm4b:s26+s3] =	stream.linear.scatter [tilespmem:s28], [sflag:$0x3], $0x80, $0x38;
	[tilespmem:$0x13C80] =	vst v63  }
0x376: {  	s26 =	sadd.s32 $0x3080, s24;
	s28 =	simm.s32 $0xB0C0  }
0x377: {  	[hbm4b:s26+s3] =	stream.linear.scatter [tilespmem:s28], [sflag:$0x3], $0x80, $0x38;
	[tilespmem:$0x13C80] =	vst v63  }
0x378: {  	s26 =	sadd.s32 $0x3090, s24;
	s28 =	simm.s32 $0xB148  }
0x379: {  	[hbm4b:s26+s3] =	stream.linear.scatter [tilespmem:s28], [sflag:$0x3], $0x80, $0x38;
	[tilespmem:$0x13C80] =	vst v63  }
0x37a: {  	s26 =	sadd.s32 $0x30A0, s24;
	s28 =	simm.s32 $0xB1D0  }
0x37b: {  	[hbm4b:s26+s3] =	stream.linear.scatter [tilespmem:s28], [sflag:$0x3], $0x80, $0x38;
	[tilespmem:$0x13C80] =	vst v63  }
0x37c: {  	s26 =	sadd.s32 $0x30B0, s24;
	s28 =	simm.s32 $0xB258  }
0x37d: {  	[hbm4b:s26+s3] =	stream.linear.scatter [tilespmem:s28], [sflag:$0x3], $0x80, $0x38;
	[tilespmem:$0x13C80] =	vst v63  }
0x37e: {  	s26 =	sadd.s32 $0x30C0, s24;
	s28 =	simm.s32 $0xB2E0  }
0x37f: {  	[hbm4b:s26+s3] =	stream.linear.scatter [tilespmem:s28], [sflag:$0x3], $0x80, $0x38;
	[tilespmem:$0x13C80] =	vst v63  }
0x380: {  	s26 =	sadd.s32 $0x30D0, s24;
	s28 =	simm.s32 $0xB368  }
0x381: {  	[hbm4b:s26+s3] =	stream.linear.scatter [tilespmem:s28], [sflag:$0x3], $0x80, $0x38;
	[tilespmem:$0x13C80] =	vst v63  }
0x382: {  	s26 =	sadd.s32 $0x30E0, s24;
	s28 =	simm.s32 $0xB3F0  }
0x383: {  	[hbm4b:s26+s3] =	stream.linear.scatter [tilespmem:s28], [sflag:$0x3], $0x80, $0x38;
	[tilespmem:$0x13C80] =	vst v63  }
0x384: {  	s26 =	sadd.s32 $0x30F0, s24;
	s28 =	simm.s32 $0xB478  }
0x385: {  	[hbm4b:s26+s3] =	stream.linear.scatter [tilespmem:s28], [sflag:$0x3], $0x80, $0x38;
	[tilespmem:$0x13C80] =	vst v63  }
0x386: {  	s26 =	sadd.s32 $0x4000, s24;
	s28 =	simm.s32 $0x9300  }
0x387: {  	[hbm4b:s26+s3] =	stream.linear.scatter [tilespmem:s28], [sflag:$0x3], $0x80, $0x38;
	[tilespmem:$0x13C80] =	vst v63  }
0x388: {  	s26 =	sadd.s32 $0x4010, s24;
	s28 =	simm.s32 $0x9388  }
0x389: {  	[hbm4b:s26+s3] =	stream.linear.scatter [tilespmem:s28], [sflag:$0x3], $0x80, $0x38;
	[tilespmem:$0x13C80] =	vst v63  }
0x38a: {  	s26 =	sadd.s32 $0x4020, s24;
	s28 =	simm.s32 $0x9410  }
0x38b: {  	[hbm4b:s26+s3] =	stream.linear.scatter [tilespmem:s28], [sflag:$0x3], $0x80, $0x38;
	[tilespmem:$0x13C80] =	vst v63  }
0x38c: {  	s26 =	sadd.s32 $0x4030, s24;
	s28 =	simm.s32 $0x9498  }
0x38d: {  	[hbm4b:s26+s3] =	stream.linear.scatter [tilespmem:s28], [sflag:$0x3], $0x80, $0x38;
	[tilespmem:$0x13C80] =	vst v63  }
0x38e: {  	s26 =	sadd.s32 $0x4040, s24;
	s28 =	simm.s32 $0x9520  }
0x38f: {  	[hbm4b:s26+s3] =	stream.linear.scatter [tilespmem:s28], [sflag:$0x3], $0x80, $0x38;
	[tilespmem:$0x13C80] =	vst v63  }
0x390: {  	s26 =	sadd.s32 $0x4050, s24;
	s28 =	simm.s32 $0x95A8  }
0x391: {  	[hbm4b:s26+s3] =	stream.linear.scatter [tilespmem:s28], [sflag:$0x3], $0x80, $0x38;
	[tilespmem:$0x13C80] =	vst v63  }
0x392: {  	s26 =	sadd.s32 $0x4060, s24;
	s28 =	simm.s32 $0x9630  }
0x393: {  	[hbm4b:s26+s3] =	stream.linear.scatter [tilespmem:s28], [sflag:$0x3], $0x80, $0x38;
	[tilespmem:$0x13C80] =	vst v63  }
0x394: {  	s26 =	sadd.s32 $0x4070, s24;
	s28 =	simm.s32 $0x96B8  }
0x395: {  	[hbm4b:s26+s3] =	stream.linear.scatter [tilespmem:s28], [sflag:$0x3], $0x80, $0x38;
	[tilespmem:$0x13C80] =	vst v63  }
0x396: {  	s26 =	sadd.s32 $0x4080, s24;
	s28 =	simm.s32 $0xB500  }
0x397: {  	[hbm4b:s26+s3] =	stream.linear.scatter [tilespmem:s28], [sflag:$0x3], $0x80, $0x38;
	[tilespmem:$0x13C80] =	vst v63  }
0x398: {  	s26 =	sadd.s32 $0x4090, s24;
	s28 =	simm.s32 $0xB588  }
0x399: {  	[hbm4b:s26+s3] =	stream.linear.scatter [tilespmem:s28], [sflag:$0x3], $0x80, $0x38;
	[tilespmem:$0x13C80] =	vst v63  }
0x39a: {  	s26 =	sadd.s32 $0x40A0, s24;
	s28 =	simm.s32 $0xB610  }
0x39b: {  	[hbm4b:s26+s3] =	stream.linear.scatter [tilespmem:s28], [sflag:$0x3], $0x80, $0x38;
	[tilespmem:$0x13C80] =	vst v63  }
0x39c: {  	s26 =	sadd.s32 $0x40B0, s24;
	s28 =	simm.s32 $0xB698  }
0x39d: {  	[hbm4b:s26+s3] =	stream.linear.scatter [tilespmem:s28], [sflag:$0x3], $0x80, $0x38;
	[tilespmem:$0x13C80] =	vst v63  }
0x39e: {  	s26 =	sadd.s32 $0x40C0, s24;
	s28 =	simm.s32 $0xB720  }
0x39f: {  	[hbm4b:s26+s3] =	stream.linear.scatter [tilespmem:s28], [sflag:$0x3], $0x80, $0x38;
	[tilespmem:$0x13C80] =	vst v63  }
0x3a0: {  	s26 =	sadd.s32 $0x40D0, s24;
	s28 =	simm.s32 $0xB7A8  }
0x3a1: {  	[hbm4b:s26+s3] =	stream.linear.scatter [tilespmem:s28], [sflag:$0x3], $0x80, $0x38;
	[tilespmem:$0x13C80] =	vst v63  }
0x3a2: {  	s26 =	sadd.s32 $0x40E0, s24;
	s28 =	simm.s32 $0xB830  }
0x3a3: {  	[hbm4b:s26+s3] =	stream.linear.scatter [tilespmem:s28], [sflag:$0x3], $0x80, $0x38;
	[tilespmem:$0x13C80] =	vst v63  }
0x3a4: {  	s26 =	sadd.s32 $0x40F0, s24;
	s28 =	simm.s32 $0xB8B8  }
0x3a5: {  	[hbm4b:s26+s3] =	stream.linear.scatter [tilespmem:s28], [sflag:$0x3], $0x80, $0x38;
	[tilespmem:$0x13C80] =	vst v63  }
0x3a6: {  	s26 =	sadd.s32 $0x5000, s24;
	s28 =	simm.s32 $0x9740  }
0x3a7: {  	[hbm4b:s26+s3] =	stream.linear.scatter [tilespmem:s28], [sflag:$0x3], $0x80, $0x38;
	[tilespmem:$0x13C80] =	vst v63  }
0x3a8: {  	s26 =	sadd.s32 $0x5010, s24;
	s28 =	simm.s32 $0x97C8  }
0x3a9: {  	[hbm4b:s26+s3] =	stream.linear.scatter [tilespmem:s28], [sflag:$0x3], $0x80, $0x38;
	[tilespmem:$0x13C80] =	vst v63  }
0x3aa: {  	s26 =	sadd.s32 $0x5020, s24;
	s28 =	simm.s32 $0x9850  }
0x3ab: {  	[hbm4b:s26+s3] =	stream.linear.scatter [tilespmem:s28], [sflag:$0x3], $0x80, $0x38;
	[tilespmem:$0x13C80] =	vst v63  }
0x3ac: {  	s26 =	sadd.s32 $0x5030, s24;
	s28 =	simm.s32 $0x98D8  }
0x3ad: {  	[hbm4b:s26+s3] =	stream.linear.scatter [tilespmem:s28], [sflag:$0x3], $0x80, $0x38;
	[tilespmem:$0x13C80] =	vst v63  }
0x3ae: {  	s26 =	sadd.s32 $0x5040, s24;
	s28 =	simm.s32 $0x9960  }
0x3af: {  	[hbm4b:s26+s3] =	stream.linear.scatter [tilespmem:s28], [sflag:$0x3], $0x80, $0x38;
	[tilespmem:$0x13C80] =	vst v63  }
0x3b0: {  	s26 =	sadd.s32 $0x5050, s24;
	s28 =	simm.s32 $0x99E8  }
0x3b1: {  	[hbm4b:s26+s3] =	stream.linear.scatter [tilespmem:s28], [sflag:$0x3], $0x80, $0x38;
	[tilespmem:$0x13C80] =	vst v63  }
0x3b2: {  	s26 =	sadd.s32 $0x5060, s24;
	s28 =	simm.s32 $0x9A70  }
0x3b3: {  	[hbm4b:s26+s3] =	stream.linear.scatter [tilespmem:s28], [sflag:$0x3], $0x80, $0x38;
	[tilespmem:$0x13C80] =	vst v63  }
0x3b4: {  	s26 =	sadd.s32 $0x5070, s24;
	s28 =	simm.s32 $0x9AF8  }
0x3b5: {  	[hbm4b:s26+s3] =	stream.linear.scatter [tilespmem:s28], [sflag:$0x3], $0x80, $0x38;
	[tilespmem:$0x13C80] =	vst v63  }
0x3b6: {  	s26 =	sadd.s32 $0x5080, s24;
	s28 =	simm.s32 $0xB940  }
0x3b7: {  	[hbm4b:s26+s3] =	stream.linear.scatter [tilespmem:s28], [sflag:$0x3], $0x80, $0x38;
	[tilespmem:$0x13C80] =	vst v63  }
0x3b8: {  	s26 =	sadd.s32 $0x5090, s24;
	s28 =	simm.s32 $0xB9C8  }
0x3b9: {  	[hbm4b:s26+s3] =	stream.linear.scatter [tilespmem:s28], [sflag:$0x3], $0x80, $0x38;
	[tilespmem:$0x13C80] =	vst v63  }
0x3ba: {  	s26 =	sadd.s32 $0x50A0, s24;
	s28 =	simm.s32 $0xBA50  }
0x3bb: {  	[hbm4b:s26+s3] =	stream.linear.scatter [tilespmem:s28], [sflag:$0x3], $0x80, $0x38;
	[tilespmem:$0x13C80] =	vst v63  }
0x3bc: {  	s26 =	sadd.s32 $0x50B0, s24;
	s28 =	simm.s32 $0xBAD8  }
0x3bd: {  	[hbm4b:s26+s3] =	stream.linear.scatter [tilespmem:s28], [sflag:$0x3], $0x80, $0x38;
	[tilespmem:$0x13C80] =	vst v63  }
0x3be: {  	s26 =	sadd.s32 $0x50C0, s24;
	s28 =	simm.s32 $0xBB60  }
0x3bf: {  	[hbm4b:s26+s3] =	stream.linear.scatter [tilespmem:s28], [sflag:$0x3], $0x80, $0x38;
	[tilespmem:$0x13C80] =	vst v63  }
0x3c0: {  	s26 =	sadd.s32 $0x50D0, s24;
	s28 =	simm.s32 $0xBBE8  }
0x3c1: {  	[hbm4b:s26+s3] =	stream.linear.scatter [tilespmem:s28], [sflag:$0x3], $0x80, $0x38;
	[tilespmem:$0x13C80] =	vst v63  }
0x3c2: {  	s26 =	sadd.s32 $0x50E0, s24;
	s28 =	simm.s32 $0xBC70  }
0x3c3: {  	[hbm4b:s26+s3] =	stream.linear.scatter [tilespmem:s28], [sflag:$0x3], $0x80, $0x38;
	[tilespmem:$0x13C80] =	vst v63  }
0x3c4: {  	s26 =	sadd.s32 $0x50F0, s24;
	s28 =	simm.s32 $0xBCF8  }
0x3c5: {  	[hbm4b:s26+s3] =	stream.linear.scatter [tilespmem:s28], [sflag:$0x3], $0x80, $0x38;
	[tilespmem:$0x13C80] =	vst v63  }
0x3c6: {  	s26 =	sadd.s32 $0x6000, s24;
	s28 =	simm.s32 $0x9B80  }
0x3c7: {  	[hbm4b:s26+s3] =	stream.linear.scatter [tilespmem:s28], [sflag:$0x3], $0x80, $0x38;
	[tilespmem:$0x13C80] =	vst v63  }
0x3c8: {  	s26 =	sadd.s32 $0x6010, s24;
	s28 =	simm.s32 $0x9C08  }
0x3c9: {  	[hbm4b:s26+s3] =	stream.linear.scatter [tilespmem:s28], [sflag:$0x3], $0x80, $0x38;
	[tilespmem:$0x13C80] =	vst v63  }
0x3ca: {  	s26 =	sadd.s32 $0x6020, s24;
	s28 =	simm.s32 $0x9C90  }
0x3cb: {  	[hbm4b:s26+s3] =	stream.linear.scatter [tilespmem:s28], [sflag:$0x3], $0x80, $0x38;
	[tilespmem:$0x13C80] =	vst v63  }
0x3cc: {  	s26 =	sadd.s32 $0x6030, s24;
	s28 =	simm.s32 $0x9D18  }
0x3cd: {  	[hbm4b:s26+s3] =	stream.linear.scatter [tilespmem:s28], [sflag:$0x3], $0x80, $0x38;
	[tilespmem:$0x13C80] =	vst v63  }
0x3ce: {  	s26 =	sadd.s32 $0x6040, s24;
	s28 =	simm.s32 $0x9DA0  }
0x3cf: {  	[hbm4b:s26+s3] =	stream.linear.scatter [tilespmem:s28], [sflag:$0x3], $0x80, $0x38;
	[tilespmem:$0x13C80] =	vst v63  }
0x3d0: {  	s26 =	sadd.s32 $0x6050, s24;
	s28 =	simm.s32 $0x9E28  }
0x3d1: {  	[hbm4b:s26+s3] =	stream.linear.scatter [tilespmem:s28], [sflag:$0x3], $0x80, $0x38;
	[tilespmem:$0x13C80] =	vst v63  }
0x3d2: {  	s26 =	sadd.s32 $0x6060, s24;
	s28 =	simm.s32 $0x9EB0  }
0x3d3: {  	[hbm4b:s26+s3] =	stream.linear.scatter [tilespmem:s28], [sflag:$0x3], $0x80, $0x38;
	[tilespmem:$0x13C80] =	vst v63  }
0x3d4: {  	s26 =	sadd.s32 $0x6070, s24;
	s28 =	simm.s32 $0x9F38  }
0x3d5: {  	[hbm4b:s26+s3] =	stream.linear.scatter [tilespmem:s28], [sflag:$0x3], $0x80, $0x38;
	[tilespmem:$0x13C80] =	vst v63  }
0x3d6: {  	s26 =	sadd.s32 $0x6080, s24;
	s28 =	simm.s32 $0xBD80  }
0x3d7: {  	[hbm4b:s26+s3] =	stream.linear.scatter [tilespmem:s28], [sflag:$0x3], $0x80, $0x38;
	[tilespmem:$0x13C80] =	vst v63  }
0x3d8: {  	s26 =	sadd.s32 $0x6090, s24;
	s28 =	simm.s32 $0xBE08  }
0x3d9: {  	[hbm4b:s26+s3] =	stream.linear.scatter [tilespmem:s28], [sflag:$0x3], $0x80, $0x38;
	[tilespmem:$0x13C80] =	vst v63  }
0x3da: {  	s26 =	sadd.s32 $0x60A0, s24;
	s28 =	simm.s32 $0xBE90  }
0x3db: {  	[hbm4b:s26+s3] =	stream.linear.scatter [tilespmem:s28], [sflag:$0x3], $0x80, $0x38;
	[tilespmem:$0x13C80] =	vst v63  }
0x3dc: {  	s26 =	sadd.s32 $0x60B0, s24;
	s28 =	simm.s32 $0xBF18  }
0x3dd: {  	[hbm4b:s26+s3] =	stream.linear.scatter [tilespmem:s28], [sflag:$0x3], $0x80, $0x38;
	[tilespmem:$0x13C80] =	vst v63  }
0x3de: {  	s26 =	sadd.s32 $0x60C0, s24;
	s28 =	simm.s32 $0xBFA0  }
0x3df: {  	[hbm4b:s26+s3] =	stream.linear.scatter [tilespmem:s28], [sflag:$0x3], $0x80, $0x38;
	[tilespmem:$0x13C80] =	vst v63  }
0x3e0: {  	s26 =	sadd.s32 $0x60D0, s24;
	s28 =	simm.s32 $0xC028  }
0x3e1: {  	[hbm4b:s26+s3] =	stream.linear.scatter [tilespmem:s28], [sflag:$0x3], $0x80, $0x38;
	[tilespmem:$0x13C80] =	vst v63  }
0x3e2: {  	s26 =	sadd.s32 $0x60E0, s24;
	s28 =	simm.s32 $0xC0B0  }
0x3e3: {  	[hbm4b:s26+s3] =	stream.linear.scatter [tilespmem:s28], [sflag:$0x3], $0x80, $0x38;
	[tilespmem:$0x13C80] =	vst v63  }
0x3e4: {  	s26 =	sadd.s32 $0x60F0, s24;
	s28 =	simm.s32 $0xC138  }
0x3e5: {  	[hbm4b:s26+s3] =	stream.linear.scatter [tilespmem:s28], [sflag:$0x3], $0x80, $0x38;
	[tilespmem:$0x13C80] =	vst v63  }
0x3e6: {  	s26 =	sadd.s32 $0x7000, s24;
	s28 =	simm.s32 $0x9FC0  }
0x3e7: {  	[hbm4b:s26+s3] =	stream.linear.scatter [tilespmem:s28], [sflag:$0x3], $0x80, $0x38;
	[tilespmem:$0x13C80] =	vst v63  }
0x3e8: {  	s26 =	sadd.s32 $0x7010, s24;
	s28 =	simm.s32 $0xA048  }
0x3e9: {  	[hbm4b:s26+s3] =	stream.linear.scatter [tilespmem:s28], [sflag:$0x3], $0x80, $0x38;
	[tilespmem:$0x13C80] =	vst v63  }
0x3ea: {  	s26 =	sadd.s32 $0x7020, s24;
	s28 =	simm.s32 $0xA0D0  }
0x3eb: {  	[hbm4b:s26+s3] =	stream.linear.scatter [tilespmem:s28], [sflag:$0x3], $0x80, $0x38;
	[tilespmem:$0x13C80] =	vst v63  }
0x3ec: {  	s26 =	sadd.s32 $0x7030, s24;
	s28 =	simm.s32 $0xA158  }
0x3ed: {  	[hbm4b:s26+s3] =	stream.linear.scatter [tilespmem:s28], [sflag:$0x3], $0x80, $0x38;
	[tilespmem:$0x13C80] =	vst v63  }
0x3ee: {  	s26 =	sadd.s32 $0x7040, s24;
	s28 =	simm.s32 $0xA1E0  }
0x3ef: {  	[hbm4b:s26+s3] =	stream.linear.scatter [tilespmem:s28], [sflag:$0x3], $0x80, $0x38;
	[tilespmem:$0x13C80] =	vst v63  }
0x3f0: {  	s26 =	sadd.s32 $0x7050, s24;
	s28 =	simm.s32 $0xA268  }
0x3f1: {  	[hbm4b:s26+s3] =	stream.linear.scatter [tilespmem:s28], [sflag:$0x3], $0x80, $0x38;
	[tilespmem:$0x13C80] =	vst v63  }
0x3f2: {  	s26 =	sadd.s32 $0x7060, s24;
	s28 =	simm.s32 $0xA2F0  }
0x3f3: {  	[hbm4b:s26+s3] =	stream.linear.scatter [tilespmem:s28], [sflag:$0x3], $0x80, $0x38;
	[tilespmem:$0x13C80] =	vst v63  }
0x3f4: {  	s26 =	sadd.s32 $0x7070, s24;
	s28 =	simm.s32 $0xA378  }
0x3f5: {  	[hbm4b:s26+s3] =	stream.linear.scatter [tilespmem:s28], [sflag:$0x3], $0x80, $0x38;
	[tilespmem:$0x13C80] =	vst v63  }
0x3f6: {  	s26 =	sadd.s32 $0x7080, s24;
	s28 =	simm.s32 $0xC1C0  }
0x3f7: {  	[hbm4b:s26+s3] =	stream.linear.scatter [tilespmem:s28], [sflag:$0x3], $0x80, $0x38;
	[tilespmem:$0x13C80] =	vst v63  }
0x3f8: {  	s26 =	sadd.s32 $0x7090, s24;
	s28 =	simm.s32 $0xC248  }
0x3f9: {  	[hbm4b:s26+s3] =	stream.linear.scatter [tilespmem:s28], [sflag:$0x3], $0x80, $0x38;
	[tilespmem:$0x13C80] =	vst v63  }
0x3fa: {  	s26 =	sadd.s32 $0x70A0, s24;
	s28 =	simm.s32 $0xC2D0  }
0x3fb: {  	[hbm4b:s26+s3] =	stream.linear.scatter [tilespmem:s28], [sflag:$0x3], $0x80, $0x38;
	[tilespmem:$0x13C80] =	vst v63  }
0x3fc: {  	s26 =	sadd.s32 $0x70B0, s24;
	s28 =	simm.s32 $0xC358  }
0x3fd: {  	[hbm4b:s26+s3] =	stream.linear.scatter [tilespmem:s28], [sflag:$0x3], $0x80, $0x38;
	[tilespmem:$0x13C80] =	vst v63  }
0x3fe: {  	s26 =	sadd.s32 $0x70C0, s24;
	s28 =	simm.s32 $0xC3E0  }
0x3ff: {  	[hbm4b:s26+s3] =	stream.linear.scatter [tilespmem:s28], [sflag:$0x3], $0x80, $0x38;
	[tilespmem:$0x13C80] =	vst v63  }
0x400: {  	s26 =	sadd.s32 $0x70D0, s24;
	s28 =	simm.s32 $0xC468  }
0x401: {  	[hbm4b:s26+s3] =	stream.linear.scatter [tilespmem:s28], [sflag:$0x3], $0x80, $0x38;
	[tilespmem:$0x13C80] =	vst v63  }
0x402: {  	s20 =	sadd.s32 $0x2, s20;
	s26 =	sadd.s32 $0x70E0, s24;
	s28 =	simm.s32 $0xC4F0  }
0x403: {  	[hbm4b:s26+s3] =	stream.linear.scatter [tilespmem:s28], [sflag:$0x3], $0x80, $0x38;
	[tilespmem:$0x13C80] =	vst v63  }
0x404: {  	p1 =	sge.u32 s20, s10;
	s24 =	sadd.s32 $0x70F0, s24;
	s28 =	simm.s32 $0xC578  }
0x405: {  	[hbm4b:s24+s3] =	stream.linear.scatter [tilespmem:s28], [sflag:$0x3], $0x80, $0x38;
	[tilespmem:$0x13C80] =	vst v63  }
0x406: {  	s20 =	sshll.u32 @!p1 s20, $0x5;
	_ =	swait.ge [sflag:s21], $0x4000  }
0x407: {  	s20 =	sand.u32 @!p1 $0xFFFFFC0, s20;
	[sflag:s21] =	ssyncset.done $0x0  }
0x408: {  	s20 =	sadd.s32 @!p1 s4, s20;
	s24 =	simm.s32 @!p1 $0x0;
	[sflag:s21] =	ssyncadd.s32 $0xFFFFC000  }
0x409: {  	[tilespmem:s24], [sflag:$0x5] =	stream.linear.gather @!p1 [hbm4b:s20+s24], $0x100, $0x38;
	[tilespmem:$0x13C80] =	vst v63  }
0x40a: {  	s20 =	simm.s32 @!p1 $0x5  }
0x40b: {  	_ =	swait.ge @!p1 [sflag:s20], $0x100  }
0x40c: {  	[sflag:s20] =	ssyncset.done @!p1 $0x0  }
0x40d: {  	s25 =	simm.s32 @!p1 $0x200;
	[sflag:s20] =	ssyncadd.s32 @!p1 $0xFFFFFF00;
	s20 =	simm.s32 @!p1 $0x100  }
0x40e: {  	[tilespmem:s25], [sflag:$0x1] =	stream.indirect.gather @!p1 [hbm4b:s5+s20], $0x40, s24, s20, $0xb8;
	[tilespmem:$0x13C80] =	vst v63  }
0x40f: {  	s20 =	simm.s32 @!p0 $0x4  }
0x410: {  	_ =	swait.ge @!p0 [sflag:s20], $0x400  }
0x411: {  	[sflag:s20] =	ssyncset.done @!p0 $0x0  }
0x412: {  	[sflag:s20] =	ssyncadd.s32 @!p0 $0xFFFFFC00  }
0x413: {  	_ =	swait.ge @!p0 [sflag:s20], $0x400  }
0x414: {  	[sflag:s20] =	ssyncset.done @!p0 $0x0  }
0x415: {  	[sflag:s20] =	ssyncadd.s32 @!p0 $0xFFFFFC00  }
0x416: {  	_ =	swait.ge @!p0 [sflag:s20], $0x400  }
0x417: {  	[sflag:s20] =	ssyncset.done @!p0 $0x0  }
0x418: {  	[sflag:s20] =	ssyncadd.s32 @!p0 $0xFFFFFC00  }
0x419: {  	_ =	swait.ge @!p0 [sflag:s20], $0x400  }
0x41a: {  	[sflag:s20] =	ssyncset.done @!p0 $0x0  }
0x41b: {  	[sflag:s20] =	ssyncadd.s32 @!p0 $0xFFFFFC00  }
0x41c: {  	_ =	swait.ge @!p0 [sflag:s20], $0x400  }
0x41d: {  	[sflag:s20] =	ssyncset.done @!p0 $0x0  }
0x41e: {  	[sflag:s20] =	ssyncadd.s32 @!p0 $0xFFFFFC00  }
0x41f: {  	_ =	swait.ge @!p0 [sflag:s20], $0x400  }
0x420: {  	[sflag:s20] =	ssyncset.done @!p0 $0x0  }
0x421: {  	[sflag:s20] =	ssyncadd.s32 @!p0 $0xFFFFFC00  }
0x422: {  	_ =	swait.ge @!p0 [sflag:s20], $0x400  }
0x423: {  	[sflag:s20] =	ssyncset.done @!p0 $0x0  }
0x424: {  	[sflag:s20] =	ssyncadd.s32 @!p0 $0xFFFFFC00  }
0x425: {  	_ =	swait.ge @!p0 [sflag:s20], $0x400  }
0x426: {  	[sflag:s20] =	ssyncset.done @!p0 $0x0  }
0x427: {  	[sflag:s20] =	ssyncadd.s32 @!p0 $0xFFFFFC00  }
0x428: {  	_ =	swait.ge @!p0 [sflag:s20], $0x400  }
0x429: {  	[sflag:s20] =	ssyncset.done @!p0 $0x0  }
0x42a: {  	[sflag:s20] =	ssyncadd.s32 @!p0 $0xFFFFFC00  }
0x42b: {  	_ =	swait.ge @!p0 [sflag:s20], $0x400  }
0x42c: {  	[sflag:s20] =	ssyncset.done @!p0 $0x0  }
0x42d: {  	[sflag:s20] =	ssyncadd.s32 @!p0 $0xFFFFFC00  }
0x42e: {  	_ =	swait.ge @!p0 [sflag:s20], $0x400  }
0x42f: {  	[sflag:s20] =	ssyncset.done @!p0 $0x0  }
0x430: {  	[sflag:s20] =	ssyncadd.s32 @!p0 $0xFFFFFC00  }
0x431: {  	_ =	swait.ge @!p0 [sflag:s20], $0x400  }
0x432: {  	[sflag:s20] =	ssyncset.done @!p0 $0x0  }
0x433: {  	[sflag:s20] =	ssyncadd.s32 @!p0 $0xFFFFFC00  }
0x434: {  	_ =	swait.ge @!p0 [sflag:s20], $0x400  }
0x435: {  	[sflag:s20] =	ssyncset.done @!p0 $0x0  }
0x436: {  	[sflag:s20] =	ssyncadd.s32 @!p0 $0xFFFFFC00  }
0x437: {  	_ =	swait.ge @!p0 [sflag:s20], $0x400  }
0x438: {  	[sflag:s20] =	ssyncset.done @!p0 $0x0  }
0x439: {  	s26 =	simm.s32 $0x0;
	s28 =	simm.s32 $0x1;
	[sflag:s20] =	ssyncadd.s32 @!p0 $0xFFFFFC00  }
0x43a: {  	v2 =	vmov s26;
	s26 =	simm.s32 $0x3;
	v3 =	vmov s28;
	s28 =	simm.s32 $0x4;
	_ =	swait.ge @!p0 [sflag:s20], $0x400  }
0x43b: {  	v5 =	vmov s26;
	s26 =	simm.s32 $0x6;
	v6 =	vmov s28;
	s28 =	simm.s32 $0x7;
	[sflag:s20] =	ssyncset.done @!p0 $0x0  }
0x43c: {  	v2 =	vshrl.u32 v2, $0x3;
	v8 =	vmov s26;
	s26 =	simm.s32 $0x9;
	v9 =	vmov s28;
	[sflag:s20] =	ssyncadd.s32 @!p0 $0xFFFFFC00  }
0x43d: {  	v2 =	vshll.u32 v2, v0;
	v11 =	vmov s26;
	s26 =	simm.s32 $0xB;
	v9 =	vshrl.u32 v9, $0x3;
	_ =	swait.ge @!p0 [sflag:s20], $0x400  }
0x43e: {  	v18 =	vshrl.u32 v5, $0x3;
	v13 =	vmov s26;
	v38 =	vshll.u32 v9, v0;
	v9 =	vld [tilespmem:$0x1FCA0]  }
0x43f: {  	v3 =	vshrl.u32 v3, $0x3;
	v19 =	vshrl.u32 v6, $0x3;
	v13 =	vshrl.u32 v13, $0x3;
	[sflag:s20] =	ssyncset.done @!p0 $0x0;
	v6 =	vld [tilespmem:$0x1FC30]  }
0x440: {  	v8 =	vshrl.u32 v8, $0x3;
	v59 =	vbroadcast v2, $0x0;
	s28 =	simm.s32 $0xA;
	v25 =	vshll.u32 v13, v0;
	s25 =	simm.s32 $0x2;
	v13 =	vld [tilespmem:$0x1FC40];
	[sflag:s20] =	ssyncadd.s32 @!p0 $0xFFFFFC00  }
0x441: {  	v20 =	vshll.u32 v3, v0;
	v12 =	vmov s28;
	s24 =	simm.s32 $0xF;
	v4 =	vmov s25;
	s25 =	simm.s32 $0x5;
	v5 =	vld [tilespmem:s18+$0x10A00]  }
0x442: {  	v2 =	vmov s24;
	v7 =	vmov s25;
	s25 =	simm.s32 $0x8;
	v17 =	vshrl.u32 v4, $0x3;
	v4 =	vld [tilespmem:s18+$0x10A10]  }
0x443: {  	s26 =	simm.s32 $0xD;
	v22 =	vshll.u32 v19, v0;
	v19 =	vshrl.u32 v2, $0x3;
	v10 =	vmov s25;
	v3 =	vld [tilespmem:s18+$0x10A20]  }
0x444: {  	s28 =	simm.s32 $0xC;
	v15 =	vmov s26;
	v19 =	vshll.u32 v19, v0;
	v10 =	vshrl.u32 v10, $0x3;
	v2 =	vld [tilespmem:s18+$0x10A30];
	s18 =	simm.s32 $0x6200  }
0x445: {  	v14 =	vmov s28;
	v21 =	vbroadcast v19, $0x0;
	v23 =	vshll.u32 v10, v0;
	v10 =	vld [tilespmem:s18+$0xFFFFE3C0]  }
0x446: {  	v28 =	vadd.s32 v45, v59;
	s28 =	simm.s32 $0xE;
	v15 =	vshrl.u32 v15, $0x3;
	v14 =	vshrl.u32 v14, $0x3;
	v37 =	vld [tilespmem:s18+$0xFFFFE000]  }
0x447: {  	v16 =	vmov s28;
	v27 =	vshll.u32 v14, v0;
	v14 =	vadd.s32 v9, v21  }
0x448: {  	v16 =	vshrl.u32 v16, $0x3;
	v17 =	vshll.u32 v17, v0;
	v19 =	vbroadcast v20, $0x0;
	v39 =	vld [tilespmem:s18+$0xFFFFE040]  }
0x449: {  	v30 =	vshll.u32 v15, v0;
	v31 =	vshll.u32 v16, v0;
	v20 =	vbroadcast v17, $0x0;
	v29 =	vld [tilespmem:s18+$0xFFFFE080]  }
0x44a: {  	v16 =	vbroadcast v22, $0x0;
	v40 =	vld [tilespmem:$0x1FC60];
	v15 =	vadd.s32 v6, v19;
	v22 =	vadd.f32 v10, v5  }
0x44b: {  	v7 =	vshrl.u32 v7, $0x3;
	v17 =	vld [tilespmem:s18+$0xFFFFE0C0];
	v32 =	vadd.s32 v13, v20;
	v24 =	vadd.f32 v37, v5  }
0x44c: {  	v18 =	vshll.u32 v18, v0;
	v11 =	vshrl.u32 v11, $0x3;
	v7 =	vshll.u32 v7, v0;
	v10 =	vld [tilespmem:$0x1FC50];
	[tilespmem:v14+s22+$0x0] =	vst.idx.msk $0xffff, v22  }
0x44d: {  	v8 =	vshll.u32 v8, v0;
	v43 =	vbroadcast v7, $0x0;
	v46 =	vld [tilespmem:s18+$0xFFFFE100];
	v7 =	vadd.f32 v39, v5;
	[tilespmem:v28+s22+$0x0] =	vst.idx.msk $0xffff, v24  }
0x44e: {  	v44 =	vshll.u32 v11, v0;
	v52 =	vbroadcast v8, $0x0;
	v8 =	vadd.f32 v29, v5;
	v11 =	vld [tilespmem:$0x1FC70]  }
0x44f: {  	v18 =	vbroadcast v18, $0x0;
	v35 =	vld [tilespmem:s18+$0xFFFFE140];
	[tilespmem:v15+s22+$0x0] =	vst.idx.msk $0xffff, v7  }
0x450: {  	v26 =	vadd.s32 v40, v16;
	v14 =	vld [tilespmem:$0x1FC80];
	[tilespmem:v32+s22+$0x0] =	vst.idx.msk $0xffff, v8  }
0x451: {  	v7 =	vadd.f32 v17, v5;
	v17 =	vbroadcast v38, $0x0;
	v34 =	vadd.s32 v10, v18;
	v38 =	vld [tilespmem:$0x1FED0]  }
0x452: {  	v41 =	vld [tilespmem:s18+$0xFFFFE1C0]  }
0x453: {  	v42 =	vld [tilespmem:s18+$0xFFFFE200];
	v8 =	vadd.f32 v46, v5;
	v46 =	vbroadcast v23, $0x0;
	v22 =	vadd.s32 v11, v43  }
0x454: {  	v24 =	vld [tilespmem:s18+$0xFFFFE3D0];
	v33 =	vadd.s32 v9, v17  }
0x455: {  	v12 =	vshrl.u32 v12, $0x3;
	v36 =	vld [tilespmem:s18+$0xFFFFE180];
	[tilespmem:v26+s22+$0x0] =	vst.idx.msk $0xffff, v8;
	v26 =	vadd.s32 v45, v46  }
0x456: {  	v15 =	vbroadcast v44, $0x0;
	v23 =	vadd.s32 v38, v21;
	[tilespmem:v34+s22+$0x0] =	vst.idx.msk $0xffff, v7;
	v7 =	vadd.f32 v35, v5;
	v34 =	vld [tilespmem:s18+$0xFFFFE240]  }
0x457: {  	v12 =	vshll.u32 v12, v0;
	v39 =	vadd.f32 v41, v5;
	v28 =	vadd.s32 v14, v52  }
0x458: {  	v41 =	vadd.f32 v42, v5;
	v8 =	vbroadcast v12, $0x0;
	v35 =	vld [tilespmem:s18+$0xFFFFE280];
	[tilespmem:v22+s22+$0x0] =	vst.idx.msk $0xffff, v7;
	v22 =	vadd.s32 v6, v15  }
0x459: {  	v12 =	vadd.f32 v24, v4;
	[tilespmem:v33+s22+$0x0] =	vst.idx.msk $0xffff, v39  }
0x45a: {  	v9 =	vadd.f32 v36, v5;
	v36 =	vld [tilespmem:s18+$0xFFFFE2C0];
	[tilespmem:v26+s22+$0x0] =	vst.idx.msk $0xffff, v41;
	v7 =	vbroadcast v25, $0x0;
	v25 =	vadd.s32 v13, v8  }
0x45b: {  	v37 =	vld [tilespmem:s18+$0xFFFFE300];
	[tilespmem:v23+s22+$0x0] =	vst.idx.msk $0xffff, v12;
	v23 =	vadd.f32 v34, v5  }
0x45c: {  	v32 =	vld [tilespmem:s18+$0xFFFFE340];
	[tilespmem:v28+s22+$0x0] =	vst.idx.msk $0xffff, v9;
	v9 =	vbroadcast v27, $0x0;
	v29 =	vadd.s32 v10, v7  }
0x45d: {  	v44 =	vbroadcast v30, $0x0;
	v33 =	vld [tilespmem:s18+$0xFFFFE380];
	v45 =	vadd.f32 v35, v5;
	[tilespmem:v22+s22+$0x0] =	vst.idx.msk $0xffff, v23  }
0x45e: {  	v24 =	vadd.s32 v40, v9;
	v40 =	vld [tilespmem:$0x1FEF0]  }
0x45f: {  	v27 =	vadd.s32 v11, v44;
	v12 =	vbroadcast v31, $0x0;
	v31 =	vld [tilespmem:s18+$0xFFFFE050];
	v22 =	vadd.f32 v36, v5;
	[tilespmem:v25+s22+$0x0] =	vst.idx.msk $0xffff, v45  }
0x460: {  	v45 =	vld [tilespmem:$0x1FCB0]  }
0x461: {  	v37 =	vadd.f32 v37, v5;
	v30 =	vld [tilespmem:s18+$0xFFFFE3E0];
	[tilespmem:v29+s22+$0x0] =	vst.idx.msk $0xffff, v22  }
0x462: {  	v22 =	vadd.f32 v32, v5;
	v11 =	vld [tilespmem:$0x1FCD0]  }
0x463: {  	v36 =	vld [tilespmem:s18+$0xFFFFE090];
	[tilespmem:v24+s22+$0x0] =	vst.idx.msk $0xffff, v37;
	v23 =	vadd.s32 v40, v21  }
0x464: {  	v26 =	vadd.s32 v14, v12;
	v13 =	vld [tilespmem:$0x1FD00];
	[tilespmem:v27+s22+$0x0] =	vst.idx.msk $0xffff, v22  }
0x465: {  	v14 =	vld [tilespmem:$0x1FD70];
	v28 =	vadd.s32 v45, v19  }
0x466: {  	v39 =	vadd.f32 v30, v3  }
0x467: {  	v22 =	vadd.f32 v33, v5;
	v29 =	vadd.s32 v11, v20  }
0x468: {  	v32 =	vld [tilespmem:s18+$0xFFFFE110];
	v42 =	vadd.f32 v31, v4;
	[tilespmem:v23+s22+$0x0] =	vst.idx.msk $0xffff, v39  }
0x469: {  	v23 =	vadd.f32 v36, v4;
	v36 =	vld [tilespmem:$0x1FDE0];
	[tilespmem:v26+s22+$0x0] =	vst.idx.msk $0xffff, v22  }
0x46a: {  	v35 =	vld [tilespmem:s18+$0xFFFFE0D0];
	v31 =	vadd.s32 v14, v16;
	[tilespmem:v28+s22+$0x0] =	vst.idx.msk $0xffff, v42  }
0x46b: {  	v10 =	vld [tilespmem:$0x1FE50]  }
0x46c: {  	[tilespmem:v29+s22+$0x0] =	vst.idx.msk $0xffff, v23;
	v29 =	vld [tilespmem:s18+$0xFFFFE210]  }
0x46d: {  	v23 =	vadd.f32 v32, v4;
	v6 =	vld [tilespmem:$0x1FF00]  }
0x46e: {  	v41 =	vld [tilespmem:s18+$0xFFFFE150];
	v25 =	vadd.s32 v13, v18  }
0x46f: {  	v33 =	vld [tilespmem:s18+$0xFFFFE190];
	[tilespmem:v31+s22+$0x0] =	vst.idx.msk $0xffff, v23;
	v31 =	vadd.s32 v62, v46  }
0x470: {  	v22 =	vld [tilespmem:s18+$0xFFFFE3F0];
	v24 =	vadd.s32 v36, v43  }
0x471: {  	v39 =	vadd.f32 v35, v4;
	v28 =	vld [tilespmem:s18+$0xFFFFE1D0];
	v27 =	vadd.s32 v10, v52  }
0x472: {  	v42 =	vld [tilespmem:s18+$0xFFFFE250];
	v29 =	vadd.f32 v29, v4;
	v32 =	vadd.s32 v6, v21  }
0x473: {  	v41 =	vadd.f32 v41, v4;
	v26 =	vadd.s32 v38, v17;
	[tilespmem:v25+s22+$0x0] =	vst.idx.msk $0xffff, v39  }
0x474: {  	v37 =	vld [tilespmem:s18+$0xFFFFE290];
	v38 =	vadd.s32 v45, v15;
	v23 =	vadd.f32 v33, v4;
	[tilespmem:v31+s22+$0x0] =	vst.idx.msk $0xffff, v29  }
0x475: {  	v39 =	vld [tilespmem:s18+$0xFFFFE2D0];
	v22 =	vadd.f32 v22, v2;
	[tilespmem:v24+s22+$0x0] =	vst.idx.msk $0xffff, v41  }
0x476: {  	v41 =	vld [tilespmem:s18+$0xFFFFE310];
	[tilespmem:v27+s22+$0x0] =	vst.idx.msk $0xffff, v23;
	v23 =	vadd.f32 v28, v4;
	v27 =	vadd.s32 v11, v8  }
0x477: {  	v34 =	vadd.s32 v13, v7;
	[tilespmem:v32+s22+$0x0] =	vst.idx.msk $0xffff, v22;
	v22 =	vadd.f32 v42, v4  }
0x478: {  	[tilespmem:v26+s22+$0x0] =	vst.idx.msk $0xffff, v23;
	v23 =	vadd.s32 v14, v9  }
0x479: {  	v35 =	vld [tilespmem:s18+$0xFFFFE350];
	v45 =	vadd.f32 v37, v4;
	[tilespmem:v38+s22+$0x0] =	vst.idx.msk $0xffff, v22  }
0x47a: {  	v30 =	vadd.s32 v36, v44;
	v22 =	vadd.f32 v39, v4;
	v36 =	vld [tilespmem:$0x1FF10]  }
0x47b: {  	v31 =	vld [tilespmem:s18+$0xFFFFE390];
	v39 =	vadd.f32 v41, v4;
	[tilespmem:v27+s22+$0x0] =	vst.idx.msk $0xffff, v45  }
0x47c: {  	v42 =	vld [tilespmem:s18+$0x3C0];
	[tilespmem:v34+s22+$0x0] =	vst.idx.msk $0xffff, v22  }
0x47d: {  	v11 =	vld [tilespmem:$0x1FCC0];
	[tilespmem:v23+s22+$0x0] =	vst.idx.msk $0xffff, v39  }
0x47e: {  	v29 =	vadd.s32 v62, v59;
	v62 =	vld [tilespmem:$0x1FCE0]  }
0x47f: {  	v32 =	vld [tilespmem:s18+$0xFFFFE010];
	v24 =	vadd.s32 v36, v21  }
0x480: {  	v25 =	vld [tilespmem:s18+$0xFFFFE060];
	v28 =	vadd.s32 v10, v12  }
0x481: {  	v41 =	vld [tilespmem:s18+$0xFFFFE0A0];
	v22 =	vadd.f32 v35, v4  }
0x482: {  	v38 =	vld [tilespmem:s18+$0xFFFFE0E0];
	v23 =	vadd.f32 v42, v5;
	v37 =	vadd.s32 v11, v19  }
0x483: {  	v45 =	vld [tilespmem:s18+$0xFFFFE120];
	[tilespmem:v30+s22+$0x0] =	vst.idx.msk $0xffff, v22;
	v22 =	vadd.f32 v31, v4;
	v42 =	vadd.s32 v62, v20  }
0x484: {  	v39 =	vadd.f32 v32, v4;
	v13 =	vld [tilespmem:$0x1FD10];
	[tilespmem:v24+s22+$0x0] =	vst.idx.msk $0xffff, v23  }
0x485: {  	v23 =	vadd.f32 v25, v3;
	v14 =	vld [tilespmem:$0x1FD80];
	[tilespmem:v28+s22+$0x0] =	vst.idx.msk $0xffff, v22  }
0x486: {  	v30 =	vld [tilespmem:s18+$0xFFFFE1E0];
	v41 =	vadd.f32 v41, v3;
	[tilespmem:v29+s22+$0x0] =	vst.idx.msk $0xffff, v39  }
0x487: {  	v10 =	vld [tilespmem:$0x1FDF0];
	[tilespmem:v37+s22+$0x0] =	vst.idx.msk $0xffff, v23  }
0x488: {  	v23 =	vadd.f32 v38, v3;
	v38 =	vld [tilespmem:$0x1FF20];
	[tilespmem:v42+s22+$0x0] =	vst.idx.msk $0xffff, v41  }
0x489: {  	v31 =	vadd.s32 v13, v18;
	v42 =	vadd.f32 v45, v3;
	v45 =	vld [tilespmem:$0x1FE60]  }
0x48a: {  	v32 =	vld [tilespmem:s18+$0xFFFFE160];
	v39 =	vadd.s32 v40, v17  }
0x48b: {  	v22 =	vld [tilespmem:s18+$0x3D0];
	v24 =	vadd.s32 v14, v16  }
0x48c: {  	v29 =	vld [tilespmem:s18+$0xFFFFE1A0];
	v28 =	vadd.s32 v10, v43  }
0x48d: {  	v30 =	vadd.f32 v30, v3;
	v37 =	vld [tilespmem:s18+$0xFFFFE220];
	v33 =	vadd.s32 v38, v21  }
0x48e: {  	[tilespmem:v31+s22+$0x0] =	vst.idx.msk $0xffff, v23;
	v26 =	vadd.s32 v45, v52  }
0x48f: {  	v40 =	vld [tilespmem:s18+$0xFFFFE260];
	v41 =	vadd.s32 v63, v46;
	v23 =	vadd.f32 v32, v3;
	[tilespmem:v39+s22+$0x0] =	vst.idx.msk $0xffff, v30  }
0x490: {  	v22 =	vadd.f32 v22, v4;
	[tilespmem:v24+s22+$0x0] =	vst.idx.msk $0xffff, v42;
	v42 =	vld [tilespmem:s18+$0xFFFFE2A0]  }
0x491: {  	[tilespmem:v28+s22+$0x0] =	vst.idx.msk $0xffff, v23;
	v23 =	vadd.f32 v29, v3;
	v28 =	vadd.s32 v11, v15;
	v29 =	vld [tilespmem:s18+$0xFFFFE2E0]  }
0x492: {  	v34 =	vadd.s32 v62, v8;
	[tilespmem:v33+s22+$0x0] =	vst.idx.msk $0xffff, v22;
	v22 =	vadd.f32 v37, v3  }
0x493: {  	v35 =	vld [tilespmem:s18+$0xFFFFE320];
	[tilespmem:v26+s22+$0x0] =	vst.idx.msk $0xffff, v23;
	v23 =	vadd.s32 v13, v7  }
0x494: {  	v37 =	vadd.f32 v40, v3;
	[tilespmem:v41+s22+$0x0] =	vst.idx.msk $0xffff, v22  }
0x495: {  	v30 =	vadd.s32 v14, v9;
	v22 =	vadd.f32 v42, v3;
	v40 =	vld [tilespmem:$0x1FF30]  }
0x496: {  	v31 =	vld [tilespmem:s18+$0xFFFFE360];
	[tilespmem:v28+s22+$0x0] =	vst.idx.msk $0xffff, v37;
	v39 =	vadd.f32 v29, v3  }
0x497: {  	v32 =	vld [tilespmem:s18+$0xFFFFE020];
	[tilespmem:v34+s22+$0x0] =	vst.idx.msk $0xffff, v22  }
0x498: {  	v62 =	vld [tilespmem:s18+$0x3E0];
	v22 =	vadd.f32 v35, v3;
	[tilespmem:v23+s22+$0x0] =	vst.idx.msk $0xffff, v39  }
0x499: {  	v33 =	vadd.s32 v45, v12;
	v45 =	vld [tilespmem:$0x1FFD0]  }
0x49a: {  	v24 =	vld [tilespmem:s18+$0xFFFFE3A0];
	v25 =	vadd.s32 v40, v21;
	[tilespmem:v30+s22+$0x0] =	vst.idx.msk $0xffff, v22  }
0x49b: {  	v28 =	vadd.s32 v10, v44;
	v10 =	vld [tilespmem:$0x1FFE0]  }
0x49c: {  	v41 =	vld [tilespmem:s18+$0xFFFFE070]  }
0x49d: {  	v34 =	vadd.s32 v63, v59;
	v23 =	vadd.f32 v62, v3  }
0x49e: {  	v37 =	vld [tilespmem:s18+$0xFFFFE0B0];
	v22 =	vadd.f32 v31, v3;
	v42 =	vadd.s32 v45, v19  }
0x49f: {  	v24 =	vadd.f32 v24, v3;
	v62 =	vld [tilespmem:s18+$0xFFFFE0F0];
	[tilespmem:v25+s22+$0x0] =	vst.idx.msk $0xffff, v23  }
0x4a0: {  	v23 =	vadd.f32 v32, v3;
	v63 =	vadd.s32 v10, v20;
	v13 =	vld [tilespmem:$0x1FD20];
	[tilespmem:v28+s22+$0x0] =	vst.idx.msk $0xffff, v22  }
0x4a1: {  	v41 =	vadd.f32 v41, v2;
	v14 =	vld [tilespmem:$0x1FD90];
	[tilespmem:v33+s22+$0x0] =	vst.idx.msk $0xffff, v24  }
0x4a2: {  	v39 =	vld [tilespmem:s18+$0xFFFFE130];
	[tilespmem:v34+s22+$0x0] =	vst.idx.msk $0xffff, v23  }
0x4a3: {  	v23 =	vadd.f32 v37, v2;
	v11 =	vld [tilespmem:$0x1FF40];
	[tilespmem:v42+s22+$0x0] =	vst.idx.msk $0xffff, v41  }
0x4a4: {  	v35 =	vld [tilespmem:$0x1FE00]  }
0x4a5: {  	v22 =	vld [tilespmem:s18+$0x3F0];
	v25 =	vadd.s32 v13, v18;
	[tilespmem:v63+s22+$0x0] =	vst.idx.msk $0xffff, v23  }
0x4a6: {  	v42 =	vadd.f32 v62, v2;
	v62 =	vld [tilespmem:$0x1FE70]  }
0x4a7: {  	v32 =	vld [tilespmem:s18+$0xFFFFE170];
	v29 =	vadd.s32 v14, v16  }
0x4a8: {  	v37 =	vld [tilespmem:s18+$0xFFFFE1F0];
	v21 =	vadd.s32 v11, v21  }
0x4a9: {  	v24 =	vld [tilespmem:s18+$0xFFFFE1B0];
	v27 =	vadd.s32 v35, v43  }
0x4aa: {  	v41 =	vld [tilespmem:s18+$0xFFFFE230];
	v23 =	vadd.f32 v39, v2;
	[tilespmem:v25+s22+$0x0] =	vst.idx.msk $0xffff, v42;
	v25 =	vadd.s32 v6, v17  }
0x4ab: {  	v22 =	vadd.f32 v22, v2;
	v42 =	vld [tilespmem:s18+$0xFFFFE270];
	v39 =	vadd.s32 v62, v52  }
0x4ac: {  	[tilespmem:v29+s22+$0x0] =	vst.idx.msk $0xffff, v23;
	v23 =	vadd.f32 v32, v2;
	v29 =	vadd.s32 v53, v46;
	v32 =	vld [tilespmem:s18+$0xFFFFE2B0]  }
0x4ad: {  	v33 =	vadd.s32 v45, v15;
	[tilespmem:v21+s22+$0x0] =	vst.idx.msk $0xffff, v22;
	v21 =	vadd.f32 v37, v2  }
0x4ae: {  	v24 =	vadd.f32 v24, v2;
	v22 =	vadd.s32 v10, v8;
	[tilespmem:v27+s22+$0x0] =	vst.idx.msk $0xffff, v23  }
0x4af: {  	v37 =	vadd.f32 v41, v2;
	[tilespmem:v25+s22+$0x0] =	vst.idx.msk $0xffff, v21  }
0x4b0: {  	v21 =	vadd.f32 v42, v2;
	[tilespmem:v39+s22+$0x0] =	vst.idx.msk $0xffff, v24  }
0x4b1: {  	v63 =	vld [tilespmem:s18+$0xFFFFE2F0];
	[tilespmem:v29+s22+$0x0] =	vst.idx.msk $0xffff, v37;
	v45 =	vadd.f32 v32, v2  }
0x4b2: {  	v41 =	vld [tilespmem:s18+$0xFFFFE370];
	[tilespmem:v33+s22+$0x0] =	vst.idx.msk $0xffff, v21  }
0x4b3: {  	v23 =	vld [tilespmem:s18+$0xFFFFE330];
	[tilespmem:v22+s22+$0x0] =	vst.idx.msk $0xffff, v45  }
0x4b4: {  	v39 =	vadd.s32 v13, v7;
	v29 =	vadd.s32 v35, v44;
	v35 =	vld [tilespmem:$0x1FF80]  }
0x4b5: {  	v26 =	vld [tilespmem:s18+$0xFFFFE3B0];
	v25 =	vadd.s32 v14, v9  }
0x4b6: {  	v42 =	vld [tilespmem:s18+$0xFFFFE030]  }
0x4b7: {  	v31 =	vld [tilespmem:s18+$0x40];
	v32 =	vadd.s32 v62, v12;
	v21 =	vadd.f32 v63, v2  }
0x4b8: {  	v33 =	vadd.s32 v53, v59;
	v22 =	vadd.f32 v23, v2  }
0x4b9: {  	v24 =	vld [tilespmem:s18+$0xC0];
	[tilespmem:v39+s22+$0x0] =	vst.idx.msk $0xffff, v21;
	v21 =	vadd.f32 v41, v2;
	v23 =	vadd.s32 v35, v19  }
0x4ba: {  	v37 =	vld [tilespmem:$0x1FF90];
	[tilespmem:v25+s22+$0x0] =	vst.idx.msk $0xffff, v22;
	v22 =	vadd.f32 v26, v2  }
0x4bb: {  	v42 =	vadd.f32 v42, v2;
	v6 =	vld [tilespmem:$0x1FD30];
	[tilespmem:v29+s22+$0x0] =	vst.idx.msk $0xffff, v21  }
0x4bc: {  	v21 =	vadd.f32 v31, v5;
	v10 =	vld [tilespmem:$0x1FDA0];
	[tilespmem:v32+s22+$0x0] =	vst.idx.msk $0xffff, v22  }
0x4bd: {  	v63 =	vld [tilespmem:s18+$0x80];
	[tilespmem:v33+s22+$0x0] =	vst.idx.msk $0xffff, v42  }
0x4be: {  	v13 =	vld [tilespmem:$0x1FE10];
	[tilespmem:v23+s22+$0x0] =	vst.idx.msk $0xffff, v21  }
0x4bf: {  	v14 =	vld [tilespmem:$0x1FE80]  }
0x4c0: {  	v41 =	vld [tilespmem:s18+$0x100];
	v27 =	vadd.s32 v37, v20  }
0x4c1: {  	v45 =	vld [tilespmem:s18+$0x140];
	v26 =	vadd.s32 v6, v18  }
0x4c2: {  	v62 =	vld [tilespmem:s18+$0x180];
	v29 =	vadd.s32 v10, v16  }
0x4c3: {  	v22 =	vadd.f32 v63, v5;
	v63 =	vld [tilespmem:s18+$0x1C0];
	v25 =	vadd.s32 v13, v43  }
0x4c4: {  	v39 =	vld [tilespmem:s18+$0x200];
	v21 =	vadd.f32 v24, v5;
	v23 =	vadd.s32 v14, v52  }
0x4c5: {  	v42 =	vld [tilespmem:s18+$0x240];
	[tilespmem:v27+s22+$0x0] =	vst.idx.msk $0xffff, v22;
	v22 =	vadd.f32 v41, v5;
	v41 =	vadd.s32 v36, v17  }
0x4c6: {  	[tilespmem:v26+s22+$0x0] =	vst.idx.msk $0xffff, v21;
	v21 =	vadd.f32 v45, v5;
	v26 =	vadd.s32 v54, v46;
	v45 =	vld [tilespmem:s18+$0x280]  }
0x4c7: {  	v36 =	vadd.s32 v35, v15;
	[tilespmem:v29+s22+$0x0] =	vst.idx.msk $0xffff, v22;
	v22 =	vadd.f32 v62, v5  }
0x4c8: {  	[tilespmem:v25+s22+$0x0] =	vst.idx.msk $0xffff, v21;
	v21 =	vadd.f32 v63, v5;
	v63 =	vadd.s32 v37, v8  }
0x4c9: {  	[tilespmem:v23+s22+$0x0] =	vst.idx.msk $0xffff, v22;
	v22 =	vadd.f32 v39, v5  }
0x4ca: {  	[tilespmem:v41+s22+$0x0] =	vst.idx.msk $0xffff, v21;
	v21 =	vadd.f32 v42, v5  }
0x4cb: {  	v62 =	vld [tilespmem:s18+$0x2C0];
	[tilespmem:v26+s22+$0x0] =	vst.idx.msk $0xffff, v22;
	v22 =	vadd.f32 v45, v5  }
0x4cc: {  	v37 =	vld [tilespmem:s18+$0x300];
	[tilespmem:v36+s22+$0x0] =	vst.idx.msk $0xffff, v21  }
0x4cd: {  	v39 =	vld [tilespmem:s18+$0x340];
	[tilespmem:v63+s22+$0x0] =	vst.idx.msk $0xffff, v22  }
0x4ce: {  	v23 =	vadd.s32 v6, v7;
	v6 =	vld [tilespmem:$0x1FFB0]  }
0x4cf: {  	v41 =	vadd.s32 v10, v9;
	v42 =	vld [tilespmem:s18+$0x380]  }
0x4d0: {  	v33 =	vld [tilespmem:s18+$0x0];
	v26 =	vadd.s32 v13, v44  }
0x4d1: {  	v29 =	vadd.s32 v14, v12;
	v21 =	vadd.f32 v62, v5;
	v45 =	vld [tilespmem:s18+$0x50]  }
0x4d2: {  	v31 =	vadd.s32 v54, v59;
	v22 =	vadd.f32 v37, v5  }
0x4d3: {  	v36 =	vld [tilespmem:s18+$0x90];
	[tilespmem:v23+s22+$0x0] =	vst.idx.msk $0xffff, v21;
	v21 =	vadd.f32 v39, v5;
	v37 =	vadd.s32 v6, v19  }
0x4d4: {  	v10 =	vld [tilespmem:$0x1FFC0];
	[tilespmem:v41+s22+$0x0] =	vst.idx.msk $0xffff, v22;
	v22 =	vadd.f32 v42, v5  }
0x4d5: {  	v39 =	vadd.f32 v33, v5;
	v13 =	vld [tilespmem:$0x1FD40];
	[tilespmem:v26+s22+$0x0] =	vst.idx.msk $0xffff, v21  }
0x4d6: {  	v21 =	vadd.f32 v45, v4;
	v35 =	vld [tilespmem:$0x1FDB0];
	[tilespmem:v29+s22+$0x0] =	vst.idx.msk $0xffff, v22  }
0x4d7: {  	v62 =	vld [tilespmem:s18+$0xD0];
	[tilespmem:v31+s22+$0x0] =	vst.idx.msk $0xffff, v39  }
0x4d8: {  	v34 =	vld [tilespmem:$0x1FE20];
	[tilespmem:v37+s22+$0x0] =	vst.idx.msk $0xffff, v21  }
0x4d9: {  	v37 =	vld [tilespmem:$0x1FE90]  }
0x4da: {  	v63 =	vld [tilespmem:s18+$0x110];
	v23 =	vadd.s32 v10, v20  }
0x4db: {  	v42 =	vld [tilespmem:s18+$0x150];
	v41 =	vadd.s32 v13, v18  }
0x4dc: {  	v45 =	vld [tilespmem:s18+$0x190];
	v26 =	vadd.s32 v35, v16  }
0x4dd: {  	v22 =	vadd.f32 v36, v4;
	v29 =	vld [tilespmem:s18+$0x1D0];
	v27 =	vadd.s32 v34, v43  }
0x4de: {  	v21 =	vadd.f32 v62, v4;
	v62 =	vld [tilespmem:s18+$0x210];
	v39 =	vadd.s32 v37, v52  }
0x4df: {  	[tilespmem:v23+s22+$0x0] =	vst.idx.msk $0xffff, v22;
	v22 =	vadd.f32 v63, v4;
	v23 =	vadd.s32 v38, v17;
	v63 =	vld [tilespmem:s18+$0x250]  }
0x4e0: {  	[tilespmem:v41+s22+$0x0] =	vst.idx.msk $0xffff, v21;
	v21 =	vadd.f32 v42, v4;
	v41 =	vadd.s32 v61, v46;
	v42 =	vld [tilespmem:s18+$0x290]  }
0x4e1: {  	[tilespmem:v26+s22+$0x0] =	vst.idx.msk $0xffff, v22;
	v22 =	vadd.f32 v45, v4;
	v26 =	vadd.s32 v6, v15  }
0x4e2: {  	v36 =	vadd.s32 v10, v8;
	[tilespmem:v27+s22+$0x0] =	vst.idx.msk $0xffff, v21;
	v21 =	vadd.f32 v29, v4  }
0x4e3: {  	v24 =	vld [tilespmem:s18+$0x390];
	[tilespmem:v39+s22+$0x0] =	vst.idx.msk $0xffff, v22;
	v22 =	vadd.f32 v62, v4  }
0x4e4: {  	v45 =	vld [tilespmem:s18+$0x2D0];
	[tilespmem:v23+s22+$0x0] =	vst.idx.msk $0xffff, v21;
	v21 =	vadd.f32 v63, v4  }
0x4e5: {  	v38 =	vld [tilespmem:s18+$0x310];
	[tilespmem:v41+s22+$0x0] =	vst.idx.msk $0xffff, v22;
	v22 =	vadd.f32 v42, v4  }
0x4e6: {  	[tilespmem:v26+s22+$0x0] =	vst.idx.msk $0xffff, v21;
	v39 =	vadd.s32 v13, v7;
	v62 =	vld [tilespmem:s18+$0x350]  }
0x4e7: {  	v23 =	vadd.s32 v35, v9;
	v63 =	vld [tilespmem:s18+$0x10];
	[tilespmem:v36+s22+$0x0] =	vst.idx.msk $0xffff, v22  }
0x4e8: {  	v41 =	vadd.s32 v34, v44;
	v6 =	vld [tilespmem:$0x1FFA0]  }
0x4e9: {  	v21 =	vadd.f32 v45, v4;
	v26 =	vadd.s32 v37, v12;
	v45 =	vld [tilespmem:s18+$0xE0]  }
0x4ea: {  	v30 =	vadd.s32 v61, v59;
	v42 =	vld [tilespmem:s18+$0x60];
	v22 =	vadd.f32 v38, v4  }
0x4eb: {  	v34 =	vld [tilespmem:s18+$0xA0];
	[tilespmem:v39+s22+$0x0] =	vst.idx.msk $0xffff, v21;
	v21 =	vadd.f32 v62, v4  }
0x4ec: {  	v37 =	vld [tilespmem:$0x1FF70];
	[tilespmem:v23+s22+$0x0] =	vst.idx.msk $0xffff, v22;
	v22 =	vadd.f32 v24, v4  }
0x4ed: {  	v23 =	vadd.f32 v63, v4;
	v38 =	vld [tilespmem:$0x1FD50];
	[tilespmem:v41+s22+$0x0] =	vst.idx.msk $0xffff, v21;
	v27 =	vadd.s32 v6, v19  }
0x4ee: {  	v39 =	vld [tilespmem:$0x1FDC0];
	[tilespmem:v26+s22+$0x0] =	vst.idx.msk $0xffff, v22  }
0x4ef: {  	v62 =	vld [tilespmem:s18+$0x120];
	[tilespmem:v30+s22+$0x0] =	vst.idx.msk $0xffff, v23  }
0x4f0: {  	v21 =	vadd.f32 v42, v3;
	v22 =	vadd.f32 v34, v3;
	v34 =	vld [tilespmem:$0x1FE30]  }
0x4f1: {  	v36 =	vadd.s32 v40, v17;
	v40 =	vld [tilespmem:s18+$0x2A0]  }
0x4f2: {  	v63 =	vld [tilespmem:s18+$0x160];
	v25 =	vadd.s32 v37, v20;
	[tilespmem:v27+s22+$0x0] =	vst.idx.msk $0xffff, v21  }
0x4f3: {  	v24 =	vadd.s32 v38, v18;
	v35 =	vld [tilespmem:$0x1FEA0]  }
0x4f4: {  	v42 =	vld [tilespmem:s18+$0x1A0];
	v41 =	vadd.s32 v39, v16  }
0x4f5: {  	v26 =	vld [tilespmem:s18+$0x1E0];
	v23 =	vadd.s32 v34, v43  }
0x4f6: {  	v21 =	vadd.f32 v45, v3;
	v45 =	vld [tilespmem:s18+$0x220]  }
0x4f7: {  	[tilespmem:v25+s22+$0x0] =	vst.idx.msk $0xffff, v22;
	v22 =	vadd.f32 v62, v3;
	v62 =	vld [tilespmem:s18+$0x260]  }
0x4f8: {  	v25 =	vld [tilespmem:s18+$0x3A0];
	[tilespmem:v24+s22+$0x0] =	vst.idx.msk $0xffff, v21;
	v21 =	vadd.f32 v63, v3;
	v27 =	vadd.s32 v35, v52  }
0x4f9: {  	v29 =	vadd.s32 v38, v7;
	v38 =	vld [tilespmem:s18+$0x70];
	[tilespmem:v41+s22+$0x0] =	vst.idx.msk $0xffff, v22;
	v22 =	vadd.f32 v42, v3  }
0x4fa: {  	v41 =	vadd.s32 v6, v15;
	v42 =	vld [tilespmem:s18+$0x2E0];
	[tilespmem:v23+s22+$0x0] =	vst.idx.msk $0xffff, v21;
	v21 =	vadd.f32 v26, v3  }
0x4fb: {  	v63 =	vadd.s32 v51, v46;
	v23 =	vld [tilespmem:s18+$0x320]  }
0x4fc: {  	v26 =	vld [tilespmem:s18+$0x360];
	[tilespmem:v36+s22+$0x0] =	vst.idx.msk $0xffff, v21;
	v21 =	vadd.f32 v62, v3  }
0x4fd: {  	v62 =	vld [tilespmem:s18+$0xB0];
	[tilespmem:v27+s22+$0x0] =	vst.idx.msk $0xffff, v22;
	v22 =	vadd.f32 v45, v3;
	v45 =	vadd.s32 v37, v8  }
0x4fe: {  	v33 =	vld [tilespmem:s18+$0x1F0]  }
0x4ff: {  	v36 =	vadd.s32 v39, v9;
	[tilespmem:v41+s22+$0x0] =	vst.idx.msk $0xffff, v21;
	v37 =	vld [tilespmem:s18+$0x20]  }
0x500: {  	v24 =	vadd.s32 v34, v44;
	[tilespmem:v63+s22+$0x0] =	vst.idx.msk $0xffff, v22;
	v22 =	vadd.f32 v40, v3;
	v63 =	vld [tilespmem:s18+$0xF0]  }
0x501: {  	v21 =	vadd.f32 v42, v3;
	v42 =	vld [tilespmem:$0x1FF60]  }
0x502: {  	v28 =	vadd.s32 v35, v12;
	v23 =	vadd.f32 v23, v3;
	[tilespmem:v45+s22+$0x0] =	vst.idx.msk $0xffff, v22;
	v45 =	vld [tilespmem:s18+$0x130]  }
0x503: {  	v26 =	vadd.f32 v26, v3;
	v41 =	vld [tilespmem:$0x1FCF0];
	[tilespmem:v29+s22+$0x0] =	vst.idx.msk $0xffff, v21  }
0x504: {  	v40 =	vld [tilespmem:$0x1FD60];
	[tilespmem:v36+s22+$0x0] =	vst.idx.msk $0xffff, v23  }
0x505: {  	v32 =	vadd.s32 v51, v59;
	v25 =	vadd.f32 v25, v3;
	v39 =	vld [tilespmem:$0x1FDD0];
	[tilespmem:v24+s22+$0x0] =	vst.idx.msk $0xffff, v26  }
0x506: {  	s25 =	simm.s32 $0x10;
	v30 =	vadd.f32 v38, v2;
	v19 =	vadd.s32 v42, v19;
	v38 =	vld [tilespmem:$0x1FE40]  }
0x507: {  	v17 =	vadd.s32 v11, v17;
	v22 =	vmov s25;
	v29 =	vld [tilespmem:s18+$0x170];
	[tilespmem:v28+s22+$0x0] =	vst.idx.msk $0xffff, v25  }
0x508: {  	v21 =	vshrl.u32 v22, $0x3;
	v22 =	vadd.f32 v37, v3;
	v37 =	vld [tilespmem:$0x1FEB0];
	v20 =	vadd.s32 v41, v20  }
0x509: {  	v62 =	vadd.f32 v62, v2;
	v31 =	vld [tilespmem:s18+$0x1B0];
	v63 =	vadd.f32 v63, v2;
	v18 =	vadd.s32 v40, v18  }
0x50a: {  	s26 =	simm.s32 $0x11;
	[tilespmem:v32+s22+$0x0] =	vst.idx.msk $0xffff, v22;
	v27 =	vadd.f32 v45, v2;
	v45 =	vld [tilespmem:s18+$0x270];
	v16 =	vadd.s32 v39, v16  }
0x50b: {  	s28 =	simm.s32 $0x12;
	v23 =	vmov s26;
	v21 =	vshll.u32 v21, v0;
	[tilespmem:v19+s22+$0x0] =	vst.idx.msk $0xffff, v30;
	v13 =	vadd.s32 v38, v43;
	v43 =	vld [tilespmem:s18+$0x230]  }
0x50c: {  	s24 =	simm.s32 $0x13;
	v24 =	vmov s28;
	v15 =	vadd.s32 v42, v15;
	v29 =	vadd.f32 v29, v2;
	v36 =	vld [tilespmem:$0x1FF50]  }
0x50d: {  	s28 =	simm.s32 $0x16;
	v25 =	vmov s24;
	v11 =	vadd.s32 v41, v8;
	v10 =	vadd.s32 v37, v52;
	v52 =	vld [tilespmem:s18+$0x2B0];
	[tilespmem:v20+s22+$0x0] =	vst.idx.msk $0xffff, v62  }
0x50e: {  	s25 =	simm.s32 $0x14;
	v26 =	vmov s28;
	v8 =	vadd.s32 v40, v7;
	v9 =	vadd.s32 v39, v9;
	v62 =	vld [tilespmem:s18+$0x2F0];
	[tilespmem:v18+s22+$0x0] =	vst.idx.msk $0xffff, v63  }
0x50f: {  	s24 =	simm.s32 $0x17;
	v42 =	vld [tilespmem:s18+$0x370];
	v22 =	vmov s25;
	v7 =	vadd.s32 v38, v44;
	v18 =	vadd.f32 v33, v2;
	[tilespmem:v16+s22+$0x0] =	vst.idx.msk $0xffff, v27  }
0x510: {  	s26 =	simm.s32 $0x15;
	v28 =	vmov s24;
	v12 =	vadd.s32 v37, v12;
	v20 =	vadd.f32 v31, v2;
	[tilespmem:v13+s22+$0x0] =	vst.idx.msk $0xffff, v29  }
0x511: {  	s25 =	simm.s32 $0x18;
	v19 =	vmov s26;
	v63 =	vld [tilespmem:s18+$0x330];
	v14 =	vadd.s32 v36, v46;
	v13 =	vadd.f32 v45, v2;
	[tilespmem:v17+s22+$0x0] =	vst.idx.msk $0xffff, v18  }
0x512: {  	s24 =	simm.s32 $0x1B;
	s26 =	simm.s32 $0x19;
	v16 =	vmov s25;
	v41 =	vadd.f32 v43, v2;
	[tilespmem:v10+s22+$0x0] =	vst.idx.msk $0xffff, v20;
	v30 =	vadd.f32 v52, v2  }
0x513: {  	v43 =	vmov s26;
	v45 =	vld [tilespmem:s18+$0x3B0];
	v46 =	vmov s24;
	v17 =	vadd.f32 v62, v2;
	[tilespmem:v15+s22+$0x0] =	vst.idx.msk $0xffff, v13  }
0x514: {  	s28 =	simm.s32 $0x1A;
	s25 =	simm.s32 $0x1C;
	s26 =	simm.s32 $0x1D;
	v6 =	vadd.s32 v36, v59;
	v16 =	vshrl.u32 v16, $0x3;
	v20 =	vld [tilespmem:s18+$0x30];
	v15 =	vadd.f32 v42, v2;
	[tilespmem:v11+s22+$0x0] =	vst.idx.msk $0xffff, v30  }
0x515: {  	v10 =	vmov s28;
	v52 =	vmov s25;
	s28 =	simm.s32 $0x1E;
	v62 =	vmov s26;
	[tilespmem:v8+s22+$0x0] =	vst.idx.msk $0xffff, v17  }
0x516: {  	v13 =	vshrl.u32 v23, $0x3;
	v18 =	vadd.f32 v63, v2;
	v63 =	vmov s28;
	[tilespmem:v7+s22+$0x0] =	vst.idx.msk $0xffff, v15  }
0x517: {  	v17 =	vshrl.u32 v24, $0x3;
	v15 =	vshrl.u32 v28, $0x3;
	v7 =	vshrl.u32 v43, $0x3;
	[tilespmem:v14+s22+$0x0] =	vst.idx.msk $0xffff, v41  }
0x518: {  	v11 =	vadd.f32 v45, v2;
	v14 =	vshrl.u32 v25, $0x3;
	[tilespmem:v9+s22+$0x0] =	vst.idx.msk $0xffff, v18;
	v18 =	vshrl.u32 v19, $0x3  }
0x519: {  	v19 =	vshrl.u32 v26, $0x3;
	v9 =	vshrl.u32 v63, $0x3;
	v8 =	vadd.f32 v20, v2  }
0x51a: {  	v20 =	vshrl.u32 v22, $0x3;
	[tilespmem:v12+s22+$0x0] =	vst.idx.msk $0xffff, v11;
	v11 =	vshrl.u32 v10, $0x3;
	v12 =	vshrl.u32 v46, $0x3  }
0x51b: {  	s20 =	simm.s32 $0x20;
	s24 =	simm.s32 $0x1F;
	v10 =	vshrl.u32 v52, $0x3;
	[tilespmem:v6+s22+$0x0] =	vst.idx.msk $0xffff, v8;
	v6 =	vbroadcast v21, $0x0;
	v8 =	vshrl.u32 v62, $0x3  }
.LBB2_5:
0x51c: {  	v44 =	vld [tilespmem:$0x1FCA0]  }
0x51d: {  	v38 =	vld [tilespmem:$0x1FC90]  }
0x51e: {  	v39 =	vld [tilespmem:$0x1FC30]  }
0x51f: {  	v40 =	vld [tilespmem:$0x1FC40]  }
0x520: {  	v41 =	vld [tilespmem:$0x1FC50]  }
0x521: {  	v45 =	vld [tilespmem:$0x1FC60]  }
0x522: {  	v42 =	vld [tilespmem:$0x1FC70]  }
0x523: {  	v43 =	vld [tilespmem:$0x1FC80]  }
0x524: {  	v21 =	vmov s24;
	s18 =	sadd.s32 $0x400, s18;
	v37 =	vld [tilespmem:$0x1FED0]  }
0x525: {  	v22 =	vshll.u32 v20, v0;
	v20 =	vshrl.u32 v21, $0x3;
	v26 =	vld [tilespmem:s18+$0xFFFFE3C0]  }
0x526: {  	v23 =	vshll.u32 v18, v0;
	v27 =	vld [tilespmem:s18+$0xFFFFE000];
	v18 =	vshll.u32 v20, v0  }
0x527: {  	v13 =	vshll.u32 v13, v0;
	v29 =	vshll.u32 v12, v0;
	v12 =	vld [tilespmem:s18+$0xFFFFE040];
	v21 =	vbroadcast v18, $0x0  }
0x528: {  	v17 =	vshll.u32 v17, v0;
	v24 =	vshll.u32 v19, v0;
	v19 =	vbroadcast v13, $0x0;
	v31 =	vld [tilespmem:s18+$0xFFFFE080]  }
0x529: {  	v14 =	vshll.u32 v14, v0;
	v15 =	vshll.u32 v15, v0;
	v33 =	vld [tilespmem:s18+$0xFFFFE0C0];
	v13 =	vadd.s32 v44, v21  }
0x52a: {  	v25 =	vshll.u32 v16, v0;
	v35 =	vld [tilespmem:s18+$0xFFFFE140];
	v20 =	vbroadcast v17, $0x0;
	v17 =	vadd.s32 v39, v19  }
0x52b: {  	v34 =	vshll.u32 v9, v0;
	v36 =	vld [tilespmem:s18+$0xFFFFE180];
	v18 =	vbroadcast v14, $0x0;
	v30 =	vadd.s32 v38, v6  }
0x52c: {  	v16 =	vbroadcast v22, $0x0;
	v63 =	vld [tilespmem:s18+$0xFFFFE1C0];
	v9 =	vadd.s32 v40, v20;
	v22 =	vadd.f32 v26, v5  }
0x52d: {  	v7 =	vshll.u32 v7, v0;
	v14 =	vld [tilespmem:s18+$0xFFFFE100];
	v62 =	vadd.s32 v41, v18;
	v12 =	vadd.f32 v12, v5  }
0x52e: {  	v32 =	vshll.u32 v8, v0;
	v59 =	vadd.f32 v27, v5;
	v27 =	vld [tilespmem:s18+$0xFFFFE2C0];
	[tilespmem:v13+s22+$0x0] =	vst.idx.msk $0xffff, v22  }
0x52f: {  	v8 =	vbroadcast v24, $0x0;
	v13 =	vadd.f32 v31, v5;
	[tilespmem:v17+s22+$0x0] =	vst.idx.msk $0xffff, v12;
	v17 =	vbroadcast v15, $0x0;
	v15 =	vld [tilespmem:s18+$0xFFFFE200]  }
0x530: {  	v28 =	vshll.u32 v11, v0;
	v11 =	vbroadcast v23, $0x0;
	[tilespmem:v30+s22+$0x0] =	vst.idx.msk $0xffff, v59;
	v12 =	vadd.f32 v33, v5;
	v59 =	vld [tilespmem:s18+$0xFFFFE240]  }
0x531: {  	v23 =	vadd.s32 v45, v16;
	v26 =	vadd.s32 v43, v8;
	v24 =	vld [tilespmem:s18+$0xFFFFE3D0];
	[tilespmem:v9+s22+$0x0] =	vst.idx.msk $0xffff, v13  }
0x532: {  	v22 =	vadd.s32 v42, v11;
	v9 =	vadd.f32 v14, v5;
	[tilespmem:v62+s22+$0x0] =	vst.idx.msk $0xffff, v12;
	v62 =	vld [tilespmem:s18+$0xFFFFE280]  }
0x533: {  	v14 =	vbroadcast v7, $0x0;
	v7 =	vadd.f32 v36, v5;
	v12 =	vbroadcast v28, $0x0;
	v36 =	vld [tilespmem:s18+$0xFFFFE340]  }
0x534: {  	v13 =	vbroadcast v25, $0x0;
	v52 =	vadd.s32 v44, v17;
	v44 =	vld [tilespmem:s18+$0xFFFFE050]  }
0x535: {  	v25 =	vadd.s32 v37, v21;
	v28 =	vadd.s32 v40, v12;
	v40 =	vld [tilespmem:s18+$0xFFFFE300]  }
0x536: {  	v46 =	vadd.f32 v35, v5;
	[tilespmem:v23+s22+$0x0] =	vst.idx.msk $0xffff, v9;
	v23 =	vadd.s32 v38, v13;
	v38 =	vld [tilespmem:$0x1FEF0]  }
0x537: {  	v63 =	vadd.f32 v63, v5;
	v9 =	vbroadcast v29, $0x0;
	[tilespmem:v26+s22+$0x0] =	vst.idx.msk $0xffff, v7;
	v35 =	vld [tilespmem:s18+$0xFFFFE110]  }
0x538: {  	[tilespmem:v22+s22+$0x0] =	vst.idx.msk $0xffff, v46;
	v22 =	vadd.s32 v39, v14;
	v39 =	vld [tilespmem:$0x1FF00];
	v24 =	vadd.f32 v24, v4  }
0x539: {  	v30 =	vadd.s32 v41, v9;
	v41 =	vld [tilespmem:$0x1FCD0];
	[tilespmem:v52+s22+$0x0] =	vst.idx.msk $0xffff, v63  }
0x53a: {  	v10 =	vshll.u32 v10, v0;
	v7 =	vbroadcast v32, $0x0;
	v15 =	vadd.f32 v15, v5;
	v63 =	vld [tilespmem:s18+$0xFFFFE380];
	[tilespmem:v25+s22+$0x0] =	vst.idx.msk $0xffff, v24  }
0x53b: {  	v10 =	vbroadcast v10, $0x0;
	v46 =	vadd.f32 v59, v5;
	v59 =	vld [tilespmem:s18+$0xFFFFE3E0]  }
0x53c: {  	[tilespmem:v23+s22+$0x0] =	vst.idx.msk $0xffff, v15;
	v23 =	vadd.f32 v62, v5;
	v62 =	vadd.s32 v42, v7;
	v42 =	vld [tilespmem:$0x1FD70]  }
0x53d: {  	v52 =	vadd.s32 v45, v10;
	[tilespmem:v22+s22+$0x0] =	vst.idx.msk $0xffff, v46;
	v22 =	vadd.f32 v27, v5;
	v27 =	vld [tilespmem:s18+$0xFFFFE090]  }
0x53e: {  	v15 =	vbroadcast v34, $0x0;
	v46 =	vld [tilespmem:s18+$0xFFFFE0D0]  }
0x53f: {  	[tilespmem:v28+s22+$0x0] =	vst.idx.msk $0xffff, v23;
	v23 =	vadd.f32 v40, v5;
	v40 =	vld [tilespmem:$0x1FCB0]  }
0x540: {  	v24 =	vadd.s32 v38, v21;
	v28 =	vadd.s32 v43, v15;
	v43 =	vld [tilespmem:$0x1FDE0]  }
0x541: {  	[tilespmem:v30+s22+$0x0] =	vst.idx.msk $0xffff, v22;
	v22 =	vadd.f32 v36, v5;
	v36 =	vld [tilespmem:$0x1FD00]  }
0x542: {  	v30 =	vadd.s32 v41, v20;
	[tilespmem:v52+s22+$0x0] =	vst.idx.msk $0xffff, v23;
	v52 =	vld [tilespmem:s18+$0xFFFFE150]  }
0x543: {  	v23 =	vadd.f32 v59, v3;
	[tilespmem:v62+s22+$0x0] =	vst.idx.msk $0xffff, v22;
	v22 =	vadd.f32 v63, v5;
	v63 =	vld [tilespmem:s18+$0xFFFFE190]  }
0x544: {  	v59 =	vadd.f32 v44, v4;
	v62 =	vadd.s32 v42, v16;
	v44 =	vld [tilespmem:$0x1FE50];
	v34 =	vadd.f32 v46, v4  }
0x545: {  	v46 =	vld [tilespmem:s18+$0xFFFFE1D0];
	v45 =	vadd.s32 v40, v19;
	[tilespmem:v24+s22+$0x0] =	vst.idx.msk $0xffff, v23;
	v23 =	vadd.f32 v27, v4  }
0x546: {  	[tilespmem:v28+s22+$0x0] =	vst.idx.msk $0xffff, v22;
	v22 =	vld [tilespmem:s18+$0xFFFFE3F0]  }
0x547: {  	v24 =	vadd.s32 v43, v11;
	[tilespmem:v30+s22+$0x0] =	vst.idx.msk $0xffff, v23;
	v23 =	vadd.f32 v35, v4;
	v30 =	vld [tilespmem:s18+$0xFFFFE210]  }
0x548: {  	v35 =	vld [tilespmem:s18+$0xFFFFE350]  }
0x549: {  	v25 =	vadd.s32 v36, v18;
	[tilespmem:v62+s22+$0x0] =	vst.idx.msk $0xffff, v23;
	v23 =	vadd.f32 v63, v4;
	v63 =	vld [tilespmem:s18+$0xFFFFE290]  }
0x54a: {  	v52 =	vadd.f32 v52, v4;
	v28 =	vadd.s32 v44, v8;
	[tilespmem:v45+s22+$0x0] =	vst.idx.msk $0xffff, v59;
	v59 =	vld [tilespmem:s18+$0xFFFFE250]  }
0x54b: {  	v31 =	vadd.s32 v39, v21;
	v45 =	vadd.s32 v37, v17;
	v37 =	vld [tilespmem:$0x1FEC0]  }
0x54c: {  	[tilespmem:v24+s22+$0x0] =	vst.idx.msk $0xffff, v52;
	v24 =	vadd.s32 v40, v14;
	v40 =	vld [tilespmem:s18+$0xFFFFE2D0]  }
0x54d: {  	v52 =	vld [tilespmem:s18+$0xFFFFE310]  }
0x54e: {  	v27 =	vld [tilespmem:s18+$0xFFFFE120];
	[tilespmem:v25+s22+$0x0] =	vst.idx.msk $0xffff, v34;
	v22 =	vadd.f32 v22, v2;
	v34 =	vadd.s32 v36, v9  }
0x54f: {  	v36 =	vld [tilespmem:s18+$0xFFFFE010];
	[tilespmem:v28+s22+$0x0] =	vst.idx.msk $0xffff, v23;
	v23 =	vadd.f32 v46, v4;
	v46 =	vadd.s32 v41, v12  }
0x550: {  	v25 =	vld [tilespmem:s18+$0xFFFFE060];
	[tilespmem:v31+s22+$0x0] =	vst.idx.msk $0xffff, v22  }
0x551: {  	[tilespmem:v45+s22+$0x0] =	vst.idx.msk $0xffff, v23;
	v22 =	vadd.f32 v59, v4;
	v23 =	vadd.s32 v42, v10;
	v45 =	vld [tilespmem:s18+$0x3C0]  }
0x552: {  	v41 =	vld [tilespmem:$0x1FCC0];
	v59 =	vadd.f32 v63, v4  }
0x553: {  	v28 =	vadd.s32 v44, v15;
	v44 =	vld [tilespmem:$0x1FE60];
	v62 =	vadd.s32 v37, v13;
	[tilespmem:v24+s22+$0x0] =	vst.idx.msk $0xffff, v22  }
0x554: {  	v22 =	vadd.f32 v40, v4;
	v40 =	vld [tilespmem:$0x1FF10];
	[tilespmem:v46+s22+$0x0] =	vst.idx.msk $0xffff, v59;
	v46 =	vadd.f32 v52, v4  }
0x555: {  	v63 =	vld [tilespmem:s18+$0xFFFFE390]  }
0x556: {  	v30 =	vadd.f32 v30, v4;
	[tilespmem:v23+s22+$0x0] =	vst.idx.msk $0xffff, v46;
	v23 =	vadd.f32 v45, v5;
	v45 =	vld [tilespmem:$0x1FCE0]  }
0x557: {  	v42 =	vld [tilespmem:$0x1FD80]  }
0x558: {  	v52 =	vld [tilespmem:s18+$0xFFFFE0A0];
	[tilespmem:v62+s22+$0x0] =	vst.idx.msk $0xffff, v30;
	v62 =	vadd.s32 v43, v7  }
0x559: {  	v59 =	vadd.f32 v36, v4;
	v36 =	vld [tilespmem:$0x1FD10];
	v24 =	vadd.s32 v40, v21  }
0x55a: {  	v29 =	vadd.s32 v37, v6;
	v37 =	vld [tilespmem:$0x1FF20]  }
0x55b: {  	[tilespmem:v34+s22+$0x0] =	vst.idx.msk $0xffff, v22;
	v22 =	vadd.f32 v35, v4;
	v43 =	vld [tilespmem:$0x1FDF0];
	v26 =	vadd.s32 v45, v20  }
0x55c: {  	v34 =	vadd.s32 v41, v19;
	v35 =	vld [tilespmem:s18+$0xFFFFE0E0]  }
0x55d: {  	v46 =	vadd.f32 v52, v3;
	v52 =	vld [tilespmem:s18+$0xFFFFE1A0];
	[tilespmem:v62+s22+$0x0] =	vst.idx.msk $0xffff, v22;
	v22 =	vadd.f32 v63, v4  }
0x55e: {  	v62 =	vadd.s32 v36, v18;
	v63 =	vld [tilespmem:s18+$0xFFFFE160];
	[tilespmem:v24+s22+$0x0] =	vst.idx.msk $0xffff, v23  }
0x55f: {  	v23 =	vadd.f32 v25, v3;
	v24 =	vadd.s32 v42, v16;
	[tilespmem:v28+s22+$0x0] =	vst.idx.msk $0xffff, v22;
	v22 =	vld [tilespmem:s18+$0x3D0]  }
0x560: {  	v28 =	vadd.s32 v43, v11;
	[tilespmem:v26+s22+$0x0] =	vst.idx.msk $0xffff, v46;
	v46 =	vld [tilespmem:$0x1FEE0]  }
0x561: {  	v30 =	vld [tilespmem:s18+$0xFFFFE1E0];
	v33 =	vadd.s32 v37, v21;
	[tilespmem:v34+s22+$0x0] =	vst.idx.msk $0xffff, v23;
	v23 =	vadd.f32 v35, v3  }
0x562: {  	[tilespmem:v29+s22+$0x0] =	vst.idx.msk $0xffff, v59;
	v59 =	vadd.f32 v27, v3;
	v27 =	vld [tilespmem:s18+$0xFFFFE220];
	v26 =	vadd.s32 v44, v8  }
0x563: {  	v35 =	vld [tilespmem:s18+$0xFFFFE320];
	[tilespmem:v62+s22+$0x0] =	vst.idx.msk $0xffff, v23;
	v23 =	vadd.f32 v63, v3  }
0x564: {  	v62 =	vadd.s32 v38, v17;
	v63 =	vld [tilespmem:s18+$0xFFFFE260];
	[tilespmem:v24+s22+$0x0] =	vst.idx.msk $0xffff, v59;
	v22 =	vadd.f32 v22, v4  }
0x565: {  	v38 =	vld [tilespmem:s18+$0xFFFFE2A0];
	[tilespmem:v28+s22+$0x0] =	vst.idx.msk $0xffff, v23;
	v23 =	vadd.f32 v52, v3;
	v24 =	vadd.s32 v46, v13  }
0x566: {  	v59 =	vld [tilespmem:s18+$0xFFFFE2E0];
	[tilespmem:v33+s22+$0x0] =	vst.idx.msk $0xffff, v22  }
0x567: {  	v30 =	vadd.f32 v30, v3;
	[tilespmem:v26+s22+$0x0] =	vst.idx.msk $0xffff, v23;
	v23 =	vadd.s32 v36, v9;
	v36 =	vld [tilespmem:$0x1FD20]  }
0x568: {  	v22 =	vadd.f32 v27, v3;
	v26 =	vld [tilespmem:s18+$0x3E0]  }
0x569: {  	[tilespmem:v62+s22+$0x0] =	vst.idx.msk $0xffff, v30;
	v62 =	vadd.f32 v63, v3;
	v63 =	vld [tilespmem:s18+$0xFFFFE360]  }
0x56a: {  	v52 =	vadd.s32 v41, v14;
	[tilespmem:v24+s22+$0x0] =	vst.idx.msk $0xffff, v22;
	v22 =	vadd.f32 v38, v3;
	v38 =	vld [tilespmem:$0x1FF30]  }
0x56b: {  	v34 =	vadd.s32 v45, v12;
	v30 =	vadd.s32 v42, v10;
	v42 =	vld [tilespmem:s18+$0xFFFFE020]  }
0x56c: {  	v24 =	vld [tilespmem:s18+$0xFFFFE3A0]  }
0x56d: {  	v45 =	vadd.f32 v59, v3;
	v59 =	vld [tilespmem:s18+$0xFFFFE070]  }
0x56e: {  	v33 =	vadd.s32 v44, v15;
	v28 =	vld [tilespmem:s18+$0xFFFFE1F0]  }
0x56f: {  	[tilespmem:v52+s22+$0x0] =	vst.idx.msk $0xffff, v62;
	v62 =	vld [tilespmem:s18+$0xFFFFE0F0];
	v41 =	vadd.s32 v38, v21  }
0x570: {  	v52 =	vadd.s32 v43, v7;
	v43 =	vld [tilespmem:$0x1FE70];
	[tilespmem:v34+s22+$0x0] =	vst.idx.msk $0xffff, v22;
	v22 =	vadd.f32 v35, v3  }
0x571: {  	[tilespmem:v23+s22+$0x0] =	vst.idx.msk $0xffff, v45;
	v34 =	vadd.s32 v46, v6;
	v35 =	vld [tilespmem:s18+$0xFFFFE0B0];
	v24 =	vadd.f32 v24, v3  }
0x572: {  	v23 =	vadd.f32 v26, v3;
	[tilespmem:v30+s22+$0x0] =	vst.idx.msk $0xffff, v22;
	v22 =	vadd.f32 v63, v3;
	v63 =	vld [tilespmem:s18+$0xFFFFE130]  }
0x573: {  	v30 =	vadd.s32 v55, v20;
	[tilespmem:v33+s22+$0x0] =	vst.idx.msk $0xffff, v24;
	v24 =	vld [tilespmem:s18+$0xFFFFE1B0]  }
0x574: {  	[tilespmem:v41+s22+$0x0] =	vst.idx.msk $0xffff, v23;
	v23 =	vadd.f32 v42, v3;
	v42 =	vld [tilespmem:$0x1FD90]  }
0x575: {  	v45 =	vadd.s32 v36, v18;
	v41 =	vld [tilespmem:$0x1FF40]  }
0x576: {  	v26 =	vadd.s32 v47, v19;
	[tilespmem:v34+s22+$0x0] =	vst.idx.msk $0xffff, v23;
	v23 =	vadd.f32 v35, v2;
	v35 =	vld [tilespmem:$0x1FE00]  }
0x577: {  	v44 =	vld [tilespmem:s18+$0xFFFFE230];
	v62 =	vadd.f32 v62, v2;
	[tilespmem:v52+s22+$0x0] =	vst.idx.msk $0xffff, v22  }
0x578: {  	v22 =	vld [tilespmem:s18+$0x3F0];
	[tilespmem:v30+s22+$0x0] =	vst.idx.msk $0xffff, v23;
	v23 =	vadd.f32 v63, v2;
	v63 =	vadd.s32 v43, v8  }
0x579: {  	v46 =	vadd.f32 v59, v2;
	v59 =	vld [tilespmem:s18+$0xFFFFE170];
	v52 =	vadd.s32 v42, v16  }
0x57a: {  	[tilespmem:v45+s22+$0x0] =	vst.idx.msk $0xffff, v62;
	v62 =	vld [tilespmem:s18+$0xFFFFE2F0];
	v21 =	vadd.s32 v41, v21  }
0x57b: {  	[tilespmem:v26+s22+$0x0] =	vst.idx.msk $0xffff, v46;
	v46 =	vld [tilespmem:s18+$0xFFFFE270];
	v24 =	vadd.f32 v24, v2;
	v27 =	vadd.s32 v35, v11  }
0x57c: {  	v45 =	vadd.s32 v39, v17;
	v33 =	vadd.s32 v47, v14;
	v34 =	vld [tilespmem:$0x1FE10]  }
0x57d: {  	v39 =	vadd.s32 v42, v10;
	v42 =	vld [tilespmem:s18+$0x80];
	v22 =	vadd.f32 v22, v2;
	[tilespmem:v63+s22+$0x0] =	vst.idx.msk $0xffff, v24  }
0x57e: {  	v63 =	vadd.f32 v44, v2;
	[tilespmem:v52+s22+$0x0] =	vst.idx.msk $0xffff, v23;
	v23 =	vadd.f32 v59, v2;
	v59 =	vld [tilespmem:s18+$0xFFFFE2B0]  }
0x57f: {  	v44 =	vld [tilespmem:s18+$0xFFFFE3B0];
	v52 =	vadd.s32 v53, v13;
	[tilespmem:v21+s22+$0x0] =	vst.idx.msk $0xffff, v22;
	v21 =	vadd.f32 v28, v2  }
0x580: {  	v22 =	vadd.s32 v55, v12;
	[tilespmem:v27+s22+$0x0] =	vst.idx.msk $0xffff, v23;
	v23 =	vld [tilespmem:s18+$0xFFFFE330]  }
0x581: {  	v27 =	vadd.s32 v36, v9;
	v36 =	vld [tilespmem:s18+$0xFFFFE370];
	[tilespmem:v45+s22+$0x0] =	vst.idx.msk $0xffff, v21;
	v21 =	vadd.f32 v46, v2  }
0x582: {  	v28 =	vld [tilespmem:s18+$0x100]  }
0x583: {  	v45 =	vld [tilespmem:s18+$0xFFFFE030];
	[tilespmem:v33+s22+$0x0] =	vst.idx.msk $0xffff, v21;
	v46 =	vadd.f32 v59, v2  }
0x584: {  	v21 =	vadd.f32 v62, v2;
	[tilespmem:v52+s22+$0x0] =	vst.idx.msk $0xffff, v63;
	v59 =	vld [tilespmem:s18+$0x40]  }
0x585: {  	v62 =	vadd.s32 v43, v15;
	v52 =	vadd.s32 v35, v7;
	v35 =	vld [tilespmem:$0x1FD30];
	[tilespmem:v22+s22+$0x0] =	vst.idx.msk $0xffff, v46  }
0x586: {  	v22 =	vadd.f32 v23, v2;
	[tilespmem:v27+s22+$0x0] =	vst.idx.msk $0xffff, v21;
	v21 =	vadd.f32 v36, v2;
	v36 =	vld [tilespmem:$0x1FDA0]  }
0x587: {  	v43 =	vld [tilespmem:s18+$0xC0];
	v63 =	vadd.s32 v53, v6;
	v23 =	vadd.s32 v48, v19  }
0x588: {  	[tilespmem:v39+s22+$0x0] =	vst.idx.msk $0xffff, v22;
	v22 =	vadd.f32 v44, v2;
	v44 =	vadd.f32 v45, v2;
	v45 =	vld [tilespmem:s18+$0x140]  }
0x589: {  	v27 =	vadd.s32 v56, v20;
	v39 =	vadd.s32 v40, v17;
	v40 =	vld [tilespmem:s18+$0x240]  }
0x58a: {  	v26 =	vadd.s32 v35, v18;
	[tilespmem:v52+s22+$0x0] =	vst.idx.msk $0xffff, v21;
	v21 =	vadd.f32 v59, v5;
	v52 =	vld [tilespmem:s18+$0x180]  }
0x58b: {  	[tilespmem:v62+s22+$0x0] =	vst.idx.msk $0xffff, v22;
	v22 =	vadd.f32 v42, v5;
	v42 =	vld [tilespmem:$0x1FE80];
	v46 =	vadd.s32 v36, v16  }
0x58c: {  	v59 =	vadd.s32 v34, v11;
	[tilespmem:v63+s22+$0x0] =	vst.idx.msk $0xffff, v44;
	v62 =	vld [tilespmem:s18+$0x1C0]  }
0x58d: {  	v63 =	vld [tilespmem:s18+$0x200];
	[tilespmem:v23+s22+$0x0] =	vst.idx.msk $0xffff, v21;
	v21 =	vadd.f32 v43, v5  }
0x58e: {  	v44 =	vld [tilespmem:s18+$0x280];
	[tilespmem:v27+s22+$0x0] =	vst.idx.msk $0xffff, v22;
	v22 =	vadd.f32 v28, v5  }
0x58f: {  	v33 =	vld [tilespmem:s18+$0x0];
	[tilespmem:v26+s22+$0x0] =	vst.idx.msk $0xffff, v21;
	v21 =	vadd.f32 v45, v5  }
0x590: {  	v23 =	vadd.s32 v42, v8;
	[tilespmem:v46+s22+$0x0] =	vst.idx.msk $0xffff, v22;
	v46 =	vld [tilespmem:s18+$0x2C0]  }
0x591: {  	[tilespmem:v59+s22+$0x0] =	vst.idx.msk $0xffff, v21;
	v59 =	vld [tilespmem:s18+$0x300]  }
0x592: {  	v45 =	vadd.s32 v48, v14;
	v21 =	vadd.f32 v62, v5;
	v62 =	vld [tilespmem:s18+$0x340]  }
0x593: {  	v43 =	vadd.s32 v54, v13;
	v22 =	vadd.f32 v52, v5;
	v24 =	vld [tilespmem:s18+$0x110]  }
0x594: {  	[tilespmem:v39+s22+$0x0] =	vst.idx.msk $0xffff, v21;
	v21 =	vadd.f32 v40, v5;
	v40 =	vld [tilespmem:s18+$0x50]  }
0x595: {  	v52 =	vadd.s32 v56, v12;
	v39 =	vadd.s32 v34, v7;
	v34 =	vld [tilespmem:$0x1FE20];
	[tilespmem:v23+s22+$0x0] =	vst.idx.msk $0xffff, v22  }
0x596: {  	v22 =	vadd.f32 v63, v5;
	v23 =	vadd.s32 v35, v9;
	v63 =	vadd.s32 v36, v10;
	v36 =	vld [tilespmem:s18+$0x380]  }
0x597: {  	[tilespmem:v45+s22+$0x0] =	vst.idx.msk $0xffff, v21;
	v45 =	vld [tilespmem:s18+$0x90]  }
0x598: {  	v35 =	vld [tilespmem:$0x1FD40];
	[tilespmem:v43+s22+$0x0] =	vst.idx.msk $0xffff, v22;
	v22 =	vadd.f32 v44, v5  }
0x599: {  	v21 =	vadd.f32 v46, v5;
	v30 =	vld [tilespmem:s18+$0x190];
	v43 =	vadd.s32 v42, v15  }
0x59a: {  	v44 =	vadd.s32 v54, v6;
	v42 =	vld [tilespmem:$0x1FE90];
	[tilespmem:v52+s22+$0x0] =	vst.idx.msk $0xffff, v22;
	v22 =	vadd.f32 v59, v5  }
0x59b: {  	v46 =	vadd.s32 v49, v19;
	v52 =	vld [tilespmem:s18+$0xD0];
	[tilespmem:v23+s22+$0x0] =	vst.idx.msk $0xffff, v21  }
0x59c: {  	v21 =	vadd.f32 v62, v5;
	[tilespmem:v63+s22+$0x0] =	vst.idx.msk $0xffff, v22;
	v22 =	vadd.f32 v36, v5;
	v36 =	vld [tilespmem:$0x1FDB0]  }
0x59d: {  	v59 =	vadd.f32 v33, v5;
	v33 =	vld [tilespmem:$0x1FD60];
	v23 =	vadd.s32 v57, v20  }
0x59e: {  	v62 =	vadd.s32 v35, v18;
	v63 =	vld [tilespmem:s18+$0x150];
	[tilespmem:v39+s22+$0x0] =	vst.idx.msk $0xffff, v21  }
0x59f: {  	v21 =	vadd.f32 v40, v4;
	[tilespmem:v44+s22+$0x0] =	vst.idx.msk $0xffff, v59;
	v59 =	vld [tilespmem:s18+$0x250]  }
0x5a0: {  	v39 =	vadd.s32 v34, v11;
	[tilespmem:v43+s22+$0x0] =	vst.idx.msk $0xffff, v22;
	v22 =	vadd.f32 v45, v4;
	v45 =	vld [tilespmem:s18+$0x1D0]  }
0x5a1: {  	v43 =	vld [tilespmem:s18+$0x2D0];
	[tilespmem:v46+s22+$0x0] =	vst.idx.msk $0xffff, v21;
	v21 =	vadd.f32 v52, v4;
	v26 =	vadd.s32 v36, v16  }
0x5a2: {  	v52 =	vld [tilespmem:s18+$0x210];
	[tilespmem:v23+s22+$0x0] =	vst.idx.msk $0xffff, v22;
	v23 =	vadd.s32 v37, v17  }
0x5a3: {  	v46 =	vadd.s32 v42, v8;
	v37 =	vld [tilespmem:s18+$0x310];
	[tilespmem:v62+s22+$0x0] =	vst.idx.msk $0xffff, v21;
	v21 =	vadd.f32 v63, v4  }
0x5a4: {  	v40 =	vadd.s32 v49, v14;
	v44 =	vadd.s32 v57, v12;
	v22 =	vadd.f32 v24, v4;
	v63 =	vld [tilespmem:s18+$0x290]  }
0x5a5: {  	v62 =	vadd.s32 v61, v13;
	[tilespmem:v39+s22+$0x0] =	vst.idx.msk $0xffff, v21;
	v21 =	vadd.f32 v45, v4;
	v45 =	vld [tilespmem:s18+$0x350]  }
0x5a6: {  	v39 =	vadd.s32 v35, v9;
	v35 =	vld [tilespmem:$0x1FD50];
	[tilespmem:v26+s22+$0x0] =	vst.idx.msk $0xffff, v22;
	v22 =	vadd.f32 v30, v4  }
0x5a7: {  	[tilespmem:v23+s22+$0x0] =	vst.idx.msk $0xffff, v21;
	v21 =	vadd.f32 v59, v4;
	v23 =	vadd.s32 v36, v10;
	v36 =	vld [tilespmem:$0x1FDC0]  }
0x5a8: {  	v59 =	vadd.s32 v34, v7;
	v34 =	vld [tilespmem:$0x1FE30];
	[tilespmem:v46+s22+$0x0] =	vst.idx.msk $0xffff, v22;
	v22 =	vadd.f32 v52, v4  }
0x5a9: {  	v46 =	vld [tilespmem:s18+$0x390]  }
0x5aa: {  	v52 =	vld [tilespmem:s18+$0x10];
	[tilespmem:v62+s22+$0x0] =	vst.idx.msk $0xffff, v22;
	v22 =	vadd.f32 v63, v4  }
0x5ab: {  	[tilespmem:v40+s22+$0x0] =	vst.idx.msk $0xffff, v21;
	v21 =	vadd.f32 v43, v4;
	v62 =	vld [tilespmem:s18+$0x60];
	v63 =	vadd.s32 v42, v15  }
0x5ac: {  	v40 =	vadd.s32 v61, v6;
	v42 =	vld [tilespmem:s18+$0xA0];
	[tilespmem:v44+s22+$0x0] =	vst.idx.msk $0xffff, v22;
	v22 =	vadd.f32 v37, v4  }
0x5ad: {  	v43 =	vadd.s32 v50, v19;
	[tilespmem:v39+s22+$0x0] =	vst.idx.msk $0xffff, v21;
	v21 =	vadd.f32 v45, v4;
	v44 =	vld [tilespmem:s18+$0xE0]  }
0x5ae: {  	v31 =	vld [tilespmem:s18+$0x120];
	[tilespmem:v23+s22+$0x0] =	vst.idx.msk $0xffff, v22;
	v22 =	vadd.f32 v46, v4  }
0x5af: {  	v45 =	vadd.s32 v35, v18;
	[tilespmem:v59+s22+$0x0] =	vst.idx.msk $0xffff, v21;
	v23 =	vadd.f32 v52, v4;
	v46 =	vld [tilespmem:s18+$0x160]  }
0x5b0: {  	v25 =	vadd.s32 v1, v20;
	v21 =	vadd.f32 v62, v3;
	v62 =	vld [tilespmem:s18+$0x1E0];
	[tilespmem:v63+s22+$0x0] =	vst.idx.msk $0xffff, v22  }
0x5b1: {  	[tilespmem:v40+s22+$0x0] =	vst.idx.msk $0xffff, v23;
	v22 =	vadd.f32 v42, v3;
	v23 =	vadd.s32 v34, v11;
	v42 =	vld [tilespmem:$0x1FEA0]  }
0x5b2: {  	v59 =	vld [tilespmem:s18+$0x1A0];
	v52 =	vadd.s32 v36, v16;
	[tilespmem:v43+s22+$0x0] =	vst.idx.msk $0xffff, v21;
	v21 =	vadd.f32 v44, v3  }
0x5b3: {  	v39 =	vadd.s32 v38, v17;
	v40 =	vld [tilespmem:s18+$0x260]  }
0x5b4: {  	v37 =	vld [tilespmem:s18+$0x220];
	[tilespmem:v45+s22+$0x0] =	vst.idx.msk $0xffff, v21;
	v21 =	vadd.f32 v46, v3  }
0x5b5: {  	[tilespmem:v25+s22+$0x0] =	vst.idx.msk $0xffff, v22;
	v22 =	vadd.f32 v31, v3;
	v45 =	vadd.s32 v50, v14;
	v46 =	vld [tilespmem:s18+$0x2E0]  }
0x5b6: {  	v44 =	vld [tilespmem:s18+$0x2A0];
	v63 =	vadd.s32 v42, v8;
	[tilespmem:v23+s22+$0x0] =	vst.idx.msk $0xffff, v21;
	v21 =	vadd.f32 v62, v3  }
0x5b7: {  	[tilespmem:v52+s22+$0x0] =	vst.idx.msk $0xffff, v22;
	v22 =	vadd.f32 v59, v3;
	v52 =	vld [tilespmem:s18+$0x320];
	v59 =	vadd.s32 v35, v9  }
0x5b8: {  	v43 =	vadd.s32 v51, v13;
	v35 =	vld [tilespmem:$0x1FCF0];
	[tilespmem:v39+s22+$0x0] =	vst.idx.msk $0xffff, v21;
	v21 =	vadd.f32 v40, v3  }
0x5b9: {  	v62 =	vld [tilespmem:s18+$0x360]  }
0x5ba: {  	v23 =	vadd.s32 v1, v12;
	v39 =	vld [tilespmem:s18+$0x70];
	[tilespmem:v45+s22+$0x0] =	vst.idx.msk $0xffff, v21;
	v21 =	vadd.f32 v46, v3  }
0x5bb: {  	[tilespmem:v63+s22+$0x0] =	vst.idx.msk $0xffff, v22;
	v22 =	vadd.f32 v37, v3;
	v37 =	vld [tilespmem:s18+$0x20]  }
0x5bc: {  	v63 =	vadd.s32 v36, v10;
	v36 =	vld [tilespmem:s18+$0x3A0];
	[tilespmem:v59+s22+$0x0] =	vst.idx.msk $0xffff, v21  }
0x5bd: {  	v38 =	vadd.s32 v34, v7;
	v59 =	vld [tilespmem:$0x1FDD0];
	[tilespmem:v43+s22+$0x0] =	vst.idx.msk $0xffff, v22;
	v22 =	vadd.f32 v44, v3  }
0x5be: {  	v19 =	vadd.s32 v58, v19;
	v18 =	vadd.s32 v33, v18;
	v17 =	vadd.s32 v41, v17;
	v43 =	vld [tilespmem:s18+$0xB0]  }
0x5bf: {  	v13 =	vadd.s32 v60, v13;
	v40 =	vadd.s32 v42, v15;
	[tilespmem:v23+s22+$0x0] =	vst.idx.msk $0xffff, v22;
	v23 =	vld [tilespmem:s18+$0xF0]  }
0x5c0: {  	v42 =	vadd.s32 v51, v6;
	v21 =	vadd.f32 v62, v3;
	v45 =	vadd.f32 v37, v3;
	v37 =	vld [tilespmem:$0x1FE40]  }
0x5c1: {  	s26 =	sadd.s32 $0x3, s20;
	v14 =	vadd.s32 v58, v14;
	v22 =	vadd.f32 v52, v3;
	v52 =	vadd.f32 v39, v2;
	v39 =	vld [tilespmem:$0x1FEB0]  }
0x5c2: {  	v31 =	vmov s26;
	v9 =	vadd.s32 v33, v9;
	v27 =	vld [tilespmem:s18+$0x130];
	v20 =	vadd.s32 v35, v20;
	[tilespmem:v38+s22+$0x0] =	vst.idx.msk $0xffff, v21  }
0x5c3: {  	v6 =	vadd.s32 v60, v6;
	v46 =	vld [tilespmem:s18+$0x170];
	v12 =	vadd.s32 v35, v12;
	v44 =	vmov s20;
	[tilespmem:v63+s22+$0x0] =	vst.idx.msk $0xffff, v22  }
0x5c4: {  	s28 =	sadd.s32 $0x1, s20;
	v62 =	vld [tilespmem:s18+$0x1B0];
	v25 =	vshrl.u32 v44, $0x3;
	v22 =	vadd.f32 v36, v3;
	v16 =	vadd.s32 v59, v16;
	[tilespmem:v19+s22+$0x0] =	vst.idx.msk $0xffff, v52  }
0x5c5: {  	v21 =	vmov s28;
	v38 =	vld [tilespmem:s18+$0x1F0];
	s28 =	sadd.s32 $0x4, s20;
	[tilespmem:v42+s22+$0x0] =	vst.idx.msk $0xffff, v45;
	v63 =	vadd.f32 v43, v2;
	v11 =	vadd.s32 v37, v11  }
0x5c6: {  	v24 =	vmov s28;
	s28 =	sadd.s32 $0x7, s20;
	[tilespmem:v40+s22+$0x0] =	vst.idx.msk $0xffff, v22;
	v19 =	vadd.f32 v23, v2;
	v8 =	vadd.s32 v39, v8;
	v23 =	vld [tilespmem:s18+$0x230]  }
0x5c7: {  	s25 =	sadd.s32 $0x2, s20;
	v25 =	vshll.u32 v25, v0;
	v44 =	vmov s28;
	v40 =	vld [tilespmem:s18+$0x270];
	[tilespmem:v20+s22+$0x0] =	vst.idx.msk $0xffff, v63;
	v20 =	vadd.f32 v27, v2  }
0x5c8: {  	s26 =	sadd.s32 $0x6, s20;
	v10 =	vadd.s32 v59, v10;
	v22 =	vmov s25;
	s25 =	sadd.s32 $0x5, s20;
	[tilespmem:v18+s22+$0x0] =	vst.idx.msk $0xffff, v19;
	v18 =	vadd.f32 v46, v2;
	v19 =	vld [tilespmem:s18+$0x2B0]  }
0x5c9: {  	v43 =	vmov s26;
	v41 =	vmov s25;
	s25 =	sadd.s32 $0x8, s20;
	[tilespmem:v16+s22+$0x0] =	vst.idx.msk $0xffff, v20;
	v16 =	vadd.f32 v62, v2;
	v20 =	vld [tilespmem:s18+$0x2F0]  }
0x5ca: {  	s28 =	sadd.s32 $0xA, s20;
	v15 =	vadd.s32 v39, v15;
	v45 =	vmov s25;
	[tilespmem:v11+s22+$0x0] =	vst.idx.msk $0xffff, v18;
	v11 =	vadd.f32 v38, v2;
	v18 =	vld [tilespmem:s18+$0x330]  }
0x5cb: {  	s25 =	sadd.s32 $0xB, s20;
	v7 =	vadd.s32 v37, v7;
	v46 =	vmov s28;
	s28 =	sadd.s32 $0xD, s20;
	[tilespmem:v8+s22+$0x0] =	vst.idx.msk $0xffff, v16;
	v8 =	vadd.f32 v23, v2;
	v16 =	vld [tilespmem:s18+$0x370]  }
0x5cc: {  	s26 =	sadd.s32 $0x9, s20;
	v52 =	vmov s25;
	s25 =	sadd.s32 $0xE, s20;
	v62 =	vmov s28;
	[tilespmem:v17+s22+$0x0] =	vst.idx.msk $0xffff, v11;
	v11 =	vadd.f32 v40, v2;
	v17 =	vld [tilespmem:s18+$0x3B0]  }
0x5cd: {  	v32 =	vld [tilespmem:s18+$0x30];
	v63 =	vmov s25;
	v23 =	vmov s26;
	s26 =	sadd.s32 $0xC, s20;
	[tilespmem:v13+s22+$0x0] =	vst.idx.msk $0xffff, v8;
	v8 =	vadd.f32 v19, v2  }
0x5ce: {  	v59 =	vmov s26;
	v13 =	vshrl.u32 v21, $0x3;
	[tilespmem:v14+s22+$0x0] =	vst.idx.msk $0xffff, v11;
	v11 =	vadd.f32 v20, v2  }
0x5cf: {  	p0 =	slt.u32 s20, $0x70;
	v19 =	vshrl.u32 v43, $0x3;
	[tilespmem:v12+s22+$0x0] =	vst.idx.msk $0xffff, v8;
	v12 =	vshrl.u32 v52, $0x3;
	v8 =	vadd.f32 v18, v2  }
.Ltmp1:
0x5d0: {  	v14 =	vshrl.u32 v31, $0x3;
	v20 =	vshrl.u32 v24, $0x3;
	[tilespmem:v9+s22+$0x0] =	vst.idx.msk $0xffff, v11;
	v9 =	vadd.f32 v16, v2;
	(pc) =	sbr.rel @p0 .LBB2_5-.Ltmp1, $4  }
0x5d1: {  	v18 =	vshrl.u32 v41, $0x3;
	v16 =	vshrl.u32 v45, $0x3;
	[tilespmem:v10+s22+$0x0] =	vst.idx.msk $0xffff, v8;
	v8 =	vadd.f32 v17, v2  }
0x5d2: {  	v11 =	vshrl.u32 v46, $0x3;
	v17 =	vshrl.u32 v22, $0x3;
	v10 =	vadd.f32 v32, v2;
	[tilespmem:v7+s22+$0x0] =	vst.idx.msk $0xffff, v9  }
0x5d3: {  	v7 =	vshrl.u32 v23, $0x3;
	v9 =	vshrl.u32 v63, $0x3;
	[tilespmem:v15+s22+$0x0] =	vst.idx.msk $0xffff, v8;
	v15 =	vshrl.u32 v44, $0x3  }
0x5d4: {  	s24 =	sadd.s32 $0xF, s20;
	s20 =	sadd.s32 $0x10, s20;
	[tilespmem:v6+s22+$0x0] =	vst.idx.msk $0xffff, v10;
	v10 =	vshrl.u32 v59, $0x3;
	v6 =	vbroadcast v25, $0x0;
	v8 =	vshrl.u32 v62, $0x3  }
0x5d5: {  	v43 =	vld [tilespmem:$0x1FCA0]  }
0x5d6: {  	v21 =	vmov s24;
	v37 =	vld [tilespmem:$0x1FC90]  }
0x5d7: {  	v38 =	vld [tilespmem:$0x1FC30];
	v21 =	vshrl.u32 v21, $0x3  }
0x5d8: {  	s18 =	sadd.s32 $0x400, s18;
	v39 =	vld [tilespmem:$0x1FC40];
	v21 =	vshll.u32 v21, v0  }
0x5d9: {  	v22 =	vld [tilespmem:s18+$0xFFFFE3C0];
	v21 =	vbroadcast v21, $0x0  }
0x5da: {  	v40 =	vld [tilespmem:$0x1FC50]  }
0x5db: {  	v13 =	vshll.u32 v13, v0;
	v23 =	vld [tilespmem:s18+$0xFFFFE000];
	v59 =	vadd.s32 v43, v21  }
0x5dc: {  	v17 =	vshll.u32 v17, v0;
	v24 =	vshll.u32 v7, v0;
	v52 =	vld [tilespmem:s18+$0xFFFFE040];
	v7 =	vbroadcast v13, $0x0  }
0x5dd: {  	v27 =	vshll.u32 v10, v0;
	v29 =	vld [tilespmem:s18+$0xFFFFE080];
	v10 =	vbroadcast v17, $0x0;
	v28 =	vadd.s32 v37, v6  }
0x5de: {  	v62 =	vadd.s32 v38, v7;
	v45 =	vadd.f32 v22, v5  }
0x5df: {  	v14 =	vshll.u32 v14, v0;
	v31 =	vld [tilespmem:s18+$0xFFFFE0C0];
	v63 =	vadd.s32 v39, v10  }
0x5e0: {  	v30 =	vshll.u32 v8, v0;
	v8 =	vbroadcast v14, $0x0;
	v33 =	vld [tilespmem:s18+$0xFFFFE100];
	v46 =	vadd.f32 v23, v5;
	[tilespmem:v59+s22+$0x0] =	vst.idx.msk $0xffff, v45  }
0x5e1: {  	v52 =	vadd.f32 v52, v5;
	v41 =	vld [tilespmem:$0x1FC60]  }
0x5e2: {  	v23 =	vadd.s32 v40, v8;
	v59 =	vadd.f32 v29, v5;
	v29 =	vld [tilespmem:s18+$0xFFFFE1C0];
	[tilespmem:v28+s22+$0x0] =	vst.idx.msk $0xffff, v46  }
0x5e3: {  	v20 =	vshll.u32 v20, v0;
	v18 =	vshll.u32 v18, v0;
	v36 =	vld [tilespmem:$0x1FC70];
	[tilespmem:v62+s22+$0x0] =	vst.idx.msk $0xffff, v52  }
0x5e4: {  	v15 =	vshll.u32 v15, v0;
	v32 =	vshll.u32 v9, v0;
	v9 =	vbroadcast v20, $0x0;
	v42 =	vld [tilespmem:$0x1FC80];
	[tilespmem:v63+s22+$0x0] =	vst.idx.msk $0xffff, v59  }
0x5e5: {  	v19 =	vshll.u32 v19, v0;
	v13 =	vbroadcast v15, $0x0;
	v62 =	vadd.f32 v31, v5;
	v44 =	vld [tilespmem:$0x1FED0]  }
0x5e6: {  	v25 =	vshll.u32 v11, v0;
	v34 =	vld [tilespmem:s18+$0xFFFFE140];
	v11 =	vbroadcast v18, $0x0;
	v20 =	vadd.s32 v41, v9  }
0x5e7: {  	v26 =	vshll.u32 v12, v0;
	v35 =	vld [tilespmem:s18+$0xFFFFE180];
	v12 =	vbroadcast v19, $0x0;
	[tilespmem:v23+s22+$0x0] =	vst.idx.msk $0xffff, v62;
	v23 =	vadd.s32 v43, v13  }
0x5e8: {  	v16 =	vshll.u32 v16, v0;
	v28 =	vld [tilespmem:s18+$0xFFFFE3D0];
	v22 =	vadd.s32 v36, v11  }
0x5e9: {  	v14 =	vbroadcast v16, $0x0;
	v31 =	vld [tilespmem:s18+$0xFFFFE200];
	v63 =	vadd.f32 v33, v5;
	v18 =	vadd.s32 v42, v12  }
0x5ea: {  	v15 =	vbroadcast v24, $0x0;
	v59 =	vld [tilespmem:s18+$0xFFFFE240];
	v46 =	vadd.f32 v29, v5;
	v33 =	vadd.s32 v44, v21  }
0x5eb: {  	v52 =	vadd.f32 v34, v5;
	[tilespmem:v20+s22+$0x0] =	vst.idx.msk $0xffff, v63;
	v20 =	vadd.s32 v37, v14  }
0x5ec: {  	v16 =	vbroadcast v25, $0x0;
	v62 =	vadd.f32 v35, v5;
	[tilespmem:v23+s22+$0x0] =	vst.idx.msk $0xffff, v46;
	v63 =	vld [tilespmem:s18+$0xFFFFE280];
	v37 =	vadd.s32 v38, v15  }
0x5ed: {  	v45 =	vadd.f32 v28, v4;
	v38 =	vld [tilespmem:s18+$0xFFFFE2C0];
	[tilespmem:v22+s22+$0x0] =	vst.idx.msk $0xffff, v52  }
0x5ee: {  	v29 =	vadd.s32 v39, v16;
	v39 =	vadd.f32 v31, v5;
	[tilespmem:v18+s22+$0x0] =	vst.idx.msk $0xffff, v62  }
0x5ef: {  	v59 =	vadd.f32 v59, v5;
	[tilespmem:v33+s22+$0x0] =	vst.idx.msk $0xffff, v45  }
0x5f0: {  	[tilespmem:v20+s22+$0x0] =	vst.idx.msk $0xffff, v39  }
0x5f1: {  	v17 =	vbroadcast v26, $0x0;
	[tilespmem:v37+s22+$0x0] =	vst.idx.msk $0xffff, v59  }
0x5f2: {  	v24 =	vadd.f32 v63, v5;
	v63 =	vadd.f32 v38, v5;
	v38 =	vld [tilespmem:$0x1FEF0]  }
0x5f3: {  	v43 =	vadd.s32 v40, v17;
	v52 =	vld [tilespmem:s18+$0xFFFFE300];
	v18 =	vbroadcast v27, $0x0  }
0x5f4: {  	v19 =	vbroadcast v30, $0x0;
	v31 =	vld [tilespmem:s18+$0xFFFFE340]  }
0x5f5: {  	v62 =	vadd.s32 v41, v18;
	v30 =	vld [tilespmem:s18+$0xFFFFE3E0]  }
0x5f6: {  	v45 =	vadd.s32 v36, v19  }
0x5f7: {  	[tilespmem:v29+s22+$0x0] =	vst.idx.msk $0xffff, v24;
	v36 =	vadd.s32 v38, v21  }
0x5f8: {  	v46 =	vld [tilespmem:s18+$0xFFFFE050];
	v52 =	vadd.f32 v52, v5;
	[tilespmem:v43+s22+$0x0] =	vst.idx.msk $0xffff, v63  }
0x5f9: {  	v31 =	vadd.f32 v31, v5;
	v40 =	vld [tilespmem:$0x1FCB0]  }
0x5fa: {  	v33 =	vld [tilespmem:s18+$0xFFFFE380];
	[tilespmem:v62+s22+$0x0] =	vst.idx.msk $0xffff, v52;
	v30 =	vadd.f32 v30, v3  }
0x5fb: {  	v20 =	vbroadcast v32, $0x0;
	v41 =	vld [tilespmem:$0x1FCD0];
	[tilespmem:v45+s22+$0x0] =	vst.idx.msk $0xffff, v31  }
0x5fc: {  	v34 =	vld [tilespmem:$0x1FD00];
	[tilespmem:v36+s22+$0x0] =	vst.idx.msk $0xffff, v30  }
0x5fd: {  	v32 =	vadd.s32 v42, v20;
	v35 =	vld [tilespmem:$0x1FD70]  }
0x5fe: {  	v37 =	vld [tilespmem:s18+$0xFFFFE090];
	v23 =	vadd.s32 v40, v7  }
0x5ff: {  	v59 =	vld [tilespmem:s18+$0xFFFFE0D0]  }
0x600: {  	v33 =	vadd.f32 v33, v5;
	v62 =	vld [tilespmem:s18+$0xFFFFE110];
	v28 =	vadd.s32 v41, v10  }
0x601: {  	v22 =	vadd.f32 v46, v4;
	v63 =	vadd.s32 v34, v8  }
0x602: {  	v26 =	vld [tilespmem:s18+$0xFFFFE1D0];
	[tilespmem:v32+s22+$0x0] =	vst.idx.msk $0xffff, v33;
	v46 =	vadd.s32 v35, v9  }
0x603: {  	v24 =	vadd.f32 v37, v4;
	v36 =	vld [tilespmem:$0x1FDE0];
	[tilespmem:v23+s22+$0x0] =	vst.idx.msk $0xffff, v22  }
0x604: {  	v59 =	vadd.f32 v59, v4;
	v42 =	vld [tilespmem:$0x1FE50]  }
0x605: {  	v45 =	vld [tilespmem:s18+$0xFFFFE150];
	v62 =	vadd.f32 v62, v4;
	[tilespmem:v28+s22+$0x0] =	vst.idx.msk $0xffff, v24  }
0x606: {  	v39 =	vld [tilespmem:$0x1FF00];
	[tilespmem:v63+s22+$0x0] =	vst.idx.msk $0xffff, v59  }
0x607: {  	v52 =	vld [tilespmem:s18+$0xFFFFE190];
	[tilespmem:v46+s22+$0x0] =	vst.idx.msk $0xffff, v62  }
0x608: {  	v32 =	vadd.s32 v36, v11;
	v37 =	vld [tilespmem:$0x1FEC0]  }
0x609: {  	v33 =	vld [tilespmem:s18+$0xFFFFE3F0];
	v23 =	vadd.s32 v42, v12  }
0x60a: {  	v43 =	vadd.s32 v44, v13;
	v44 =	vld [tilespmem:s18+$0xFFFFE250]  }
0x60b: {  	v28 =	vld [tilespmem:s18+$0xFFFFE210];
	v63 =	vadd.f32 v45, v4;
	v29 =	vadd.s32 v39, v21  }
0x60c: {  	v40 =	vadd.s32 v40, v15;
	v45 =	vadd.f32 v52, v4  }
0x60d: {  	v62 =	vadd.f32 v26, v4;
	[tilespmem:v32+s22+$0x0] =	vst.idx.msk $0xffff, v63;
	v46 =	vadd.s32 v37, v14  }
0x60e: {  	v33 =	vadd.f32 v33, v2;
	[tilespmem:v23+s22+$0x0] =	vst.idx.msk $0xffff, v45  }
0x60f: {  	[tilespmem:v43+s22+$0x0] =	vst.idx.msk $0xffff, v62;
	v43 =	vadd.f32 v44, v4  }
0x610: {  	v52 =	vld [tilespmem:s18+$0xFFFFE290];
	v28 =	vadd.f32 v28, v4;
	[tilespmem:v29+s22+$0x0] =	vst.idx.msk $0xffff, v33  }
0x611: {  	v59 =	vld [tilespmem:s18+$0xFFFFE2D0];
	[tilespmem:v40+s22+$0x0] =	vst.idx.msk $0xffff, v43  }
0x612: {  	v63 =	vld [tilespmem:s18+$0xFFFFE310];
	[tilespmem:v46+s22+$0x0] =	vst.idx.msk $0xffff, v28  }
0x613: {  	v40 =	vld [tilespmem:$0x1FF10]  }
0x614: {  	v45 =	vadd.s32 v34, v17  }
0x615: {  	v27 =	vadd.s32 v35, v18;
	v33 =	vld [tilespmem:s18+$0xFFFFE350]  }
0x616: {  	v24 =	vadd.s32 v41, v16;
	v44 =	vld [tilespmem:s18+$0x3C0]  }
0x617: {  	v30 =	vld [tilespmem:s18+$0xFFFFE390];
	v59 =	vadd.f32 v59, v4;
	v46 =	vadd.f32 v52, v4;
	v52 =	vadd.s32 v36, v19  }
0x618: {  	v63 =	vadd.f32 v63, v4;
	v62 =	vadd.s32 v40, v21  }
0x619: {  	v36 =	vadd.s32 v42, v20;
	[tilespmem:v45+s22+$0x0] =	vst.idx.msk $0xffff, v59  }
0x61a: {  	v22 =	vld [tilespmem:s18+$0xFFFFE010];
	v33 =	vadd.f32 v33, v4;
	[tilespmem:v27+s22+$0x0] =	vst.idx.msk $0xffff, v63  }
0x61b: {  	v31 =	vadd.f32 v44, v5;
	[tilespmem:v24+s22+$0x0] =	vst.idx.msk $0xffff, v46;
	v24 =	vld [tilespmem:s18+$0xFFFFE060]  }
0x61c: {  	v30 =	vadd.f32 v30, v4;
	v41 =	vld [tilespmem:$0x1FCC0];
	[tilespmem:v52+s22+$0x0] =	vst.idx.msk $0xffff, v33  }
0x61d: {  	v43 =	vld [tilespmem:$0x1FCE0];
	[tilespmem:v62+s22+$0x0] =	vst.idx.msk $0xffff, v31  }
0x61e: {  	v34 =	vld [tilespmem:$0x1FD10];
	[tilespmem:v36+s22+$0x0] =	vst.idx.msk $0xffff, v30  }
0x61f: {  	v35 =	vld [tilespmem:$0x1FD80]  }
0x620: {  	v37 =	vadd.s32 v37, v6;
	v45 =	vld [tilespmem:s18+$0xFFFFE0A0]  }
0x621: {  	v46 =	vld [tilespmem:s18+$0xFFFFE0E0];
	v25 =	vadd.s32 v41, v7  }
0x622: {  	v59 =	vld [tilespmem:s18+$0xFFFFE120];
	v52 =	vadd.s32 v43, v10  }
0x623: {  	v22 =	vadd.f32 v22, v4;
	v62 =	vadd.s32 v34, v8  }
0x624: {  	v24 =	vadd.f32 v24, v3;
	v26 =	vadd.s32 v35, v9  }
0x625: {  	v63 =	vld [tilespmem:s18+$0xFFFFE160];
	v45 =	vadd.f32 v45, v3;
	[tilespmem:v37+s22+$0x0] =	vst.idx.msk $0xffff, v22  }
0x626: {  	v46 =	vadd.f32 v46, v3;
	v36 =	vld [tilespmem:$0x1FDF0];
	[tilespmem:v25+s22+$0x0] =	vst.idx.msk $0xffff, v24  }
0x627: {  	v37 =	vld [tilespmem:$0x1FF20];
	[tilespmem:v52+s22+$0x0] =	vst.idx.msk $0xffff, v45;
	v52 =	vadd.f32 v59, v3  }
0x628: {  	v42 =	vld [tilespmem:$0x1FE60];
	[tilespmem:v62+s22+$0x0] =	vst.idx.msk $0xffff, v46  }
0x629: {  	v30 =	vld [tilespmem:s18+$0x3D0];
	[tilespmem:v26+s22+$0x0] =	vst.idx.msk $0xffff, v52  }
0x62a: {  	v44 =	vld [tilespmem:$0x1FEE0]  }
0x62b: {  	v29 =	vld [tilespmem:s18+$0xFFFFE1A0];
	v23 =	vadd.s32 v36, v11  }
0x62c: {  	v25 =	vld [tilespmem:s18+$0xFFFFE1E0];
	v27 =	vadd.s32 v37, v21  }
0x62d: {  	v33 =	vld [tilespmem:s18+$0xFFFFE220];
	v28 =	vadd.s32 v42, v12  }
0x62e: {  	v59 =	vadd.f32 v63, v3;
	v62 =	vadd.s32 v38, v13  }
0x62f: {  	v30 =	vadd.f32 v30, v4;
	v22 =	vadd.s32 v44, v14  }
0x630: {  	v45 =	vadd.f32 v29, v3;
	v38 =	vld [tilespmem:s18+$0xFFFFE2A0];
	[tilespmem:v23+s22+$0x0] =	vst.idx.msk $0xffff, v59  }
0x631: {  	v25 =	vadd.f32 v25, v3;
	[tilespmem:v27+s22+$0x0] =	vst.idx.msk $0xffff, v30  }
0x632: {  	v63 =	vld [tilespmem:s18+$0xFFFFE260];
	v59 =	vadd.f32 v33, v3;
	[tilespmem:v28+s22+$0x0] =	vst.idx.msk $0xffff, v45  }
0x633: {  	v46 =	vadd.s32 v41, v15;
	v41 =	vld [tilespmem:s18+$0xFFFFE320];
	[tilespmem:v62+s22+$0x0] =	vst.idx.msk $0xffff, v25  }
0x634: {  	v52 =	vld [tilespmem:s18+$0xFFFFE2E0];
	[tilespmem:v22+s22+$0x0] =	vst.idx.msk $0xffff, v59  }
0x635: {  	v27 =	vadd.s32 v43, v16;
	v43 =	vadd.f32 v38, v3;
	v38 =	vld [tilespmem:$0x1FF30];
	_ =	sdelay $0x1  }
0x636: {  	v32 =	vld [tilespmem:s18+$0xFFFFE360];
	v62 =	vadd.f32 v63, v3;
	v63 =	vadd.s32 v35, v18  }
0x637: {  	v33 =	vld [tilespmem:s18+$0x3E0];
	v28 =	vadd.s32 v34, v17  }
0x638: {  	v23 =	vld [tilespmem:s18+$0xFFFFE3A0];
	[tilespmem:v46+s22+$0x0] =	vst.idx.msk $0xffff, v62;
	v46 =	vadd.f32 v52, v3;
	v52 =	vadd.s32 v36, v19  }
0x639: {  	v24 =	vld [tilespmem:s18+$0xFFFFE020];
	v41 =	vadd.f32 v41, v3;
	v45 =	vadd.s32 v38, v21  }
0x63a: {  	v42 =	vadd.s32 v42, v20;
	v59 =	vld [tilespmem:s18+$0xFFFFE070];
	[tilespmem:v27+s22+$0x0] =	vst.idx.msk $0xffff, v43  }
0x63b: {  	v32 =	vadd.f32 v32, v3;
	v43 =	vadd.s32 v44, v6;
	v62 =	vld [tilespmem:s18+$0xFFFFE0B0];
	[tilespmem:v63+s22+$0x0] =	vst.idx.msk $0xffff, v41  }
0x63c: {  	v25 =	vld [tilespmem:s18+$0xFFFFE1B0];
	v33 =	vadd.f32 v33, v3;
	v63 =	vadd.s32 v47, v7;
	[tilespmem:v28+s22+$0x0] =	vst.idx.msk $0xffff, v46  }
0x63d: {  	v23 =	vadd.f32 v23, v3;
	v36 =	vld [tilespmem:s18+$0xFFFFE0F0];
	v44 =	vadd.s32 v55, v10;
	[tilespmem:v52+s22+$0x0] =	vst.idx.msk $0xffff, v32  }
0x63e: {  	v24 =	vadd.f32 v24, v3;
	[tilespmem:v45+s22+$0x0] =	vst.idx.msk $0xffff, v33;
	v45 =	vld [tilespmem:s18+$0xFFFFE130]  }
0x63f: {  	v22 =	vadd.f32 v59, v2;
	v34 =	vld [tilespmem:$0x1FD20];
	[tilespmem:v42+s22+$0x0] =	vst.idx.msk $0xffff, v23  }
0x640: {  	v62 =	vadd.f32 v62, v2;
	v35 =	vld [tilespmem:$0x1FD90];
	[tilespmem:v43+s22+$0x0] =	vst.idx.msk $0xffff, v24  }
0x641: {  	v41 =	vld [tilespmem:$0x1FF40];
	[tilespmem:v63+s22+$0x0] =	vst.idx.msk $0xffff, v22  }
0x642: {  	v63 =	vadd.f32 v36, v2;
	v36 =	vld [tilespmem:$0x1FE00];
	[tilespmem:v44+s22+$0x0] =	vst.idx.msk $0xffff, v62  }
0x643: {  	v33 =	vld [tilespmem:$0x1FE70]  }
0x644: {  	v42 =	vld [tilespmem:s18+$0xFFFFE1F0];
	v46 =	vadd.s32 v34, v8  }
0x645: {  	v59 =	vld [tilespmem:s18+$0xFFFFE170];
	v52 =	vadd.s32 v35, v9  }
0x646: {  	v28 =	vld [tilespmem:s18+$0xFFFFE330];
	v22 =	vadd.s32 v39, v13  }
0x647: {  	v32 =	vld [tilespmem:s18+$0x3F0];
	v27 =	vadd.s32 v36, v11  }
0x648: {  	v25 =	vadd.f32 v25, v2;
	v43 =	vadd.f32 v45, v2;
	v45 =	vld [tilespmem:s18+$0xFFFFE230];
	v44 =	vadd.s32 v33, v12  }
0x649: {  	v42 =	vadd.f32 v42, v2;
	v21 =	vadd.s32 v41, v21;
	[tilespmem:v46+s22+$0x0] =	vst.idx.msk $0xffff, v63;
	v46 =	vld [tilespmem:s18+$0xFFFFE270]  }
0x64a: {  	v62 =	vld [tilespmem:s18+$0xFFFFE2B0];
	[tilespmem:v52+s22+$0x0] =	vst.idx.msk $0xffff, v43;
	v52 =	vadd.f32 v59, v2;
	v59 =	vadd.s32 v53, v14  }
0x64b: {  	v28 =	vadd.f32 v28, v2;
	v39 =	vld [tilespmem:s18+$0xFFFFE2F0];
	[tilespmem:v22+s22+$0x0] =	vst.idx.msk $0xffff, v42;
	v63 =	vadd.s32 v47, v15  }
0x64c: {  	v32 =	vadd.f32 v32, v2;
	v43 =	vadd.s32 v55, v16;
	[tilespmem:v27+s22+$0x0] =	vst.idx.msk $0xffff, v52  }
0x64d: {  	v31 =	vld [tilespmem:s18+$0xFFFFE370];
	v52 =	vadd.s32 v35, v18;
	[tilespmem:v44+s22+$0x0] =	vst.idx.msk $0xffff, v25;
	v44 =	vadd.f32 v45, v2  }
0x64e: {  	v29 =	vld [tilespmem:s18+$0xFFFFE3B0];
	[tilespmem:v21+s22+$0x0] =	vst.idx.msk $0xffff, v32;
	v45 =	vadd.s32 v34, v17;
	v46 =	vadd.f32 v46, v2  }
0x64f: {  	v24 =	vld [tilespmem:s18+$0xFFFFE030];
	[tilespmem:v59+s22+$0x0] =	vst.idx.msk $0xffff, v44;
	v59 =	vadd.f32 v62, v2;
	v62 =	vadd.s32 v36, v19  }
0x650: {  	v36 =	vadd.f32 v39, v2;
	v39 =	vadd.s32 v33, v20;
	[tilespmem:v63+s22+$0x0] =	vst.idx.msk $0xffff, v46;
	v63 =	vld [tilespmem:s18+$0x40]  }
0x651: {  	[tilespmem:v43+s22+$0x0] =	vst.idx.msk $0xffff, v59;
	v43 =	vld [tilespmem:s18+$0x80]  }
0x652: {  	v31 =	vadd.f32 v31, v2;
	v42 =	vadd.s32 v53, v6;
	[tilespmem:v52+s22+$0x0] =	vst.idx.msk $0xffff, v28;
	v52 =	vld [tilespmem:s18+$0x100]  }
0x653: {  	v29 =	vadd.f32 v29, v2;
	v44 =	vadd.s32 v48, v7;
	[tilespmem:v45+s22+$0x0] =	vst.idx.msk $0xffff, v36;
	v45 =	vld [tilespmem:s18+$0xC0]  }
0x654: {  	[tilespmem:v62+s22+$0x0] =	vst.idx.msk $0xffff, v31;
	v62 =	vld [tilespmem:s18+$0x140]  }
0x655: {  	v24 =	vadd.f32 v24, v2;
	v46 =	vadd.s32 v56, v10;
	v33 =	vld [tilespmem:$0x1FD30];
	[tilespmem:v39+s22+$0x0] =	vst.idx.msk $0xffff, v29  }
0x656: {  	v21 =	vadd.f32 v63, v5;
	v34 =	vld [tilespmem:$0x1FDA0]  }
0x657: {  	[tilespmem:v42+s22+$0x0] =	vst.idx.msk $0xffff, v24;
	v42 =	vld [tilespmem:s18+$0x1C0]  }
0x658: {  	v63 =	vadd.f32 v43, v5;
	v35 =	vld [tilespmem:$0x1FE10];
	[tilespmem:v44+s22+$0x0] =	vst.idx.msk $0xffff, v21  }
0x659: {  	v36 =	vld [tilespmem:$0x1FE80]  }
0x65a: {  	v24 =	vadd.s32 v40, v13;
	[tilespmem:v46+s22+$0x0] =	vst.idx.msk $0xffff, v63;
	v46 =	vld [tilespmem:s18+$0x240]  }
0x65b: {  	v59 =	vadd.s32 v33, v8  }
0x65c: {  	v39 =	vadd.s32 v48, v15  }
0x65d: {  	v32 =	vld [tilespmem:s18+$0x180];
	v43 =	vadd.f32 v45, v5;
	v29 =	vadd.s32 v34, v9;
	v42 =	vadd.f32 v42, v5  }
0x65e: {  	v44 =	vld [tilespmem:s18+$0x200];
	v45 =	vadd.f32 v52, v5;
	v52 =	vadd.f32 v62, v5;
	v25 =	vadd.s32 v35, v11  }
0x65f: {  	v62 =	vld [tilespmem:s18+$0x280];
	v22 =	vadd.s32 v36, v12;
	[tilespmem:v24+s22+$0x0] =	vst.idx.msk $0xffff, v42;
	v46 =	vadd.f32 v46, v5  }
0x660: {  	v40 =	vld [tilespmem:s18+$0x2C0];
	[tilespmem:v59+s22+$0x0] =	vst.idx.msk $0xffff, v43;
	v59 =	vadd.s32 v54, v14  }
0x661: {  	v27 =	vld [tilespmem:s18+$0x300];
	v43 =	vadd.s32 v56, v16;
	[tilespmem:v39+s22+$0x0] =	vst.idx.msk $0xffff, v46  }
0x662: {  	v26 =	vld [tilespmem:s18+$0x340];
	v63 =	vadd.f32 v32, v5;
	[tilespmem:v29+s22+$0x0] =	vst.idx.msk $0xffff, v45;
	v45 =	vadd.s32 v33, v17  }
0x663: {  	v28 =	vld [tilespmem:s18+$0x380];
	v44 =	vadd.f32 v44, v5;
	[tilespmem:v25+s22+$0x0] =	vst.idx.msk $0xffff, v52;
	v52 =	vadd.s32 v34, v18  }
0x664: {  	v62 =	vadd.f32 v62, v5;
	[tilespmem:v22+s22+$0x0] =	vst.idx.msk $0xffff, v63;
	v63 =	vadd.s32 v35, v19  }
0x665: {  	v39 =	vadd.f32 v40, v5;
	v40 =	vadd.s32 v36, v20;
	[tilespmem:v59+s22+$0x0] =	vst.idx.msk $0xffff, v44;
	v59 =	vld [tilespmem:s18+$0x0]  }
0x666: {  	v27 =	vadd.f32 v27, v5;
	v21 =	vld [tilespmem:s18+$0x50];
	[tilespmem:v43+s22+$0x0] =	vst.idx.msk $0xffff, v62  }
0x667: {  	v26 =	vadd.f32 v26, v5;
	v42 =	vadd.s32 v54, v6;
	[tilespmem:v45+s22+$0x0] =	vst.idx.msk $0xffff, v39  }
0x668: {  	v28 =	vadd.f32 v28, v5;
	v43 =	vld [tilespmem:s18+$0x90];
	v44 =	vadd.s32 v49, v7;
	[tilespmem:v52+s22+$0x0] =	vst.idx.msk $0xffff, v27  }
0x669: {  	v45 =	vld [tilespmem:s18+$0xD0];
	[tilespmem:v63+s22+$0x0] =	vst.idx.msk $0xffff, v26  }
0x66a: {  	v33 =	vld [tilespmem:$0x1FD40];
	[tilespmem:v40+s22+$0x0] =	vst.idx.msk $0xffff, v28;
	v59 =	vadd.f32 v59, v5  }
0x66b: {  	v21 =	vadd.f32 v21, v4;
	v32 =	vld [tilespmem:$0x1FDB0]  }
0x66c: {  	v52 =	vld [tilespmem:s18+$0x110];
	[tilespmem:v42+s22+$0x0] =	vst.idx.msk $0xffff, v59  }
0x66d: {  	v34 =	vld [tilespmem:$0x1FE20];
	[tilespmem:v44+s22+$0x0] =	vst.idx.msk $0xffff, v21  }
0x66e: {  	v46 =	vadd.s32 v57, v10;
	v35 =	vld [tilespmem:$0x1FE90]  }
0x66f: {  	v36 =	vld [tilespmem:s18+$0x190];
	v62 =	vadd.s32 v33, v8  }
0x670: {  	v63 =	vld [tilespmem:s18+$0x150];
	v28 =	vadd.s32 v32, v9  }
0x671: {  	v26 =	vld [tilespmem:s18+$0x290];
	v39 =	vadd.f32 v43, v4  }
0x672: {  	v43 =	vadd.f32 v45, v4;
	v42 =	vld [tilespmem:s18+$0x1D0];
	v40 =	vadd.s32 v34, v11  }
0x673: {  	v45 =	vld [tilespmem:s18+$0x210];
	[tilespmem:v46+s22+$0x0] =	vst.idx.msk $0xffff, v39;
	v46 =	vadd.f32 v52, v4;
	v44 =	vadd.s32 v35, v12  }
0x674: {  	v59 =	vld [tilespmem:s18+$0x250];
	v52 =	vadd.s32 v37, v13;
	[tilespmem:v62+s22+$0x0] =	vst.idx.msk $0xffff, v43  }
0x675: {  	v62 =	vadd.f32 v63, v4;
	v63 =	vadd.s32 v61, v14;
	[tilespmem:v28+s22+$0x0] =	vst.idx.msk $0xffff, v46;
	v46 =	vld [tilespmem:s18+$0x350]  }
0x676: {  	v36 =	vadd.f32 v36, v4;
	v37 =	vadd.s32 v49, v15;
	v39 =	vld [tilespmem:s18+$0x2D0];
	v34 =	vadd.s32 v34, v19  }
0x677: {  	[tilespmem:v40+s22+$0x0] =	vst.idx.msk $0xffff, v62;
	v40 =	vadd.f32 v42, v4;
	v42 =	vadd.s32 v57, v16  }
0x678: {  	v43 =	vld [tilespmem:s18+$0x310];
	[tilespmem:v44+s22+$0x0] =	vst.idx.msk $0xffff, v36;
	v44 =	vadd.f32 v45, v4;
	v45 =	vadd.s32 v33, v17  }
0x679: {  	v62 =	vld [tilespmem:s18+$0x390];
	v33 =	vadd.f32 v26, v4;
	[tilespmem:v52+s22+$0x0] =	vst.idx.msk $0xffff, v40;
	v52 =	vadd.f32 v59, v4  }
0x67a: {  	v59 =	vadd.s32 v32, v18;
	v29 =	vadd.f32 v46, v4;
	[tilespmem:v63+s22+$0x0] =	vst.idx.msk $0xffff, v44;
	v63 =	vld [tilespmem:s18+$0x10]  }
0x67b: {  	v36 =	vld [tilespmem:s18+$0x60];
	[tilespmem:v37+s22+$0x0] =	vst.idx.msk $0xffff, v52;
	v37 =	vadd.f32 v39, v4;
	v39 =	vadd.s32 v35, v20  }
0x67c: {  	v40 =	vadd.s32 v61, v6;
	[tilespmem:v34+s22+$0x0] =	vst.idx.msk $0xffff, v29  }
0x67d: {  	v30 =	vadd.f32 v43, v4;
	v43 =	vadd.s32 v50, v7;
	[tilespmem:v42+s22+$0x0] =	vst.idx.msk $0xffff, v33  }
0x67e: {  	v44 =	vld [tilespmem:s18+$0xE0];
	v27 =	vadd.f32 v62, v4;
	[tilespmem:v45+s22+$0x0] =	vst.idx.msk $0xffff, v37  }
0x67f: {  	v42 =	vld [tilespmem:s18+$0xA0];
	[tilespmem:v59+s22+$0x0] =	vst.idx.msk $0xffff, v30;
	v52 =	vadd.f32 v63, v4  }
0x680: {  	v21 =	vadd.f32 v36, v3;
	v32 =	vld [tilespmem:$0x1FD50];
	[tilespmem:v39+s22+$0x0] =	vst.idx.msk $0xffff, v27  }
0x681: {  	v31 =	vld [tilespmem:$0x1FDC0];
	[tilespmem:v40+s22+$0x0] =	vst.idx.msk $0xffff, v52  }
0x682: {  	v33 =	vld [tilespmem:$0x1FE30];
	[tilespmem:v43+s22+$0x0] =	vst.idx.msk $0xffff, v21  }
0x683: {  	v34 =	vld [tilespmem:$0x1FEA0]  }
0x684: {  	v46 =	vld [tilespmem:s18+$0x120];
	v45 =	vadd.s32 v1, v10  }
0x685: {  	v62 =	vld [tilespmem:s18+$0x160];
	v59 =	vadd.s32 v32, v8  }
0x686: {  	v63 =	vld [tilespmem:s18+$0x1A0];
	v27 =	vadd.s32 v31, v9  }
0x687: {  	v39 =	vld [tilespmem:s18+$0x1E0];
	v36 =	vadd.f32 v42, v3;
	v37 =	vadd.s32 v33, v11  }
0x688: {  	v40 =	vadd.f32 v44, v3;
	v43 =	vld [tilespmem:s18+$0x220];
	v42 =	vadd.s32 v34, v12  }
0x689: {  	v44 =	vadd.f32 v46, v3;
	v46 =	vld [tilespmem:s18+$0x260];
	[tilespmem:v45+s22+$0x0] =	vst.idx.msk $0xffff, v36;
	v45 =	vadd.s32 v38, v13  }
0x68a: {  	v52 =	vadd.f32 v62, v3;
	v62 =	vld [tilespmem:s18+$0x2A0];
	[tilespmem:v59+s22+$0x0] =	vst.idx.msk $0xffff, v40;
	v59 =	vadd.s32 v51, v14  }
0x68b: {  	v35 =	vadd.s32 v50, v15;
	v36 =	vld [tilespmem:s18+$0x2E0];
	v63 =	vadd.f32 v63, v3;
	[tilespmem:v27+s22+$0x0] =	vst.idx.msk $0xffff, v44  }
0x68c: {  	v38 =	vadd.s32 v1, v16;
	[tilespmem:v37+s22+$0x0] =	vst.idx.msk $0xffff, v52;
	v37 =	vadd.f32 v39, v3;
	v39 =	vld [tilespmem:s18+$0x320]  }
0x68d: {  	v40 =	vadd.f32 v43, v3;
	v43 =	vld [tilespmem:s18+$0x360];
	[tilespmem:v42+s22+$0x0] =	vst.idx.msk $0xffff, v63;
	v42 =	vadd.s32 v32, v17  }
0x68e: {  	v44 =	vadd.f32 v46, v3;
	v46 =	vld [tilespmem:s18+$0x3A0];
	[tilespmem:v45+s22+$0x0] =	vst.idx.msk $0xffff, v37;
	v45 =	vadd.s32 v31, v18  }
0x68f: {  	v52 =	vld [tilespmem:s18+$0x20];
	[tilespmem:v59+s22+$0x0] =	vst.idx.msk $0xffff, v40;
	v59 =	vadd.f32 v62, v3;
	v62 =	vadd.s32 v33, v19  }
0x690: {  	[tilespmem:v35+s22+$0x0] =	vst.idx.msk $0xffff, v44;
	v63 =	vld [tilespmem:s18+$0x70];
	v32 =	vadd.f32 v36, v3;
	v33 =	vadd.s32 v34, v20  }
0x691: {  	v35 =	vld [tilespmem:s18+$0xB0];
	v34 =	vadd.s32 v51, v6;
	[tilespmem:v38+s22+$0x0] =	vst.idx.msk $0xffff, v59;
	v25 =	vadd.f32 v39, v3  }
0x692: {  	v7 =	vadd.s32 v58, v7;
	v36 =	vld [tilespmem:s18+$0xF0];
	v37 =	vadd.f32 v43, v3;
	[tilespmem:v42+s22+$0x0] =	vst.idx.msk $0xffff, v32  }
0x693: {  	v40 =	vadd.f32 v46, v3;
	v46 =	vld [tilespmem:s18+$0x1F0];
	[tilespmem:v45+s22+$0x0] =	vst.idx.msk $0xffff, v25  }
0x694: {  	v3 =	vadd.f32 v52, v3;
	v38 =	vld [tilespmem:$0x1FCF0];
	[tilespmem:v62+s22+$0x0] =	vst.idx.msk $0xffff, v37  }
0x695: {  	v5 =	vadd.f32 v63, v2;
	v26 =	vld [tilespmem:$0x1FD60];
	[tilespmem:v33+s22+$0x0] =	vst.idx.msk $0xffff, v40  }
0x696: {  	v27 =	vld [tilespmem:$0x1FDD0];
	[tilespmem:v34+s22+$0x0] =	vst.idx.msk $0xffff, v3  }
0x697: {  	v45 =	vld [tilespmem:$0x1FE40];
	[tilespmem:v7+s22+$0x0] =	vst.idx.msk $0xffff, v5  }
0x698: {  	v59 =	vld [tilespmem:$0x1FEB0]  }
0x699: {  	v39 =	vld [tilespmem:s18+$0x130];
	v10 =	vadd.s32 v38, v10  }
0x69a: {  	v29 =	vadd.s32 v41, v13;
	v30 =	vld [tilespmem:s18+$0x270]  }
0x69b: {  	v44 =	vld [tilespmem:s18+$0x1B0];
	v9 =	vadd.s32 v27, v9  }
0x69c: {  	v3 =	vadd.f32 v35, v2;
	v34 =	vadd.s32 v58, v15  }
0x69d: {  	v52 =	vadd.f32 v36, v2;
	v63 =	vld [tilespmem:s18+$0x230];
	v36 =	vadd.f32 v46, v2;
	v62 =	vadd.s32 v59, v12  }
0x69e: {  	v43 =	vld [tilespmem:s18+$0x170];
	v42 =	vadd.s32 v26, v8;
	[tilespmem:v10+s22+$0x0] =	vst.idx.msk $0xffff, v3;
	v3 =	vadd.f32 v39, v2  }
0x69f: {  	v32 =	vadd.s32 v60, v14;
	v41 =	vadd.f32 v30, v2;
	v33 =	vld [tilespmem:s18+$0x2B0];
	[tilespmem:v29+s22+$0x0] =	vst.idx.msk $0xffff, v36  }
0x6a0: {  	v35 =	vld [tilespmem:s18+$0x2F0];
	v11 =	vadd.s32 v45, v11;
	[tilespmem:v9+s22+$0x0] =	vst.idx.msk $0xffff, v3;
	v3 =	vadd.f32 v44, v2  }
0x6a1: {  	v37 =	vadd.s32 v38, v16;
	v38 =	vld [tilespmem:s18+$0x330];
	[tilespmem:v34+s22+$0x0] =	vst.idx.msk $0xffff, v41  }
0x6a2: {  	v40 =	vld [tilespmem:s18+$0x370];
	v39 =	vadd.s32 v26, v17;
	[tilespmem:v62+s22+$0x0] =	vst.idx.msk $0xffff, v3;
	v3 =	vadd.f32 v63, v2  }
0x6a3: {  	v31 =	vadd.f32 v43, v2;
	v43 =	vld [tilespmem:s18+$0x3B0];
	[tilespmem:v42+s22+$0x0] =	vst.idx.msk $0xffff, v52;
	v42 =	vadd.s32 v27, v18  }
0x6a4: {  	v45 =	vadd.s32 v45, v19;
	v44 =	vld [tilespmem:s18+$0x30];
	[tilespmem:v32+s22+$0x0] =	vst.idx.msk $0xffff, v3;
	v3 =	vadd.f32 v33, v2  }
0x6a5: {  	v46 =	vadd.f32 v35, v2;
	v52 =	vadd.s32 v59, v20;
	[tilespmem:v11+s22+$0x0] =	vst.idx.msk $0xffff, v31  }
0x6a6: {  	v59 =	vadd.f32 v38, v2;
	[tilespmem:v37+s22+$0x0] =	vst.idx.msk $0xffff, v3;
	v3 =	vadd.s32 v60, v6  }
0x6a7: {  	s11 =	sshll.u32 s11, $0xB;
	v62 =	vadd.f32 v40, v2;
	[tilespmem:v39+s22+$0x0] =	vst.idx.msk $0xffff, v46  }
0x6a8: {  	s11 =	sand.u32 $0x7800, s11;
	v63 =	vadd.f32 v43, v2;
	[tilespmem:v42+s22+$0x0] =	vst.idx.msk $0xffff, v59  }
0x6a9: {  	s11 =	sor.u32 s23, s11;
	[tilespmem:v45+s22+$0x0] =	vst.idx.msk $0xffff, v62;
	v2 =	vadd.f32 v44, v2  }
0x6aa: {  	s11 =	sshrl.u32 s11, $0x3;
	[tilespmem:v52+s22+$0x0] =	vst.idx.msk $0xffff, v63  }
0x6ab: {  	s11 =	sadd.s32 s2, s11;
	[tilespmem:v3+s22+$0x0] =	vst.idx.msk $0xffff, v2  }
0x6ac: {  	[hbm4b:s11+s3] =	stream.linear.scatter [tilespmem:s22], [sflag:$0x4], $0x80, $0x38;
	[tilespmem:$0x13C80] =	vst v63  }
0x6ad: {  	s20 =	simm.s32 $0xC688;
	s23 =	sadd.s32 $0x10, s11  }
0x6ae: {  	[hbm4b:s23+s3] =	stream.linear.scatter [tilespmem:s20], [sflag:$0x4], $0x80, $0x38;
	[tilespmem:$0x13C80] =	vst v63  }
0x6af: {  	s25 =	simm.s32 $0xC710;
	s24 =	sadd.s32 $0x20, s11  }
0x6b0: {  	[hbm4b:s24+s3] =	stream.linear.scatter [tilespmem:s25], [sflag:$0x4], $0x80, $0x38;
	[tilespmem:$0x13C80] =	vst v63  }
0x6b1: {  	s28 =	simm.s32 $0xC798;
	s26 =	sadd.s32 $0x30, s11  }
0x6b2: {  	[hbm4b:s26+s3] =	stream.linear.scatter [tilespmem:s28], [sflag:$0x4], $0x80, $0x38;
	[tilespmem:$0x13C80] =	vst v63  }
0x6b3: {  	s20 =	sadd.s32 $0x40, s11;
	s23 =	simm.s32 $0xC820  }
0x6b4: {  	[hbm4b:s20+s3] =	stream.linear.scatter [tilespmem:s23], [sflag:$0x4], $0x80, $0x38;
	[tilespmem:$0x13C80] =	vst v63  }
0x6b5: {  	s24 =	sadd.s32 $0x50, s11;
	s25 =	simm.s32 $0xC8A8  }
0x6b6: {  	[hbm4b:s24+s3] =	stream.linear.scatter [tilespmem:s25], [sflag:$0x4], $0x80, $0x38;
	[tilespmem:$0x13C80] =	vst v63  }
0x6b7: {  	s26 =	sadd.s32 $0x60, s11;
	s28 =	simm.s32 $0xC930  }
0x6b8: {  	[hbm4b:s26+s3] =	stream.linear.scatter [tilespmem:s28], [sflag:$0x4], $0x80, $0x38;
	[tilespmem:$0x13C80] =	vst v63  }
0x6b9: {  	s20 =	sadd.s32 $0x70, s11;
	s23 =	simm.s32 $0xC9B8  }
0x6ba: {  	[hbm4b:s20+s3] =	stream.linear.scatter [tilespmem:s23], [sflag:$0x4], $0x80, $0x38;
	[tilespmem:$0x13C80] =	vst v63  }
0x6bb: {  	s24 =	sadd.s32 $0x80, s11;
	s25 =	simm.s32 $0xE800  }
0x6bc: {  	[hbm4b:s24+s3] =	stream.linear.scatter [tilespmem:s25], [sflag:$0x4], $0x80, $0x38;
	[tilespmem:$0x13C80] =	vst v63  }
0x6bd: {  	s26 =	sadd.s32 $0x90, s11;
	s28 =	simm.s32 $0xE888  }
0x6be: {  	[hbm4b:s26+s3] =	stream.linear.scatter [tilespmem:s28], [sflag:$0x4], $0x80, $0x38;
	[tilespmem:$0x13C80] =	vst v63  }
0x6bf: {  	s20 =	sadd.s32 $0xA0, s11;
	s23 =	simm.s32 $0xE910  }
0x6c0: {  	[hbm4b:s20+s3] =	stream.linear.scatter [tilespmem:s23], [sflag:$0x4], $0x80, $0x38;
	[tilespmem:$0x13C80] =	vst v63  }
0x6c1: {  	s24 =	sadd.s32 $0xB0, s11;
	s25 =	simm.s32 $0xE998  }
0x6c2: {  	[hbm4b:s24+s3] =	stream.linear.scatter [tilespmem:s25], [sflag:$0x4], $0x80, $0x38;
	[tilespmem:$0x13C80] =	vst v63  }
0x6c3: {  	s26 =	sadd.s32 $0xC0, s11;
	s28 =	simm.s32 $0xEA20  }
0x6c4: {  	[hbm4b:s26+s3] =	stream.linear.scatter [tilespmem:s28], [sflag:$0x4], $0x80, $0x38;
	[tilespmem:$0x13C80] =	vst v63  }
0x6c5: {  	s20 =	sadd.s32 $0xD0, s11;
	s23 =	simm.s32 $0xEAA8  }
0x6c6: {  	[hbm4b:s20+s3] =	stream.linear.scatter [tilespmem:s23], [sflag:$0x4], $0x80, $0x38;
	[tilespmem:$0x13C80] =	vst v63  }
0x6c7: {  	s24 =	sadd.s32 $0xE0, s11;
	s25 =	simm.s32 $0xEB30  }
0x6c8: {  	[hbm4b:s24+s3] =	stream.linear.scatter [tilespmem:s25], [sflag:$0x4], $0x80, $0x38;
	[tilespmem:$0x13C80] =	vst v63  }
0x6c9: {  	s26 =	sadd.s32 $0xF0, s11;
	s28 =	simm.s32 $0xEBB8  }
0x6ca: {  	[hbm4b:s26+s3] =	stream.linear.scatter [tilespmem:s28], [sflag:$0x4], $0x80, $0x38;
	[tilespmem:$0x13C80] =	vst v63  }
0x6cb: {  	s20 =	sadd.s32 $0x1000, s11;
	s23 =	simm.s32 $0xCA40  }
0x6cc: {  	[hbm4b:s20+s3] =	stream.linear.scatter [tilespmem:s23], [sflag:$0x4], $0x80, $0x38;
	[tilespmem:$0x13C80] =	vst v63  }
0x6cd: {  	s24 =	sadd.s32 $0x1010, s11;
	s25 =	simm.s32 $0xCAC8  }
0x6ce: {  	[hbm4b:s24+s3] =	stream.linear.scatter [tilespmem:s25], [sflag:$0x4], $0x80, $0x38;
	[tilespmem:$0x13C80] =	vst v63  }
0x6cf: {  	s26 =	sadd.s32 $0x1020, s11;
	s28 =	simm.s32 $0xCB50  }
0x6d0: {  	[hbm4b:s26+s3] =	stream.linear.scatter [tilespmem:s28], [sflag:$0x4], $0x80, $0x38;
	[tilespmem:$0x13C80] =	vst v63  }
0x6d1: {  	s20 =	sadd.s32 $0x1030, s11;
	s23 =	simm.s32 $0xCBD8  }
0x6d2: {  	[hbm4b:s20+s3] =	stream.linear.scatter [tilespmem:s23], [sflag:$0x4], $0x80, $0x38;
	[tilespmem:$0x13C80] =	vst v63  }
0x6d3: {  	s24 =	sadd.s32 $0x1040, s11;
	s25 =	simm.s32 $0xCC60  }
0x6d4: {  	[hbm4b:s24+s3] =	stream.linear.scatter [tilespmem:s25], [sflag:$0x4], $0x80, $0x38;
	[tilespmem:$0x13C80] =	vst v63  }
0x6d5: {  	s26 =	sadd.s32 $0x1050, s11;
	s28 =	simm.s32 $0xCCE8  }
0x6d6: {  	[hbm4b:s26+s3] =	stream.linear.scatter [tilespmem:s28], [sflag:$0x4], $0x80, $0x38;
	[tilespmem:$0x13C80] =	vst v63  }
0x6d7: {  	s20 =	sadd.s32 $0x1060, s11;
	s23 =	simm.s32 $0xCD70  }
0x6d8: {  	[hbm4b:s20+s3] =	stream.linear.scatter [tilespmem:s23], [sflag:$0x4], $0x80, $0x38;
	[tilespmem:$0x13C80] =	vst v63  }
0x6d9: {  	s24 =	sadd.s32 $0x1070, s11;
	s25 =	simm.s32 $0xCDF8  }
0x6da: {  	[hbm4b:s24+s3] =	stream.linear.scatter [tilespmem:s25], [sflag:$0x4], $0x80, $0x38;
	[tilespmem:$0x13C80] =	vst v63  }
0x6db: {  	s26 =	sadd.s32 $0x1080, s11;
	s28 =	simm.s32 $0xEC40  }
0x6dc: {  	[hbm4b:s26+s3] =	stream.linear.scatter [tilespmem:s28], [sflag:$0x4], $0x80, $0x38;
	[tilespmem:$0x13C80] =	vst v63  }
0x6dd: {  	s20 =	sadd.s32 $0x1090, s11;
	s23 =	simm.s32 $0xECC8  }
0x6de: {  	[hbm4b:s20+s3] =	stream.linear.scatter [tilespmem:s23], [sflag:$0x4], $0x80, $0x38;
	[tilespmem:$0x13C80] =	vst v63  }
0x6df: {  	s24 =	sadd.s32 $0x10A0, s11;
	s25 =	simm.s32 $0xED50  }
0x6e0: {  	[hbm4b:s24+s3] =	stream.linear.scatter [tilespmem:s25], [sflag:$0x4], $0x80, $0x38;
	[tilespmem:$0x13C80] =	vst v63  }
0x6e1: {  	s26 =	sadd.s32 $0x10B0, s11;
	s28 =	simm.s32 $0xEDD8  }
0x6e2: {  	[hbm4b:s26+s3] =	stream.linear.scatter [tilespmem:s28], [sflag:$0x4], $0x80, $0x38;
	[tilespmem:$0x13C80] =	vst v63  }
0x6e3: {  	s20 =	sadd.s32 $0x10C0, s11;
	s23 =	simm.s32 $0xEE60  }
0x6e4: {  	[hbm4b:s20+s3] =	stream.linear.scatter [tilespmem:s23], [sflag:$0x4], $0x80, $0x38;
	[tilespmem:$0x13C80] =	vst v63  }
0x6e5: {  	s24 =	sadd.s32 $0x10D0, s11;
	s25 =	simm.s32 $0xEEE8  }
0x6e6: {  	[hbm4b:s24+s3] =	stream.linear.scatter [tilespmem:s25], [sflag:$0x4], $0x80, $0x38;
	[tilespmem:$0x13C80] =	vst v63  }
0x6e7: {  	s26 =	sadd.s32 $0x10E0, s11;
	s28 =	simm.s32 $0xEF70  }
0x6e8: {  	[hbm4b:s26+s3] =	stream.linear.scatter [tilespmem:s28], [sflag:$0x4], $0x80, $0x38;
	[tilespmem:$0x13C80] =	vst v63  }
0x6e9: {  	s20 =	sadd.s32 $0x10F0, s11;
	s23 =	simm.s32 $0xEFF8  }
0x6ea: {  	[hbm4b:s20+s3] =	stream.linear.scatter [tilespmem:s23], [sflag:$0x4], $0x80, $0x38;
	[tilespmem:$0x13C80] =	vst v63  }
0x6eb: {  	s24 =	sadd.s32 $0x2000, s11;
	s25 =	simm.s32 $0xCE80  }
0x6ec: {  	[hbm4b:s24+s3] =	stream.linear.scatter [tilespmem:s25], [sflag:$0x4], $0x80, $0x38;
	[tilespmem:$0x13C80] =	vst v63  }
0x6ed: {  	s26 =	sadd.s32 $0x2010, s11;
	s28 =	simm.s32 $0xCF08  }
0x6ee: {  	[hbm4b:s26+s3] =	stream.linear.scatter [tilespmem:s28], [sflag:$0x4], $0x80, $0x38;
	[tilespmem:$0x13C80] =	vst v63  }
0x6ef: {  	s20 =	sadd.s32 $0x2020, s11;
	s23 =	simm.s32 $0xCF90  }
0x6f0: {  	[hbm4b:s20+s3] =	stream.linear.scatter [tilespmem:s23], [sflag:$0x4], $0x80, $0x38;
	[tilespmem:$0x13C80] =	vst v63  }
0x6f1: {  	s24 =	sadd.s32 $0x2030, s11;
	s25 =	simm.s32 $0xD018  }
0x6f2: {  	[hbm4b:s24+s3] =	stream.linear.scatter [tilespmem:s25], [sflag:$0x4], $0x80, $0x38;
	[tilespmem:$0x13C80] =	vst v63  }
0x6f3: {  	s26 =	sadd.s32 $0x2040, s11;
	s28 =	simm.s32 $0xD0A0  }
0x6f4: {  	[hbm4b:s26+s3] =	stream.linear.scatter [tilespmem:s28], [sflag:$0x4], $0x80, $0x38;
	[tilespmem:$0x13C80] =	vst v63  }
0x6f5: {  	s20 =	sadd.s32 $0x2050, s11;
	s23 =	simm.s32 $0xD128  }
0x6f6: {  	[hbm4b:s20+s3] =	stream.linear.scatter [tilespmem:s23], [sflag:$0x4], $0x80, $0x38;
	[tilespmem:$0x13C80] =	vst v63  }
0x6f7: {  	s24 =	sadd.s32 $0x2060, s11;
	s25 =	simm.s32 $0xD1B0  }
0x6f8: {  	[hbm4b:s24+s3] =	stream.linear.scatter [tilespmem:s25], [sflag:$0x4], $0x80, $0x38;
	[tilespmem:$0x13C80] =	vst v63  }
0x6f9: {  	s26 =	sadd.s32 $0x2070, s11;
	s28 =	simm.s32 $0xD238  }
0x6fa: {  	[hbm4b:s26+s3] =	stream.linear.scatter [tilespmem:s28], [sflag:$0x4], $0x80, $0x38;
	[tilespmem:$0x13C80] =	vst v63  }
0x6fb: {  	s20 =	sadd.s32 $0x2080, s11;
	s23 =	simm.s32 $0xF080  }
0x6fc: {  	[hbm4b:s20+s3] =	stream.linear.scatter [tilespmem:s23], [sflag:$0x4], $0x80, $0x38;
	[tilespmem:$0x13C80] =	vst v63  }
0x6fd: {  	s24 =	sadd.s32 $0x2090, s11;
	s25 =	simm.s32 $0xF108  }
0x6fe: {  	[hbm4b:s24+s3] =	stream.linear.scatter [tilespmem:s25], [sflag:$0x4], $0x80, $0x38;
	[tilespmem:$0x13C80] =	vst v63  }
0x6ff: {  	s26 =	sadd.s32 $0x20A0, s11;
	s28 =	simm.s32 $0xF190  }
0x700: {  	[hbm4b:s26+s3] =	stream.linear.scatter [tilespmem:s28], [sflag:$0x4], $0x80, $0x38;
	[tilespmem:$0x13C80] =	vst v63  }
0x701: {  	s20 =	sadd.s32 $0x20B0, s11;
	s23 =	simm.s32 $0xF218  }
0x702: {  	[hbm4b:s20+s3] =	stream.linear.scatter [tilespmem:s23], [sflag:$0x4], $0x80, $0x38;
	[tilespmem:$0x13C80] =	vst v63  }
0x703: {  	s24 =	sadd.s32 $0x20C0, s11;
	s25 =	simm.s32 $0xF2A0  }
0x704: {  	[hbm4b:s24+s3] =	stream.linear.scatter [tilespmem:s25], [sflag:$0x4], $0x80, $0x38;
	[tilespmem:$0x13C80] =	vst v63  }
0x705: {  	s26 =	sadd.s32 $0x20D0, s11;
	s28 =	simm.s32 $0xF328  }
0x706: {  	[hbm4b:s26+s3] =	stream.linear.scatter [tilespmem:s28], [sflag:$0x4], $0x80, $0x38;
	[tilespmem:$0x13C80] =	vst v63  }
0x707: {  	s20 =	sadd.s32 $0x20E0, s11;
	s23 =	simm.s32 $0xF3B0  }
0x708: {  	[hbm4b:s20+s3] =	stream.linear.scatter [tilespmem:s23], [sflag:$0x4], $0x80, $0x38;
	[tilespmem:$0x13C80] =	vst v63  }
0x709: {  	s24 =	sadd.s32 $0x20F0, s11;
	s25 =	simm.s32 $0xF438  }
0x70a: {  	[hbm4b:s24+s3] =	stream.linear.scatter [tilespmem:s25], [sflag:$0x4], $0x80, $0x38;
	[tilespmem:$0x13C80] =	vst v63  }
0x70b: {  	s26 =	sadd.s32 $0x3000, s11;
	s28 =	simm.s32 $0xD2C0  }
0x70c: {  	[hbm4b:s26+s3] =	stream.linear.scatter [tilespmem:s28], [sflag:$0x4], $0x80, $0x38;
	[tilespmem:$0x13C80] =	vst v63  }
0x70d: {  	s20 =	sadd.s32 $0x3010, s11;
	s23 =	simm.s32 $0xD348  }
0x70e: {  	[hbm4b:s20+s3] =	stream.linear.scatter [tilespmem:s23], [sflag:$0x4], $0x80, $0x38;
	[tilespmem:$0x13C80] =	vst v63  }
0x70f: {  	s24 =	sadd.s32 $0x3020, s11;
	s25 =	simm.s32 $0xD3D0  }
0x710: {  	[hbm4b:s24+s3] =	stream.linear.scatter [tilespmem:s25], [sflag:$0x4], $0x80, $0x38;
	[tilespmem:$0x13C80] =	vst v63  }
0x711: {  	s26 =	sadd.s32 $0x3030, s11;
	s28 =	simm.s32 $0xD458  }
0x712: {  	[hbm4b:s26+s3] =	stream.linear.scatter [tilespmem:s28], [sflag:$0x4], $0x80, $0x38;
	[tilespmem:$0x13C80] =	vst v63  }
0x713: {  	s20 =	sadd.s32 $0x3040, s11;
	s23 =	simm.s32 $0xD4E0  }
0x714: {  	[hbm4b:s20+s3] =	stream.linear.scatter [tilespmem:s23], [sflag:$0x4], $0x80, $0x38;
	[tilespmem:$0x13C80] =	vst v63  }
0x715: {  	s24 =	sadd.s32 $0x3050, s11;
	s25 =	simm.s32 $0xD568  }
0x716: {  	[hbm4b:s24+s3] =	stream.linear.scatter [tilespmem:s25], [sflag:$0x4], $0x80, $0x38;
	[tilespmem:$0x13C80] =	vst v63  }
0x717: {  	s26 =	sadd.s32 $0x3060, s11;
	s28 =	simm.s32 $0xD5F0  }
0x718: {  	[hbm4b:s26+s3] =	stream.linear.scatter [tilespmem:s28], [sflag:$0x4], $0x80, $0x38;
	[tilespmem:$0x13C80] =	vst v63  }
0x719: {  	s20 =	sadd.s32 $0x3070, s11;
	s23 =	simm.s32 $0xD678  }
0x71a: {  	[hbm4b:s20+s3] =	stream.linear.scatter [tilespmem:s23], [sflag:$0x4], $0x80, $0x38;
	[tilespmem:$0x13C80] =	vst v63  }
0x71b: {  	s24 =	sadd.s32 $0x3080, s11;
	s25 =	simm.s32 $0xF4C0  }
0x71c: {  	[hbm4b:s24+s3] =	stream.linear.scatter [tilespmem:s25], [sflag:$0x4], $0x80, $0x38;
	[tilespmem:$0x13C80] =	vst v63  }
0x71d: {  	s26 =	sadd.s32 $0x3090, s11;
	s28 =	simm.s32 $0xF548  }
0x71e: {  	[hbm4b:s26+s3] =	stream.linear.scatter [tilespmem:s28], [sflag:$0x4], $0x80, $0x38;
	[tilespmem:$0x13C80] =	vst v63  }
0x71f: {  	s20 =	sadd.s32 $0x30A0, s11;
	s23 =	simm.s32 $0xF5D0  }
0x720: {  	[hbm4b:s20+s3] =	stream.linear.scatter [tilespmem:s23], [sflag:$0x4], $0x80, $0x38;
	[tilespmem:$0x13C80] =	vst v63  }
0x721: {  	s24 =	sadd.s32 $0x30B0, s11;
	s25 =	simm.s32 $0xF658  }
0x722: {  	[hbm4b:s24+s3] =	stream.linear.scatter [tilespmem:s25], [sflag:$0x4], $0x80, $0x38;
	[tilespmem:$0x13C80] =	vst v63  }
0x723: {  	s26 =	sadd.s32 $0x30C0, s11;
	s28 =	simm.s32 $0xF6E0  }
0x724: {  	[hbm4b:s26+s3] =	stream.linear.scatter [tilespmem:s28], [sflag:$0x4], $0x80, $0x38;
	[tilespmem:$0x13C80] =	vst v63  }
0x725: {  	s20 =	sadd.s32 $0x30D0, s11;
	s23 =	simm.s32 $0xF768  }
0x726: {  	[hbm4b:s20+s3] =	stream.linear.scatter [tilespmem:s23], [sflag:$0x4], $0x80, $0x38;
	[tilespmem:$0x13C80] =	vst v63  }
0x727: {  	s24 =	sadd.s32 $0x30E0, s11;
	s25 =	simm.s32 $0xF7F0  }
0x728: {  	[hbm4b:s24+s3] =	stream.linear.scatter [tilespmem:s25], [sflag:$0x4], $0x80, $0x38;
	[tilespmem:$0x13C80] =	vst v63  }
0x729: {  	s26 =	sadd.s32 $0x30F0, s11;
	s28 =	simm.s32 $0xF878  }
0x72a: {  	[hbm4b:s26+s3] =	stream.linear.scatter [tilespmem:s28], [sflag:$0x4], $0x80, $0x38;
	[tilespmem:$0x13C80] =	vst v63  }
0x72b: {  	s20 =	sadd.s32 $0x4000, s11;
	s23 =	simm.s32 $0xD700  }
0x72c: {  	[hbm4b:s20+s3] =	stream.linear.scatter [tilespmem:s23], [sflag:$0x4], $0x80, $0x38;
	[tilespmem:$0x13C80] =	vst v63  }
0x72d: {  	s24 =	sadd.s32 $0x4010, s11;
	s25 =	simm.s32 $0xD788  }
0x72e: {  	[hbm4b:s24+s3] =	stream.linear.scatter [tilespmem:s25], [sflag:$0x4], $0x80, $0x38;
	[tilespmem:$0x13C80] =	vst v63  }
0x72f: {  	s26 =	sadd.s32 $0x4020, s11;
	s28 =	simm.s32 $0xD810  }
0x730: {  	[hbm4b:s26+s3] =	stream.linear.scatter [tilespmem:s28], [sflag:$0x4], $0x80, $0x38;
	[tilespmem:$0x13C80] =	vst v63  }
0x731: {  	s20 =	sadd.s32 $0x4030, s11;
	s23 =	simm.s32 $0xD898  }
0x732: {  	[hbm4b:s20+s3] =	stream.linear.scatter [tilespmem:s23], [sflag:$0x4], $0x80, $0x38;
	[tilespmem:$0x13C80] =	vst v63  }
0x733: {  	s24 =	sadd.s32 $0x4040, s11;
	s25 =	simm.s32 $0xD920  }
0x734: {  	[hbm4b:s24+s3] =	stream.linear.scatter [tilespmem:s25], [sflag:$0x4], $0x80, $0x38;
	[tilespmem:$0x13C80] =	vst v63  }
0x735: {  	s26 =	sadd.s32 $0x4050, s11;
	s28 =	simm.s32 $0xD9A8  }
0x736: {  	[hbm4b:s26+s3] =	stream.linear.scatter [tilespmem:s28], [sflag:$0x4], $0x80, $0x38;
	[tilespmem:$0x13C80] =	vst v63  }
0x737: {  	s20 =	sadd.s32 $0x4060, s11;
	s23 =	simm.s32 $0xDA30  }
0x738: {  	[hbm4b:s20+s3] =	stream.linear.scatter [tilespmem:s23], [sflag:$0x4], $0x80, $0x38;
	[tilespmem:$0x13C80] =	vst v63  }
0x739: {  	s24 =	sadd.s32 $0x4070, s11;
	s25 =	simm.s32 $0xDAB8  }
0x73a: {  	[hbm4b:s24+s3] =	stream.linear.scatter [tilespmem:s25], [sflag:$0x4], $0x80, $0x38;
	[tilespmem:$0x13C80] =	vst v63  }
0x73b: {  	s26 =	sadd.s32 $0x4080, s11;
	s28 =	simm.s32 $0xF900  }
0x73c: {  	[hbm4b:s26+s3] =	stream.linear.scatter [tilespmem:s28], [sflag:$0x4], $0x80, $0x38;
	[tilespmem:$0x13C80] =	vst v63  }
0x73d: {  	s20 =	sadd.s32 $0x4090, s11;
	s23 =	simm.s32 $0xF988  }
0x73e: {  	[hbm4b:s20+s3] =	stream.linear.scatter [tilespmem:s23], [sflag:$0x4], $0x80, $0x38;
	[tilespmem:$0x13C80] =	vst v63  }
0x73f: {  	s24 =	sadd.s32 $0x40A0, s11;
	s25 =	simm.s32 $0xFA10  }
0x740: {  	[hbm4b:s24+s3] =	stream.linear.scatter [tilespmem:s25], [sflag:$0x4], $0x80, $0x38;
	[tilespmem:$0x13C80] =	vst v63  }
0x741: {  	s26 =	sadd.s32 $0x40B0, s11;
	s28 =	simm.s32 $0xFA98  }
0x742: {  	[hbm4b:s26+s3] =	stream.linear.scatter [tilespmem:s28], [sflag:$0x4], $0x80, $0x38;
	[tilespmem:$0x13C80] =	vst v63  }
0x743: {  	s20 =	sadd.s32 $0x40C0, s11;
	s23 =	simm.s32 $0xFB20  }
0x744: {  	[hbm4b:s20+s3] =	stream.linear.scatter [tilespmem:s23], [sflag:$0x4], $0x80, $0x38;
	[tilespmem:$0x13C80] =	vst v63  }
0x745: {  	s24 =	sadd.s32 $0x40D0, s11;
	s25 =	simm.s32 $0xFBA8  }
0x746: {  	[hbm4b:s24+s3] =	stream.linear.scatter [tilespmem:s25], [sflag:$0x4], $0x80, $0x38;
	[tilespmem:$0x13C80] =	vst v63  }
0x747: {  	s26 =	sadd.s32 $0x40E0, s11;
	s28 =	simm.s32 $0xFC30  }
0x748: {  	[hbm4b:s26+s3] =	stream.linear.scatter [tilespmem:s28], [sflag:$0x4], $0x80, $0x38;
	[tilespmem:$0x13C80] =	vst v63  }
0x749: {  	s20 =	sadd.s32 $0x40F0, s11;
	s23 =	simm.s32 $0xFCB8  }
0x74a: {  	[hbm4b:s20+s3] =	stream.linear.scatter [tilespmem:s23], [sflag:$0x4], $0x80, $0x38;
	[tilespmem:$0x13C80] =	vst v63  }
0x74b: {  	s24 =	sadd.s32 $0x5000, s11;
	s25 =	simm.s32 $0xDB40  }
0x74c: {  	[hbm4b:s24+s3] =	stream.linear.scatter [tilespmem:s25], [sflag:$0x4], $0x80, $0x38;
	[tilespmem:$0x13C80] =	vst v63  }
0x74d: {  	s26 =	sadd.s32 $0x5010, s11;
	s28 =	simm.s32 $0xDBC8  }
0x74e: {  	[hbm4b:s26+s3] =	stream.linear.scatter [tilespmem:s28], [sflag:$0x4], $0x80, $0x38;
	[tilespmem:$0x13C80] =	vst v63  }
0x74f: {  	s20 =	sadd.s32 $0x5020, s11;
	s23 =	simm.s32 $0xDC50  }
0x750: {  	[hbm4b:s20+s3] =	stream.linear.scatter [tilespmem:s23], [sflag:$0x4], $0x80, $0x38;
	[tilespmem:$0x13C80] =	vst v63  }
0x751: {  	s24 =	sadd.s32 $0x5030, s11;
	s25 =	simm.s32 $0xDCD8  }
0x752: {  	[hbm4b:s24+s3] =	stream.linear.scatter [tilespmem:s25], [sflag:$0x4], $0x80, $0x38;
	[tilespmem:$0x13C80] =	vst v63  }
0x753: {  	s26 =	sadd.s32 $0x5040, s11;
	s28 =	simm.s32 $0xDD60  }
0x754: {  	[hbm4b:s26+s3] =	stream.linear.scatter [tilespmem:s28], [sflag:$0x4], $0x80, $0x38;
	[tilespmem:$0x13C80] =	vst v63  }
0x755: {  	s20 =	sadd.s32 $0x5050, s11;
	s23 =	simm.s32 $0xDDE8  }
0x756: {  	[hbm4b:s20+s3] =	stream.linear.scatter [tilespmem:s23], [sflag:$0x4], $0x80, $0x38;
	[tilespmem:$0x13C80] =	vst v63  }
0x757: {  	s24 =	sadd.s32 $0x5060, s11;
	s25 =	simm.s32 $0xDE70  }
0x758: {  	[hbm4b:s24+s3] =	stream.linear.scatter [tilespmem:s25], [sflag:$0x4], $0x80, $0x38;
	[tilespmem:$0x13C80] =	vst v63  }
0x759: {  	s26 =	sadd.s32 $0x5070, s11;
	s28 =	simm.s32 $0xDEF8  }
0x75a: {  	[hbm4b:s26+s3] =	stream.linear.scatter [tilespmem:s28], [sflag:$0x4], $0x80, $0x38;
	[tilespmem:$0x13C80] =	vst v63  }
0x75b: {  	s20 =	sadd.s32 $0x5080, s11;
	s23 =	simm.s32 $0xFD40  }
0x75c: {  	[hbm4b:s20+s3] =	stream.linear.scatter [tilespmem:s23], [sflag:$0x4], $0x80, $0x38;
	[tilespmem:$0x13C80] =	vst v63  }
0x75d: {  	s24 =	sadd.s32 $0x5090, s11;
	s25 =	simm.s32 $0xFDC8  }
0x75e: {  	[hbm4b:s24+s3] =	stream.linear.scatter [tilespmem:s25], [sflag:$0x4], $0x80, $0x38;
	[tilespmem:$0x13C80] =	vst v63  }
0x75f: {  	s26 =	sadd.s32 $0x50A0, s11;
	s28 =	simm.s32 $0xFE50  }
0x760: {  	[hbm4b:s26+s3] =	stream.linear.scatter [tilespmem:s28], [sflag:$0x4], $0x80, $0x38;
	[tilespmem:$0x13C80] =	vst v63  }
0x761: {  	s20 =	sadd.s32 $0x50B0, s11;
	s23 =	simm.s32 $0xFED8  }
0x762: {  	[hbm4b:s20+s3] =	stream.linear.scatter [tilespmem:s23], [sflag:$0x4], $0x80, $0x38;
	[tilespmem:$0x13C80] =	vst v63  }
0x763: {  	s24 =	sadd.s32 $0x50C0, s11;
	s25 =	simm.s32 $0xFF60  }
0x764: {  	[hbm4b:s24+s3] =	stream.linear.scatter [tilespmem:s25], [sflag:$0x4], $0x80, $0x38;
	[tilespmem:$0x13C80] =	vst v63  }
0x765: {  	s26 =	sadd.s32 $0x50D0, s11;
	s28 =	simm.s32 $0xFFE8  }
0x766: {  	[hbm4b:s26+s3] =	stream.linear.scatter [tilespmem:s28], [sflag:$0x4], $0x80, $0x38;
	[tilespmem:$0x13C80] =	vst v63  }
0x767: {  	s20 =	sadd.s32 $0x50E0, s11;
	s23 =	simm.s32 $0x10070  }
0x768: {  	[hbm4b:s20+s3] =	stream.linear.scatter [tilespmem:s23], [sflag:$0x4], $0x80, $0x38;
	[tilespmem:$0x13C80] =	vst v63  }
0x769: {  	s24 =	sadd.s32 $0x50F0, s11;
	s25 =	simm.s32 $0x100F8  }
0x76a: {  	[hbm4b:s24+s3] =	stream.linear.scatter [tilespmem:s25], [sflag:$0x4], $0x80, $0x38;
	[tilespmem:$0x13C80] =	vst v63  }
0x76b: {  	s26 =	sadd.s32 $0x6000, s11;
	s28 =	simm.s32 $0xDF80  }
0x76c: {  	[hbm4b:s26+s3] =	stream.linear.scatter [tilespmem:s28], [sflag:$0x4], $0x80, $0x38;
	[tilespmem:$0x13C80] =	vst v63  }
0x76d: {  	s20 =	sadd.s32 $0x6010, s11;
	s23 =	simm.s32 $0xE008  }
0x76e: {  	[hbm4b:s20+s3] =	stream.linear.scatter [tilespmem:s23], [sflag:$0x4], $0x80, $0x38;
	[tilespmem:$0x13C80] =	vst v63  }
0x76f: {  	s24 =	sadd.s32 $0x6020, s11;
	s25 =	simm.s32 $0xE090  }
0x770: {  	[hbm4b:s24+s3] =	stream.linear.scatter [tilespmem:s25], [sflag:$0x4], $0x80, $0x38;
	[tilespmem:$0x13C80] =	vst v63  }
0x771: {  	s26 =	sadd.s32 $0x6030, s11;
	s28 =	simm.s32 $0xE118  }
0x772: {  	[hbm4b:s26+s3] =	stream.linear.scatter [tilespmem:s28], [sflag:$0x4], $0x80, $0x38;
	[tilespmem:$0x13C80] =	vst v63  }
0x773: {  	s20 =	sadd.s32 $0x6040, s11;
	s23 =	simm.s32 $0xE1A0  }
0x774: {  	[hbm4b:s20+s3] =	stream.linear.scatter [tilespmem:s23], [sflag:$0x4], $0x80, $0x38;
	[tilespmem:$0x13C80] =	vst v63  }
0x775: {  	s24 =	sadd.s32 $0x6050, s11;
	s25 =	simm.s32 $0xE228  }
0x776: {  	[hbm4b:s24+s3] =	stream.linear.scatter [tilespmem:s25], [sflag:$0x4], $0x80, $0x38;
	[tilespmem:$0x13C80] =	vst v63  }
0x777: {  	s26 =	sadd.s32 $0x6060, s11;
	s28 =	simm.s32 $0xE2B0  }
0x778: {  	[hbm4b:s26+s3] =	stream.linear.scatter [tilespmem:s28], [sflag:$0x4], $0x80, $0x38;
	[tilespmem:$0x13C80] =	vst v63  }
0x779: {  	s20 =	sadd.s32 $0x6070, s11;
	s23 =	simm.s32 $0xE338  }
0x77a: {  	[hbm4b:s20+s3] =	stream.linear.scatter [tilespmem:s23], [sflag:$0x4], $0x80, $0x38;
	[tilespmem:$0x13C80] =	vst v63  }
0x77b: {  	s24 =	sadd.s32 $0x6080, s11;
	s25 =	simm.s32 $0x10180  }
0x77c: {  	[hbm4b:s24+s3] =	stream.linear.scatter [tilespmem:s25], [sflag:$0x4], $0x80, $0x38;
	[tilespmem:$0x13C80] =	vst v63  }
0x77d: {  	s26 =	sadd.s32 $0x6090, s11;
	s28 =	simm.s32 $0x10208  }
0x77e: {  	[hbm4b:s26+s3] =	stream.linear.scatter [tilespmem:s28], [sflag:$0x4], $0x80, $0x38;
	[tilespmem:$0x13C80] =	vst v63  }
0x77f: {  	s20 =	sadd.s32 $0x60A0, s11;
	s23 =	simm.s32 $0x10290  }
0x780: {  	[hbm4b:s20+s3] =	stream.linear.scatter [tilespmem:s23], [sflag:$0x4], $0x80, $0x38;
	[tilespmem:$0x13C80] =	vst v63  }
0x781: {  	s24 =	sadd.s32 $0x60B0, s11;
	s25 =	simm.s32 $0x10318  }
0x782: {  	[hbm4b:s24+s3] =	stream.linear.scatter [tilespmem:s25], [sflag:$0x4], $0x80, $0x38;
	[tilespmem:$0x13C80] =	vst v63  }
0x783: {  	s26 =	sadd.s32 $0x60C0, s11;
	s28 =	simm.s32 $0x103A0  }
0x784: {  	[hbm4b:s26+s3] =	stream.linear.scatter [tilespmem:s28], [sflag:$0x4], $0x80, $0x38;
	[tilespmem:$0x13C80] =	vst v63  }
0x785: {  	s20 =	sadd.s32 $0x60D0, s11;
	s23 =	simm.s32 $0x10428  }
0x786: {  	[hbm4b:s20+s3] =	stream.linear.scatter [tilespmem:s23], [sflag:$0x4], $0x80, $0x38;
	[tilespmem:$0x13C80] =	vst v63  }
0x787: {  	s24 =	sadd.s32 $0x60E0, s11;
	s25 =	simm.s32 $0x104B0  }
0x788: {  	[hbm4b:s24+s3] =	stream.linear.scatter [tilespmem:s25], [sflag:$0x4], $0x80, $0x38;
	[tilespmem:$0x13C80] =	vst v63  }
0x789: {  	s26 =	sadd.s32 $0x60F0, s11;
	s28 =	simm.s32 $0x10538  }
0x78a: {  	[hbm4b:s26+s3] =	stream.linear.scatter [tilespmem:s28], [sflag:$0x4], $0x80, $0x38;
	[tilespmem:$0x13C80] =	vst v63  }
0x78b: {  	s20 =	sadd.s32 $0x7000, s11;
	s23 =	simm.s32 $0xE3C0  }
0x78c: {  	[hbm4b:s20+s3] =	stream.linear.scatter [tilespmem:s23], [sflag:$0x4], $0x80, $0x38;
	[tilespmem:$0x13C80] =	vst v63  }
0x78d: {  	s24 =	sadd.s32 $0x7010, s11;
	s25 =	simm.s32 $0xE448  }
0x78e: {  	[hbm4b:s24+s3] =	stream.linear.scatter [tilespmem:s25], [sflag:$0x4], $0x80, $0x38;
	[tilespmem:$0x13C80] =	vst v63  }
0x78f: {  	s26 =	sadd.s32 $0x7020, s11;
	s28 =	simm.s32 $0xE4D0  }
0x790: {  	[hbm4b:s26+s3] =	stream.linear.scatter [tilespmem:s28], [sflag:$0x4], $0x80, $0x38;
	[tilespmem:$0x13C80] =	vst v63  }
0x791: {  	s20 =	sadd.s32 $0x7030, s11;
	s23 =	simm.s32 $0xE558  }
0x792: {  	[hbm4b:s20+s3] =	stream.linear.scatter [tilespmem:s23], [sflag:$0x4], $0x80, $0x38;
	[tilespmem:$0x13C80] =	vst v63  }
0x793: {  	s24 =	sadd.s32 $0x7040, s11;
	s25 =	simm.s32 $0xE5E0  }
0x794: {  	[hbm4b:s24+s3] =	stream.linear.scatter [tilespmem:s25], [sflag:$0x4], $0x80, $0x38;
	[tilespmem:$0x13C80] =	vst v63  }
0x795: {  	s26 =	sadd.s32 $0x7050, s11;
	s28 =	simm.s32 $0xE668  }
0x796: {  	[hbm4b:s26+s3] =	stream.linear.scatter [tilespmem:s28], [sflag:$0x4], $0x80, $0x38;
	[tilespmem:$0x13C80] =	vst v63  }
0x797: {  	s23 =	sadd.s32 $0x7060, s11;
	s24 =	simm.s32 $0xE6F0  }
0x798: {  	[hbm4b:s23+s3] =	stream.linear.scatter [tilespmem:s24], [sflag:$0x4], $0x80, $0x38;
	[tilespmem:$0x13C80] =	vst v63  }
0x799: {  	s25 =	sadd.s32 $0x7070, s11;
	s26 =	simm.s32 $0xE778  }
0x79a: {  	[hbm4b:s25+s3] =	stream.linear.scatter [tilespmem:s26], [sflag:$0x4], $0x80, $0x38;
	[tilespmem:$0x13C80] =	vst v63  }
0x79b: {  	s28 =	sadd.s32 $0x7080, s11  }
0x79c: {  	[hbm4b:s28+s3] =	stream.linear.scatter [tilespmem:s29], [sflag:$0x4], $0x80, $0x38;
	[tilespmem:$0x13C80] =	vst v63  }
0x79d: {  	s20 =	sadd.s32 $0x7090, s11  }
0x79e: {  	[hbm4b:s20+s3] =	stream.linear.scatter [tilespmem:s30], [sflag:$0x4], $0x80, $0x38;
	[tilespmem:$0x13C80] =	vst v63  }
0x79f: {  	s23 =	sadd.s32 $0x70A0, s11  }
0x7a0: {  	[hbm4b:s23+s3] =	stream.linear.scatter [tilespmem:s31], [sflag:$0x4], $0x80, $0x38;
	[tilespmem:$0x13C80] =	vst v63  }
0x7a1: {  	s24 =	sadd.s32 $0x70B0, s11  }
0x7a2: {  	[hbm4b:s24+s3] =	stream.linear.scatter [tilespmem:s0], [sflag:$0x4], $0x80, $0x38;
	[tilespmem:$0x13C80] =	vst v63  }
0x7a3: {  	s9 =	sadd.s32 $0x1, s9;
	s25 =	sadd.s32 $0x70C0, s11  }
0x7a4: {  	[hbm4b:s25+s3] =	stream.linear.scatter [tilespmem:s1], [sflag:$0x4], $0x80, $0x38;
	[tilespmem:$0x13C80] =	vst v63  }
0x7a5: {  	p0 =	sne.s32 s9, $0x32;
	s26 =	sadd.s32 $0x70D0, s11  }
0x7a6: {  	[hbm4b:s26+s3] =	stream.linear.scatter [tilespmem:s12], [sflag:$0x4], $0x80, $0x38;
	[tilespmem:$0x13C80] =	vst v63  }
.Ltmp2:
0x7a7: {  	_ = 	snop;
	(pc) =	sbr.rel @p0 .LBB2_2-.Ltmp2, $4  }
0x7a8: {  	s28 =	sadd.s32 $0x70E0, s11  }
0x7a9: {  	[hbm4b:s28+s3] =	stream.linear.scatter [tilespmem:s14], [sflag:$0x4], $0x80, $0x38;
	[tilespmem:$0x13C80] =	vst v63  }
0x7aa: {  	s11 =	sadd.s32 $0x70F0, s11  }
0x7ab: {  	[hbm4b:s11+s3] =	stream.linear.scatter [tilespmem:s16], [sflag:$0x4], $0x80, $0x38;
	[tilespmem:$0x13C80] =	vst v63  }
0x7ac: {  	_ =	swait.ge [sflag:s6], $0x400  }
0x7ad: {  	[sflag:s6] =	ssyncset.done $0x0  }
0x7ae: {  	[sflag:s6] =	ssyncadd.s32 $0xFFFFFC00  }
0x7af: {  	_ =	swait.ge [sflag:s6], $0x400  }
0x7b0: {  	[sflag:s6] =	ssyncset.done $0x0  }
0x7b1: {  	[sflag:s6] =	ssyncadd.s32 $0xFFFFFC00  }
0x7b2: {  	_ =	swait.ge [sflag:s6], $0x400  }
0x7b3: {  	[sflag:s6] =	ssyncset.done $0x0  }
0x7b4: {  	[sflag:s6] =	ssyncadd.s32 $0xFFFFFC00  }
0x7b5: {  	_ =	swait.ge [sflag:s6], $0x400  }
0x7b6: {  	[sflag:s6] =	ssyncset.done $0x0  }
0x7b7: {  	[sflag:s6] =	ssyncadd.s32 $0xFFFFFC00  }
0x7b8: {  	_ =	swait.ge [sflag:s6], $0x400  }
0x7b9: {  	[sflag:s6] =	ssyncset.done $0x0  }
0x7ba: {  	[sflag:s6] =	ssyncadd.s32 $0xFFFFFC00  }
0x7bb: {  	_ =	swait.ge [sflag:s6], $0x400  }
0x7bc: {  	[sflag:s6] =	ssyncset.done $0x0  }
0x7bd: {  	[sflag:s6] =	ssyncadd.s32 $0xFFFFFC00  }
0x7be: {  	_ =	swait.ge [sflag:s6], $0x400  }
0x7bf: {  	[sflag:s6] =	ssyncset.done $0x0  }
0x7c0: {  	[sflag:s6] =	ssyncadd.s32 $0xFFFFFC00  }
0x7c1: {  	_ =	swait.ge [sflag:s6], $0x400  }
0x7c2: {  	[sflag:s6] =	ssyncset.done $0x0  }
0x7c3: {  	[sflag:s6] =	ssyncadd.s32 $0xFFFFFC00  }
0x7c4: {  	_ =	swait.ge [sflag:s6], $0x400  }
0x7c5: {  	[sflag:s6] =	ssyncset.done $0x0  }
0x7c6: {  	[sflag:s6] =	ssyncadd.s32 $0xFFFFFC00  }
0x7c7: {  	_ =	swait.ge [sflag:s6], $0x400  }
0x7c8: {  	[sflag:s6] =	ssyncset.done $0x0  }
0x7c9: {  	[sflag:s6] =	ssyncadd.s32 $0xFFFFFC00  }
0x7ca: {  	_ =	swait.ge [sflag:s6], $0x400  }
0x7cb: {  	[sflag:s6] =	ssyncset.done $0x0  }
0x7cc: {  	[sflag:s6] =	ssyncadd.s32 $0xFFFFFC00  }
0x7cd: {  	_ =	swait.ge [sflag:s6], $0x400  }
0x7ce: {  	[sflag:s6] =	ssyncset.done $0x0  }
0x7cf: {  	[sflag:s6] =	ssyncadd.s32 $0xFFFFFC00  }
0x7d0: {  	_ =	swait.ge [sflag:s6], $0x400  }
0x7d1: {  	[sflag:s6] =	ssyncset.done $0x0  }
0x7d2: {  	[sflag:s6] =	ssyncadd.s32 $0xFFFFFC00  }
0x7d3: {  	_ =	swait.ge [sflag:s6], $0x400  }
0x7d4: {  	[sflag:s6] =	ssyncset.done $0x0  }
0x7d5: {  	[sflag:s6] =	ssyncadd.s32 $0xFFFFFC00  }
0x7d6: {  	_ =	swait.ge [sflag:s6], $0x400  }
0x7d7: {  	[sflag:s6] =	ssyncset.done $0x0  }
0x7d8: {  	[sflag:s6] =	ssyncadd.s32 $0xFFFFFC00  }
0x7d9: {  	_ =	swait.ge [sflag:s6], $0x400  }
0x7da: {  	[sflag:s6] =	ssyncset.done $0x0  }
0x7db: {  	[sflag:s6] =	ssyncadd.s32 $0xFFFFFC00  }
0x7dc: {  	_ =	swait.ge [sflag:s8], $0x400  }
0x7dd: {  	[sflag:s8] =	ssyncset.done $0x0  }
0x7de: {  	[sflag:s8] =	ssyncadd.s32 $0xFFFFFC00  }
0x7df: {  	_ =	swait.ge [sflag:s8], $0x400  }
0x7e0: {  	[sflag:s8] =	ssyncset.done $0x0  }
0x7e1: {  	[sflag:s8] =	ssyncadd.s32 $0xFFFFFC00  }
0x7e2: {  	_ =	swait.ge [sflag:s8], $0x400  }
0x7e3: {  	[sflag:s8] =	ssyncset.done $0x0  }
0x7e4: {  	[sflag:s8] =	ssyncadd.s32 $0xFFFFFC00  }
0x7e5: {  	_ =	swait.ge [sflag:s8], $0x400  }
0x7e6: {  	[sflag:s8] =	ssyncset.done $0x0  }
0x7e7: {  	[sflag:s8] =	ssyncadd.s32 $0xFFFFFC00  }
0x7e8: {  	_ =	swait.ge [sflag:s8], $0x400  }
0x7e9: {  	[sflag:s8] =	ssyncset.done $0x0  }
0x7ea: {  	[sflag:s8] =	ssyncadd.s32 $0xFFFFFC00  }
0x7eb: {  	_ =	swait.ge [sflag:s8], $0x400  }
0x7ec: {  	[sflag:s8] =	ssyncset.done $0x0  }
0x7ed: {  	[sflag:s8] =	ssyncadd.s32 $0xFFFFFC00  }
0x7ee: {  	_ =	swait.ge [sflag:s8], $0x400  }
0x7ef: {  	[sflag:s8] =	ssyncset.done $0x0  }
0x7f0: {  	[sflag:s8] =	ssyncadd.s32 $0xFFFFFC00  }
0x7f1: {  	_ =	swait.ge [sflag:s8], $0x400  }
0x7f2: {  	[sflag:s8] =	ssyncset.done $0x0  }
0x7f3: {  	[sflag:s8] =	ssyncadd.s32 $0xFFFFFC00  }
0x7f4: {  	_ =	swait.ge [sflag:s8], $0x400  }
0x7f5: {  	[sflag:s8] =	ssyncset.done $0x0  }
0x7f6: {  	[sflag:s8] =	ssyncadd.s32 $0xFFFFFC00  }
0x7f7: {  	_ =	swait.ge [sflag:s8], $0x400  }
0x7f8: {  	[sflag:s8] =	ssyncset.done $0x0  }
0x7f9: {  	[sflag:s8] =	ssyncadd.s32 $0xFFFFFC00  }
0x7fa: {  	_ =	swait.ge [sflag:s8], $0x400  }
0x7fb: {  	[sflag:s8] =	ssyncset.done $0x0  }
0x7fc: {  	[sflag:s8] =	ssyncadd.s32 $0xFFFFFC00  }
0x7fd: {  	_ =	swait.ge [sflag:s8], $0x400  }
0x7fe: {  	[sflag:s8] =	ssyncset.done $0x0  }
0x7ff: {  	[sflag:s8] =	ssyncadd.s32 $0xFFFFFC00  }
0x800: {  	_ =	swait.ge [sflag:s8], $0x400  }
0x801: {  	[sflag:s8] =	ssyncset.done $0x0  }
0x802: {  	[sflag:s8] =	ssyncadd.s32 $0xFFFFFC00  }
0x803: {  	_ =	swait.ge [sflag:s8], $0x400  }
0x804: {  	[sflag:s8] =	ssyncset.done $0x0  }
0x805: {  	[sflag:s8] =	ssyncadd.s32 $0xFFFFFC00  }
0x806: {  	_ =	swait.ge [sflag:s8], $0x400  }
0x807: {  	[sflag:s8] =	ssyncset.done $0x0  }
0x808: {  	[sflag:s8] =	ssyncadd.s32 $0xFFFFFC00  }
0x809: {  	_ =	swait.ge [sflag:s8], $0x400  }
0x80a: {  	s11 =	rddreg [dreg:$0x7]  }
0x80b: {  	s9 =	rddreg [dreg:$0x6];
	s11 =	sadd.s32 $0x1, s11  }
0x80c: {  	p0 =	sne.s32 s11, s9  }
.Ltmp3:
0x80d: {  	_ = 	snop;
	(pc) =	sbr.rel @p0 .LBB2_1-.Ltmp3, $3  }
0x80e: {  	_ =	sdelay $0x1  }
0x80f: {  	[sflag:s8] =	ssyncset.done $0x0  }
0x810: {  	[sflag:s8] =	ssyncadd.s32 $0xFFFFFC00  }
0x811: {  	_ =	sfence.sel $0x180000  }
0x812: {  	[bflag:$0x0] =	sbarrier.arrive $0xFFFF  }
0x813: {  	_ =	strace $0x90000047  }
0x814: {  	s0 =	stileid.u32;
	[bflag:$0x2] =	sbarrier.arrive $0xFFFF  }
0x815: {  	p0 =	sne.s32 s0, $0x0;
	s0 =	rddreg [dreg:$0x2]  }
0x816: {  	s0 =	sadd.s32 @!p0 $0x100000, s0  }
0x817: {  	[sflag:s0] =	ssyncadd.tile.s32 @!p0 $0x1;
	_ =	shalt  }
.Lfunc_end2:
_tile_overlayer_lowered:
.L_overlay_start_2:
0x818: {  	(tag) =	ssettag $0x2  }
0x819: {  	s0 =	rddreg [dreg:$0x0];
	s2 =	stileid.u32  }
0x81a: {  	s1 =	rddreg [dreg:$0x1];
	p0 =	sne.s32 s2, $0x0  }
0x81b: {  	s3 =	rddreg [dreg:$0x2];
	[bflag:$0x3] =	sbarrier.arrive $0xFFFF;
	s2 =	simm.s32 @!p0 $0x1C05  }
0x81c: {  	[timem:s3], [sflag:s2] =	dma.local @!p0 [hbm:s0], s1  }
0x81d: {  	s0 =	simm.s32 @!p0 $0x5  }
0x81e: {  	_ =	swait.ge @!p0 [sflag:s0], s1  }
0x81f: {  	s1 =	ssub.s32 @!p0 $0x0, s1;
	[sflag:s0] =	ssyncset.done @!p0 $0x0  }
0x820: {  	[sflag:s0] =	ssyncadd.s32 @!p0 s1  }
0x821: {  	[bflag:$0x3] =	sbarrier.arrive $0xFFFF  }
0x822: {  	_ =	shalt  }

</sc_bundles>
